<compile_context>
chip_gen: v7x
topology: tpu7x:2x2x1
jax: 0.10.2.dev20260603
libtpu: 0.0.44.dev20260713+nightly
codegen_flags: <defaults>
</compile_context>

<pallas_src>
import jax
import jax.numpy as jnp
from jax import lax
from jax.experimental import pallas as pl
from jax.experimental.pallas import tpu as pltpu
from jax.experimental.pallas import tpu_sc as plsc

N = 10000
D = 128
D_S = 64
E = 320000

NC = 2
NS = 16
HC = D // NC

B_E = 128
KB = 128
E_TILE = 20480
E_PAD = NS * E_TILE
N_PAD = 10240
ROWS_PT = N_PAD // NS
RCH = ROWS_PT // B_E
ZCH = 64

SLOTS = 8
DEPTH = 4
TSTEPS = E_TILE // KB
NGRP = TSTEPS // SLOTS
GCH = SLOTS * KB
ISLOTS = 3

_mesh = plsc.VectorSubcoreMesh(
    core_axis_name="c", subcore_axis_name="s", num_cores=NC, num_subcores=NS)
_sc_params = pltpu.CompilerParams(use_tc_tiling_on_sc=False)


def _make_sc_agg(with_counts):

  def body(x_hbm, edges_hbm, *refs):
    if with_counts:
      out_sum, out_cnt = refs[0], refs[1]
      rest = refs[2:]
    else:
      out_sum = refs[0]
      out_cnt = None
      rest = refs[1:]
    isrc, idst = rest[0], rest[1]
    bufs = list(rest[2:2 + SLOTS])
    zbuf = bufs[0]
    i = 2 + SLOTS
    if with_counts:
      cbuf, z16 = rest[i], rest[i + 1]
      i += 2
    else:
      cbuf = z16 = None
    acc = rest[i]
    i += 1
    if with_counts:
      accc = rest[i]
      i += 1
    else:
      accc = None
    sems = rest[i:]
    gsem, ssem = sems[:SLOTS], sems[SLOTS:2 * SLOTS]
    isem = sems[2 * SLOTS]
    csem = sems[2 * SLOTS + 1] if with_counts else None

    c = lax.axis_index("c")
    s = lax.axis_index("s")

    def initbufs(i, _):
      if with_counts:
        cbuf[i, :] = jnp.ones((16,), jnp.float32)

      @pl.when(i < B_E)
      def _():
        for t in range(HC // 16):
          zbuf[i, pl.ds(t * 16, 16)] = jnp.zeros((16,), jnp.float32)
      if with_counts:
        @pl.when(i < ZCH)
        def _():
          z16[i, :] = jnp.zeros((16,), jnp.float32)
      return 0

    lax.fori_loop(0, max(KB, B_E), initbufs, 0)

    for k in range(RCH):
      pltpu.sync_copy(zbuf, acc.at[pl.ds(s * ROWS_PT + k * B_E, B_E)])
    if with_counts:
      for k in range(ROWS_PT // ZCH):
        pltpu.sync_copy(z16, accc.at[pl.ds(s * ROWS_PT + k * ZCH, ZCH)])
    plsc.subcore_barrier()

    xc = x_hbm.at[c]
    esrc = edges_hbm.at[0, s]
    edst = edges_hbm.at[1, s]

    def idx_issue(g):
      islot = lax.rem(g, ISLOTS)
      pltpu.async_copy(esrc.at[pl.ds(g * GCH, GCH)], isrc.at[islot], isem)
      pltpu.async_copy(edst.at[pl.ds(g * GCH, GCH)], idst.at[islot], isem)

    def idx_wait():
      pltpu.make_async_copy(esrc.at[pl.ds(0, GCH)], isrc.at[0], isem).wait()
      pltpu.make_async_copy(edst.at[pl.ds(0, GCH)], idst.at[0], isem).wait()

    def g_drain(b):
      pltpu.make_async_copy(xc.at[pl.ds(0, KB)], bufs[b], gsem[b]).wait()

    def s_drain(b):
      pltpu.make_async_copy(bufs[b], acc.at[pl.ds(0, KB)], ssem[b]).wait()

    idx_issue(0)
    idx_wait()
    idx_issue(1)
    i0 = lax.rem(jnp.int32(0), ISLOTS)
    for b in range(DEPTH):
      pltpu.async_copy(
          xc.at[isrc.at[i0, pl.ds(b * KB, KB)]], bufs[b], gsem[b])

    def group(g, _):
      ig = lax.rem(g, ISLOTS)
      ig1 = lax.rem(g + 1, ISLOTS)

      @pl.when(g + 1 < NGRP)
      def _():
        idx_wait()

      for b in range(SLOTS):
        if b == DEPTH:
          @pl.when(g + 2 < NGRP)
          def _():
            idx_issue(g + 2)
        m = g * SLOTS + b
        b2 = (b + DEPTH) % SLOTS
        o2 = ((b + DEPTH) % SLOTS) * KB
        i2 = ig if b < DEPTH else ig1

        if b < DEPTH:
          @pl.when(g > 0)
          def _():
            s_drain(b2)
        else:
          s_drain(b2)

        @pl.when(m + DEPTH < TSTEPS)
        def _():
          pltpu.async_copy(
              xc.at[isrc.at[i2, pl.ds(o2, KB)]], bufs[b2], gsem[b2])

        g_drain(b)
        pltpu.async_copy(
            bufs[b], acc.at[idst.at[ig, pl.ds(b * KB, KB)]], ssem[b],
            add=True)
        if with_counts:
          @pl.when(c == 0)
          def _():
            pltpu.async_copy(
                cbuf, accc.at[idst.at[ig, pl.ds(b * KB, KB)]], csem,
                add=True)

            @pl.when(m >= DEPTH)
            def _():
              pltpu.make_async_copy(
                  cbuf, accc.at[pl.ds(0, KB)], csem).wait()
      return 0

    lax.fori_loop(0, NGRP, group, 0)

    for b in range(SLOTS - DEPTH, SLOTS):
      s_drain(b)
    if with_counts:
      @pl.when(c == 0)
      def _():
        for _i in range(DEPTH):
          pltpu.make_async_copy(cbuf, accc.at[pl.ds(0, KB)], csem).wait()
    plsc.subcore_barrier()

    for k in range(RCH):
      sl = pl.ds(s * ROWS_PT + k * B_E, B_E)
      pltpu.sync_copy(acc.at[sl], zbuf)
      pltpu.sync_copy(zbuf, out_sum.at[c, sl])
      if with_counts:
        @pl.when(c == 0)
        def _():
          for q in range(B_E // ZCH):
            zl = pl.ds(s * ROWS_PT + k * B_E + q * ZCH, ZCH)
            pltpu.sync_copy(accc.at[zl], z16)
            pltpu.sync_copy(z16, out_cnt.at[zl])

  out_type = [jax.ShapeDtypeStruct((NC, N_PAD, HC), jnp.float32)]
  scratch = [
      pltpu.VMEM((ISLOTS, GCH), jnp.int32),
      pltpu.VMEM((ISLOTS, GCH), jnp.int32),
  ]
  scratch += [pltpu.VMEM((KB, HC), jnp.float32)] * SLOTS
  if with_counts:
    out_type.append(jax.ShapeDtypeStruct((N_PAD, 16), jnp.float32))
    scratch += [
        pltpu.VMEM((KB, 16), jnp.float32),
        pltpu.VMEM((ZCH, 16), jnp.float32),
    ]
  scratch.append(pltpu.VMEM_SHARED((N_PAD, HC), jnp.float32))
  if with_counts:
    scratch.append(pltpu.VMEM_SHARED((N_PAD, 16), jnp.float32))
  scratch += [pltpu.SemaphoreType.DMA] * (2 * SLOTS + 1 +
                                          (1 if with_counts else 0))

  return pl.kernel(body, out_type=out_type, mesh=_mesh,
                   scratch_types=scratch, compiler_params=_sc_params)


_sc_agg_cnt = _make_sc_agg(True)
_sc_agg = _make_sc_agg(False)

_BN = 1024


def _xr1_body(x_ref, wr_ref, b_ref, o_ref):
  o_ref[...] = (jnp.dot(x_ref[...], wr_ref[...],
                        preferred_element_type=jnp.float32) + b_ref[...])


def _xr2_body(h_ref, wr_ref, b_ref, o_ref):
  h = jnp.concatenate([h_ref[0], h_ref[1]], axis=1)
  o_ref[...] = (jnp.dot(h, wr_ref[...],
                        preferred_element_type=jnp.float32) + b_ref[...])


def _dense1_body(s_ref, c_ref, xr_ref, wl_ref, o_ref):
  cnt = c_ref[:, 0:1]
  mean = jnp.concatenate([s_ref[0], s_ref[1]], axis=1) / jnp.maximum(cnt, 1.0)
  h = (jnp.dot(mean, wl_ref[...], preferred_element_type=jnp.float32)
       + xr_ref[...])
  h = jnp.maximum(h, 0.0)
  o_ref[0] = h[:, :HC]
  o_ref[1] = h[:, HC:]


def _dense2_body(s_ref, c_ref, hr_ref, wl_ref, ws_ref, o_ref, os_ref):
  cnt = c_ref[:, 0:1]
  mean = jnp.concatenate([s_ref[0], s_ref[1]], axis=1) / jnp.maximum(cnt, 1.0)
  h2 = (jnp.dot(mean, wl_ref[...], preferred_element_type=jnp.float32)
        + hr_ref[...])
  o_ref[...] = h2
  os_ref[...] = jnp.dot(h2, ws_ref[...], preferred_element_type=jnp.float32)


_split_spec = pl.BlockSpec((NC, _BN, HC), lambda i: (0, i, 0))
_cnt_spec = pl.BlockSpec((_BN, 16), lambda i: (i, 0))
_row_spec = pl.BlockSpec((_BN, D), lambda i: (i, 0))
_w_spec = pl.BlockSpec((D, D), lambda i: (0, 0))
_b_spec = pl.BlockSpec((1, D), lambda i: (0, 0))


def _xr1(xp, wr, b):
  return pl.pallas_call(
      _xr1_body,
      grid=(N_PAD // _BN,),
      in_specs=[_row_spec, _w_spec, _b_spec],
      out_specs=_row_spec,
      out_shape=jax.ShapeDtypeStruct((N_PAD, D), jnp.float32),
  )(xp, wr, b)


def _xr2(hs, wr, b):
  return pl.pallas_call(
      _xr2_body,
      grid=(N_PAD // _BN,),
      in_specs=[_split_spec, _w_spec, _b_spec],
      out_specs=_row_spec,
      out_shape=jax.ShapeDtypeStruct((N_PAD, D), jnp.float32),
  )(hs, wr, b)


def _dense1(s1, cnt, xr, wl):
  return pl.pallas_call(
      _dense1_body,
      grid=(N_PAD // _BN,),
      in_specs=[_split_spec, _cnt_spec, _row_spec, _w_spec],
      out_specs=_split_spec,
      out_shape=jax.ShapeDtypeStruct((NC, N_PAD, HC), jnp.float32),
  )(s1, cnt, xr, wl)


def _dense2(s2, cnt, hr, wl, ws):
  ws_spec = pl.BlockSpec((D, D_S), lambda i: (0, 0))
  os_spec = pl.BlockSpec((_BN, D_S), lambda i: (i, 0))
  return pl.pallas_call(
      _dense2_body,
      grid=(N_PAD // _BN,),
      in_specs=[_split_spec, _cnt_spec, _row_spec, _w_spec, ws_spec],
      out_specs=[_row_spec, os_spec],
      out_shape=[jax.ShapeDtypeStruct((N_PAD, D), jnp.float32),
                 jax.ShapeDtypeStruct((N_PAD, D_S), jnp.float32)],
  )(s2, cnt, hr, wl, ws)


@jax.jit
def kernel(x, edge_index, W1_l, b1_l, W1_r, W2_l, b2_l, W2_r, W_s):
  xp = jnp.pad(x, ((0, N_PAD - N), (0, 0)))
  xs = xp.reshape(N_PAD, NC, HC).transpose(1, 0, 2)
  src = jnp.pad(edge_index[0], (0, E_PAD - E))
  dst = jnp.pad(edge_index[1], (0, E_PAD - E), constant_values=N)
  edges = jnp.stack([src, dst]).reshape(2, NS, E_TILE)

  xr = _xr1(xp, W1_r.T, b1_l.reshape(1, D))
  s1, cnt = _sc_agg_cnt(xs, edges)
  hs = _dense1(s1, cnt, xr, W1_l.T)
  hr = _xr2(hs, W2_r.T, b2_l.reshape(1, D))
  (s2,) = _sc_agg(hs, edges)
  h2, out_s = _dense2(s2, cnt, hr, W2_l.T, W_s.T)
  return out_s[:N], h2[:N]

# --- scband reference (transcript-rebuilt; emitter-appended) ---
"""Pipeline reference for scband-encoder2-60765197304598 (READ-ONLY COPY).

The authoritative reference and input builder live on the scoring server;
editing this copy changes nothing except your own understanding.
"""

import jax, jax.numpy as jnp
import numpy as np

N = 10000
E = 320000
D_IN = 128
D_HID = 128
D_S = 64


def sage_conv(x, edge_index, W_l, b_l, W_r, num_nodes):
    # PyG SAGEConv (mean aggregation):
    # out = lin_l(mean_{j in N(i)} x_j) + lin_r(x_i)
    src = edge_index[0]
    dst = edge_index[1]
    msg = jnp.take(x, src, axis=0)
    summed = jax.ops.segment_sum(msg, dst, num_segments=num_nodes)
    cnt = jax.ops.segment_sum(jnp.ones((msg.shape[0],), dtype=x.dtype), dst, num_segments=num_nodes)
    mean = summed / jnp.maximum(cnt, 1.0)[:, None]
    return mean @ W_l.T + b_l + x @ W_r.T


def setup_inputs(seed: int = 0) -> dict:
    key = jax.random.key(seed)
    ks = jax.random.split(key, 10)
    x = jax.random.normal(ks[0], (N, D_IN), dtype=jnp.float32)
    edge_index = jax.random.randint(ks[1], (2, E), 0, N, dtype=jnp.int32)
    s1 = 1.0 / np.sqrt(D_IN)
    s2 = 1.0 / np.sqrt(D_HID)
    W1_l = jax.random.uniform(ks[2], (D_HID, D_IN), jnp.float32, -s1, s1)
    b1_l = jnp.zeros((D_HID,), dtype=jnp.float32)
    W1_r = jax.random.uniform(ks[3], (D_HID, D_IN), jnp.float32, -s1, s1)
    W2_l = jax.random.uniform(ks[4], (D_HID, D_HID), jnp.float32, -s2, s2)
    b2_l = jnp.zeros((D_HID,), dtype=jnp.float32)
    W2_r = jax.random.uniform(ks[5], (D_HID, D_HID), jnp.float32, -s2, s2)
    W_s = jax.random.uniform(ks[6], (D_S, D_HID), jnp.float32, -s2, s2)
    return {"x": x, "edge_index": edge_index, "W1_l": W1_l, "b1_l": b1_l, "W1_r": W1_r,
            "W2_l": W2_l, "b2_l": b2_l, "W2_r": W2_r, "W_s": W_s}


def reference(x, edge_index, W1_l, b1_l, W1_r, W2_l, b2_l, W2_r, W_s):
    h = sage_conv(x, edge_index, W1_l, b1_l, W1_r, N)
    h = jax.nn.relu(h)
    h = sage_conv(h, edge_index, W2_l, b2_l, W2_r, N)
    out_s = h @ W_s.T
    return (out_s, h)

if __name__ == "__main__":
    import jax
    _d = setup_inputs()
    print(jax.jit(kernel)(*tuple(_d.values())))

</pallas_src>

<mosaic_0001>
#map = affine_map<(d0, d1) -> (0, 0, 0)>
module attributes {stable_mosaic.version = 14 : i64} {
  func.func @body(%arg0: i32, %arg1: i32, %arg2: memref<2x10240x64xf32, #tpu.memory_space<hbm>>, %arg3: memref<2x16x20480xi32, #tpu.memory_space<hbm>>, %arg4: memref<2x10240x64xf32, #tpu.memory_space<hbm>>, %arg5: memref<3x1024xi32, #tpu.memory_space<vmem>>, %arg6: memref<3x1024xi32, #tpu.memory_space<vmem>>, %arg7: memref<128x64xf32, #tpu.memory_space<vmem>>, %arg8: memref<128x64xf32, #tpu.memory_space<vmem>>, %arg9: memref<128x64xf32, #tpu.memory_space<vmem>>, %arg10: memref<128x64xf32, #tpu.memory_space<vmem>>, %arg11: memref<128x64xf32, #tpu.memory_space<vmem>>, %arg12: memref<128x64xf32, #tpu.memory_space<vmem>>, %arg13: memref<128x64xf32, #tpu.memory_space<vmem>>, %arg14: memref<128x64xf32, #tpu.memory_space<vmem>>, %arg15: memref<10240x64xf32, #tpu.memory_space<vmem_shared>>, %arg16: memref<!tpu.dma_semaphore, #tpu.memory_space<semaphore_mem>>, %arg17: memref<!tpu.dma_semaphore, #tpu.memory_space<semaphore_mem>>, %arg18: memref<!tpu.dma_semaphore, #tpu.memory_space<semaphore_mem>>, %arg19: memref<!tpu.dma_semaphore, #tpu.memory_space<semaphore_mem>>, %arg20: memref<!tpu.dma_semaphore, #tpu.memory_space<semaphore_mem>>, %arg21: memref<!tpu.dma_semaphore, #tpu.memory_space<semaphore_mem>>, %arg22: memref<!tpu.dma_semaphore, #tpu.memory_space<semaphore_mem>>, %arg23: memref<!tpu.dma_semaphore, #tpu.memory_space<semaphore_mem>>, %arg24: memref<!tpu.dma_semaphore, #tpu.memory_space<semaphore_mem>>, %arg25: memref<!tpu.dma_semaphore, #tpu.memory_space<semaphore_mem>>, %arg26: memref<!tpu.dma_semaphore, #tpu.memory_space<semaphore_mem>>, %arg27: memref<!tpu.dma_semaphore, #tpu.memory_space<semaphore_mem>>, %arg28: memref<!tpu.dma_semaphore, #tpu.memory_space<semaphore_mem>>, %arg29: memref<!tpu.dma_semaphore, #tpu.memory_space<semaphore_mem>>, %arg30: memref<!tpu.dma_semaphore, #tpu.memory_space<semaphore_mem>>, %arg31: memref<!tpu.dma_semaphore, #tpu.memory_space<semaphore_mem>>, %arg32: memref<!tpu.dma_semaphore, #tpu.memory_space<semaphore_mem>>) attributes {dimension_semantics = [#tpu.dimension_semantics<core_parallel>, #tpu.dimension_semantics<subcore_parallel>], iteration_bounds = array<i64: 2, 16>, scalar_prefetch = 0 : i64, scratch_operands = 28 : i64, tpu.core_type = #tpu.core_type<sc_vector_subcore>, window_params = [{transform_indices = #map}, {transform_indices = #map}, {transform_indices = #map}]} {
    %scan3A = arith.constant 0 : i32
    %scan3A_0 = arith.constant 0 : i32
    %scan3A_1 = arith.constant 128 : i32
    %scan3A_2 = arith.addi %scan3A_0, %scan3A_1 : i32
    %scan3A_3 = arith.constant 1 : i32
    %scan3A_4 = scf.for %scan3A_228 = %scan3A_0 to %scan3A_2 step %scan3A_3 iter_args(%scan3A_229 = %scan3A) -> (i32)  : i32 {
      %lt3A = arith.constant 128 : i32
      %lt3A_230 = arith.cmpi slt, %scan3A_228, %lt3A : i32
      %convert_element_type3A = arith.extui %lt3A_230 : i1 to i32
      %cond3A = arith.constant 0 : i32
      %cond3A_231 = arith.cmpi ne, %convert_element_type3A, %cond3A : i32
      scf.if %cond3A_231 {
        %broadcast_in_dim3A = arith.constant 0.000000e+00 : f32
        %broadcast_in_dim3A_233 = vector.broadcast %broadcast_in_dim3A : f32 to vector<16xf32>
        %swap3A = arith.index_cast %scan3A_228 : i32 to index
        %swap3A_234 = arith.constant 0 : index
        %swap3A_235 = tpu.vector_load %arg7[%swap3A, %swap3A_234] {strides = array<i32>} : memref<128x64xf32, #tpu.memory_space<vmem>>, vector<1x16xf32>,
        %swap3A_236 = vector.shape_cast %swap3A_235 : vector<1x16xf32> to vector<16xf32>
        %swap3A_237 = vector.shape_cast %broadcast_in_dim3A_233 : vector<16xf32> to vector<1x16xf32>
        tpu.vector_store %arg7[%swap3A, %swap3A_234], %swap3A_237 {strides = array<i32>} : memref<128x64xf32, #tpu.memory_space<vmem>>, vector<1x16xf32>,
        %broadcast_in_dim3A_238 = arith.constant 0.000000e+00 : f32
        %broadcast_in_dim3A_239 = vector.broadcast %broadcast_in_dim3A_238 : f32 to vector<16xf32>
        %swap3A_240 = arith.index_cast %scan3A_228 : i32 to index
        %swap3A_241 = arith.constant 16 : index
        %swap3A_242 = tpu.vector_load %arg7[%swap3A_240, %swap3A_241] {strides = array<i32>} : memref<128x64xf32, #tpu.memory_space<vmem>>, vector<1x16xf32>,
        %swap3A_243 = vector.shape_cast %swap3A_242 : vector<1x16xf32> to vector<16xf32>
        %swap3A_244 = vector.shape_cast %broadcast_in_dim3A_239 : vector<16xf32> to vector<1x16xf32>
        tpu.vector_store %arg7[%swap3A_240, %swap3A_241], %swap3A_244 {strides = array<i32>} : memref<128x64xf32, #tpu.memory_space<vmem>>, vector<1x16xf32>,
        %broadcast_in_dim3A_245 = arith.constant 0.000000e+00 : f32
        %broadcast_in_dim3A_246 = vector.broadcast %broadcast_in_dim3A_245 : f32 to vector<16xf32>
        %swap3A_247 = arith.index_cast %scan3A_228 : i32 to index
        %swap3A_248 = arith.constant 32 : index
        %swap3A_249 = tpu.vector_load %arg7[%swap3A_247, %swap3A_248] {strides = array<i32>} : memref<128x64xf32, #tpu.memory_space<vmem>>, vector<1x16xf32>,
        %swap3A_250 = vector.shape_cast %swap3A_249 : vector<1x16xf32> to vector<16xf32>
        %swap3A_251 = vector.shape_cast %broadcast_in_dim3A_246 : vector<16xf32> to vector<1x16xf32>
        tpu.vector_store %arg7[%swap3A_247, %swap3A_248], %swap3A_251 {strides = array<i32>} : memref<128x64xf32, #tpu.memory_space<vmem>>, vector<1x16xf32>,
        %broadcast_in_dim3A_252 = arith.constant 0.000000e+00 : f32
        %broadcast_in_dim3A_253 = vector.broadcast %broadcast_in_dim3A_252 : f32 to vector<16xf32>
        %swap3A_254 = arith.index_cast %scan3A_228 : i32 to index
        %swap3A_255 = arith.constant 48 : index
        %swap3A_256 = tpu.vector_load %arg7[%swap3A_254, %swap3A_255] {strides = array<i32>} : memref<128x64xf32, #tpu.memory_space<vmem>>, vector<1x16xf32>,
        %swap3A_257 = vector.shape_cast %swap3A_256 : vector<1x16xf32> to vector<16xf32>
        %swap3A_258 = vector.shape_cast %broadcast_in_dim3A_253 : vector<16xf32> to vector<1x16xf32>
        tpu.vector_store %arg7[%swap3A_254, %swap3A_255], %swap3A_258 {strides = array<i32>} : memref<128x64xf32, #tpu.memory_space<vmem>>, vector<1x16xf32>,
      } else {
      }
      %scan3A_232 = arith.constant 0 : i32
      scf.yield %scan3A_232 : i32
    }
    %scan3A_5 = arith.constant 128 : i32
    %mul3A = arith.constant 640 : i32
    %mul3A_6 = arith.muli %arg1, %mul3A : i32
    %add3A = arith.constant 0 : i32
    %add3A_7 = arith.addi %mul3A_6, %add3A : i32
    "tpu.region"() ({
      %run_scoped3A = tpu.sem_alloc : memref<!tpu.dma_semaphore, #tpu.memory_space<semaphore_mem>>
      %dma_start3A_228 = arith.constant 0 : i32
      %dma_start3A_229 = tpu.memref_slice %arg15[%add3A_7, %dma_start3A_228] : memref<10240x64xf32, #tpu.memory_space<vmem_shared>> -> memref<128x64xf32, #tpu.memory_space<vmem_shared>>
      %dma_start3A_230 = arith.constant 0 : i32
      %dma_start3A_231 = tpu.memref_slice %arg15[%add3A_7, %dma_start3A_230] : memref<10240x64xf32, #tpu.memory_space<vmem_shared>> -> memref<128x64xf32, #tpu.memory_space<vmem_shared>>
      tpu.enqueue_dma source(%arg7 : memref<128x64xf32, #tpu.memory_space<vmem>>) target(%dma_start3A_231 : memref<128x64xf32, #tpu.memory_space<vmem_shared>>) target_semaphore(%run_scoped3A : memref<!tpu.dma_semaphore, #tpu.memory_space<semaphore_mem>>)
      %dma_wait3A_232 = arith.constant 0 : i32
      %dma_wait3A_233 = tpu.memref_slice %arg15[%add3A_7, %dma_wait3A_232] : memref<10240x64xf32, #tpu.memory_space<vmem_shared>> -> memref<128x64xf32, #tpu.memory_space<vmem_shared>>
      %dma_wait3A_234 = arith.constant 0 : i32
      %dma_wait3A_235 = tpu.memref_slice %arg15[%add3A_7, %dma_wait3A_234] : memref<10240x64xf32, #tpu.memory_space<vmem_shared>> -> memref<128x64xf32, #tpu.memory_space<vmem_shared>>
      tpu.wait_dma2 semaphore(%run_scoped3A : memref<!tpu.dma_semaphore, #tpu.memory_space<semaphore_mem>>) src(%arg7 : memref<128x64xf32, #tpu.memory_space<vmem>>) dst(%dma_wait3A_235 : memref<128x64xf32, #tpu.memory_space<vmem_shared>>)
      tpu.yield
    }) : () -> ()
    %mul3A_8 = arith.constant 640 : i32
    %mul3A_9 = arith.muli %arg1, %mul3A_8 : i32
    %add3A_10 = arith.constant 128 : i32
    %add3A_11 = arith.addi %mul3A_9, %add3A_10 : i32
    "tpu.region"() ({
      %run_scoped3A = tpu.sem_alloc : memref<!tpu.dma_semaphore, #tpu.memory_space<semaphore_mem>>
      %dma_start3A_228 = arith.constant 0 : i32
      %dma_start3A_229 = tpu.memref_slice %arg15[%add3A_11, %dma_start3A_228] : memref<10240x64xf32, #tpu.memory_space<vmem_shared>> -> memref<128x64xf32, #tpu.memory_space<vmem_shared>>
      %dma_start3A_230 = arith.constant 0 : i32
      %dma_start3A_231 = tpu.memref_slice %arg15[%add3A_11, %dma_start3A_230] : memref<10240x64xf32, #tpu.memory_space<vmem_shared>> -> memref<128x64xf32, #tpu.memory_space<vmem_shared>>
      tpu.enqueue_dma source(%arg7 : memref<128x64xf32, #tpu.memory_space<vmem>>) target(%dma_start3A_231 : memref<128x64xf32, #tpu.memory_space<vmem_shared>>) target_semaphore(%run_scoped3A : memref<!tpu.dma_semaphore, #tpu.memory_space<semaphore_mem>>)
      %dma_wait3A_232 = arith.constant 0 : i32
      %dma_wait3A_233 = tpu.memref_slice %arg15[%add3A_11, %dma_wait3A_232] : memref<10240x64xf32, #tpu.memory_space<vmem_shared>> -> memref<128x64xf32, #tpu.memory_space<vmem_shared>>
      %dma_wait3A_234 = arith.constant 0 : i32
      %dma_wait3A_235 = tpu.memref_slice %arg15[%add3A_11, %dma_wait3A_234] : memref<10240x64xf32, #tpu.memory_space<vmem_shared>> -> memref<128x64xf32, #tpu.memory_space<vmem_shared>>
      tpu.wait_dma2 semaphore(%run_scoped3A : memref<!tpu.dma_semaphore, #tpu.memory_space<semaphore_mem>>) src(%arg7 : memref<128x64xf32, #tpu.memory_space<vmem>>) dst(%dma_wait3A_235 : memref<128x64xf32, #tpu.memory_space<vmem_shared>>)
      tpu.yield
    }) : () -> ()
    %mul3A_12 = arith.constant 640 : i32
    %mul3A_13 = arith.muli %arg1, %mul3A_12 : i32
    %add3A_14 = arith.constant 256 : i32
    %add3A_15 = arith.addi %mul3A_13, %add3A_14 : i32
    "tpu.region"() ({
      %run_scoped3A = tpu.sem_alloc : memref<!tpu.dma_semaphore, #tpu.memory_space<semaphore_mem>>
      %dma_start3A_228 = arith.constant 0 : i32
      %dma_start3A_229 = tpu.memref_slice %arg15[%add3A_15, %dma_start3A_228] : memref<10240x64xf32, #tpu.memory_space<vmem_shared>> -> memref<128x64xf32, #tpu.memory_space<vmem_shared>>
      %dma_start3A_230 = arith.constant 0 : i32
      %dma_start3A_231 = tpu.memref_slice %arg15[%add3A_15, %dma_start3A_230] : memref<10240x64xf32, #tpu.memory_space<vmem_shared>> -> memref<128x64xf32, #tpu.memory_space<vmem_shared>>
      tpu.enqueue_dma source(%arg7 : memref<128x64xf32, #tpu.memory_space<vmem>>) target(%dma_start3A_231 : memref<128x64xf32, #tpu.memory_space<vmem_shared>>) target_semaphore(%run_scoped3A : memref<!tpu.dma_semaphore, #tpu.memory_space<semaphore_mem>>)
      %dma_wait3A_232 = arith.constant 0 : i32
      %dma_wait3A_233 = tpu.memref_slice %arg15[%add3A_15, %dma_wait3A_232] : memref<10240x64xf32, #tpu.memory_space<vmem_shared>> -> memref<128x64xf32, #tpu.memory_space<vmem_shared>>
      %dma_wait3A_234 = arith.constant 0 : i32
      %dma_wait3A_235 = tpu.memref_slice %arg15[%add3A_15, %dma_wait3A_234] : memref<10240x64xf32, #tpu.memory_space<vmem_shared>> -> memref<128x64xf32, #tpu.memory_space<vmem_shared>>
      tpu.wait_dma2 semaphore(%run_scoped3A : memref<!tpu.dma_semaphore, #tpu.memory_space<semaphore_mem>>) src(%arg7 : memref<128x64xf32, #tpu.memory_space<vmem>>) dst(%dma_wait3A_235 : memref<128x64xf32, #tpu.memory_space<vmem_shared>>)
      tpu.yield
    }) : () -> ()
    %mul3A_16 = arith.constant 640 : i32
    %mul3A_17 = arith.muli %arg1, %mul3A_16 : i32
    %add3A_18 = arith.constant 384 : i32
    %add3A_19 = arith.addi %mul3A_17, %add3A_18 : i32
    "tpu.region"() ({
      %run_scoped3A = tpu.sem_alloc : memref<!tpu.dma_semaphore, #tpu.memory_space<semaphore_mem>>
      %dma_start3A_228 = arith.constant 0 : i32
      %dma_start3A_229 = tpu.memref_slice %arg15[%add3A_19, %dma_start3A_228] : memref<10240x64xf32, #tpu.memory_space<vmem_shared>> -> memref<128x64xf32, #tpu.memory_space<vmem_shared>>
      %dma_start3A_230 = arith.constant 0 : i32
      %dma_start3A_231 = tpu.memref_slice %arg15[%add3A_19, %dma_start3A_230] : memref<10240x64xf32, #tpu.memory_space<vmem_shared>> -> memref<128x64xf32, #tpu.memory_space<vmem_shared>>
      tpu.enqueue_dma source(%arg7 : memref<128x64xf32, #tpu.memory_space<vmem>>) target(%dma_start3A_231 : memref<128x64xf32, #tpu.memory_space<vmem_shared>>) target_semaphore(%run_scoped3A : memref<!tpu.dma_semaphore, #tpu.memory_space<semaphore_mem>>)
      %dma_wait3A_232 = arith.constant 0 : i32
      %dma_wait3A_233 = tpu.memref_slice %arg15[%add3A_19, %dma_wait3A_232] : memref<10240x64xf32, #tpu.memory_space<vmem_shared>> -> memref<128x64xf32, #tpu.memory_space<vmem_shared>>
      %dma_wait3A_234 = arith.constant 0 : i32
      %dma_wait3A_235 = tpu.memref_slice %arg15[%add3A_19, %dma_wait3A_234] : memref<10240x64xf32, #tpu.memory_space<vmem_shared>> -> memref<128x64xf32, #tpu.memory_space<vmem_shared>>
      tpu.wait_dma2 semaphore(%run_scoped3A : memref<!tpu.dma_semaphore, #tpu.memory_space<semaphore_mem>>) src(%arg7 : memref<128x64xf32, #tpu.memory_space<vmem>>) dst(%dma_wait3A_235 : memref<128x64xf32, #tpu.memory_space<vmem_shared>>)
      tpu.yield
    }) : () -> ()
    %mul3A_20 = arith.constant 640 : i32
    %mul3A_21 = arith.muli %arg1, %mul3A_20 : i32
    %add3A_22 = arith.constant 512 : i32
    %add3A_23 = arith.addi %mul3A_21, %add3A_22 : i32
    "tpu.region"() ({
      %run_scoped3A = tpu.sem_alloc : memref<!tpu.dma_semaphore, #tpu.memory_space<semaphore_mem>>
      %dma_start3A_228 = arith.constant 0 : i32
      %dma_start3A_229 = tpu.memref_slice %arg15[%add3A_23, %dma_start3A_228] : memref<10240x64xf32, #tpu.memory_space<vmem_shared>> -> memref<128x64xf32, #tpu.memory_space<vmem_shared>>
      %dma_start3A_230 = arith.constant 0 : i32
      %dma_start3A_231 = tpu.memref_slice %arg15[%add3A_23, %dma_start3A_230] : memref<10240x64xf32, #tpu.memory_space<vmem_shared>> -> memref<128x64xf32, #tpu.memory_space<vmem_shared>>
      tpu.enqueue_dma source(%arg7 : memref<128x64xf32, #tpu.memory_space<vmem>>) target(%dma_start3A_231 : memref<128x64xf32, #tpu.memory_space<vmem_shared>>) target_semaphore(%run_scoped3A : memref<!tpu.dma_semaphore, #tpu.memory_space<semaphore_mem>>)
      %dma_wait3A_232 = arith.constant 0 : i32
      %dma_wait3A_233 = tpu.memref_slice %arg15[%add3A_23, %dma_wait3A_232] : memref<10240x64xf32, #tpu.memory_space<vmem_shared>> -> memref<128x64xf32, #tpu.memory_space<vmem_shared>>
      %dma_wait3A_234 = arith.constant 0 : i32
      %dma_wait3A_235 = tpu.memref_slice %arg15[%add3A_23, %dma_wait3A_234] : memref<10240x64xf32, #tpu.memory_space<vmem_shared>> -> memref<128x64xf32, #tpu.memory_space<vmem_shared>>
      tpu.wait_dma2 semaphore(%run_scoped3A : memref<!tpu.dma_semaphore, #tpu.memory_space<semaphore_mem>>) src(%arg7 : memref<128x64xf32, #tpu.memory_space<vmem>>) dst(%dma_wait3A_235 : memref<128x64xf32, #tpu.memory_space<vmem_shared>>)
      tpu.yield
    }) : () -> ()
    %barrier3A = arith.constant 0 : index
    tpu.barrier barrier_id(%barrier3A)
    %rem3A = arith.constant 0 : i32
    %rem3A_24 = arith.constant 3 : i32
    %rem3A_25 = arith.remsi %rem3A, %rem3A_24 : i32
    %dma_start3A = arith.constant 0 : i32
    %dma_start3A_26 = arith.constant 0 : i32
    %dma_start3A_27 = tpu.memref_slice %arg5[%rem3A_25, %dma_start3A_26] : memref<3x1024xi32, #tpu.memory_space<vmem>> -> memref<1x1024xi32, #tpu.memory_space<vmem>>
    %dma_start3A_28 = tpu.memref_squeeze %dma_start3A_27 : memref<1x1024xi32, #tpu.memory_space<vmem>> -> memref<1024xi32, #tpu.memory_space<vmem>>
    %dma_start3A_29 = arith.constant 0 : i32
    %dma_start3A_30 = tpu.memref_slice %arg3[%dma_start3A, %arg1, %dma_start3A_29] : memref<2x16x20480xi32, #tpu.memory_space<hbm>> -> memref<1x1x20480xi32, #tpu.memory_space<hbm>>
    %dma_start3A_31 = tpu.memref_squeeze %dma_start3A_30 : memref<1x1x20480xi32, #tpu.memory_space<hbm>> -> memref<20480xi32, #tpu.memory_space<hbm>>
    %dma_start3A_32 = arith.constant 0 : i32
    %dma_start3A_33 = tpu.memref_slice %dma_start3A_31[%dma_start3A_32] : memref<20480xi32, #tpu.memory_space<hbm>> -> memref<1024xi32, #tpu.memory_space<hbm>>
    %dma_start3A_34 = arith.constant 0 : i32
    %dma_start3A_35 = tpu.memref_slice %arg5[%rem3A_25, %dma_start3A_34] : memref<3x1024xi32, #tpu.memory_space<vmem>> -> memref<1x1024xi32, #tpu.memory_space<vmem>>
    %dma_start3A_36 = tpu.memref_squeeze %dma_start3A_35 : memref<1x1024xi32, #tpu.memory_space<vmem>> -> memref<1024xi32, #tpu.memory_space<vmem>>
    %dma_start3A_37 = arith.constant 0 : i32
    %dma_start3A_38 = tpu.memref_slice %arg3[%dma_start3A, %arg1, %dma_start3A_37] : memref<2x16x20480xi32, #tpu.memory_space<hbm>> -> memref<1x1x20480xi32, #tpu.memory_space<hbm>>
    %dma_start3A_39 = tpu.memref_squeeze %dma_start3A_38 : memref<1x1x20480xi32, #tpu.memory_space<hbm>> -> memref<20480xi32, #tpu.memory_space<hbm>>
    %dma_start3A_40 = arith.constant 0 : i32
    %dma_start3A_41 = tpu.memref_slice %dma_start3A_39[%dma_start3A_40] : memref<20480xi32, #tpu.memory_space<hbm>> -> memref<1024xi32, #tpu.memory_space<hbm>>
    tpu.enqueue_dma source(%dma_start3A_41 : memref<1024xi32, #tpu.memory_space<hbm>>) target(%dma_start3A_36 : memref<1024xi32, #tpu.memory_space<vmem>>) target_semaphore(%arg32 : memref<!tpu.dma_semaphore, #tpu.memory_space<semaphore_mem>>)
    %dma_start3A_42 = arith.constant 1 : i32
    %dma_start3A_43 = arith.constant 0 : i32
    %dma_start3A_44 = tpu.memref_slice %arg6[%rem3A_25, %dma_start3A_43] : memref<3x1024xi32, #tpu.memory_space<vmem>> -> memref<1x1024xi32, #tpu.memory_space<vmem>>
    %dma_start3A_45 = tpu.memref_squeeze %dma_start3A_44 : memref<1x1024xi32, #tpu.memory_space<vmem>> -> memref<1024xi32, #tpu.memory_space<vmem>>
    %dma_start3A_46 = arith.constant 0 : i32
    %dma_start3A_47 = tpu.memref_slice %arg3[%dma_start3A_42, %arg1, %dma_start3A_46] : memref<2x16x20480xi32, #tpu.memory_space<hbm>> -> memref<1x1x20480xi32, #tpu.memory_space<hbm>>
    %dma_start3A_48 = tpu.memref_squeeze %dma_start3A_47 : memref<1x1x20480xi32, #tpu.memory_space<hbm>> -> memref<20480xi32, #tpu.memory_space<hbm>>
    %dma_start3A_49 = arith.constant 0 : i32
    %dma_start3A_50 = tpu.memref_slice %dma_start3A_48[%dma_start3A_49] : memref<20480xi32, #tpu.memory_space<hbm>> -> memref<1024xi32, #tpu.memory_space<hbm>>
    %dma_start3A_51 = arith.constant 0 : i32
    %dma_start3A_52 = tpu.memref_slice %arg6[%rem3A_25, %dma_start3A_51] : memref<3x1024xi32, #tpu.memory_space<vmem>> -> memref<1x1024xi32, #tpu.memory_space<vmem>>
    %dma_start3A_53 = tpu.memref_squeeze %dma_start3A_52 : memref<1x1024xi32, #tpu.memory_space<vmem>> -> memref<1024xi32, #tpu.memory_space<vmem>>
    %dma_start3A_54 = arith.constant 0 : i32
    %dma_start3A_55 = tpu.memref_slice %arg3[%dma_start3A_42, %arg1, %dma_start3A_54] : memref<2x16x20480xi32, #tpu.memory_space<hbm>> -> memref<1x1x20480xi32, #tpu.memory_space<hbm>>
    %dma_start3A_56 = tpu.memref_squeeze %dma_start3A_55 : memref<1x1x20480xi32, #tpu.memory_space<hbm>> -> memref<20480xi32, #tpu.memory_space<hbm>>
    %dma_start3A_57 = arith.constant 0 : i32
    %dma_start3A_58 = tpu.memref_slice %dma_start3A_56[%dma_start3A_57] : memref<20480xi32, #tpu.memory_space<hbm>> -> memref<1024xi32, #tpu.memory_space<hbm>>
    tpu.enqueue_dma source(%dma_start3A_58 : memref<1024xi32, #tpu.memory_space<hbm>>) target(%dma_start3A_53 : memref<1024xi32, #tpu.memory_space<vmem>>) target_semaphore(%arg32 : memref<!tpu.dma_semaphore, #tpu.memory_space<semaphore_mem>>)
    %dma_wait3A = arith.constant 0 : i32
    %dma_wait3A_59 = arith.constant 0 : i32
    %dma_wait3A_60 = arith.constant 0 : i32
    %dma_wait3A_61 = tpu.memref_slice %arg5[%dma_wait3A_59, %dma_wait3A_60] : memref<3x1024xi32, #tpu.memory_space<vmem>> -> memref<1x1024xi32, #tpu.memory_space<vmem>>
    %dma_wait3A_62 = tpu.memref_squeeze %dma_wait3A_61 : memref<1x1024xi32, #tpu.memory_space<vmem>> -> memref<1024xi32, #tpu.memory_space<vmem>>
    %dma_wait3A_63 = arith.constant 0 : i32
    %dma_wait3A_64 = tpu.memref_slice %arg3[%dma_wait3A, %arg1, %dma_wait3A_63] : memref<2x16x20480xi32, #tpu.memory_space<hbm>> -> memref<1x1x20480xi32, #tpu.memory_space<hbm>>
    %dma_wait3A_65 = tpu.memref_squeeze %dma_wait3A_64 : memref<1x1x20480xi32, #tpu.memory_space<hbm>> -> memref<20480xi32, #tpu.memory_space<hbm>>
    %dma_wait3A_66 = arith.constant 0 : i32
    %dma_wait3A_67 = tpu.memref_slice %dma_wait3A_65[%dma_wait3A_66] : memref<20480xi32, #tpu.memory_space<hbm>> -> memref<1024xi32, #tpu.memory_space<hbm>>
    %dma_wait3A_68 = arith.constant 0 : i32
    %dma_wait3A_69 = tpu.memref_slice %arg5[%dma_wait3A_59, %dma_wait3A_68] : memref<3x1024xi32, #tpu.memory_space<vmem>> -> memref<1x1024xi32, #tpu.memory_space<vmem>>
    %dma_wait3A_70 = tpu.memref_squeeze %dma_wait3A_69 : memref<1x1024xi32, #tpu.memory_space<vmem>> -> memref<1024xi32, #tpu.memory_space<vmem>>
    %dma_wait3A_71 = arith.constant 0 : i32
    %dma_wait3A_72 = tpu.memref_slice %arg3[%dma_wait3A, %arg1, %dma_wait3A_71] : memref<2x16x20480xi32, #tpu.memory_space<hbm>> -> memref<1x1x20480xi32, #tpu.memory_space<hbm>>
    %dma_wait3A_73 = tpu.memref_squeeze %dma_wait3A_72 : memref<1x1x20480xi32, #tpu.memory_space<hbm>> -> memref<20480xi32, #tpu.memory_space<hbm>>
    %dma_wait3A_74 = arith.constant 0 : i32
    %dma_wait3A_75 = tpu.memref_slice %dma_wait3A_73[%dma_wait3A_74] : memref<20480xi32, #tpu.memory_space<hbm>> -> memref<1024xi32, #tpu.memory_space<hbm>>
    tpu.wait_dma2 semaphore(%arg32 : memref<!tpu.dma_semaphore, #tpu.memory_space<semaphore_mem>>) src(%dma_wait3A_75 : memref<1024xi32, #tpu.memory_space<hbm>>) dst(%dma_wait3A_70 : memref<1024xi32, #tpu.memory_space<vmem>>)
    %dma_wait3A_76 = arith.constant 1 : i32
    %dma_wait3A_77 = arith.constant 0 : i32
    %dma_wait3A_78 = arith.constant 0 : i32
    %dma_wait3A_79 = tpu.memref_slice %arg6[%dma_wait3A_77, %dma_wait3A_78] : memref<3x1024xi32, #tpu.memory_space<vmem>> -> memref<1x1024xi32, #tpu.memory_space<vmem>>
    %dma_wait3A_80 = tpu.memref_squeeze %dma_wait3A_79 : memref<1x1024xi32, #tpu.memory_space<vmem>> -> memref<1024xi32, #tpu.memory_space<vmem>>
    %dma_wait3A_81 = arith.constant 0 : i32
    %dma_wait3A_82 = tpu.memref_slice %arg3[%dma_wait3A_76, %arg1, %dma_wait3A_81] : memref<2x16x20480xi32, #tpu.memory_space<hbm>> -> memref<1x1x20480xi32, #tpu.memory_space<hbm>>
    %dma_wait3A_83 = tpu.memref_squeeze %dma_wait3A_82 : memref<1x1x20480xi32, #tpu.memory_space<hbm>> -> memref<20480xi32, #tpu.memory_space<hbm>>
    %dma_wait3A_84 = arith.constant 0 : i32
    %dma_wait3A_85 = tpu.memref_slice %dma_wait3A_83[%dma_wait3A_84] : memref<20480xi32, #tpu.memory_space<hbm>> -> memref<1024xi32, #tpu.memory_space<hbm>>
    %dma_wait3A_86 = arith.constant 0 : i32
    %dma_wait3A_87 = tpu.memref_slice %arg6[%dma_wait3A_77, %dma_wait3A_86] : memref<3x1024xi32, #tpu.memory_space<vmem>> -> memref<1x1024xi32, #tpu.memory_space<vmem>>
    %dma_wait3A_88 = tpu.memref_squeeze %dma_wait3A_87 : memref<1x1024xi32, #tpu.memory_space<vmem>> -> memref<1024xi32, #tpu.memory_space<vmem>>
    %dma_wait3A_89 = arith.constant 0 : i32
    %dma_wait3A_90 = tpu.memref_slice %arg3[%dma_wait3A_76, %arg1, %dma_wait3A_89] : memref<2x16x20480xi32, #tpu.memory_space<hbm>> -> memref<1x1x20480xi32, #tpu.memory_space<hbm>>
    %dma_wait3A_91 = tpu.memref_squeeze %dma_wait3A_90 : memref<1x1x20480xi32, #tpu.memory_space<hbm>> -> memref<20480xi32, #tpu.memory_space<hbm>>
    %dma_wait3A_92 = arith.constant 0 : i32
    %dma_wait3A_93 = tpu.memref_slice %dma_wait3A_91[%dma_wait3A_92] : memref<20480xi32, #tpu.memory_space<hbm>> -> memref<1024xi32, #tpu.memory_space<hbm>>
    tpu.wait_dma2 semaphore(%arg32 : memref<!tpu.dma_semaphore, #tpu.memory_space<semaphore_mem>>) src(%dma_wait3A_93 : memref<1024xi32, #tpu.memory_space<hbm>>) dst(%dma_wait3A_88 : memref<1024xi32, #tpu.memory_space<vmem>>)
    %rem3A_94 = arith.constant 1 : i32
    %rem3A_95 = arith.constant 3 : i32
    %rem3A_96 = arith.remsi %rem3A_94, %rem3A_95 : i32
    %dma_start3A_97 = arith.constant 0 : i32
    %dma_start3A_98 = arith.constant 0 : i32
    %dma_start3A_99 = tpu.memref_slice %arg5[%rem3A_96, %dma_start3A_98] : memref<3x1024xi32, #tpu.memory_space<vmem>> -> memref<1x1024xi32, #tpu.memory_space<vmem>>
    %dma_start3A_100 = tpu.memref_squeeze %dma_start3A_99 : memref<1x1024xi32, #tpu.memory_space<vmem>> -> memref<1024xi32, #tpu.memory_space<vmem>>
    %dma_start3A_101 = arith.constant 0 : i32
    %dma_start3A_102 = tpu.memref_slice %arg3[%dma_start3A_97, %arg1, %dma_start3A_101] : memref<2x16x20480xi32, #tpu.memory_space<hbm>> -> memref<1x1x20480xi32, #tpu.memory_space<hbm>>
    %dma_start3A_103 = tpu.memref_squeeze %dma_start3A_102 : memref<1x1x20480xi32, #tpu.memory_space<hbm>> -> memref<20480xi32, #tpu.memory_space<hbm>>
    %dma_start3A_104 = arith.constant 1024 : i32
    %dma_start3A_105 = tpu.memref_slice %dma_start3A_103[%dma_start3A_104] : memref<20480xi32, #tpu.memory_space<hbm>> -> memref<1024xi32, #tpu.memory_space<hbm>>
    %dma_start3A_106 = arith.constant 0 : i32
    %dma_start3A_107 = tpu.memref_slice %arg5[%rem3A_96, %dma_start3A_106] : memref<3x1024xi32, #tpu.memory_space<vmem>> -> memref<1x1024xi32, #tpu.memory_space<vmem>>
    %dma_start3A_108 = tpu.memref_squeeze %dma_start3A_107 : memref<1x1024xi32, #tpu.memory_space<vmem>> -> memref<1024xi32, #tpu.memory_space<vmem>>
    %dma_start3A_109 = arith.constant 0 : i32
    %dma_start3A_110 = tpu.memref_slice %arg3[%dma_start3A_97, %arg1, %dma_start3A_109] : memref<2x16x20480xi32, #tpu.memory_space<hbm>> -> memref<1x1x20480xi32, #tpu.memory_space<hbm>>
    %dma_start3A_111 = tpu.memref_squeeze %dma_start3A_110 : memref<1x1x20480xi32, #tpu.memory_space<hbm>> -> memref<20480xi32, #tpu.memory_space<hbm>>
    %dma_start3A_112 = arith.constant 1024 : i32
    %dma_start3A_113 = tpu.memref_slice %dma_start3A_111[%dma_start3A_112] : memref<20480xi32, #tpu.memory_space<hbm>> -> memref<1024xi32, #tpu.memory_space<hbm>>
    tpu.enqueue_dma source(%dma_start3A_113 : memref<1024xi32, #tpu.memory_space<hbm>>) target(%dma_start3A_108 : memref<1024xi32, #tpu.memory_space<vmem>>) target_semaphore(%arg32 : memref<!tpu.dma_semaphore, #tpu.memory_space<semaphore_mem>>)
    %dma_start3A_114 = arith.constant 1 : i32
    %dma_start3A_115 = arith.constant 0 : i32
    %dma_start3A_116 = tpu.memref_slice %arg6[%rem3A_96, %dma_start3A_115] : memref<3x1024xi32, #tpu.memory_space<vmem>> -> memref<1x1024xi32, #tpu.memory_space<vmem>>
    %dma_start3A_117 = tpu.memref_squeeze %dma_start3A_116 : memref<1x1024xi32, #tpu.memory_space<vmem>> -> memref<1024xi32, #tpu.memory_space<vmem>>
    %dma_start3A_118 = arith.constant 0 : i32
    %dma_start3A_119 = tpu.memref_slice %arg3[%dma_start3A_114, %arg1, %dma_start3A_118] : memref<2x16x20480xi32, #tpu.memory_space<hbm>> -> memref<1x1x20480xi32, #tpu.memory_space<hbm>>
    %dma_start3A_120 = tpu.memref_squeeze %dma_start3A_119 : memref<1x1x20480xi32, #tpu.memory_space<hbm>> -> memref<20480xi32, #tpu.memory_space<hbm>>
    %dma_start3A_121 = arith.constant 1024 : i32
    %dma_start3A_122 = tpu.memref_slice %dma_start3A_120[%dma_start3A_121] : memref<20480xi32, #tpu.memory_space<hbm>> -> memref<1024xi32, #tpu.memory_space<hbm>>
    %dma_start3A_123 = arith.constant 0 : i32
    %dma_start3A_124 = tpu.memref_slice %arg6[%rem3A_96, %dma_start3A_123] : memref<3x1024xi32, #tpu.memory_space<vmem>> -> memref<1x1024xi32, #tpu.memory_space<vmem>>
    %dma_start3A_125 = tpu.memref_squeeze %dma_start3A_124 : memref<1x1024xi32, #tpu.memory_space<vmem>> -> memref<1024xi32, #tpu.memory_space<vmem>>
    %dma_start3A_126 = arith.constant 0 : i32
    %dma_start3A_127 = tpu.memref_slice %arg3[%dma_start3A_114, %arg1, %dma_start3A_126] : memref<2x16x20480xi32, #tpu.memory_space<hbm>> -> memref<1x1x20480xi32, #tpu.memory_space<hbm>>
    %dma_start3A_128 = tpu.memref_squeeze %dma_start3A_127 : memref<1x1x20480xi32, #tpu.memory_space<hbm>> -> memref<20480xi32, #tpu.memory_space<hbm>>
    %dma_start3A_129 = arith.constant 1024 : i32
    %dma_start3A_130 = tpu.memref_slice %dma_start3A_128[%dma_start3A_129] : memref<20480xi32, #tpu.memory_space<hbm>> -> memref<1024xi32, #tpu.memory_space<hbm>>
    tpu.enqueue_dma source(%dma_start3A_130 : memref<1024xi32, #tpu.memory_space<hbm>>) target(%dma_start3A_125 : memref<1024xi32, #tpu.memory_space<vmem>>) target_semaphore(%arg32 : memref<!tpu.dma_semaphore, #tpu.memory_space<semaphore_mem>>)
    %rem3A_131 = arith.constant 0 : i32
    %rem3A_132 = arith.constant 3 : i32
    %rem3A_133 = arith.remsi %rem3A_131, %rem3A_132 : i32
    %dma_start3A_134 = arith.constant 0 : i32
    %dma_start3A_135 = tpu.memref_slice %arg5[%rem3A_133, %dma_start3A_134] : memref<3x1024xi32, #tpu.memory_space<vmem>> -> memref<1x128xi32, #tpu.memory_space<vmem>>
    %dma_start3A_136 = tpu.memref_squeeze %dma_start3A_135 : memref<1x128xi32, #tpu.memory_space<vmem>> -> memref<128xi32, #tpu.memory_space<vmem>>
    %dma_start3A_137 = arith.constant 0 : i32
    %dma_start3A_138 = arith.constant 0 : i32
    %dma_start3A_139 = tpu.memref_slice %arg2[%arg0, %dma_start3A_137, %dma_start3A_138] : memref<2x10240x64xf32, #tpu.memory_space<hbm>> -> memref<1x10240x64xf32, #tpu.memory_space<hbm>>
    %dma_start3A_140 = tpu.memref_squeeze %dma_start3A_139 : memref<1x10240x64xf32, #tpu.memory_space<hbm>> -> memref<10240x64xf32, #tpu.memory_space<hbm>>
    %dma_start3A_141 = arith.constant 0 : i32
    %dma_start3A_142 = arith.constant 0 : i32
    %dma_start3A_143 = tpu.memref_slice %dma_start3A_140[%dma_start3A_141, %dma_start3A_142] : memref<10240x64xf32, #tpu.memory_space<hbm>> -> memref<10240x64xf32, #tpu.memory_space<hbm>>
    tpu.enqueue_indirect_dma source(%dma_start3A_143 : memref<10240x64xf32, #tpu.memory_space<hbm>>) target(%arg7 : memref<128x64xf32, #tpu.memory_space<vmem>>) offsets(%dma_start3A_136 : memref<128xi32, #tpu.memory_space<vmem>>) semaphore(%arg16 : memref<!tpu.dma_semaphore, #tpu.memory_space<semaphore_mem>>)
    %dma_start3A_144 = arith.constant 128 : i32
    %dma_start3A_145 = tpu.memref_slice %arg5[%rem3A_133, %dma_start3A_144] : memref<3x1024xi32, #tpu.memory_space<vmem>> -> memref<1x128xi32, #tpu.memory_space<vmem>>
    %dma_start3A_146 = tpu.memref_squeeze %dma_start3A_145 : memref<1x128xi32, #tpu.memory_space<vmem>> -> memref<128xi32, #tpu.memory_space<vmem>>
    %dma_start3A_147 = arith.constant 0 : i32
    %dma_start3A_148 = arith.constant 0 : i32
    %dma_start3A_149 = tpu.memref_slice %arg2[%arg0, %dma_start3A_147, %dma_start3A_148] : memref<2x10240x64xf32, #tpu.memory_space<hbm>> -> memref<1x10240x64xf32, #tpu.memory_space<hbm>>
    %dma_start3A_150 = tpu.memref_squeeze %dma_start3A_149 : memref<1x10240x64xf32, #tpu.memory_space<hbm>> -> memref<10240x64xf32, #tpu.memory_space<hbm>>
    %dma_start3A_151 = arith.constant 0 : i32
    %dma_start3A_152 = arith.constant 0 : i32
    %dma_start3A_153 = tpu.memref_slice %dma_start3A_150[%dma_start3A_151, %dma_start3A_152] : memref<10240x64xf32, #tpu.memory_space<hbm>> -> memref<10240x64xf32, #tpu.memory_space<hbm>>
    tpu.enqueue_indirect_dma source(%dma_start3A_153 : memref<10240x64xf32, #tpu.memory_space<hbm>>) target(%arg8 : memref<128x64xf32, #tpu.memory_space<vmem>>) offsets(%dma_start3A_146 : memref<128xi32, #tpu.memory_space<vmem>>) semaphore(%arg17 : memref<!tpu.dma_semaphore, #tpu.memory_space<semaphore_mem>>)
    %dma_start3A_154 = arith.constant 256 : i32
    %dma_start3A_155 = tpu.memref_slice %arg5[%rem3A_133, %dma_start3A_154] : memref<3x1024xi32, #tpu.memory_space<vmem>> -> memref<1x128xi32, #tpu.memory_space<vmem>>
    %dma_start3A_156 = tpu.memref_squeeze %dma_start3A_155 : memref<1x128xi32, #tpu.memory_space<vmem>> -> memref<128xi32, #tpu.memory_space<vmem>>
    %dma_start3A_157 = arith.constant 0 : i32
    %dma_start3A_158 = arith.constant 0 : i32
    %dma_start3A_159 = tpu.memref_slice %arg2[%arg0, %dma_start3A_157, %dma_start3A_158] : memref<2x10240x64xf32, #tpu.memory_space<hbm>> -> memref<1x10240x64xf32, #tpu.memory_space<hbm>>
    %dma_start3A_160 = tpu.memref_squeeze %dma_start3A_159 : memref<1x10240x64xf32, #tpu.memory_space<hbm>> -> memref<10240x64xf32, #tpu.memory_space<hbm>>
    %dma_start3A_161 = arith.constant 0 : i32
    %dma_start3A_162 = arith.constant 0 : i32
    %dma_start3A_163 = tpu.memref_slice %dma_start3A_160[%dma_start3A_161, %dma_start3A_162] : memref<10240x64xf32, #tpu.memory_space<hbm>> -> memref<10240x64xf32, #tpu.memory_space<hbm>>
    tpu.enqueue_indirect_dma source(%dma_start3A_163 : memref<10240x64xf32, #tpu.memory_space<hbm>>) target(%arg9 : memref<128x64xf32, #tpu.memory_space<vmem>>) offsets(%dma_start3A_156 : memref<128xi32, #tpu.memory_space<vmem>>) semaphore(%arg18 : memref<!tpu.dma_semaphore, #tpu.memory_space<semaphore_mem>>)
    %dma_start3A_164 = arith.constant 384 : i32
    %dma_start3A_165 = tpu.memref_slice %arg5[%rem3A_133, %dma_start3A_164] : memref<3x1024xi32, #tpu.memory_space<vmem>> -> memref<1x128xi32, #tpu.memory_space<vmem>>
    %dma_start3A_166 = tpu.memref_squeeze %dma_start3A_165 : memref<1x128xi32, #tpu.memory_space<vmem>> -> memref<128xi32, #tpu.memory_space<vmem>>
    %dma_start3A_167 = arith.constant 0 : i32
    %dma_start3A_168 = arith.constant 0 : i32
    %dma_start3A_169 = tpu.memref_slice %arg2[%arg0, %dma_start3A_167, %dma_start3A_168] : memref<2x10240x64xf32, #tpu.memory_space<hbm>> -> memref<1x10240x64xf32, #tpu.memory_space<hbm>>
    %dma_start3A_170 = tpu.memref_squeeze %dma_start3A_169 : memref<1x10240x64xf32, #tpu.memory_space<hbm>> -> memref<10240x64xf32, #tpu.memory_space<hbm>>
    %dma_start3A_171 = arith.constant 0 : i32
    %dma_start3A_172 = arith.constant 0 : i32
    %dma_start3A_173 = tpu.memref_slice %dma_start3A_170[%dma_start3A_171, %dma_start3A_172] : memref<10240x64xf32, #tpu.memory_space<hbm>> -> memref<10240x64xf32, #tpu.memory_space<hbm>>
    tpu.enqueue_indirect_dma source(%dma_start3A_173 : memref<10240x64xf32, #tpu.memory_space<hbm>>) target(%arg10 : memref<128x64xf32, #tpu.memory_space<vmem>>) offsets(%dma_start3A_166 : memref<128xi32, #tpu.memory_space<vmem>>) semaphore(%arg19 : memref<!tpu.dma_semaphore, #tpu.memory_space<semaphore_mem>>)
    %scan3A_174 = arith.constant 0 : i32
    %scan3A_175 = arith.constant 1 : i32
    %scan3A_176 = arith.constant 0 : i32
    %scan3A_177 = arith.constant 0 : i32
    %scan3A_178 = arith.constant 20 : i32
    %scan3A_179 = arith.addi %scan3A_177, %scan3A_178 : i32
    %scan3A_180 = arith.constant 1 : i32
    %scan3A_181 = scf.for %scan3A_228 = %scan3A_177 to %scan3A_179 step %scan3A_180 iter_args(%scan3A_229 = %scan3A_176) -> (i32)  : i32 {
      %rem3A_230 = arith.constant 3 : i32
      %rem3A_231 = arith.remsi %scan3A_228, %rem3A_230 : i32
      %add3A_232 = arith.constant 1 : i32
      %add3A_233 = arith.addi %scan3A_228, %add3A_232 : i32
      %rem3A_234 = arith.constant 3 : i32
      %rem3A_235 = arith.remsi %add3A_233, %rem3A_234 : i32
      %add3A_236 = arith.constant 1 : i32
      %add3A_237 = arith.addi %scan3A_228, %add3A_236 : i32
      %lt3A = arith.constant 20 : i32
      %lt3A_238 = arith.cmpi slt, %add3A_237, %lt3A : i32
      %convert_element_type3A = arith.extui %lt3A_238 : i1 to i32
      %cond3A = arith.constant 0 : i32
      %cond3A_239 = arith.cmpi ne, %convert_element_type3A, %cond3A : i32
      scf.if %cond3A_239 {
        %dma_wait3A_539 = arith.constant 0 : i32
        %dma_wait3A_540 = arith.constant 0 : i32
        %dma_wait3A_541 = tpu.memref_slice %arg5[%dma_wait3A_539, %dma_wait3A_540] : memref<3x1024xi32, #tpu.memory_space<vmem>> -> memref<1x1024xi32, #tpu.memory_space<vmem>>
        %dma_wait3A_542 = tpu.memref_squeeze %dma_wait3A_541 : memref<1x1024xi32, #tpu.memory_space<vmem>> -> memref<1024xi32, #tpu.memory_space<vmem>>
        %dma_wait3A_543 = arith.constant 0 : i32
        %dma_wait3A_544 = tpu.memref_slice %arg3[%scan3A_174, %arg1, %dma_wait3A_543] : memref<2x16x20480xi32, #tpu.memory_space<hbm>> -> memref<1x1x20480xi32, #tpu.memory_space<hbm>>
        %dma_wait3A_545 = tpu.memref_squeeze %dma_wait3A_544 : memref<1x1x20480xi32, #tpu.memory_space<hbm>> -> memref<20480xi32, #tpu.memory_space<hbm>>
        %dma_wait3A_546 = arith.constant 0 : i32
        %dma_wait3A_547 = tpu.memref_slice %dma_wait3A_545[%dma_wait3A_546] : memref<20480xi32, #tpu.memory_space<hbm>> -> memref<1024xi32, #tpu.memory_space<hbm>>
        %dma_wait3A_548 = arith.constant 0 : i32
        %dma_wait3A_549 = tpu.memref_slice %arg5[%dma_wait3A_539, %dma_wait3A_548] : memref<3x1024xi32, #tpu.memory_space<vmem>> -> memref<1x1024xi32, #tpu.memory_space<vmem>>
        %dma_wait3A_550 = tpu.memref_squeeze %dma_wait3A_549 : memref<1x1024xi32, #tpu.memory_space<vmem>> -> memref<1024xi32, #tpu.memory_space<vmem>>
        %dma_wait3A_551 = arith.constant 0 : i32
        %dma_wait3A_552 = tpu.memref_slice %arg3[%scan3A_174, %arg1, %dma_wait3A_551] : memref<2x16x20480xi32, #tpu.memory_space<hbm>> -> memref<1x1x20480xi32, #tpu.memory_space<hbm>>
        %dma_wait3A_553 = tpu.memref_squeeze %dma_wait3A_552 : memref<1x1x20480xi32, #tpu.memory_space<hbm>> -> memref<20480xi32, #tpu.memory_space<hbm>>
        %dma_wait3A_554 = arith.constant 0 : i32
        %dma_wait3A_555 = tpu.memref_slice %dma_wait3A_553[%dma_wait3A_554] : memref<20480xi32, #tpu.memory_space<hbm>> -> memref<1024xi32, #tpu.memory_space<hbm>>
        tpu.wait_dma2 semaphore(%arg32 : memref<!tpu.dma_semaphore, #tpu.memory_space<semaphore_mem>>) src(%dma_wait3A_555 : memref<1024xi32, #tpu.memory_space<hbm>>) dst(%dma_wait3A_550 : memref<1024xi32, #tpu.memory_space<vmem>>)
        %dma_wait3A_556 = arith.constant 0 : i32
        %dma_wait3A_557 = arith.constant 0 : i32
        %dma_wait3A_558 = tpu.memref_slice %arg6[%dma_wait3A_556, %dma_wait3A_557] : memref<3x1024xi32, #tpu.memory_space<vmem>> -> memref<1x1024xi32, #tpu.memory_space<vmem>>
        %dma_wait3A_559 = tpu.memref_squeeze %dma_wait3A_558 : memref<1x1024xi32, #tpu.memory_space<vmem>> -> memref<1024xi32, #tpu.memory_space<vmem>>
        %dma_wait3A_560 = arith.constant 0 : i32
        %dma_wait3A_561 = tpu.memref_slice %arg3[%scan3A_175, %arg1, %dma_wait3A_560] : memref<2x16x20480xi32, #tpu.memory_space<hbm>> -> memref<1x1x20480xi32, #tpu.memory_space<hbm>>
        %dma_wait3A_562 = tpu.memref_squeeze %dma_wait3A_561 : memref<1x1x20480xi32, #tpu.memory_space<hbm>> -> memref<20480xi32, #tpu.memory_space<hbm>>
        %dma_wait3A_563 = arith.constant 0 : i32
        %dma_wait3A_564 = tpu.memref_slice %dma_wait3A_562[%dma_wait3A_563] : memref<20480xi32, #tpu.memory_space<hbm>> -> memref<1024xi32, #tpu.memory_space<hbm>>
        %dma_wait3A_565 = arith.constant 0 : i32
        %dma_wait3A_566 = tpu.memref_slice %arg6[%dma_wait3A_556, %dma_wait3A_565] : memref<3x1024xi32, #tpu.memory_space<vmem>> -> memref<1x1024xi32, #tpu.memory_space<vmem>>
        %dma_wait3A_567 = tpu.memref_squeeze %dma_wait3A_566 : memref<1x1024xi32, #tpu.memory_space<vmem>> -> memref<1024xi32, #tpu.memory_space<vmem>>
        %dma_wait3A_568 = arith.constant 0 : i32
        %dma_wait3A_569 = tpu.memref_slice %arg3[%scan3A_175, %arg1, %dma_wait3A_568] : memref<2x16x20480xi32, #tpu.memory_space<hbm>> -> memref<1x1x20480xi32, #tpu.memory_space<hbm>>
        %dma_wait3A_570 = tpu.memref_squeeze %dma_wait3A_569 : memref<1x1x20480xi32, #tpu.memory_space<hbm>> -> memref<20480xi32, #tpu.memory_space<hbm>>
        %dma_wait3A_571 = arith.constant 0 : i32
        %dma_wait3A_572 = tpu.memref_slice %dma_wait3A_570[%dma_wait3A_571] : memref<20480xi32, #tpu.memory_space<hbm>> -> memref<1024xi32, #tpu.memory_space<hbm>>
        tpu.wait_dma2 semaphore(%arg32 : memref<!tpu.dma_semaphore, #tpu.memory_space<semaphore_mem>>) src(%dma_wait3A_572 : memref<1024xi32, #tpu.memory_space<hbm>>) dst(%dma_wait3A_567 : memref<1024xi32, #tpu.memory_space<vmem>>)
      } else {
      }
      %mul3A_240 = arith.constant 8 : i32
      %mul3A_241 = arith.muli %scan3A_228, %mul3A_240 : i32
      %add3A_242 = arith.constant 0 : i32
      %add3A_243 = arith.addi %mul3A_241, %add3A_242 : i32
      %gt3A = arith.constant 0 : i32
      %gt3A_244 = arith.cmpi sgt, %scan3A_228, %gt3A : i32
      %convert_element_type3A_245 = arith.extui %gt3A_244 : i1 to i32
      %cond3A_246 = arith.constant 0 : i32
      %cond3A_247 = arith.cmpi ne, %convert_element_type3A_245, %cond3A_246 : i32
      scf.if %cond3A_247 {
        %dma_wait3A_539 = arith.constant 0 : i32
        %dma_wait3A_540 = arith.constant 0 : i32
        %dma_wait3A_541 = tpu.memref_slice %arg15[%dma_wait3A_539, %dma_wait3A_540] : memref<10240x64xf32, #tpu.memory_space<vmem_shared>> -> memref<128x64xf32, #tpu.memory_space<vmem_shared>>
        %dma_wait3A_542 = arith.constant 0 : i32
        %dma_wait3A_543 = arith.constant 0 : i32
        %dma_wait3A_544 = tpu.memref_slice %arg15[%dma_wait3A_542, %dma_wait3A_543] : memref<10240x64xf32, #tpu.memory_space<vmem_shared>> -> memref<128x64xf32, #tpu.memory_space<vmem_shared>>
        tpu.wait_dma2 semaphore(%arg28 : memref<!tpu.dma_semaphore, #tpu.memory_space<semaphore_mem>>) src(%arg11 : memref<128x64xf32, #tpu.memory_space<vmem>>) dst(%dma_wait3A_544 : memref<128x64xf32, #tpu.memory_space<vmem_shared>>)
      } else {
      }
      %add3A_248 = arith.constant 4 : i32
      %add3A_249 = arith.addi %add3A_243, %add3A_248 : i32
      %lt3A_250 = arith.constant 160 : i32
      %lt3A_251 = arith.cmpi slt, %add3A_249, %lt3A_250 : i32
      %convert_element_type3A_252 = arith.extui %lt3A_251 : i1 to i32
      %cond3A_253 = arith.constant 0 : i32
      %cond3A_254 = arith.cmpi ne, %convert_element_type3A_252, %cond3A_253 : i32
      scf.if %cond3A_254 {
        %dma_start3A_539 = arith.constant 512 : i32
        %dma_start3A_540 = tpu.memref_slice %arg5[%rem3A_231, %dma_start3A_539] : memref<3x1024xi32, #tpu.memory_space<vmem>> -> memref<1x128xi32, #tpu.memory_space<vmem>>
        %dma_start3A_541 = tpu.memref_squeeze %dma_start3A_540 : memref<1x128xi32, #tpu.memory_space<vmem>> -> memref<128xi32, #tpu.memory_space<vmem>>
        %dma_start3A_542 = arith.constant 0 : i32
        %dma_start3A_543 = arith.constant 0 : i32
        %dma_start3A_544 = tpu.memref_slice %arg2[%arg0, %dma_start3A_542, %dma_start3A_543] : memref<2x10240x64xf32, #tpu.memory_space<hbm>> -> memref<1x10240x64xf32, #tpu.memory_space<hbm>>
        %dma_start3A_545 = tpu.memref_squeeze %dma_start3A_544 : memref<1x10240x64xf32, #tpu.memory_space<hbm>> -> memref<10240x64xf32, #tpu.memory_space<hbm>>
        %dma_start3A_546 = arith.constant 0 : i32
        %dma_start3A_547 = arith.constant 0 : i32
        %dma_start3A_548 = tpu.memref_slice %dma_start3A_545[%dma_start3A_546, %dma_start3A_547] : memref<10240x64xf32, #tpu.memory_space<hbm>> -> memref<10240x64xf32, #tpu.memory_space<hbm>>
        tpu.enqueue_indirect_dma source(%dma_start3A_548 : memref<10240x64xf32, #tpu.memory_space<hbm>>) target(%arg11 : memref<128x64xf32, #tpu.memory_space<vmem>>) offsets(%dma_start3A_541 : memref<128xi32, #tpu.memory_space<vmem>>) semaphore(%arg20 : memref<!tpu.dma_semaphore, #tpu.memory_space<semaphore_mem>>)
      } else {
      }
      %dma_wait3A_255 = arith.constant 0 : i32
      %dma_wait3A_256 = arith.constant 0 : i32
      %dma_wait3A_257 = tpu.memref_slice %arg2[%arg0, %dma_wait3A_255, %dma_wait3A_256] : memref<2x10240x64xf32, #tpu.memory_space<hbm>> -> memref<1x10240x64xf32, #tpu.memory_space<hbm>>
      %dma_wait3A_258 = tpu.memref_squeeze %dma_wait3A_257 : memref<1x10240x64xf32, #tpu.memory_space<hbm>> -> memref<10240x64xf32, #tpu.memory_space<hbm>>
      %dma_wait3A_259 = arith.constant 0 : i32
      %dma_wait3A_260 = arith.constant 0 : i32
      %dma_wait3A_261 = tpu.memref_slice %dma_wait3A_258[%dma_wait3A_259, %dma_wait3A_260] : memref<10240x64xf32, #tpu.memory_space<hbm>> -> memref<128x64xf32, #tpu.memory_space<hbm>>
      %dma_wait3A_262 = arith.constant 0 : i32
      %dma_wait3A_263 = arith.constant 0 : i32
      %dma_wait3A_264 = tpu.memref_slice %arg2[%arg0, %dma_wait3A_262, %dma_wait3A_263] : memref<2x10240x64xf32, #tpu.memory_space<hbm>> -> memref<1x10240x64xf32, #tpu.memory_space<hbm>>
      %dma_wait3A_265 = tpu.memref_squeeze %dma_wait3A_264 : memref<1x10240x64xf32, #tpu.memory_space<hbm>> -> memref<10240x64xf32, #tpu.memory_space<hbm>>
      %dma_wait3A_266 = arith.constant 0 : i32
      %dma_wait3A_267 = arith.constant 0 : i32
      %dma_wait3A_268 = tpu.memref_slice %dma_wait3A_265[%dma_wait3A_266, %dma_wait3A_267] : memref<10240x64xf32, #tpu.memory_space<hbm>> -> memref<128x64xf32, #tpu.memory_space<hbm>>
      tpu.wait_dma2 semaphore(%arg16 : memref<!tpu.dma_semaphore, #tpu.memory_space<semaphore_mem>>) src(%dma_wait3A_268 : memref<128x64xf32, #tpu.memory_space<hbm>>) dst(%arg7 : memref<128x64xf32, #tpu.memory_space<vmem>>)
      %dma_start3A_269 = arith.constant 0 : i32
      %dma_start3A_270 = tpu.memref_slice %arg6[%rem3A_231, %dma_start3A_269] : memref<3x1024xi32, #tpu.memory_space<vmem>> -> memref<1x128xi32, #tpu.memory_space<vmem>>
      %dma_start3A_271 = tpu.memref_squeeze %dma_start3A_270 : memref<1x128xi32, #tpu.memory_space<vmem>> -> memref<128xi32, #tpu.memory_space<vmem>>
      %dma_start3A_272 = arith.constant 0 : i32
      %dma_start3A_273 = arith.constant 0 : i32
      %dma_start3A_274 = tpu.memref_slice %arg15[%dma_start3A_272, %dma_start3A_273] : memref<10240x64xf32, #tpu.memory_space<vmem_shared>> -> memref<10240x64xf32, #tpu.memory_space<vmem_shared>>
      tpu.enqueue_indirect_dma source(%arg7 : memref<128x64xf32, #tpu.memory_space<vmem>>) target(%dma_start3A_274 : memref<10240x64xf32, #tpu.memory_space<vmem_shared>>) offsets(%dma_start3A_271 : memref<128xi32, #tpu.memory_space<vmem>>) semaphore(%arg24 : memref<!tpu.dma_semaphore, #tpu.memory_space<semaphore_mem>>) {add = true}
      %mul3A_275 = arith.constant 8 : i32
      %mul3A_276 = arith.muli %scan3A_228, %mul3A_275 : i32
      %add3A_277 = arith.constant 1 : i32
      %add3A_278 = arith.addi %mul3A_276, %add3A_277 : i32
      %gt3A_279 = arith.constant 0 : i32
      %gt3A_280 = arith.cmpi sgt, %scan3A_228, %gt3A_279 : i32
      %convert_element_type3A_281 = arith.extui %gt3A_280 : i1 to i32
      %cond3A_282 = arith.constant 0 : i32
      %cond3A_283 = arith.cmpi ne, %convert_element_type3A_281, %cond3A_282 : i32
      scf.if %cond3A_283 {
        %dma_wait3A_539 = arith.constant 0 : i32
        %dma_wait3A_540 = arith.constant 0 : i32
        %dma_wait3A_541 = tpu.memref_slice %arg15[%dma_wait3A_539, %dma_wait3A_540] : memref<10240x64xf32, #tpu.memory_space<vmem_shared>> -> memref<128x64xf32, #tpu.memory_space<vmem_shared>>
        %dma_wait3A_542 = arith.constant 0 : i32
        %dma_wait3A_543 = arith.constant 0 : i32
        %dma_wait3A_544 = tpu.memref_slice %arg15[%dma_wait3A_542, %dma_wait3A_543] : memref<10240x64xf32, #tpu.memory_space<vmem_shared>> -> memref<128x64xf32, #tpu.memory_space<vmem_shared>>
        tpu.wait_dma2 semaphore(%arg29 : memref<!tpu.dma_semaphore, #tpu.memory_space<semaphore_mem>>) src(%arg12 : memref<128x64xf32, #tpu.memory_space<vmem>>) dst(%dma_wait3A_544 : memref<128x64xf32, #tpu.memory_space<vmem_shared>>)
      } else {
      }
      %add3A_284 = arith.constant 4 : i32
      %add3A_285 = arith.addi %add3A_278, %add3A_284 : i32
      %lt3A_286 = arith.constant 160 : i32
      %lt3A_287 = arith.cmpi slt, %add3A_285, %lt3A_286 : i32
      %convert_element_type3A_288 = arith.extui %lt3A_287 : i1 to i32
      %cond3A_289 = arith.constant 0 : i32
      %cond3A_290 = arith.cmpi ne, %convert_element_type3A_288, %cond3A_289 : i32
      scf.if %cond3A_290 {
        %dma_start3A_539 = arith.constant 640 : i32
        %dma_start3A_540 = tpu.memref_slice %arg5[%rem3A_231, %dma_start3A_539] : memref<3x1024xi32, #tpu.memory_space<vmem>> -> memref<1x128xi32, #tpu.memory_space<vmem>>
        %dma_start3A_541 = tpu.memref_squeeze %dma_start3A_540 : memref<1x128xi32, #tpu.memory_space<vmem>> -> memref<128xi32, #tpu.memory_space<vmem>>
        %dma_start3A_542 = arith.constant 0 : i32
        %dma_start3A_543 = arith.constant 0 : i32
        %dma_start3A_544 = tpu.memref_slice %arg2[%arg0, %dma_start3A_542, %dma_start3A_543] : memref<2x10240x64xf32, #tpu.memory_space<hbm>> -> memref<1x10240x64xf32, #tpu.memory_space<hbm>>
        %dma_start3A_545 = tpu.memref_squeeze %dma_start3A_544 : memref<1x10240x64xf32, #tpu.memory_space<hbm>> -> memref<10240x64xf32, #tpu.memory_space<hbm>>
        %dma_start3A_546 = arith.constant 0 : i32
        %dma_start3A_547 = arith.constant 0 : i32
        %dma_start3A_548 = tpu.memref_slice %dma_start3A_545[%dma_start3A_546, %dma_start3A_547] : memref<10240x64xf32, #tpu.memory_space<hbm>> -> memref<10240x64xf32, #tpu.memory_space<hbm>>
        tpu.enqueue_indirect_dma source(%dma_start3A_548 : memref<10240x64xf32, #tpu.memory_space<hbm>>) target(%arg12 : memref<128x64xf32, #tpu.memory_space<vmem>>) offsets(%dma_start3A_541 : memref<128xi32, #tpu.memory_space<vmem>>) semaphore(%arg21 : memref<!tpu.dma_semaphore, #tpu.memory_space<semaphore_mem>>)
      } else {
      }
      %dma_wait3A_291 = arith.constant 0 : i32
      %dma_wait3A_292 = arith.constant 0 : i32
      %dma_wait3A_293 = tpu.memref_slice %arg2[%arg0, %dma_wait3A_291, %dma_wait3A_292] : memref<2x10240x64xf32, #tpu.memory_space<hbm>> -> memref<1x10240x64xf32, #tpu.memory_space<hbm>>
      %dma_wait3A_294 = tpu.memref_squeeze %dma_wait3A_293 : memref<1x10240x64xf32, #tpu.memory_space<hbm>> -> memref<10240x64xf32, #tpu.memory_space<hbm>>
      %dma_wait3A_295 = arith.constant 0 : i32
      %dma_wait3A_296 = arith.constant 0 : i32
      %dma_wait3A_297 = tpu.memref_slice %dma_wait3A_294[%dma_wait3A_295, %dma_wait3A_296] : memref<10240x64xf32, #tpu.memory_space<hbm>> -> memref<128x64xf32, #tpu.memory_space<hbm>>
      %dma_wait3A_298 = arith.constant 0 : i32
      %dma_wait3A_299 = arith.constant 0 : i32
      %dma_wait3A_300 = tpu.memref_slice %arg2[%arg0, %dma_wait3A_298, %dma_wait3A_299] : memref<2x10240x64xf32, #tpu.memory_space<hbm>> -> memref<1x10240x64xf32, #tpu.memory_space<hbm>>
      %dma_wait3A_301 = tpu.memref_squeeze %dma_wait3A_300 : memref<1x10240x64xf32, #tpu.memory_space<hbm>> -> memref<10240x64xf32, #tpu.memory_space<hbm>>
      %dma_wait3A_302 = arith.constant 0 : i32
      %dma_wait3A_303 = arith.constant 0 : i32
      %dma_wait3A_304 = tpu.memref_slice %dma_wait3A_301[%dma_wait3A_302, %dma_wait3A_303] : memref<10240x64xf32, #tpu.memory_space<hbm>> -> memref<128x64xf32, #tpu.memory_space<hbm>>
      tpu.wait_dma2 semaphore(%arg17 : memref<!tpu.dma_semaphore, #tpu.memory_space<semaphore_mem>>) src(%dma_wait3A_304 : memref<128x64xf32, #tpu.memory_space<hbm>>) dst(%arg8 : memref<128x64xf32, #tpu.memory_space<vmem>>)
      %dma_start3A_305 = arith.constant 128 : i32
      %dma_start3A_306 = tpu.memref_slice %arg6[%rem3A_231, %dma_start3A_305] : memref<3x1024xi32, #tpu.memory_space<vmem>> -> memref<1x128xi32, #tpu.memory_space<vmem>>
      %dma_start3A_307 = tpu.memref_squeeze %dma_start3A_306 : memref<1x128xi32, #tpu.memory_space<vmem>> -> memref<128xi32, #tpu.memory_space<vmem>>
      %dma_start3A_308 = arith.constant 0 : i32
      %dma_start3A_309 = arith.constant 0 : i32
      %dma_start3A_310 = tpu.memref_slice %arg15[%dma_start3A_308, %dma_start3A_309] : memref<10240x64xf32, #tpu.memory_space<vmem_shared>> -> memref<10240x64xf32, #tpu.memory_space<vmem_shared>>
      tpu.enqueue_indirect_dma source(%arg8 : memref<128x64xf32, #tpu.memory_space<vmem>>) target(%dma_start3A_310 : memref<10240x64xf32, #tpu.memory_space<vmem_shared>>) offsets(%dma_start3A_307 : memref<128xi32, #tpu.memory_space<vmem>>) semaphore(%arg25 : memref<!tpu.dma_semaphore, #tpu.memory_space<semaphore_mem>>) {add = true}
      %mul3A_311 = arith.constant 8 : i32
      %mul3A_312 = arith.muli %scan3A_228, %mul3A_311 : i32
      %add3A_313 = arith.constant 2 : i32
      %add3A_314 = arith.addi %mul3A_312, %add3A_313 : i32
      %gt3A_315 = arith.constant 0 : i32
      %gt3A_316 = arith.cmpi sgt, %scan3A_228, %gt3A_315 : i32
      %convert_element_type3A_317 = arith.extui %gt3A_316 : i1 to i32
      %cond3A_318 = arith.constant 0 : i32
      %cond3A_319 = arith.cmpi ne, %convert_element_type3A_317, %cond3A_318 : i32
      scf.if %cond3A_319 {
        %dma_wait3A_539 = arith.constant 0 : i32
        %dma_wait3A_540 = arith.constant 0 : i32
        %dma_wait3A_541 = tpu.memref_slice %arg15[%dma_wait3A_539, %dma_wait3A_540] : memref<10240x64xf32, #tpu.memory_space<vmem_shared>> -> memref<128x64xf32, #tpu.memory_space<vmem_shared>>
        %dma_wait3A_542 = arith.constant 0 : i32
        %dma_wait3A_543 = arith.constant 0 : i32
        %dma_wait3A_544 = tpu.memref_slice %arg15[%dma_wait3A_542, %dma_wait3A_543] : memref<10240x64xf32, #tpu.memory_space<vmem_shared>> -> memref<128x64xf32, #tpu.memory_space<vmem_shared>>
        tpu.wait_dma2 semaphore(%arg30 : memref<!tpu.dma_semaphore, #tpu.memory_space<semaphore_mem>>) src(%arg13 : memref<128x64xf32, #tpu.memory_space<vmem>>) dst(%dma_wait3A_544 : memref<128x64xf32, #tpu.memory_space<vmem_shared>>)
      } else {
      }
      %add3A_320 = arith.constant 4 : i32
      %add3A_321 = arith.addi %add3A_314, %add3A_320 : i32
      %lt3A_322 = arith.constant 160 : i32
      %lt3A_323 = arith.cmpi slt, %add3A_321, %lt3A_322 : i32
      %convert_element_type3A_324 = arith.extui %lt3A_323 : i1 to i32
      %cond3A_325 = arith.constant 0 : i32
      %cond3A_326 = arith.cmpi ne, %convert_element_type3A_324, %cond3A_325 : i32
      scf.if %cond3A_326 {
        %dma_start3A_539 = arith.constant 768 : i32
        %dma_start3A_540 = tpu.memref_slice %arg5[%rem3A_231, %dma_start3A_539] : memref<3x1024xi32, #tpu.memory_space<vmem>> -> memref<1x128xi32, #tpu.memory_space<vmem>>
        %dma_start3A_541 = tpu.memref_squeeze %dma_start3A_540 : memref<1x128xi32, #tpu.memory_space<vmem>> -> memref<128xi32, #tpu.memory_space<vmem>>
        %dma_start3A_542 = arith.constant 0 : i32
        %dma_start3A_543 = arith.constant 0 : i32
        %dma_start3A_544 = tpu.memref_slice %arg2[%arg0, %dma_start3A_542, %dma_start3A_543] : memref<2x10240x64xf32, #tpu.memory_space<hbm>> -> memref<1x10240x64xf32, #tpu.memory_space<hbm>>
        %dma_start3A_545 = tpu.memref_squeeze %dma_start3A_544 : memref<1x10240x64xf32, #tpu.memory_space<hbm>> -> memref<10240x64xf32, #tpu.memory_space<hbm>>
        %dma_start3A_546 = arith.constant 0 : i32
        %dma_start3A_547 = arith.constant 0 : i32
        %dma_start3A_548 = tpu.memref_slice %dma_start3A_545[%dma_start3A_546, %dma_start3A_547] : memref<10240x64xf32, #tpu.memory_space<hbm>> -> memref<10240x64xf32, #tpu.memory_space<hbm>>
        tpu.enqueue_indirect_dma source(%dma_start3A_548 : memref<10240x64xf32, #tpu.memory_space<hbm>>) target(%arg13 : memref<128x64xf32, #tpu.memory_space<vmem>>) offsets(%dma_start3A_541 : memref<128xi32, #tpu.memory_space<vmem>>) semaphore(%arg22 : memref<!tpu.dma_semaphore, #tpu.memory_space<semaphore_mem>>)
      } else {
      }
      %dma_wait3A_327 = arith.constant 0 : i32
      %dma_wait3A_328 = arith.constant 0 : i32
      %dma_wait3A_329 = tpu.memref_slice %arg2[%arg0, %dma_wait3A_327, %dma_wait3A_328] : memref<2x10240x64xf32, #tpu.memory_space<hbm>> -> memref<1x10240x64xf32, #tpu.memory_space<hbm>>
      %dma_wait3A_330 = tpu.memref_squeeze %dma_wait3A_329 : memref<1x10240x64xf32, #tpu.memory_space<hbm>> -> memref<10240x64xf32, #tpu.memory_space<hbm>>
      %dma_wait3A_331 = arith.constant 0 : i32
      %dma_wait3A_332 = arith.constant 0 : i32
      %dma_wait3A_333 = tpu.memref_slice %dma_wait3A_330[%dma_wait3A_331, %dma_wait3A_332] : memref<10240x64xf32, #tpu.memory_space<hbm>> -> memref<128x64xf32, #tpu.memory_space<hbm>>
      %dma_wait3A_334 = arith.constant 0 : i32
      %dma_wait3A_335 = arith.constant 0 : i32
      %dma_wait3A_336 = tpu.memref_slice %arg2[%arg0, %dma_wait3A_334, %dma_wait3A_335] : memref<2x10240x64xf32, #tpu.memory_space<hbm>> -> memref<1x10240x64xf32, #tpu.memory_space<hbm>>
      %dma_wait3A_337 = tpu.memref_squeeze %dma_wait3A_336 : memref<1x10240x64xf32, #tpu.memory_space<hbm>> -> memref<10240x64xf32, #tpu.memory_space<hbm>>
      %dma_wait3A_338 = arith.constant 0 : i32
      %dma_wait3A_339 = arith.constant 0 : i32
      %dma_wait3A_340 = tpu.memref_slice %dma_wait3A_337[%dma_wait3A_338, %dma_wait3A_339] : memref<10240x64xf32, #tpu.memory_space<hbm>> -> memref<128x64xf32, #tpu.memory_space<hbm>>
      tpu.wait_dma2 semaphore(%arg18 : memref<!tpu.dma_semaphore, #tpu.memory_space<semaphore_mem>>) src(%dma_wait3A_340 : memref<128x64xf32, #tpu.memory_space<hbm>>) dst(%arg9 : memref<128x64xf32, #tpu.memory_space<vmem>>)
      %dma_start3A_341 = arith.constant 256 : i32
      %dma_start3A_342 = tpu.memref_slice %arg6[%rem3A_231, %dma_start3A_341] : memref<3x1024xi32, #tpu.memory_space<vmem>> -> memref<1x128xi32, #tpu.memory_space<vmem>>
      %dma_start3A_343 = tpu.memref_squeeze %dma_start3A_342 : memref<1x128xi32, #tpu.memory_space<vmem>> -> memref<128xi32, #tpu.memory_space<vmem>>
      %dma_start3A_344 = arith.constant 0 : i32
      %dma_start3A_345 = arith.constant 0 : i32
      %dma_start3A_346 = tpu.memref_slice %arg15[%dma_start3A_344, %dma_start3A_345] : memref<10240x64xf32, #tpu.memory_space<vmem_shared>> -> memref<10240x64xf32, #tpu.memory_space<vmem_shared>>
      tpu.enqueue_indirect_dma source(%arg9 : memref<128x64xf32, #tpu.memory_space<vmem>>) target(%dma_start3A_346 : memref<10240x64xf32, #tpu.memory_space<vmem_shared>>) offsets(%dma_start3A_343 : memref<128xi32, #tpu.memory_space<vmem>>) semaphore(%arg26 : memref<!tpu.dma_semaphore, #tpu.memory_space<semaphore_mem>>) {add = true}
      %mul3A_347 = arith.constant 8 : i32
      %mul3A_348 = arith.muli %scan3A_228, %mul3A_347 : i32
      %add3A_349 = arith.constant 3 : i32
      %add3A_350 = arith.addi %mul3A_348, %add3A_349 : i32
      %gt3A_351 = arith.constant 0 : i32
      %gt3A_352 = arith.cmpi sgt, %scan3A_228, %gt3A_351 : i32
      %convert_element_type3A_353 = arith.extui %gt3A_352 : i1 to i32
      %cond3A_354 = arith.constant 0 : i32
      %cond3A_355 = arith.cmpi ne, %convert_element_type3A_353, %cond3A_354 : i32
      scf.if %cond3A_355 {
        %dma_wait3A_539 = arith.constant 0 : i32
        %dma_wait3A_540 = arith.constant 0 : i32
        %dma_wait3A_541 = tpu.memref_slice %arg15[%dma_wait3A_539, %dma_wait3A_540] : memref<10240x64xf32, #tpu.memory_space<vmem_shared>> -> memref<128x64xf32, #tpu.memory_space<vmem_shared>>
        %dma_wait3A_542 = arith.constant 0 : i32
        %dma_wait3A_543 = arith.constant 0 : i32
        %dma_wait3A_544 = tpu.memref_slice %arg15[%dma_wait3A_542, %dma_wait3A_543] : memref<10240x64xf32, #tpu.memory_space<vmem_shared>> -> memref<128x64xf32, #tpu.memory_space<vmem_shared>>
        tpu.wait_dma2 semaphore(%arg31 : memref<!tpu.dma_semaphore, #tpu.memory_space<semaphore_mem>>) src(%arg14 : memref<128x64xf32, #tpu.memory_space<vmem>>) dst(%dma_wait3A_544 : memref<128x64xf32, #tpu.memory_space<vmem_shared>>)
      } else {
      }
      %add3A_356 = arith.constant 4 : i32
      %add3A_357 = arith.addi %add3A_350, %add3A_356 : i32
      %lt3A_358 = arith.constant 160 : i32
      %lt3A_359 = arith.cmpi slt, %add3A_357, %lt3A_358 : i32
      %convert_element_type3A_360 = arith.extui %lt3A_359 : i1 to i32
      %cond3A_361 = arith.constant 0 : i32
      %cond3A_362 = arith.cmpi ne, %convert_element_type3A_360, %cond3A_361 : i32
      scf.if %cond3A_362 {
        %dma_start3A_539 = arith.constant 896 : i32
        %dma_start3A_540 = tpu.memref_slice %arg5[%rem3A_231, %dma_start3A_539] : memref<3x1024xi32, #tpu.memory_space<vmem>> -> memref<1x128xi32, #tpu.memory_space<vmem>>
        %dma_start3A_541 = tpu.memref_squeeze %dma_start3A_540 : memref<1x128xi32, #tpu.memory_space<vmem>> -> memref<128xi32, #tpu.memory_space<vmem>>
        %dma_start3A_542 = arith.constant 0 : i32
        %dma_start3A_543 = arith.constant 0 : i32
        %dma_start3A_544 = tpu.memref_slice %arg2[%arg0, %dma_start3A_542, %dma_start3A_543] : memref<2x10240x64xf32, #tpu.memory_space<hbm>> -> memref<1x10240x64xf32, #tpu.memory_space<hbm>>
        %dma_start3A_545 = tpu.memref_squeeze %dma_start3A_544 : memref<1x10240x64xf32, #tpu.memory_space<hbm>> -> memref<10240x64xf32, #tpu.memory_space<hbm>>
        %dma_start3A_546 = arith.constant 0 : i32
        %dma_start3A_547 = arith.constant 0 : i32
        %dma_start3A_548 = tpu.memref_slice %dma_start3A_545[%dma_start3A_546, %dma_start3A_547] : memref<10240x64xf32, #tpu.memory_space<hbm>> -> memref<10240x64xf32, #tpu.memory_space<hbm>>
        tpu.enqueue_indirect_dma source(%dma_start3A_548 : memref<10240x64xf32, #tpu.memory_space<hbm>>) target(%arg14 : memref<128x64xf32, #tpu.memory_space<vmem>>) offsets(%dma_start3A_541 : memref<128xi32, #tpu.memory_space<vmem>>) semaphore(%arg23 : memref<!tpu.dma_semaphore, #tpu.memory_space<semaphore_mem>>)
      } else {
      }
      %dma_wait3A_363 = arith.constant 0 : i32
      %dma_wait3A_364 = arith.constant 0 : i32
      %dma_wait3A_365 = tpu.memref_slice %arg2[%arg0, %dma_wait3A_363, %dma_wait3A_364] : memref<2x10240x64xf32, #tpu.memory_space<hbm>> -> memref<1x10240x64xf32, #tpu.memory_space<hbm>>
      %dma_wait3A_366 = tpu.memref_squeeze %dma_wait3A_365 : memref<1x10240x64xf32, #tpu.memory_space<hbm>> -> memref<10240x64xf32, #tpu.memory_space<hbm>>
      %dma_wait3A_367 = arith.constant 0 : i32
      %dma_wait3A_368 = arith.constant 0 : i32
      %dma_wait3A_369 = tpu.memref_slice %dma_wait3A_366[%dma_wait3A_367, %dma_wait3A_368] : memref<10240x64xf32, #tpu.memory_space<hbm>> -> memref<128x64xf32, #tpu.memory_space<hbm>>
      %dma_wait3A_370 = arith.constant 0 : i32
      %dma_wait3A_371 = arith.constant 0 : i32
      %dma_wait3A_372 = tpu.memref_slice %arg2[%arg0, %dma_wait3A_370, %dma_wait3A_371] : memref<2x10240x64xf32, #tpu.memory_space<hbm>> -> memref<1x10240x64xf32, #tpu.memory_space<hbm>>
      %dma_wait3A_373 = tpu.memref_squeeze %dma_wait3A_372 : memref<1x10240x64xf32, #tpu.memory_space<hbm>> -> memref<10240x64xf32, #tpu.memory_space<hbm>>
      %dma_wait3A_374 = arith.constant 0 : i32
      %dma_wait3A_375 = arith.constant 0 : i32
      %dma_wait3A_376 = tpu.memref_slice %dma_wait3A_373[%dma_wait3A_374, %dma_wait3A_375] : memref<10240x64xf32, #tpu.memory_space<hbm>> -> memref<128x64xf32, #tpu.memory_space<hbm>>
      tpu.wait_dma2 semaphore(%arg19 : memref<!tpu.dma_semaphore, #tpu.memory_space<semaphore_mem>>) src(%dma_wait3A_376 : memref<128x64xf32, #tpu.memory_space<hbm>>) dst(%arg10 : memref<128x64xf32, #tpu.memory_space<vmem>>)
      %dma_start3A_377 = arith.constant 384 : i32
      %dma_start3A_378 = tpu.memref_slice %arg6[%rem3A_231, %dma_start3A_377] : memref<3x1024xi32, #tpu.memory_space<vmem>> -> memref<1x128xi32, #tpu.memory_space<vmem>>
      %dma_start3A_379 = tpu.memref_squeeze %dma_start3A_378 : memref<1x128xi32, #tpu.memory_space<vmem>> -> memref<128xi32, #tpu.memory_space<vmem>>
      %dma_start3A_380 = arith.constant 0 : i32
      %dma_start3A_381 = arith.constant 0 : i32
      %dma_start3A_382 = tpu.memref_slice %arg15[%dma_start3A_380, %dma_start3A_381] : memref<10240x64xf32, #tpu.memory_space<vmem_shared>> -> memref<10240x64xf32, #tpu.memory_space<vmem_shared>>
      tpu.enqueue_indirect_dma source(%arg10 : memref<128x64xf32, #tpu.memory_space<vmem>>) target(%dma_start3A_382 : memref<10240x64xf32, #tpu.memory_space<vmem_shared>>) offsets(%dma_start3A_379 : memref<128xi32, #tpu.memory_space<vmem>>) semaphore(%arg27 : memref<!tpu.dma_semaphore, #tpu.memory_space<semaphore_mem>>) {add = true}
      %add3A_383 = arith.constant 2 : i32
      %add3A_384 = arith.addi %scan3A_228, %add3A_383 : i32
      %lt3A_385 = arith.constant 20 : i32
      %lt3A_386 = arith.cmpi slt, %add3A_384, %lt3A_385 : i32
      %convert_element_type3A_387 = arith.extui %lt3A_386 : i1 to i32
      %cond3A_388 = arith.constant 0 : i32
      %cond3A_389 = arith.cmpi ne, %convert_element_type3A_387, %cond3A_388 : i32
      scf.if %cond3A_389 {
        %add3A_539 = arith.constant 2 : i32
        %add3A_540 = arith.addi %scan3A_228, %add3A_539 : i32
        %rem3A_541 = arith.constant 3 : i32
        %rem3A_542 = arith.remsi %add3A_540, %rem3A_541 : i32
        %mul3A_543 = arith.constant 1024 : i32
        %mul3A_544 = arith.muli %add3A_540, %mul3A_543 : i32
        %dma_start3A_545 = arith.constant 0 : i32
        %dma_start3A_546 = tpu.memref_slice %arg5[%rem3A_542, %dma_start3A_545] : memref<3x1024xi32, #tpu.memory_space<vmem>> -> memref<1x1024xi32, #tpu.memory_space<vmem>>
        %dma_start3A_547 = tpu.memref_squeeze %dma_start3A_546 : memref<1x1024xi32, #tpu.memory_space<vmem>> -> memref<1024xi32, #tpu.memory_space<vmem>>
        %dma_start3A_548 = arith.constant 0 : i32
        %dma_start3A_549 = tpu.memref_slice %arg3[%scan3A_174, %arg1, %dma_start3A_548] : memref<2x16x20480xi32, #tpu.memory_space<hbm>> -> memref<1x1x20480xi32, #tpu.memory_space<hbm>>
        %dma_start3A_550 = tpu.memref_squeeze %dma_start3A_549 : memref<1x1x20480xi32, #tpu.memory_space<hbm>> -> memref<20480xi32, #tpu.memory_space<hbm>>
        %dma_start3A_551 = tpu.memref_slice %dma_start3A_550[%mul3A_544] : memref<20480xi32, #tpu.memory_space<hbm>> -> memref<1024xi32, #tpu.memory_space<hbm>>
        %dma_start3A_552 = arith.constant 0 : i32
        %dma_start3A_553 = tpu.memref_slice %arg5[%rem3A_542, %dma_start3A_552] : memref<3x1024xi32, #tpu.memory_space<vmem>> -> memref<1x1024xi32, #tpu.memory_space<vmem>>
        %dma_start3A_554 = tpu.memref_squeeze %dma_start3A_553 : memref<1x1024xi32, #tpu.memory_space<vmem>> -> memref<1024xi32, #tpu.memory_space<vmem>>
        %dma_start3A_555 = arith.constant 0 : i32
        %dma_start3A_556 = tpu.memref_slice %arg3[%scan3A_174, %arg1, %dma_start3A_555] : memref<2x16x20480xi32, #tpu.memory_space<hbm>> -> memref<1x1x20480xi32, #tpu.memory_space<hbm>>
        %dma_start3A_557 = tpu.memref_squeeze %dma_start3A_556 : memref<1x1x20480xi32, #tpu.memory_space<hbm>> -> memref<20480xi32, #tpu.memory_space<hbm>>
        %dma_start3A_558 = tpu.memref_slice %dma_start3A_557[%mul3A_544] : memref<20480xi32, #tpu.memory_space<hbm>> -> memref<1024xi32, #tpu.memory_space<hbm>>
        tpu.enqueue_dma source(%dma_start3A_558 : memref<1024xi32, #tpu.memory_space<hbm>>) target(%dma_start3A_554 : memref<1024xi32, #tpu.memory_space<vmem>>) target_semaphore(%arg32 : memref<!tpu.dma_semaphore, #tpu.memory_space<semaphore_mem>>)
        %mul3A_559 = arith.constant 1024 : i32
        %mul3A_560 = arith.muli %add3A_540, %mul3A_559 : i32
        %dma_start3A_561 = arith.constant 0 : i32
        %dma_start3A_562 = tpu.memref_slice %arg6[%rem3A_542, %dma_start3A_561] : memref<3x1024xi32, #tpu.memory_space<vmem>> -> memref<1x1024xi32, #tpu.memory_space<vmem>>
        %dma_start3A_563 = tpu.memref_squeeze %dma_start3A_562 : memref<1x1024xi32, #tpu.memory_space<vmem>> -> memref<1024xi32, #tpu.memory_space<vmem>>
        %dma_start3A_564 = arith.constant 0 : i32
        %dma_start3A_565 = tpu.memref_slice %arg3[%scan3A_175, %arg1, %dma_start3A_564] : memref<2x16x20480xi32, #tpu.memory_space<hbm>> -> memref<1x1x20480xi32, #tpu.memory_space<hbm>>
        %dma_start3A_566 = tpu.memref_squeeze %dma_start3A_565 : memref<1x1x20480xi32, #tpu.memory_space<hbm>> -> memref<20480xi32, #tpu.memory_space<hbm>>
        %dma_start3A_567 = tpu.memref_slice %dma_start3A_566[%mul3A_560] : memref<20480xi32, #tpu.memory_space<hbm>> -> memref<1024xi32, #tpu.memory_space<hbm>>
        %dma_start3A_568 = arith.constant 0 : i32
        %dma_start3A_569 = tpu.memref_slice %arg6[%rem3A_542, %dma_start3A_568] : memref<3x1024xi32, #tpu.memory_space<vmem>> -> memref<1x1024xi32, #tpu.memory_space<vmem>>
        %dma_start3A_570 = tpu.memref_squeeze %dma_start3A_569 : memref<1x1024xi32, #tpu.memory_space<vmem>> -> memref<1024xi32, #tpu.memory_space<vmem>>
        %dma_start3A_571 = arith.constant 0 : i32
        %dma_start3A_572 = tpu.memref_slice %arg3[%scan3A_175, %arg1, %dma_start3A_571] : memref<2x16x20480xi32, #tpu.memory_space<hbm>> -> memref<1x1x20480xi32, #tpu.memory_space<hbm>>
        %dma_start3A_573 = tpu.memref_squeeze %dma_start3A_572 : memref<1x1x20480xi32, #tpu.memory_space<hbm>> -> memref<20480xi32, #tpu.memory_space<hbm>>
        %dma_start3A_574 = tpu.memref_slice %dma_start3A_573[%mul3A_560] : memref<20480xi32, #tpu.memory_space<hbm>> -> memref<1024xi32, #tpu.memory_space<hbm>>
        tpu.enqueue_dma source(%dma_start3A_574 : memref<1024xi32, #tpu.memory_space<hbm>>) target(%dma_start3A_570 : memref<1024xi32, #tpu.memory_space<vmem>>) target_semaphore(%arg32 : memref<!tpu.dma_semaphore, #tpu.memory_space<semaphore_mem>>)
      } else {
      }
      %mul3A_390 = arith.constant 8 : i32
      %mul3A_391 = arith.muli %scan3A_228, %mul3A_390 : i32
      %add3A_392 = arith.constant 4 : i32
      %add3A_393 = arith.addi %mul3A_391, %add3A_392 : i32
      %dma_wait3A_394 = arith.constant 0 : i32
      %dma_wait3A_395 = arith.constant 0 : i32
      %dma_wait3A_396 = tpu.memref_slice %arg15[%dma_wait3A_394, %dma_wait3A_395] : memref<10240x64xf32, #tpu.memory_space<vmem_shared>> -> memref<128x64xf32, #tpu.memory_space<vmem_shared>>
      %dma_wait3A_397 = arith.constant 0 : i32
      %dma_wait3A_398 = arith.constant 0 : i32
      %dma_wait3A_399 = tpu.memref_slice %arg15[%dma_wait3A_397, %dma_wait3A_398] : memref<10240x64xf32, #tpu.memory_space<vmem_shared>> -> memref<128x64xf32, #tpu.memory_space<vmem_shared>>
      tpu.wait_dma2 semaphore(%arg24 : memref<!tpu.dma_semaphore, #tpu.memory_space<semaphore_mem>>) src(%arg7 : memref<128x64xf32, #tpu.memory_space<vmem>>) dst(%dma_wait3A_399 : memref<128x64xf32, #tpu.memory_space<vmem_shared>>)
      %add3A_400 = arith.constant 4 : i32
      %add3A_401 = arith.addi %add3A_393, %add3A_400 : i32
      %lt3A_402 = arith.constant 160 : i32
      %lt3A_403 = arith.cmpi slt, %add3A_401, %lt3A_402 : i32
      %convert_element_type3A_404 = arith.extui %lt3A_403 : i1 to i32
      %cond3A_405 = arith.constant 0 : i32
      %cond3A_406 = arith.cmpi ne, %convert_element_type3A_404, %cond3A_405 : i32
      scf.if %cond3A_406 {
        %dma_start3A_539 = arith.constant 0 : i32
        %dma_start3A_540 = tpu.memref_slice %arg5[%rem3A_235, %dma_start3A_539] : memref<3x1024xi32, #tpu.memory_space<vmem>> -> memref<1x128xi32, #tpu.memory_space<vmem>>
        %dma_start3A_541 = tpu.memref_squeeze %dma_start3A_540 : memref<1x128xi32, #tpu.memory_space<vmem>> -> memref<128xi32, #tpu.memory_space<vmem>>
        %dma_start3A_542 = arith.constant 0 : i32
        %dma_start3A_543 = arith.constant 0 : i32
        %dma_start3A_544 = tpu.memref_slice %arg2[%arg0, %dma_start3A_542, %dma_start3A_543] : memref<2x10240x64xf32, #tpu.memory_space<hbm>> -> memref<1x10240x64xf32, #tpu.memory_space<hbm>>
        %dma_start3A_545 = tpu.memref_squeeze %dma_start3A_544 : memref<1x10240x64xf32, #tpu.memory_space<hbm>> -> memref<10240x64xf32, #tpu.memory_space<hbm>>
        %dma_start3A_546 = arith.constant 0 : i32
        %dma_start3A_547 = arith.constant 0 : i32
        %dma_start3A_548 = tpu.memref_slice %dma_start3A_545[%dma_start3A_546, %dma_start3A_547] : memref<10240x64xf32, #tpu.memory_space<hbm>> -> memref<10240x64xf32, #tpu.memory_space<hbm>>
        tpu.enqueue_indirect_dma source(%dma_start3A_548 : memref<10240x64xf32, #tpu.memory_space<hbm>>) target(%arg7 : memref<128x64xf32, #tpu.memory_space<vmem>>) offsets(%dma_start3A_541 : memref<128xi32, #tpu.memory_space<vmem>>) semaphore(%arg16 : memref<!tpu.dma_semaphore, #tpu.memory_space<semaphore_mem>>)
      } else {
      }
      %dma_wait3A_407 = arith.constant 0 : i32
      %dma_wait3A_408 = arith.constant 0 : i32
      %dma_wait3A_409 = tpu.memref_slice %arg2[%arg0, %dma_wait3A_407, %dma_wait3A_408] : memref<2x10240x64xf32, #tpu.memory_space<hbm>> -> memref<1x10240x64xf32, #tpu.memory_space<hbm>>
      %dma_wait3A_410 = tpu.memref_squeeze %dma_wait3A_409 : memref<1x10240x64xf32, #tpu.memory_space<hbm>> -> memref<10240x64xf32, #tpu.memory_space<hbm>>
      %dma_wait3A_411 = arith.constant 0 : i32
      %dma_wait3A_412 = arith.constant 0 : i32
      %dma_wait3A_413 = tpu.memref_slice %dma_wait3A_410[%dma_wait3A_411, %dma_wait3A_412] : memref<10240x64xf32, #tpu.memory_space<hbm>> -> memref<128x64xf32, #tpu.memory_space<hbm>>
      %dma_wait3A_414 = arith.constant 0 : i32
      %dma_wait3A_415 = arith.constant 0 : i32
      %dma_wait3A_416 = tpu.memref_slice %arg2[%arg0, %dma_wait3A_414, %dma_wait3A_415] : memref<2x10240x64xf32, #tpu.memory_space<hbm>> -> memref<1x10240x64xf32, #tpu.memory_space<hbm>>
      %dma_wait3A_417 = tpu.memref_squeeze %dma_wait3A_416 : memref<1x10240x64xf32, #tpu.memory_space<hbm>> -> memref<10240x64xf32, #tpu.memory_space<hbm>>
      %dma_wait3A_418 = arith.constant 0 : i32
      %dma_wait3A_419 = arith.constant 0 : i32
      %dma_wait3A_420 = tpu.memref_slice %dma_wait3A_417[%dma_wait3A_418, %dma_wait3A_419] : memref<10240x64xf32, #tpu.memory_space<hbm>> -> memref<128x64xf32, #tpu.memory_space<hbm>>
      tpu.wait_dma2 semaphore(%arg20 : memref<!tpu.dma_semaphore, #tpu.memory_space<semaphore_mem>>) src(%dma_wait3A_420 : memref<128x64xf32, #tpu.memory_space<hbm>>) dst(%arg11 : memref<128x64xf32, #tpu.memory_space<vmem>>)
      %dma_start3A_421 = arith.constant 512 : i32
      %dma_start3A_422 = tpu.memref_slice %arg6[%rem3A_231, %dma_start3A_421] : memref<3x1024xi32, #tpu.memory_space<vmem>> -> memref<1x128xi32, #tpu.memory_space<vmem>>
      %dma_start3A_423 = tpu.memref_squeeze %dma_start3A_422 : memref<1x128xi32, #tpu.memory_space<vmem>> -> memref<128xi32, #tpu.memory_space<vmem>>
      %dma_start3A_424 = arith.constant 0 : i32
      %dma_start3A_425 = arith.constant 0 : i32
      %dma_start3A_426 = tpu.memref_slice %arg15[%dma_start3A_424, %dma_start3A_425] : memref<10240x64xf32, #tpu.memory_space<vmem_shared>> -> memref<10240x64xf32, #tpu.memory_space<vmem_shared>>
      tpu.enqueue_indirect_dma source(%arg11 : memref<128x64xf32, #tpu.memory_space<vmem>>) target(%dma_start3A_426 : memref<10240x64xf32, #tpu.memory_space<vmem_shared>>) offsets(%dma_start3A_423 : memref<128xi32, #tpu.memory_space<vmem>>) semaphore(%arg28 : memref<!tpu.dma_semaphore, #tpu.memory_space<semaphore_mem>>) {add = true}
      %mul3A_427 = arith.constant 8 : i32
      %mul3A_428 = arith.muli %scan3A_228, %mul3A_427 : i32
      %add3A_429 = arith.constant 5 : i32
      %add3A_430 = arith.addi %mul3A_428, %add3A_429 : i32
      %dma_wait3A_431 = arith.constant 0 : i32
      %dma_wait3A_432 = arith.constant 0 : i32
      %dma_wait3A_433 = tpu.memref_slice %arg15[%dma_wait3A_431, %dma_wait3A_432] : memref<10240x64xf32, #tpu.memory_space<vmem_shared>> -> memref<128x64xf32, #tpu.memory_space<vmem_shared>>
      %dma_wait3A_434 = arith.constant 0 : i32
      %dma_wait3A_435 = arith.constant 0 : i32
      %dma_wait3A_436 = tpu.memref_slice %arg15[%dma_wait3A_434, %dma_wait3A_435] : memref<10240x64xf32, #tpu.memory_space<vmem_shared>> -> memref<128x64xf32, #tpu.memory_space<vmem_shared>>
      tpu.wait_dma2 semaphore(%arg25 : memref<!tpu.dma_semaphore, #tpu.memory_space<semaphore_mem>>) src(%arg8 : memref<128x64xf32, #tpu.memory_space<vmem>>) dst(%dma_wait3A_436 : memref<128x64xf32, #tpu.memory_space<vmem_shared>>)
      %add3A_437 = arith.constant 4 : i32
      %add3A_438 = arith.addi %add3A_430, %add3A_437 : i32
      %lt3A_439 = arith.constant 160 : i32
      %lt3A_440 = arith.cmpi slt, %add3A_438, %lt3A_439 : i32
      %convert_element_type3A_441 = arith.extui %lt3A_440 : i1 to i32
      %cond3A_442 = arith.constant 0 : i32
      %cond3A_443 = arith.cmpi ne, %convert_element_type3A_441, %cond3A_442 : i32
      scf.if %cond3A_443 {
        %dma_start3A_539 = arith.constant 128 : i32
        %dma_start3A_540 = tpu.memref_slice %arg5[%rem3A_235, %dma_start3A_539] : memref<3x1024xi32, #tpu.memory_space<vmem>> -> memref<1x128xi32, #tpu.memory_space<vmem>>
        %dma_start3A_541 = tpu.memref_squeeze %dma_start3A_540 : memref<1x128xi32, #tpu.memory_space<vmem>> -> memref<128xi32, #tpu.memory_space<vmem>>
        %dma_start3A_542 = arith.constant 0 : i32
        %dma_start3A_543 = arith.constant 0 : i32
        %dma_start3A_544 = tpu.memref_slice %arg2[%arg0, %dma_start3A_542, %dma_start3A_543] : memref<2x10240x64xf32, #tpu.memory_space<hbm>> -> memref<1x10240x64xf32, #tpu.memory_space<hbm>>
        %dma_start3A_545 = tpu.memref_squeeze %dma_start3A_544 : memref<1x10240x64xf32, #tpu.memory_space<hbm>> -> memref<10240x64xf32, #tpu.memory_space<hbm>>
        %dma_start3A_546 = arith.constant 0 : i32
        %dma_start3A_547 = arith.constant 0 : i32
        %dma_start3A_548 = tpu.memref_slice %dma_start3A_545[%dma_start3A_546, %dma_start3A_547] : memref<10240x64xf32, #tpu.memory_space<hbm>> -> memref<10240x64xf32, #tpu.memory_space<hbm>>
        tpu.enqueue_indirect_dma source(%dma_start3A_548 : memref<10240x64xf32, #tpu.memory_space<hbm>>) target(%arg8 : memref<128x64xf32, #tpu.memory_space<vmem>>) offsets(%dma_start3A_541 : memref<128xi32, #tpu.memory_space<vmem>>) semaphore(%arg17 : memref<!tpu.dma_semaphore, #tpu.memory_space<semaphore_mem>>)
      } else {
      }
      %dma_wait3A_444 = arith.constant 0 : i32
      %dma_wait3A_445 = arith.constant 0 : i32
      %dma_wait3A_446 = tpu.memref_slice %arg2[%arg0, %dma_wait3A_444, %dma_wait3A_445] : memref<2x10240x64xf32, #tpu.memory_space<hbm>> -> memref<1x10240x64xf32, #tpu.memory_space<hbm>>
      %dma_wait3A_447 = tpu.memref_squeeze %dma_wait3A_446 : memref<1x10240x64xf32, #tpu.memory_space<hbm>> -> memref<10240x64xf32, #tpu.memory_space<hbm>>
      %dma_wait3A_448 = arith.constant 0 : i32
      %dma_wait3A_449 = arith.constant 0 : i32
      %dma_wait3A_450 = tpu.memref_slice %dma_wait3A_447[%dma_wait3A_448, %dma_wait3A_449] : memref<10240x64xf32, #tpu.memory_space<hbm>> -> memref<128x64xf32, #tpu.memory_space<hbm>>
      %dma_wait3A_451 = arith.constant 0 : i32
      %dma_wait3A_452 = arith.constant 0 : i32
      %dma_wait3A_453 = tpu.memref_slice %arg2[%arg0, %dma_wait3A_451, %dma_wait3A_452] : memref<2x10240x64xf32, #tpu.memory_space<hbm>> -> memref<1x10240x64xf32, #tpu.memory_space<hbm>>
      %dma_wait3A_454 = tpu.memref_squeeze %dma_wait3A_453 : memref<1x10240x64xf32, #tpu.memory_space<hbm>> -> memref<10240x64xf32, #tpu.memory_space<hbm>>
      %dma_wait3A_455 = arith.constant 0 : i32
      %dma_wait3A_456 = arith.constant 0 : i32
      %dma_wait3A_457 = tpu.memref_slice %dma_wait3A_454[%dma_wait3A_455, %dma_wait3A_456] : memref<10240x64xf32, #tpu.memory_space<hbm>> -> memref<128x64xf32, #tpu.memory_space<hbm>>
      tpu.wait_dma2 semaphore(%arg21 : memref<!tpu.dma_semaphore, #tpu.memory_space<semaphore_mem>>) src(%dma_wait3A_457 : memref<128x64xf32, #tpu.memory_space<hbm>>) dst(%arg12 : memref<128x64xf32, #tpu.memory_space<vmem>>)
      %dma_start3A_458 = arith.constant 640 : i32
      %dma_start3A_459 = tpu.memref_slice %arg6[%rem3A_231, %dma_start3A_458] : memref<3x1024xi32, #tpu.memory_space<vmem>> -> memref<1x128xi32, #tpu.memory_space<vmem>>
      %dma_start3A_460 = tpu.memref_squeeze %dma_start3A_459 : memref<1x128xi32, #tpu.memory_space<vmem>> -> memref<128xi32, #tpu.memory_space<vmem>>
      %dma_start3A_461 = arith.constant 0 : i32
      %dma_start3A_462 = arith.constant 0 : i32
      %dma_start3A_463 = tpu.memref_slice %arg15[%dma_start3A_461, %dma_start3A_462] : memref<10240x64xf32, #tpu.memory_space<vmem_shared>> -> memref<10240x64xf32, #tpu.memory_space<vmem_shared>>
      tpu.enqueue_indirect_dma source(%arg12 : memref<128x64xf32, #tpu.memory_space<vmem>>) target(%dma_start3A_463 : memref<10240x64xf32, #tpu.memory_space<vmem_shared>>) offsets(%dma_start3A_460 : memref<128xi32, #tpu.memory_space<vmem>>) semaphore(%arg29 : memref<!tpu.dma_semaphore, #tpu.memory_space<semaphore_mem>>) {add = true}
      %mul3A_464 = arith.constant 8 : i32
      %mul3A_465 = arith.muli %scan3A_228, %mul3A_464 : i32
      %add3A_466 = arith.constant 6 : i32
      %add3A_467 = arith.addi %mul3A_465, %add3A_466 : i32
      %dma_wait3A_468 = arith.constant 0 : i32
      %dma_wait3A_469 = arith.constant 0 : i32
      %dma_wait3A_470 = tpu.memref_slice %arg15[%dma_wait3A_468, %dma_wait3A_469] : memref<10240x64xf32, #tpu.memory_space<vmem_shared>> -> memref<128x64xf32, #tpu.memory_space<vmem_shared>>
      %dma_wait3A_471 = arith.constant 0 : i32
      %dma_wait3A_472 = arith.constant 0 : i32
      %dma_wait3A_473 = tpu.memref_slice %arg15[%dma_wait3A_471, %dma_wait3A_472] : memref<10240x64xf32, #tpu.memory_space<vmem_shared>> -> memref<128x64xf32, #tpu.memory_space<vmem_shared>>
      tpu.wait_dma2 semaphore(%arg26 : memref<!tpu.dma_semaphore, #tpu.memory_space<semaphore_mem>>) src(%arg9 : memref<128x64xf32, #tpu.memory_space<vmem>>) dst(%dma_wait3A_473 : memref<128x64xf32, #tpu.memory_space<vmem_shared>>)
      %add3A_474 = arith.constant 4 : i32
      %add3A_475 = arith.addi %add3A_467, %add3A_474 : i32
      %lt3A_476 = arith.constant 160 : i32
      %lt3A_477 = arith.cmpi slt, %add3A_475, %lt3A_476 : i32
      %convert_element_type3A_478 = arith.extui %lt3A_477 : i1 to i32
      %cond3A_479 = arith.constant 0 : i32
      %cond3A_480 = arith.cmpi ne, %convert_element_type3A_478, %cond3A_479 : i32
      scf.if %cond3A_480 {
        %dma_start3A_539 = arith.constant 256 : i32
        %dma_start3A_540 = tpu.memref_slice %arg5[%rem3A_235, %dma_start3A_539] : memref<3x1024xi32, #tpu.memory_space<vmem>> -> memref<1x128xi32, #tpu.memory_space<vmem>>
        %dma_start3A_541 = tpu.memref_squeeze %dma_start3A_540 : memref<1x128xi32, #tpu.memory_space<vmem>> -> memref<128xi32, #tpu.memory_space<vmem>>
        %dma_start3A_542 = arith.constant 0 : i32
        %dma_start3A_543 = arith.constant 0 : i32
        %dma_start3A_544 = tpu.memref_slice %arg2[%arg0, %dma_start3A_542, %dma_start3A_543] : memref<2x10240x64xf32, #tpu.memory_space<hbm>> -> memref<1x10240x64xf32, #tpu.memory_space<hbm>>
        %dma_start3A_545 = tpu.memref_squeeze %dma_start3A_544 : memref<1x10240x64xf32, #tpu.memory_space<hbm>> -> memref<10240x64xf32, #tpu.memory_space<hbm>>
        %dma_start3A_546 = arith.constant 0 : i32
        %dma_start3A_547 = arith.constant 0 : i32
        %dma_start3A_548 = tpu.memref_slice %dma_start3A_545[%dma_start3A_546, %dma_start3A_547] : memref<10240x64xf32, #tpu.memory_space<hbm>> -> memref<10240x64xf32, #tpu.memory_space<hbm>>
        tpu.enqueue_indirect_dma source(%dma_start3A_548 : memref<10240x64xf32, #tpu.memory_space<hbm>>) target(%arg9 : memref<128x64xf32, #tpu.memory_space<vmem>>) offsets(%dma_start3A_541 : memref<128xi32, #tpu.memory_space<vmem>>) semaphore(%arg18 : memref<!tpu.dma_semaphore, #tpu.memory_space<semaphore_mem>>)
      } else {
      }
      %dma_wait3A_481 = arith.constant 0 : i32
      %dma_wait3A_482 = arith.constant 0 : i32
      %dma_wait3A_483 = tpu.memref_slice %arg2[%arg0, %dma_wait3A_481, %dma_wait3A_482] : memref<2x10240x64xf32, #tpu.memory_space<hbm>> -> memref<1x10240x64xf32, #tpu.memory_space<hbm>>
      %dma_wait3A_484 = tpu.memref_squeeze %dma_wait3A_483 : memref<1x10240x64xf32, #tpu.memory_space<hbm>> -> memref<10240x64xf32, #tpu.memory_space<hbm>>
      %dma_wait3A_485 = arith.constant 0 : i32
      %dma_wait3A_486 = arith.constant 0 : i32
      %dma_wait3A_487 = tpu.memref_slice %dma_wait3A_484[%dma_wait3A_485, %dma_wait3A_486] : memref<10240x64xf32, #tpu.memory_space<hbm>> -> memref<128x64xf32, #tpu.memory_space<hbm>>
      %dma_wait3A_488 = arith.constant 0 : i32
      %dma_wait3A_489 = arith.constant 0 : i32
      %dma_wait3A_490 = tpu.memref_slice %arg2[%arg0, %dma_wait3A_488, %dma_wait3A_489] : memref<2x10240x64xf32, #tpu.memory_space<hbm>> -> memref<1x10240x64xf32, #tpu.memory_space<hbm>>
      %dma_wait3A_491 = tpu.memref_squeeze %dma_wait3A_490 : memref<1x10240x64xf32, #tpu.memory_space<hbm>> -> memref<10240x64xf32, #tpu.memory_space<hbm>>
      %dma_wait3A_492 = arith.constant 0 : i32
      %dma_wait3A_493 = arith.constant 0 : i32
      %dma_wait3A_494 = tpu.memref_slice %dma_wait3A_491[%dma_wait3A_492, %dma_wait3A_493] : memref<10240x64xf32, #tpu.memory_space<hbm>> -> memref<128x64xf32, #tpu.memory_space<hbm>>
      tpu.wait_dma2 semaphore(%arg22 : memref<!tpu.dma_semaphore, #tpu.memory_space<semaphore_mem>>) src(%dma_wait3A_494 : memref<128x64xf32, #tpu.memory_space<hbm>>) dst(%arg13 : memref<128x64xf32, #tpu.memory_space<vmem>>)
      %dma_start3A_495 = arith.constant 768 : i32
      %dma_start3A_496 = tpu.memref_slice %arg6[%rem3A_231, %dma_start3A_495] : memref<3x1024xi32, #tpu.memory_space<vmem>> -> memref<1x128xi32, #tpu.memory_space<vmem>>
      %dma_start3A_497 = tpu.memref_squeeze %dma_start3A_496 : memref<1x128xi32, #tpu.memory_space<vmem>> -> memref<128xi32, #tpu.memory_space<vmem>>
      %dma_start3A_498 = arith.constant 0 : i32
      %dma_start3A_499 = arith.constant 0 : i32
      %dma_start3A_500 = tpu.memref_slice %arg15[%dma_start3A_498, %dma_start3A_499] : memref<10240x64xf32, #tpu.memory_space<vmem_shared>> -> memref<10240x64xf32, #tpu.memory_space<vmem_shared>>
      tpu.enqueue_indirect_dma source(%arg13 : memref<128x64xf32, #tpu.memory_space<vmem>>) target(%dma_start3A_500 : memref<10240x64xf32, #tpu.memory_space<vmem_shared>>) offsets(%dma_start3A_497 : memref<128xi32, #tpu.memory_space<vmem>>) semaphore(%arg30 : memref<!tpu.dma_semaphore, #tpu.memory_space<semaphore_mem>>) {add = true}
      %mul3A_501 = arith.constant 8 : i32
      %mul3A_502 = arith.muli %scan3A_228, %mul3A_501 : i32
      %add3A_503 = arith.constant 7 : i32
      %add3A_504 = arith.addi %mul3A_502, %add3A_503 : i32
      %dma_wait3A_505 = arith.constant 0 : i32
      %dma_wait3A_506 = arith.constant 0 : i32
      %dma_wait3A_507 = tpu.memref_slice %arg15[%dma_wait3A_505, %dma_wait3A_506] : memref<10240x64xf32, #tpu.memory_space<vmem_shared>> -> memref<128x64xf32, #tpu.memory_space<vmem_shared>>
      %dma_wait3A_508 = arith.constant 0 : i32
      %dma_wait3A_509 = arith.constant 0 : i32
      %dma_wait3A_510 = tpu.memref_slice %arg15[%dma_wait3A_508, %dma_wait3A_509] : memref<10240x64xf32, #tpu.memory_space<vmem_shared>> -> memref<128x64xf32, #tpu.memory_space<vmem_shared>>
      tpu.wait_dma2 semaphore(%arg27 : memref<!tpu.dma_semaphore, #tpu.memory_space<semaphore_mem>>) src(%arg10 : memref<128x64xf32, #tpu.memory_space<vmem>>) dst(%dma_wait3A_510 : memref<128x64xf32, #tpu.memory_space<vmem_shared>>)
      %add3A_511 = arith.constant 4 : i32
      %add3A_512 = arith.addi %add3A_504, %add3A_511 : i32
      %lt3A_513 = arith.constant 160 : i32
      %lt3A_514 = arith.cmpi slt, %add3A_512, %lt3A_513 : i32
      %convert_element_type3A_515 = arith.extui %lt3A_514 : i1 to i32
      %cond3A_516 = arith.constant 0 : i32
      %cond3A_517 = arith.cmpi ne, %convert_element_type3A_515, %cond3A_516 : i32
      scf.if %cond3A_517 {
        %dma_start3A_539 = arith.constant 384 : i32
        %dma_start3A_540 = tpu.memref_slice %arg5[%rem3A_235, %dma_start3A_539] : memref<3x1024xi32, #tpu.memory_space<vmem>> -> memref<1x128xi32, #tpu.memory_space<vmem>>
        %dma_start3A_541 = tpu.memref_squeeze %dma_start3A_540 : memref<1x128xi32, #tpu.memory_space<vmem>> -> memref<128xi32, #tpu.memory_space<vmem>>
        %dma_start3A_542 = arith.constant 0 : i32
        %dma_start3A_543 = arith.constant 0 : i32
        %dma_start3A_544 = tpu.memref_slice %arg2[%arg0, %dma_start3A_542, %dma_start3A_543] : memref<2x10240x64xf32, #tpu.memory_space<hbm>> -> memref<1x10240x64xf32, #tpu.memory_space<hbm>>
        %dma_start3A_545 = tpu.memref_squeeze %dma_start3A_544 : memref<1x10240x64xf32, #tpu.memory_space<hbm>> -> memref<10240x64xf32, #tpu.memory_space<hbm>>
        %dma_start3A_546 = arith.constant 0 : i32
        %dma_start3A_547 = arith.constant 0 : i32
        %dma_start3A_548 = tpu.memref_slice %dma_start3A_545[%dma_start3A_546, %dma_start3A_547] : memref<10240x64xf32, #tpu.memory_space<hbm>> -> memref<10240x64xf32, #tpu.memory_space<hbm>>
        tpu.enqueue_indirect_dma source(%dma_start3A_548 : memref<10240x64xf32, #tpu.memory_space<hbm>>) target(%arg10 : memref<128x64xf32, #tpu.memory_space<vmem>>) offsets(%dma_start3A_541 : memref<128xi32, #tpu.memory_space<vmem>>) semaphore(%arg19 : memref<!tpu.dma_semaphore, #tpu.memory_space<semaphore_mem>>)
      } else {
      }
      %dma_wait3A_518 = arith.constant 0 : i32
      %dma_wait3A_519 = arith.constant 0 : i32
      %dma_wait3A_520 = tpu.memref_slice %arg2[%arg0, %dma_wait3A_518, %dma_wait3A_519] : memref<2x10240x64xf32, #tpu.memory_space<hbm>> -> memref<1x10240x64xf32, #tpu.memory_space<hbm>>
      %dma_wait3A_521 = tpu.memref_squeeze %dma_wait3A_520 : memref<1x10240x64xf32, #tpu.memory_space<hbm>> -> memref<10240x64xf32, #tpu.memory_space<hbm>>
      %dma_wait3A_522 = arith.constant 0 : i32
      %dma_wait3A_523 = arith.constant 0 : i32
      %dma_wait3A_524 = tpu.memref_slice %dma_wait3A_521[%dma_wait3A_522, %dma_wait3A_523] : memref<10240x64xf32, #tpu.memory_space<hbm>> -> memref<128x64xf32, #tpu.memory_space<hbm>>
      %dma_wait3A_525 = arith.constant 0 : i32
      %dma_wait3A_526 = arith.constant 0 : i32
      %dma_wait3A_527 = tpu.memref_slice %arg2[%arg0, %dma_wait3A_525, %dma_wait3A_526] : memref<2x10240x64xf32, #tpu.memory_space<hbm>> -> memref<1x10240x64xf32, #tpu.memory_space<hbm>>
      %dma_wait3A_528 = tpu.memref_squeeze %dma_wait3A_527 : memref<1x10240x64xf32, #tpu.memory_space<hbm>> -> memref<10240x64xf32, #tpu.memory_space<hbm>>
      %dma_wait3A_529 = arith.constant 0 : i32
      %dma_wait3A_530 = arith.constant 0 : i32
      %dma_wait3A_531 = tpu.memref_slice %dma_wait3A_528[%dma_wait3A_529, %dma_wait3A_530] : memref<10240x64xf32, #tpu.memory_space<hbm>> -> memref<128x64xf32, #tpu.memory_space<hbm>>
      tpu.wait_dma2 semaphore(%arg23 : memref<!tpu.dma_semaphore, #tpu.memory_space<semaphore_mem>>) src(%dma_wait3A_531 : memref<128x64xf32, #tpu.memory_space<hbm>>) dst(%arg14 : memref<128x64xf32, #tpu.memory_space<vmem>>)
      %dma_start3A_532 = arith.constant 896 : i32
      %dma_start3A_533 = tpu.memref_slice %arg6[%rem3A_231, %dma_start3A_532] : memref<3x1024xi32, #tpu.memory_space<vmem>> -> memref<1x128xi32, #tpu.memory_space<vmem>>
      %dma_start3A_534 = tpu.memref_squeeze %dma_start3A_533 : memref<1x128xi32, #tpu.memory_space<vmem>> -> memref<128xi32, #tpu.memory_space<vmem>>
      %dma_start3A_535 = arith.constant 0 : i32
      %dma_start3A_536 = arith.constant 0 : i32
      %dma_start3A_537 = tpu.memref_slice %arg15[%dma_start3A_535, %dma_start3A_536] : memref<10240x64xf32, #tpu.memory_space<vmem_shared>> -> memref<10240x64xf32, #tpu.memory_space<vmem_shared>>
      tpu.enqueue_indirect_dma source(%arg14 : memref<128x64xf32, #tpu.memory_space<vmem>>) target(%dma_start3A_537 : memref<10240x64xf32, #tpu.memory_space<vmem_shared>>) offsets(%dma_start3A_534 : memref<128xi32, #tpu.memory_space<vmem>>) semaphore(%arg31 : memref<!tpu.dma_semaphore, #tpu.memory_space<semaphore_mem>>) {add = true}
      %scan3A_538 = arith.constant 0 : i32
      scf.yield %scan3A_538 : i32
    }
    %scan3A_182 = arith.constant 20 : i32
    %dma_wait3A_183 = arith.constant 0 : i32
    %dma_wait3A_184 = arith.constant 0 : i32
    %dma_wait3A_185 = tpu.memref_slice %arg15[%dma_wait3A_183, %dma_wait3A_184] : memref<10240x64xf32, #tpu.memory_space<vmem_shared>> -> memref<128x64xf32, #tpu.memory_space<vmem_shared>>
    %dma_wait3A_186 = arith.constant 0 : i32
    %dma_wait3A_187 = arith.constant 0 : i32
    %dma_wait3A_188 = tpu.memref_slice %arg15[%dma_wait3A_186, %dma_wait3A_187] : memref<10240x64xf32, #tpu.memory_space<vmem_shared>> -> memref<128x64xf32, #tpu.memory_space<vmem_shared>>
    tpu.wait_dma2 semaphore(%arg28 : memref<!tpu.dma_semaphore, #tpu.memory_space<semaphore_mem>>) src(%arg11 : memref<128x64xf32, #tpu.memory_space<vmem>>) dst(%dma_wait3A_188 : memref<128x64xf32, #tpu.memory_space<vmem_shared>>)
    %dma_wait3A_189 = arith.constant 0 : i32
    %dma_wait3A_190 = arith.constant 0 : i32
    %dma_wait3A_191 = tpu.memref_slice %arg15[%dma_wait3A_189, %dma_wait3A_190] : memref<10240x64xf32, #tpu.memory_space<vmem_shared>> -> memref<128x64xf32, #tpu.memory_space<vmem_shared>>
    %dma_wait3A_192 = arith.constant 0 : i32
    %dma_wait3A_193 = arith.constant 0 : i32
    %dma_wait3A_194 = tpu.memref_slice %arg15[%dma_wait3A_192, %dma_wait3A_193] : memref<10240x64xf32, #tpu.memory_space<vmem_shared>> -> memref<128x64xf32, #tpu.memory_space<vmem_shared>>
    tpu.wait_dma2 semaphore(%arg29 : memref<!tpu.dma_semaphore, #tpu.memory_space<semaphore_mem>>) src(%arg12 : memref<128x64xf32, #tpu.memory_space<vmem>>) dst(%dma_wait3A_194 : memref<128x64xf32, #tpu.memory_space<vmem_shared>>)
    %dma_wait3A_195 = arith.constant 0 : i32
    %dma_wait3A_196 = arith.constant 0 : i32
    %dma_wait3A_197 = tpu.memref_slice %arg15[%dma_wait3A_195, %dma_wait3A_196] : memref<10240x64xf32, #tpu.memory_space<vmem_shared>> -> memref<128x64xf32, #tpu.memory_space<vmem_shared>>
    %dma_wait3A_198 = arith.constant 0 : i32
    %dma_wait3A_199 = arith.constant 0 : i32
    %dma_wait3A_200 = tpu.memref_slice %arg15[%dma_wait3A_198, %dma_wait3A_199] : memref<10240x64xf32, #tpu.memory_space<vmem_shared>> -> memref<128x64xf32, #tpu.memory_space<vmem_shared>>
    tpu.wait_dma2 semaphore(%arg30 : memref<!tpu.dma_semaphore, #tpu.memory_space<semaphore_mem>>) src(%arg13 : memref<128x64xf32, #tpu.memory_space<vmem>>) dst(%dma_wait3A_200 : memref<128x64xf32, #tpu.memory_space<vmem_shared>>)
    %dma_wait3A_201 = arith.constant 0 : i32
    %dma_wait3A_202 = arith.constant 0 : i32
    %dma_wait3A_203 = tpu.memref_slice %arg15[%dma_wait3A_201, %dma_wait3A_202] : memref<10240x64xf32, #tpu.memory_space<vmem_shared>> -> memref<128x64xf32, #tpu.memory_space<vmem_shared>>
    %dma_wait3A_204 = arith.constant 0 : i32
    %dma_wait3A_205 = arith.constant 0 : i32
    %dma_wait3A_206 = tpu.memref_slice %arg15[%dma_wait3A_204, %dma_wait3A_205] : memref<10240x64xf32, #tpu.memory_space<vmem_shared>> -> memref<128x64xf32, #tpu.memory_space<vmem_shared>>
    tpu.wait_dma2 semaphore(%arg31 : memref<!tpu.dma_semaphore, #tpu.memory_space<semaphore_mem>>) src(%arg14 : memref<128x64xf32, #tpu.memory_space<vmem>>) dst(%dma_wait3A_206 : memref<128x64xf32, #tpu.memory_space<vmem_shared>>)
    %barrier3A_207 = arith.constant 0 : index
    tpu.barrier barrier_id(%barrier3A_207)
    %mul3A_208 = arith.constant 640 : i32
    %mul3A_209 = arith.muli %arg1, %mul3A_208 : i32
    %add3A_210 = arith.constant 0 : i32
    %add3A_211 = arith.addi %mul3A_209, %add3A_210 : i32
    "tpu.region"() ({
      %run_scoped3A = tpu.sem_alloc : memref<!tpu.dma_semaphore, #tpu.memory_space<semaphore_mem>>
      %dma_start3A_228 = arith.constant 0 : i32
      %dma_start3A_229 = tpu.memref_slice %arg15[%add3A_211, %dma_start3A_228] : memref<10240x64xf32, #tpu.memory_space<vmem_shared>> -> memref<128x64xf32, #tpu.memory_space<vmem_shared>>
      %dma_start3A_230 = arith.constant 0 : i32
      %dma_start3A_231 = tpu.memref_slice %arg15[%add3A_211, %dma_start3A_230] : memref<10240x64xf32, #tpu.memory_space<vmem_shared>> -> memref<128x64xf32, #tpu.memory_space<vmem_shared>>
      tpu.enqueue_dma source(%dma_start3A_231 : memref<128x64xf32, #tpu.memory_space<vmem_shared>>) target(%arg7 : memref<128x64xf32, #tpu.memory_space<vmem>>) target_semaphore(%run_scoped3A : memref<!tpu.dma_semaphore, #tpu.memory_space<semaphore_mem>>)
      %dma_wait3A_232 = arith.constant 0 : i32
      %dma_wait3A_233 = tpu.memref_slice %arg15[%add3A_211, %dma_wait3A_232] : memref<10240x64xf32, #tpu.memory_space<vmem_shared>> -> memref<128x64xf32, #tpu.memory_space<vmem_shared>>
      %dma_wait3A_234 = arith.constant 0 : i32
      %dma_wait3A_235 = tpu.memref_slice %arg15[%add3A_211, %dma_wait3A_234] : memref<10240x64xf32, #tpu.memory_space<vmem_shared>> -> memref<128x64xf32, #tpu.memory_space<vmem_shared>>
      tpu.wait_dma2 semaphore(%run_scoped3A : memref<!tpu.dma_semaphore, #tpu.memory_space<semaphore_mem>>) src(%dma_wait3A_235 : memref<128x64xf32, #tpu.memory_space<vmem_shared>>) dst(%arg7 : memref<128x64xf32, #tpu.memory_space<vmem>>)
      tpu.yield
    }) : () -> ()
    "tpu.region"() ({
      %run_scoped3A = tpu.sem_alloc : memref<!tpu.dma_semaphore, #tpu.memory_space<semaphore_mem>>
      %dma_start3A_228 = arith.constant 0 : i32
      %dma_start3A_229 = tpu.memref_slice %arg4[%arg0, %add3A_211, %dma_start3A_228] : memref<2x10240x64xf32, #tpu.memory_space<hbm>> -> memref<1x128x64xf32, #tpu.memory_space<hbm>>
      %dma_start3A_230 = tpu.memref_squeeze %dma_start3A_229 : memref<1x128x64xf32, #tpu.memory_space<hbm>> -> memref<128x64xf32, #tpu.memory_space<hbm>>
      %dma_start3A_231 = arith.constant 0 : i32
      %dma_start3A_232 = tpu.memref_slice %arg4[%arg0, %add3A_211, %dma_start3A_231] : memref<2x10240x64xf32, #tpu.memory_space<hbm>> -> memref<1x128x64xf32, #tpu.memory_space<hbm>>
      %dma_start3A_233 = tpu.memref_squeeze %dma_start3A_232 : memref<1x128x64xf32, #tpu.memory_space<hbm>> -> memref<128x64xf32, #tpu.memory_space<hbm>>
      tpu.enqueue_dma source(%arg7 : memref<128x64xf32, #tpu.memory_space<vmem>>) target(%dma_start3A_233 : memref<128x64xf32, #tpu.memory_space<hbm>>) target_semaphore(%run_scoped3A : memref<!tpu.dma_semaphore, #tpu.memory_space<semaphore_mem>>)
      %dma_wait3A_234 = arith.constant 0 : i32
      %dma_wait3A_235 = tpu.memref_slice %arg4[%arg0, %add3A_211, %dma_wait3A_234] : memref<2x10240x64xf32, #tpu.memory_space<hbm>> -> memref<1x128x64xf32, #tpu.memory_space<hbm>>
      %dma_wait3A_236 = tpu.memref_squeeze %dma_wait3A_235 : memref<1x128x64xf32, #tpu.memory_space<hbm>> -> memref<128x64xf32, #tpu.memory_space<hbm>>
      %dma_wait3A_237 = arith.constant 0 : i32
      %dma_wait3A_238 = tpu.memref_slice %arg4[%arg0, %add3A_211, %dma_wait3A_237] : memref<2x10240x64xf32, #tpu.memory_space<hbm>> -> memref<1x128x64xf32, #tpu.memory_space<hbm>>
      %dma_wait3A_239 = tpu.memref_squeeze %dma_wait3A_238 : memref<1x128x64xf32, #tpu.memory_space<hbm>> -> memref<128x64xf32, #tpu.memory_space<hbm>>
      tpu.wait_dma2 semaphore(%run_scoped3A : memref<!tpu.dma_semaphore, #tpu.memory_space<semaphore_mem>>) src(%arg7 : memref<128x64xf32, #tpu.memory_space<vmem>>) dst(%dma_wait3A_239 : memref<128x64xf32, #tpu.memory_space<hbm>>)
      tpu.yield
    }) : () -> ()
    %mul3A_212 = arith.constant 640 : i32
    %mul3A_213 = arith.muli %arg1, %mul3A_212 : i32
    %add3A_214 = arith.constant 128 : i32
    %add3A_215 = arith.addi %mul3A_213, %add3A_214 : i32
    "tpu.region"() ({
      %run_scoped3A = tpu.sem_alloc : memref<!tpu.dma_semaphore, #tpu.memory_space<semaphore_mem>>
      %dma_start3A_228 = arith.constant 0 : i32
      %dma_start3A_229 = tpu.memref_slice %arg15[%add3A_215, %dma_start3A_228] : memref<10240x64xf32, #tpu.memory_space<vmem_shared>> -> memref<128x64xf32, #tpu.memory_space<vmem_shared>>
      %dma_start3A_230 = arith.constant 0 : i32
      %dma_start3A_231 = tpu.memref_slice %arg15[%add3A_215, %dma_start3A_230] : memref<10240x64xf32, #tpu.memory_space<vmem_shared>> -> memref<128x64xf32, #tpu.memory_space<vmem_shared>>
      tpu.enqueue_dma source(%dma_start3A_231 : memref<128x64xf32, #tpu.memory_space<vmem_shared>>) target(%arg7 : memref<128x64xf32, #tpu.memory_space<vmem>>) target_semaphore(%run_scoped3A : memref<!tpu.dma_semaphore, #tpu.memory_space<semaphore_mem>>)
      %dma_wait3A_232 = arith.constant 0 : i32
      %dma_wait3A_233 = tpu.memref_slice %arg15[%add3A_215, %dma_wait3A_232] : memref<10240x64xf32, #tpu.memory_space<vmem_shared>> -> memref<128x64xf32, #tpu.memory_space<vmem_shared>>
      %dma_wait3A_234 = arith.constant 0 : i32
      %dma_wait3A_235 = tpu.memref_slice %arg15[%add3A_215, %dma_wait3A_234] : memref<10240x64xf32, #tpu.memory_space<vmem_shared>> -> memref<128x64xf32, #tpu.memory_space<vmem_shared>>
      tpu.wait_dma2 semaphore(%run_scoped3A : memref<!tpu.dma_semaphore, #tpu.memory_space<semaphore_mem>>) src(%dma_wait3A_235 : memref<128x64xf32, #tpu.memory_space<vmem_shared>>) dst(%arg7 : memref<128x64xf32, #tpu.memory_space<vmem>>)
      tpu.yield
    }) : () -> ()
    "tpu.region"() ({
      %run_scoped3A = tpu.sem_alloc : memref<!tpu.dma_semaphore, #tpu.memory_space<semaphore_mem>>
      %dma_start3A_228 = arith.constant 0 : i32
      %dma_start3A_229 = tpu.memref_slice %arg4[%arg0, %add3A_215, %dma_start3A_228] : memref<2x10240x64xf32, #tpu.memory_space<hbm>> -> memref<1x128x64xf32, #tpu.memory_space<hbm>>
      %dma_start3A_230 = tpu.memref_squeeze %dma_start3A_229 : memref<1x128x64xf32, #tpu.memory_space<hbm>> -> memref<128x64xf32, #tpu.memory_space<hbm>>
      %dma_start3A_231 = arith.constant 0 : i32
      %dma_start3A_232 = tpu.memref_slice %arg4[%arg0, %add3A_215, %dma_start3A_231] : memref<2x10240x64xf32, #tpu.memory_space<hbm>> -> memref<1x128x64xf32, #tpu.memory_space<hbm>>
      %dma_start3A_233 = tpu.memref_squeeze %dma_start3A_232 : memref<1x128x64xf32, #tpu.memory_space<hbm>> -> memref<128x64xf32, #tpu.memory_space<hbm>>
      tpu.enqueue_dma source(%arg7 : memref<128x64xf32, #tpu.memory_space<vmem>>) target(%dma_start3A_233 : memref<128x64xf32, #tpu.memory_space<hbm>>) target_semaphore(%run_scoped3A : memref<!tpu.dma_semaphore, #tpu.memory_space<semaphore_mem>>)
      %dma_wait3A_234 = arith.constant 0 : i32
      %dma_wait3A_235 = tpu.memref_slice %arg4[%arg0, %add3A_215, %dma_wait3A_234] : memref<2x10240x64xf32, #tpu.memory_space<hbm>> -> memref<1x128x64xf32, #tpu.memory_space<hbm>>
      %dma_wait3A_236 = tpu.memref_squeeze %dma_wait3A_235 : memref<1x128x64xf32, #tpu.memory_space<hbm>> -> memref<128x64xf32, #tpu.memory_space<hbm>>
      %dma_wait3A_237 = arith.constant 0 : i32
      %dma_wait3A_238 = tpu.memref_slice %arg4[%arg0, %add3A_215, %dma_wait3A_237] : memref<2x10240x64xf32, #tpu.memory_space<hbm>> -> memref<1x128x64xf32, #tpu.memory_space<hbm>>
      %dma_wait3A_239 = tpu.memref_squeeze %dma_wait3A_238 : memref<1x128x64xf32, #tpu.memory_space<hbm>> -> memref<128x64xf32, #tpu.memory_space<hbm>>
      tpu.wait_dma2 semaphore(%run_scoped3A : memref<!tpu.dma_semaphore, #tpu.memory_space<semaphore_mem>>) src(%arg7 : memref<128x64xf32, #tpu.memory_space<vmem>>) dst(%dma_wait3A_239 : memref<128x64xf32, #tpu.memory_space<hbm>>)
      tpu.yield
    }) : () -> ()
    %mul3A_216 = arith.constant 640 : i32
    %mul3A_217 = arith.muli %arg1, %mul3A_216 : i32
    %add3A_218 = arith.constant 256 : i32
    %add3A_219 = arith.addi %mul3A_217, %add3A_218 : i32
    "tpu.region"() ({
      %run_scoped3A = tpu.sem_alloc : memref<!tpu.dma_semaphore, #tpu.memory_space<semaphore_mem>>
      %dma_start3A_228 = arith.constant 0 : i32
      %dma_start3A_229 = tpu.memref_slice %arg15[%add3A_219, %dma_start3A_228] : memref<10240x64xf32, #tpu.memory_space<vmem_shared>> -> memref<128x64xf32, #tpu.memory_space<vmem_shared>>
      %dma_start3A_230 = arith.constant 0 : i32
      %dma_start3A_231 = tpu.memref_slice %arg15[%add3A_219, %dma_start3A_230] : memref<10240x64xf32, #tpu.memory_space<vmem_shared>> -> memref<128x64xf32, #tpu.memory_space<vmem_shared>>
      tpu.enqueue_dma source(%dma_start3A_231 : memref<128x64xf32, #tpu.memory_space<vmem_shared>>) target(%arg7 : memref<128x64xf32, #tpu.memory_space<vmem>>) target_semaphore(%run_scoped3A : memref<!tpu.dma_semaphore, #tpu.memory_space<semaphore_mem>>)
      %dma_wait3A_232 = arith.constant 0 : i32
      %dma_wait3A_233 = tpu.memref_slice %arg15[%add3A_219, %dma_wait3A_232] : memref<10240x64xf32, #tpu.memory_space<vmem_shared>> -> memref<128x64xf32, #tpu.memory_space<vmem_shared>>
      %dma_wait3A_234 = arith.constant 0 : i32
      %dma_wait3A_235 = tpu.memref_slice %arg15[%add3A_219, %dma_wait3A_234] : memref<10240x64xf32, #tpu.memory_space<vmem_shared>> -> memref<128x64xf32, #tpu.memory_space<vmem_shared>>
      tpu.wait_dma2 semaphore(%run_scoped3A : memref<!tpu.dma_semaphore, #tpu.memory_space<semaphore_mem>>) src(%dma_wait3A_235 : memref<128x64xf32, #tpu.memory_space<vmem_shared>>) dst(%arg7 : memref<128x64xf32, #tpu.memory_space<vmem>>)
      tpu.yield
    }) : () -> ()
    "tpu.region"() ({
      %run_scoped3A = tpu.sem_alloc : memref<!tpu.dma_semaphore, #tpu.memory_space<semaphore_mem>>
      %dma_start3A_228 = arith.constant 0 : i32
      %dma_start3A_229 = tpu.memref_slice %arg4[%arg0, %add3A_219, %dma_start3A_228] : memref<2x10240x64xf32, #tpu.memory_space<hbm>> -> memref<1x128x64xf32, #tpu.memory_space<hbm>>
      %dma_start3A_230 = tpu.memref_squeeze %dma_start3A_229 : memref<1x128x64xf32, #tpu.memory_space<hbm>> -> memref<128x64xf32, #tpu.memory_space<hbm>>
      %dma_start3A_231 = arith.constant 0 : i32
      %dma_start3A_232 = tpu.memref_slice %arg4[%arg0, %add3A_219, %dma_start3A_231] : memref<2x10240x64xf32, #tpu.memory_space<hbm>> -> memref<1x128x64xf32, #tpu.memory_space<hbm>>
      %dma_start3A_233 = tpu.memref_squeeze %dma_start3A_232 : memref<1x128x64xf32, #tpu.memory_space<hbm>> -> memref<128x64xf32, #tpu.memory_space<hbm>>
      tpu.enqueue_dma source(%arg7 : memref<128x64xf32, #tpu.memory_space<vmem>>) target(%dma_start3A_233 : memref<128x64xf32, #tpu.memory_space<hbm>>) target_semaphore(%run_scoped3A : memref<!tpu.dma_semaphore, #tpu.memory_space<semaphore_mem>>)
      %dma_wait3A_234 = arith.constant 0 : i32
      %dma_wait3A_235 = tpu.memref_slice %arg4[%arg0, %add3A_219, %dma_wait3A_234] : memref<2x10240x64xf32, #tpu.memory_space<hbm>> -> memref<1x128x64xf32, #tpu.memory_space<hbm>>
      %dma_wait3A_236 = tpu.memref_squeeze %dma_wait3A_235 : memref<1x128x64xf32, #tpu.memory_space<hbm>> -> memref<128x64xf32, #tpu.memory_space<hbm>>
      %dma_wait3A_237 = arith.constant 0 : i32
      %dma_wait3A_238 = tpu.memref_slice %arg4[%arg0, %add3A_219, %dma_wait3A_237] : memref<2x10240x64xf32, #tpu.memory_space<hbm>> -> memref<1x128x64xf32, #tpu.memory_space<hbm>>
      %dma_wait3A_239 = tpu.memref_squeeze %dma_wait3A_238 : memref<1x128x64xf32, #tpu.memory_space<hbm>> -> memref<128x64xf32, #tpu.memory_space<hbm>>
      tpu.wait_dma2 semaphore(%run_scoped3A : memref<!tpu.dma_semaphore, #tpu.memory_space<semaphore_mem>>) src(%arg7 : memref<128x64xf32, #tpu.memory_space<vmem>>) dst(%dma_wait3A_239 : memref<128x64xf32, #tpu.memory_space<hbm>>)
      tpu.yield
    }) : () -> ()
    %mul3A_220 = arith.constant 640 : i32
    %mul3A_221 = arith.muli %arg1, %mul3A_220 : i32
    %add3A_222 = arith.constant 384 : i32
    %add3A_223 = arith.addi %mul3A_221, %add3A_222 : i32
    "tpu.region"() ({
      %run_scoped3A = tpu.sem_alloc : memref<!tpu.dma_semaphore, #tpu.memory_space<semaphore_mem>>
      %dma_start3A_228 = arith.constant 0 : i32
      %dma_start3A_229 = tpu.memref_slice %arg15[%add3A_223, %dma_start3A_228] : memref<10240x64xf32, #tpu.memory_space<vmem_shared>> -> memref<128x64xf32, #tpu.memory_space<vmem_shared>>
      %dma_start3A_230 = arith.constant 0 : i32
      %dma_start3A_231 = tpu.memref_slice %arg15[%add3A_223, %dma_start3A_230] : memref<10240x64xf32, #tpu.memory_space<vmem_shared>> -> memref<128x64xf32, #tpu.memory_space<vmem_shared>>
      tpu.enqueue_dma source(%dma_start3A_231 : memref<128x64xf32, #tpu.memory_space<vmem_shared>>) target(%arg7 : memref<128x64xf32, #tpu.memory_space<vmem>>) target_semaphore(%run_scoped3A : memref<!tpu.dma_semaphore, #tpu.memory_space<semaphore_mem>>)
      %dma_wait3A_232 = arith.constant 0 : i32
      %dma_wait3A_233 = tpu.memref_slice %arg15[%add3A_223, %dma_wait3A_232] : memref<10240x64xf32, #tpu.memory_space<vmem_shared>> -> memref<128x64xf32, #tpu.memory_space<vmem_shared>>
      %dma_wait3A_234 = arith.constant 0 : i32
      %dma_wait3A_235 = tpu.memref_slice %arg15[%add3A_223, %dma_wait3A_234] : memref<10240x64xf32, #tpu.memory_space<vmem_shared>> -> memref<128x64xf32, #tpu.memory_space<vmem_shared>>
      tpu.wait_dma2 semaphore(%run_scoped3A : memref<!tpu.dma_semaphore, #tpu.memory_space<semaphore_mem>>) src(%dma_wait3A_235 : memref<128x64xf32, #tpu.memory_space<vmem_shared>>) dst(%arg7 : memref<128x64xf32, #tpu.memory_space<vmem>>)
      tpu.yield
    }) : () -> ()
    "tpu.region"() ({
      %run_scoped3A = tpu.sem_alloc : memref<!tpu.dma_semaphore, #tpu.memory_space<semaphore_mem>>
      %dma_start3A_228 = arith.constant 0 : i32
      %dma_start3A_229 = tpu.memref_slice %arg4[%arg0, %add3A_223, %dma_start3A_228] : memref<2x10240x64xf32, #tpu.memory_space<hbm>> -> memref<1x128x64xf32, #tpu.memory_space<hbm>>
      %dma_start3A_230 = tpu.memref_squeeze %dma_start3A_229 : memref<1x128x64xf32, #tpu.memory_space<hbm>> -> memref<128x64xf32, #tpu.memory_space<hbm>>
      %dma_start3A_231 = arith.constant 0 : i32
      %dma_start3A_232 = tpu.memref_slice %arg4[%arg0, %add3A_223, %dma_start3A_231] : memref<2x10240x64xf32, #tpu.memory_space<hbm>> -> memref<1x128x64xf32, #tpu.memory_space<hbm>>
      %dma_start3A_233 = tpu.memref_squeeze %dma_start3A_232 : memref<1x128x64xf32, #tpu.memory_space<hbm>> -> memref<128x64xf32, #tpu.memory_space<hbm>>
      tpu.enqueue_dma source(%arg7 : memref<128x64xf32, #tpu.memory_space<vmem>>) target(%dma_start3A_233 : memref<128x64xf32, #tpu.memory_space<hbm>>) target_semaphore(%run_scoped3A : memref<!tpu.dma_semaphore, #tpu.memory_space<semaphore_mem>>)
      %dma_wait3A_234 = arith.constant 0 : i32
      %dma_wait3A_235 = tpu.memref_slice %arg4[%arg0, %add3A_223, %dma_wait3A_234] : memref<2x10240x64xf32, #tpu.memory_space<hbm>> -> memref<1x128x64xf32, #tpu.memory_space<hbm>>
      %dma_wait3A_236 = tpu.memref_squeeze %dma_wait3A_235 : memref<1x128x64xf32, #tpu.memory_space<hbm>> -> memref<128x64xf32, #tpu.memory_space<hbm>>
      %dma_wait3A_237 = arith.constant 0 : i32
      %dma_wait3A_238 = tpu.memref_slice %arg4[%arg0, %add3A_223, %dma_wait3A_237] : memref<2x10240x64xf32, #tpu.memory_space<hbm>> -> memref<1x128x64xf32, #tpu.memory_space<hbm>>
      %dma_wait3A_239 = tpu.memref_squeeze %dma_wait3A_238 : memref<1x128x64xf32, #tpu.memory_space<hbm>> -> memref<128x64xf32, #tpu.memory_space<hbm>>
      tpu.wait_dma2 semaphore(%run_scoped3A : memref<!tpu.dma_semaphore, #tpu.memory_space<semaphore_mem>>) src(%arg7 : memref<128x64xf32, #tpu.memory_space<vmem>>) dst(%dma_wait3A_239 : memref<128x64xf32, #tpu.memory_space<hbm>>)
      tpu.yield
    }) : () -> ()
    %mul3A_224 = arith.constant 640 : i32
    %mul3A_225 = arith.muli %arg1, %mul3A_224 : i32
    %add3A_226 = arith.constant 512 : i32
    %add3A_227 = arith.addi %mul3A_225, %add3A_226 : i32
    "tpu.region"() ({
      %run_scoped3A = tpu.sem_alloc : memref<!tpu.dma_semaphore, #tpu.memory_space<semaphore_mem>>
      %dma_start3A_228 = arith.constant 0 : i32
      %dma_start3A_229 = tpu.memref_slice %arg15[%add3A_227, %dma_start3A_228] : memref<10240x64xf32, #tpu.memory_space<vmem_shared>> -> memref<128x64xf32, #tpu.memory_space<vmem_shared>>
      %dma_start3A_230 = arith.constant 0 : i32
      %dma_start3A_231 = tpu.memref_slice %arg15[%add3A_227, %dma_start3A_230] : memref<10240x64xf32, #tpu.memory_space<vmem_shared>> -> memref<128x64xf32, #tpu.memory_space<vmem_shared>>
      tpu.enqueue_dma source(%dma_start3A_231 : memref<128x64xf32, #tpu.memory_space<vmem_shared>>) target(%arg7 : memref<128x64xf32, #tpu.memory_space<vmem>>) target_semaphore(%run_scoped3A : memref<!tpu.dma_semaphore, #tpu.memory_space<semaphore_mem>>)
      %dma_wait3A_232 = arith.constant 0 : i32
      %dma_wait3A_233 = tpu.memref_slice %arg15[%add3A_227, %dma_wait3A_232] : memref<10240x64xf32, #tpu.memory_space<vmem_shared>> -> memref<128x64xf32, #tpu.memory_space<vmem_shared>>
      %dma_wait3A_234 = arith.constant 0 : i32
      %dma_wait3A_235 = tpu.memref_slice %arg15[%add3A_227, %dma_wait3A_234] : memref<10240x64xf32, #tpu.memory_space<vmem_shared>> -> memref<128x64xf32, #tpu.memory_space<vmem_shared>>
      tpu.wait_dma2 semaphore(%run_scoped3A : memref<!tpu.dma_semaphore, #tpu.memory_space<semaphore_mem>>) src(%dma_wait3A_235 : memref<128x64xf32, #tpu.memory_space<vmem_shared>>) dst(%arg7 : memref<128x64xf32, #tpu.memory_space<vmem>>)
      tpu.yield
    }) : () -> ()
    "tpu.region"() ({
      %run_scoped3A = tpu.sem_alloc : memref<!tpu.dma_semaphore, #tpu.memory_space<semaphore_mem>>
      %dma_start3A_228 = arith.constant 0 : i32
      %dma_start3A_229 = tpu.memref_slice %arg4[%arg0, %add3A_227, %dma_start3A_228] : memref<2x10240x64xf32, #tpu.memory_space<hbm>> -> memref<1x128x64xf32, #tpu.memory_space<hbm>>
      %dma_start3A_230 = tpu.memref_squeeze %dma_start3A_229 : memref<1x128x64xf32, #tpu.memory_space<hbm>> -> memref<128x64xf32, #tpu.memory_space<hbm>>
      %dma_start3A_231 = arith.constant 0 : i32
      %dma_start3A_232 = tpu.memref_slice %arg4[%arg0, %add3A_227, %dma_start3A_231] : memref<2x10240x64xf32, #tpu.memory_space<hbm>> -> memref<1x128x64xf32, #tpu.memory_space<hbm>>
      %dma_start3A_233 = tpu.memref_squeeze %dma_start3A_232 : memref<1x128x64xf32, #tpu.memory_space<hbm>> -> memref<128x64xf32, #tpu.memory_space<hbm>>
      tpu.enqueue_dma source(%arg7 : memref<128x64xf32, #tpu.memory_space<vmem>>) target(%dma_start3A_233 : memref<128x64xf32, #tpu.memory_space<hbm>>) target_semaphore(%run_scoped3A : memref<!tpu.dma_semaphore, #tpu.memory_space<semaphore_mem>>)
      %dma_wait3A_234 = arith.constant 0 : i32
      %dma_wait3A_235 = tpu.memref_slice %arg4[%arg0, %add3A_227, %dma_wait3A_234] : memref<2x10240x64xf32, #tpu.memory_space<hbm>> -> memref<1x128x64xf32, #tpu.memory_space<hbm>>
      %dma_wait3A_236 = tpu.memref_squeeze %dma_wait3A_235 : memref<1x128x64xf32, #tpu.memory_space<hbm>> -> memref<128x64xf32, #tpu.memory_space<hbm>>
      %dma_wait3A_237 = arith.constant 0 : i32
      %dma_wait3A_238 = tpu.memref_slice %arg4[%arg0, %add3A_227, %dma_wait3A_237] : memref<2x10240x64xf32, #tpu.memory_space<hbm>> -> memref<1x128x64xf32, #tpu.memory_space<hbm>>
      %dma_wait3A_239 = tpu.memref_squeeze %dma_wait3A_238 : memref<1x128x64xf32, #tpu.memory_space<hbm>> -> memref<128x64xf32, #tpu.memory_space<hbm>>
      tpu.wait_dma2 semaphore(%run_scoped3A : memref<!tpu.dma_semaphore, #tpu.memory_space<semaphore_mem>>) src(%arg7 : memref<128x64xf32, #tpu.memory_space<vmem>>) dst(%dma_wait3A_239 : memref<128x64xf32, #tpu.memory_space<hbm>>)
      tpu.yield
    }) : () -> ()
    return
  }
}

#map = affine_map<(d0, d1) -> (0, 0, 0)>
#map1 = affine_map<(d0, d1) -> (0, 0)>
module attributes {stable_mosaic.version = 14 : i64} {
  func.func @body(%arg0: i32, %arg1: i32, %arg2: memref<2x10240x64xf32, #tpu.memory_space<hbm>>, %arg3: memref<2x16x20480xi32, #tpu.memory_space<hbm>>, %arg4: memref<2x10240x64xf32, #tpu.memory_space<hbm>>, %arg5: memref<10240x16xf32, #tpu.memory_space<hbm>>, %arg6: memref<3x1024xi32, #tpu.memory_space<vmem>>, %arg7: memref<3x1024xi32, #tpu.memory_space<vmem>>, %arg8: memref<128x64xf32, #tpu.memory_space<vmem>>, %arg9: memref<128x64xf32, #tpu.memory_space<vmem>>, %arg10: memref<128x64xf32, #tpu.memory_space<vmem>>, %arg11: memref<128x64xf32, #tpu.memory_space<vmem>>, %arg12: memref<128x64xf32, #tpu.memory_space<vmem>>, %arg13: memref<128x64xf32, #tpu.memory_space<vmem>>, %arg14: memref<128x64xf32, #tpu.memory_space<vmem>>, %arg15: memref<128x64xf32, #tpu.memory_space<vmem>>, %arg16: memref<128x16xf32, #tpu.memory_space<vmem>>, %arg17: memref<64x16xf32, #tpu.memory_space<vmem>>, %arg18: memref<10240x64xf32, #tpu.memory_space<vmem_shared>>, %arg19: memref<10240x16xf32, #tpu.memory_space<vmem_shared>>, %arg20: memref<!tpu.dma_semaphore, #tpu.memory_space<semaphore_mem>>, %arg21: memref<!tpu.dma_semaphore, #tpu.memory_space<semaphore_mem>>, %arg22: memref<!tpu.dma_semaphore, #tpu.memory_space<semaphore_mem>>, %arg23: memref<!tpu.dma_semaphore, #tpu.memory_space<semaphore_mem>>, %arg24: memref<!tpu.dma_semaphore, #tpu.memory_space<semaphore_mem>>, %arg25: memref<!tpu.dma_semaphore, #tpu.memory_space<semaphore_mem>>, %arg26: memref<!tpu.dma_semaphore, #tpu.memory_space<semaphore_mem>>, %arg27: memref<!tpu.dma_semaphore, #tpu.memory_space<semaphore_mem>>, %arg28: memref<!tpu.dma_semaphore, #tpu.memory_space<semaphore_mem>>, %arg29: memref<!tpu.dma_semaphore, #tpu.memory_space<semaphore_mem>>, %arg30: memref<!tpu.dma_semaphore, #tpu.memory_space<semaphore_mem>>, %arg31: memref<!tpu.dma_semaphore, #tpu.memory_space<semaphore_mem>>, %arg32: memref<!tpu.dma_semaphore, #tpu.memory_space<semaphore_mem>>, %arg33: memref<!tpu.dma_semaphore, #tpu.memory_space<semaphore_mem>>, %arg34: memref<!tpu.dma_semaphore, #tpu.memory_space<semaphore_mem>>, %arg35: memref<!tpu.dma_semaphore, #tpu.memory_space<semaphore_mem>>, %arg36: memref<!tpu.dma_semaphore, #tpu.memory_space<semaphore_mem>>, %arg37: memref<!tpu.dma_semaphore, #tpu.memory_space<semaphore_mem>>) attributes {dimension_semantics = [#tpu.dimension_semantics<core_parallel>, #tpu.dimension_semantics<subcore_parallel>], iteration_bounds = array<i64: 2, 16>, scalar_prefetch = 0 : i64, scratch_operands = 32 : i64, tpu.core_type = #tpu.core_type<sc_vector_subcore>, window_params = [{transform_indices = #map}, {transform_indices = #map}, {transform_indices = #map}, {transform_indices = #map1}]} {
    %scan3A = arith.constant 0 : i32
    %scan3A_0 = arith.constant 0 : i32
    %scan3A_1 = arith.constant 128 : i32
    %scan3A_2 = arith.addi %scan3A_0, %scan3A_1 : i32
    %scan3A_3 = arith.constant 1 : i32
    %scan3A_4 = scf.for %scan3A_295 = %scan3A_0 to %scan3A_2 step %scan3A_3 iter_args(%scan3A_296 = %scan3A) -> (i32)  : i32 {
      %broadcast_in_dim3A = arith.constant 1.000000e+00 : f32
      %broadcast_in_dim3A_297 = vector.broadcast %broadcast_in_dim3A : f32 to vector<16xf32>
      %swap3A = arith.index_cast %scan3A_295 : i32 to index
      %swap3A_298 = arith.constant 0 : index
      %swap3A_299 = tpu.vector_load %arg16[%swap3A, %swap3A_298] {strides = array<i32>} : memref<128x16xf32, #tpu.memory_space<vmem>>, vector<1x16xf32>,
      %swap3A_300 = vector.shape_cast %swap3A_299 : vector<1x16xf32> to vector<16xf32>
      %swap3A_301 = vector.shape_cast %broadcast_in_dim3A_297 : vector<16xf32> to vector<1x16xf32>
      tpu.vector_store %arg16[%swap3A, %swap3A_298], %swap3A_301 {strides = array<i32>} : memref<128x16xf32, #tpu.memory_space<vmem>>, vector<1x16xf32>,
      %lt3A = arith.constant 128 : i32
      %lt3A_302 = arith.cmpi slt, %scan3A_295, %lt3A : i32
      %convert_element_type3A_303 = arith.extui %lt3A_302 : i1 to i32
      %cond3A_304 = arith.constant 0 : i32
      %cond3A_305 = arith.cmpi ne, %convert_element_type3A_303, %cond3A_304 : i32
      scf.if %cond3A_305 {
        %broadcast_in_dim3A_312 = arith.constant 0.000000e+00 : f32
        %broadcast_in_dim3A_313 = vector.broadcast %broadcast_in_dim3A_312 : f32 to vector<16xf32>
        %swap3A_314 = arith.index_cast %scan3A_295 : i32 to index
        %swap3A_315 = arith.constant 0 : index
        %swap3A_316 = tpu.vector_load %arg8[%swap3A_314, %swap3A_315] {strides = array<i32>} : memref<128x64xf32, #tpu.memory_space<vmem>>, vector<1x16xf32>,
        %swap3A_317 = vector.shape_cast %swap3A_316 : vector<1x16xf32> to vector<16xf32>
        %swap3A_318 = vector.shape_cast %broadcast_in_dim3A_313 : vector<16xf32> to vector<1x16xf32>
        tpu.vector_store %arg8[%swap3A_314, %swap3A_315], %swap3A_318 {strides = array<i32>} : memref<128x64xf32, #tpu.memory_space<vmem>>, vector<1x16xf32>,
        %broadcast_in_dim3A_319 = arith.constant 0.000000e+00 : f32
        %broadcast_in_dim3A_320 = vector.broadcast %broadcast_in_dim3A_319 : f32 to vector<16xf32>
        %swap3A_321 = arith.index_cast %scan3A_295 : i32 to index
        %swap3A_322 = arith.constant 16 : index
        %swap3A_323 = tpu.vector_load %arg8[%swap3A_321, %swap3A_322] {strides = array<i32>} : memref<128x64xf32, #tpu.memory_space<vmem>>, vector<1x16xf32>,
        %swap3A_324 = vector.shape_cast %swap3A_323 : vector<1x16xf32> to vector<16xf32>
        %swap3A_325 = vector.shape_cast %broadcast_in_dim3A_320 : vector<16xf32> to vector<1x16xf32>
        tpu.vector_store %arg8[%swap3A_321, %swap3A_322], %swap3A_325 {strides = array<i32>} : memref<128x64xf32, #tpu.memory_space<vmem>>, vector<1x16xf32>,
        %broadcast_in_dim3A_326 = arith.constant 0.000000e+00 : f32
        %broadcast_in_dim3A_327 = vector.broadcast %broadcast_in_dim3A_326 : f32 to vector<16xf32>
        %swap3A_328 = arith.index_cast %scan3A_295 : i32 to index
        %swap3A_329 = arith.constant 32 : index
        %swap3A_330 = tpu.vector_load %arg8[%swap3A_328, %swap3A_329] {strides = array<i32>} : memref<128x64xf32, #tpu.memory_space<vmem>>, vector<1x16xf32>,
        %swap3A_331 = vector.shape_cast %swap3A_330 : vector<1x16xf32> to vector<16xf32>
        %swap3A_332 = vector.shape_cast %broadcast_in_dim3A_327 : vector<16xf32> to vector<1x16xf32>
        tpu.vector_store %arg8[%swap3A_328, %swap3A_329], %swap3A_332 {strides = array<i32>} : memref<128x64xf32, #tpu.memory_space<vmem>>, vector<1x16xf32>,
        %broadcast_in_dim3A_333 = arith.constant 0.000000e+00 : f32
        %broadcast_in_dim3A_334 = vector.broadcast %broadcast_in_dim3A_333 : f32 to vector<16xf32>
        %swap3A_335 = arith.index_cast %scan3A_295 : i32 to index
        %swap3A_336 = arith.constant 48 : index
        %swap3A_337 = tpu.vector_load %arg8[%swap3A_335, %swap3A_336] {strides = array<i32>} : memref<128x64xf32, #tpu.memory_space<vmem>>, vector<1x16xf32>,
        %swap3A_338 = vector.shape_cast %swap3A_337 : vector<1x16xf32> to vector<16xf32>
        %swap3A_339 = vector.shape_cast %broadcast_in_dim3A_334 : vector<16xf32> to vector<1x16xf32>
        tpu.vector_store %arg8[%swap3A_335, %swap3A_336], %swap3A_339 {strides = array<i32>} : memref<128x64xf32, #tpu.memory_space<vmem>>, vector<1x16xf32>,
      } else {
      }
      %lt3A_306 = arith.constant 64 : i32
      %lt3A_307 = arith.cmpi slt, %scan3A_295, %lt3A_306 : i32
      %convert_element_type3A_308 = arith.extui %lt3A_307 : i1 to i32
      %cond3A_309 = arith.constant 0 : i32
      %cond3A_310 = arith.cmpi ne, %convert_element_type3A_308, %cond3A_309 : i32
      scf.if %cond3A_310 {
        %broadcast_in_dim3A_312 = arith.constant 0.000000e+00 : f32
        %broadcast_in_dim3A_313 = vector.broadcast %broadcast_in_dim3A_312 : f32 to vector<16xf32>
        %swap3A_314 = arith.index_cast %scan3A_295 : i32 to index
        %swap3A_315 = arith.constant 0 : index
        %swap3A_316 = tpu.vector_load %arg17[%swap3A_314, %swap3A_315] {strides = array<i32>} : memref<64x16xf32, #tpu.memory_space<vmem>>, vector<1x16xf32>,
        %swap3A_317 = vector.shape_cast %swap3A_316 : vector<1x16xf32> to vector<16xf32>
        %swap3A_318 = vector.shape_cast %broadcast_in_dim3A_313 : vector<16xf32> to vector<1x16xf32>
        tpu.vector_store %arg17[%swap3A_314, %swap3A_315], %swap3A_318 {strides = array<i32>} : memref<64x16xf32, #tpu.memory_space<vmem>>, vector<1x16xf32>,
      } else {
      }
      %scan3A_311 = arith.constant 0 : i32
      scf.yield %scan3A_311 : i32
    }
    %scan3A_5 = arith.constant 128 : i32
    %mul3A = arith.constant 640 : i32
    %mul3A_6 = arith.muli %arg1, %mul3A : i32
    %add3A = arith.constant 0 : i32
    %add3A_7 = arith.addi %mul3A_6, %add3A : i32
    "tpu.region"() ({
      %run_scoped3A = tpu.sem_alloc : memref<!tpu.dma_semaphore, #tpu.memory_space<semaphore_mem>>
      %dma_start3A_295 = arith.constant 0 : i32
      %dma_start3A_296 = tpu.memref_slice %arg18[%add3A_7, %dma_start3A_295] : memref<10240x64xf32, #tpu.memory_space<vmem_shared>> -> memref<128x64xf32, #tpu.memory_space<vmem_shared>>
      %dma_start3A_297 = arith.constant 0 : i32
      %dma_start3A_298 = tpu.memref_slice %arg18[%add3A_7, %dma_start3A_297] : memref<10240x64xf32, #tpu.memory_space<vmem_shared>> -> memref<128x64xf32, #tpu.memory_space<vmem_shared>>
      tpu.enqueue_dma source(%arg8 : memref<128x64xf32, #tpu.memory_space<vmem>>) target(%dma_start3A_298 : memref<128x64xf32, #tpu.memory_space<vmem_shared>>) target_semaphore(%run_scoped3A : memref<!tpu.dma_semaphore, #tpu.memory_space<semaphore_mem>>)
      %dma_wait3A_299 = arith.constant 0 : i32
      %dma_wait3A_300 = tpu.memref_slice %arg18[%add3A_7, %dma_wait3A_299] : memref<10240x64xf32, #tpu.memory_space<vmem_shared>> -> memref<128x64xf32, #tpu.memory_space<vmem_shared>>
      %dma_wait3A_301 = arith.constant 0 : i32
      %dma_wait3A_302 = tpu.memref_slice %arg18[%add3A_7, %dma_wait3A_301] : memref<10240x64xf32, #tpu.memory_space<vmem_shared>> -> memref<128x64xf32, #tpu.memory_space<vmem_shared>>
      tpu.wait_dma2 semaphore(%run_scoped3A : memref<!tpu.dma_semaphore, #tpu.memory_space<semaphore_mem>>) src(%arg8 : memref<128x64xf32, #tpu.memory_space<vmem>>) dst(%dma_wait3A_302 : memref<128x64xf32, #tpu.memory_space<vmem_shared>>)
      tpu.yield
    }) : () -> ()
    %mul3A_8 = arith.constant 640 : i32
    %mul3A_9 = arith.muli %arg1, %mul3A_8 : i32
    %add3A_10 = arith.constant 128 : i32
    %add3A_11 = arith.addi %mul3A_9, %add3A_10 : i32
    "tpu.region"() ({
      %run_scoped3A = tpu.sem_alloc : memref<!tpu.dma_semaphore, #tpu.memory_space<semaphore_mem>>
      %dma_start3A_295 = arith.constant 0 : i32
      %dma_start3A_296 = tpu.memref_slice %arg18[%add3A_11, %dma_start3A_295] : memref<10240x64xf32, #tpu.memory_space<vmem_shared>> -> memref<128x64xf32, #tpu.memory_space<vmem_shared>>
      %dma_start3A_297 = arith.constant 0 : i32
      %dma_start3A_298 = tpu.memref_slice %arg18[%add3A_11, %dma_start3A_297] : memref<10240x64xf32, #tpu.memory_space<vmem_shared>> -> memref<128x64xf32, #tpu.memory_space<vmem_shared>>
      tpu.enqueue_dma source(%arg8 : memref<128x64xf32, #tpu.memory_space<vmem>>) target(%dma_start3A_298 : memref<128x64xf32, #tpu.memory_space<vmem_shared>>) target_semaphore(%run_scoped3A : memref<!tpu.dma_semaphore, #tpu.memory_space<semaphore_mem>>)
      %dma_wait3A_299 = arith.constant 0 : i32
      %dma_wait3A_300 = tpu.memref_slice %arg18[%add3A_11, %dma_wait3A_299] : memref<10240x64xf32, #tpu.memory_space<vmem_shared>> -> memref<128x64xf32, #tpu.memory_space<vmem_shared>>
      %dma_wait3A_301 = arith.constant 0 : i32
      %dma_wait3A_302 = tpu.memref_slice %arg18[%add3A_11, %dma_wait3A_301] : memref<10240x64xf32, #tpu.memory_space<vmem_shared>> -> memref<128x64xf32, #tpu.memory_space<vmem_shared>>
      tpu.wait_dma2 semaphore(%run_scoped3A : memref<!tpu.dma_semaphore, #tpu.memory_space<semaphore_mem>>) src(%arg8 : memref<128x64xf32, #tpu.memory_space<vmem>>) dst(%dma_wait3A_302 : memref<128x64xf32, #tpu.memory_space<vmem_shared>>)
      tpu.yield
    }) : () -> ()
    %mul3A_12 = arith.constant 640 : i32
    %mul3A_13 = arith.muli %arg1, %mul3A_12 : i32
    %add3A_14 = arith.constant 256 : i32
    %add3A_15 = arith.addi %mul3A_13, %add3A_14 : i32
    "tpu.region"() ({
      %run_scoped3A = tpu.sem_alloc : memref<!tpu.dma_semaphore, #tpu.memory_space<semaphore_mem>>
      %dma_start3A_295 = arith.constant 0 : i32
      %dma_start3A_296 = tpu.memref_slice %arg18[%add3A_15, %dma_start3A_295] : memref<10240x64xf32, #tpu.memory_space<vmem_shared>> -> memref<128x64xf32, #tpu.memory_space<vmem_shared>>
      %dma_start3A_297 = arith.constant 0 : i32
      %dma_start3A_298 = tpu.memref_slice %arg18[%add3A_15, %dma_start3A_297] : memref<10240x64xf32, #tpu.memory_space<vmem_shared>> -> memref<128x64xf32, #tpu.memory_space<vmem_shared>>
      tpu.enqueue_dma source(%arg8 : memref<128x64xf32, #tpu.memory_space<vmem>>) target(%dma_start3A_298 : memref<128x64xf32, #tpu.memory_space<vmem_shared>>) target_semaphore(%run_scoped3A : memref<!tpu.dma_semaphore, #tpu.memory_space<semaphore_mem>>)
      %dma_wait3A_299 = arith.constant 0 : i32
      %dma_wait3A_300 = tpu.memref_slice %arg18[%add3A_15, %dma_wait3A_299] : memref<10240x64xf32, #tpu.memory_space<vmem_shared>> -> memref<128x64xf32, #tpu.memory_space<vmem_shared>>
      %dma_wait3A_301 = arith.constant 0 : i32
      %dma_wait3A_302 = tpu.memref_slice %arg18[%add3A_15, %dma_wait3A_301] : memref<10240x64xf32, #tpu.memory_space<vmem_shared>> -> memref<128x64xf32, #tpu.memory_space<vmem_shared>>
      tpu.wait_dma2 semaphore(%run_scoped3A : memref<!tpu.dma_semaphore, #tpu.memory_space<semaphore_mem>>) src(%arg8 : memref<128x64xf32, #tpu.memory_space<vmem>>) dst(%dma_wait3A_302 : memref<128x64xf32, #tpu.memory_space<vmem_shared>>)
      tpu.yield
    }) : () -> ()
    %mul3A_16 = arith.constant 640 : i32
    %mul3A_17 = arith.muli %arg1, %mul3A_16 : i32
    %add3A_18 = arith.constant 384 : i32
    %add3A_19 = arith.addi %mul3A_17, %add3A_18 : i32
    "tpu.region"() ({
      %run_scoped3A = tpu.sem_alloc : memref<!tpu.dma_semaphore, #tpu.memory_space<semaphore_mem>>
      %dma_start3A_295 = arith.constant 0 : i32
      %dma_start3A_296 = tpu.memref_slice %arg18[%add3A_19, %dma_start3A_295] : memref<10240x64xf32, #tpu.memory_space<vmem_shared>> -> memref<128x64xf32, #tpu.memory_space<vmem_shared>>
      %dma_start3A_297 = arith.constant 0 : i32
      %dma_start3A_298 = tpu.memref_slice %arg18[%add3A_19, %dma_start3A_297] : memref<10240x64xf32, #tpu.memory_space<vmem_shared>> -> memref<128x64xf32, #tpu.memory_space<vmem_shared>>
      tpu.enqueue_dma source(%arg8 : memref<128x64xf32, #tpu.memory_space<vmem>>) target(%dma_start3A_298 : memref<128x64xf32, #tpu.memory_space<vmem_shared>>) target_semaphore(%run_scoped3A : memref<!tpu.dma_semaphore, #tpu.memory_space<semaphore_mem>>)
      %dma_wait3A_299 = arith.constant 0 : i32
      %dma_wait3A_300 = tpu.memref_slice %arg18[%add3A_19, %dma_wait3A_299] : memref<10240x64xf32, #tpu.memory_space<vmem_shared>> -> memref<128x64xf32, #tpu.memory_space<vmem_shared>>
      %dma_wait3A_301 = arith.constant 0 : i32
      %dma_wait3A_302 = tpu.memref_slice %arg18[%add3A_19, %dma_wait3A_301] : memref<10240x64xf32, #tpu.memory_space<vmem_shared>> -> memref<128x64xf32, #tpu.memory_space<vmem_shared>>
      tpu.wait_dma2 semaphore(%run_scoped3A : memref<!tpu.dma_semaphore, #tpu.memory_space<semaphore_mem>>) src(%arg8 : memref<128x64xf32, #tpu.memory_space<vmem>>) dst(%dma_wait3A_302 : memref<128x64xf32, #tpu.memory_space<vmem_shared>>)
      tpu.yield
    }) : () -> ()
    %mul3A_20 = arith.constant 640 : i32
    %mul3A_21 = arith.muli %arg1, %mul3A_20 : i32
    %add3A_22 = arith.constant 512 : i32
    %add3A_23 = arith.addi %mul3A_21, %add3A_22 : i32
    "tpu.region"() ({
      %run_scoped3A = tpu.sem_alloc : memref<!tpu.dma_semaphore, #tpu.memory_space<semaphore_mem>>
      %dma_start3A_295 = arith.constant 0 : i32
      %dma_start3A_296 = tpu.memref_slice %arg18[%add3A_23, %dma_start3A_295] : memref<10240x64xf32, #tpu.memory_space<vmem_shared>> -> memref<128x64xf32, #tpu.memory_space<vmem_shared>>
      %dma_start3A_297 = arith.constant 0 : i32
      %dma_start3A_298 = tpu.memref_slice %arg18[%add3A_23, %dma_start3A_297] : memref<10240x64xf32, #tpu.memory_space<vmem_shared>> -> memref<128x64xf32, #tpu.memory_space<vmem_shared>>
      tpu.enqueue_dma source(%arg8 : memref<128x64xf32, #tpu.memory_space<vmem>>) target(%dma_start3A_298 : memref<128x64xf32, #tpu.memory_space<vmem_shared>>) target_semaphore(%run_scoped3A : memref<!tpu.dma_semaphore, #tpu.memory_space<semaphore_mem>>)
      %dma_wait3A_299 = arith.constant 0 : i32
      %dma_wait3A_300 = tpu.memref_slice %arg18[%add3A_23, %dma_wait3A_299] : memref<10240x64xf32, #tpu.memory_space<vmem_shared>> -> memref<128x64xf32, #tpu.memory_space<vmem_shared>>
      %dma_wait3A_301 = arith.constant 0 : i32
      %dma_wait3A_302 = tpu.memref_slice %arg18[%add3A_23, %dma_wait3A_301] : memref<10240x64xf32, #tpu.memory_space<vmem_shared>> -> memref<128x64xf32, #tpu.memory_space<vmem_shared>>
      tpu.wait_dma2 semaphore(%run_scoped3A : memref<!tpu.dma_semaphore, #tpu.memory_space<semaphore_mem>>) src(%arg8 : memref<128x64xf32, #tpu.memory_space<vmem>>) dst(%dma_wait3A_302 : memref<128x64xf32, #tpu.memory_space<vmem_shared>>)
      tpu.yield
    }) : () -> ()
    %mul3A_24 = arith.constant 640 : i32
    %mul3A_25 = arith.muli %arg1, %mul3A_24 : i32
    %add3A_26 = arith.constant 0 : i32
    %add3A_27 = arith.addi %mul3A_25, %add3A_26 : i32
    "tpu.region"() ({
      %run_scoped3A = tpu.sem_alloc : memref<!tpu.dma_semaphore, #tpu.memory_space<semaphore_mem>>
      %dma_start3A_295 = arith.constant 0 : i32
      %dma_start3A_296 = tpu.memref_slice %arg19[%add3A_27, %dma_start3A_295] : memref<10240x16xf32, #tpu.memory_space<vmem_shared>> -> memref<64x16xf32, #tpu.memory_space<vmem_shared>>
      %dma_start3A_297 = arith.constant 0 : i32
      %dma_start3A_298 = tpu.memref_slice %arg19[%add3A_27, %dma_start3A_297] : memref<10240x16xf32, #tpu.memory_space<vmem_shared>> -> memref<64x16xf32, #tpu.memory_space<vmem_shared>>
      tpu.enqueue_dma source(%arg17 : memref<64x16xf32, #tpu.memory_space<vmem>>) target(%dma_start3A_298 : memref<64x16xf32, #tpu.memory_space<vmem_shared>>) target_semaphore(%run_scoped3A : memref<!tpu.dma_semaphore, #tpu.memory_space<semaphore_mem>>)
      %dma_wait3A_299 = arith.constant 0 : i32
      %dma_wait3A_300 = tpu.memref_slice %arg19[%add3A_27, %dma_wait3A_299] : memref<10240x16xf32, #tpu.memory_space<vmem_shared>> -> memref<64x16xf32, #tpu.memory_space<vmem_shared>>
      %dma_wait3A_301 = arith.constant 0 : i32
      %dma_wait3A_302 = tpu.memref_slice %arg19[%add3A_27, %dma_wait3A_301] : memref<10240x16xf32, #tpu.memory_space<vmem_shared>> -> memref<64x16xf32, #tpu.memory_space<vmem_shared>>
      tpu.wait_dma2 semaphore(%run_scoped3A : memref<!tpu.dma_semaphore, #tpu.memory_space<semaphore_mem>>) src(%arg17 : memref<64x16xf32, #tpu.memory_space<vmem>>) dst(%dma_wait3A_302 : memref<64x16xf32, #tpu.memory_space<vmem_shared>>)
      tpu.yield
    }) : () -> ()
    %mul3A_28 = arith.constant 640 : i32
    %mul3A_29 = arith.muli %arg1, %mul3A_28 : i32
    %add3A_30 = arith.constant 64 : i32
    %add3A_31 = arith.addi %mul3A_29, %add3A_30 : i32
    "tpu.region"() ({
      %run_scoped3A = tpu.sem_alloc : memref<!tpu.dma_semaphore, #tpu.memory_space<semaphore_mem>>
      %dma_start3A_295 = arith.constant 0 : i32
      %dma_start3A_296 = tpu.memref_slice %arg19[%add3A_31, %dma_start3A_295] : memref<10240x16xf32, #tpu.memory_space<vmem_shared>> -> memref<64x16xf32, #tpu.memory_space<vmem_shared>>
      %dma_start3A_297 = arith.constant 0 : i32
      %dma_start3A_298 = tpu.memref_slice %arg19[%add3A_31, %dma_start3A_297] : memref<10240x16xf32, #tpu.memory_space<vmem_shared>> -> memref<64x16xf32, #tpu.memory_space<vmem_shared>>
      tpu.enqueue_dma source(%arg17 : memref<64x16xf32, #tpu.memory_space<vmem>>) target(%dma_start3A_298 : memref<64x16xf32, #tpu.memory_space<vmem_shared>>) target_semaphore(%run_scoped3A : memref<!tpu.dma_semaphore, #tpu.memory_space<semaphore_mem>>)
      %dma_wait3A_299 = arith.constant 0 : i32
      %dma_wait3A_300 = tpu.memref_slice %arg19[%add3A_31, %dma_wait3A_299] : memref<10240x16xf32, #tpu.memory_space<vmem_shared>> -> memref<64x16xf32, #tpu.memory_space<vmem_shared>>
      %dma_wait3A_301 = arith.constant 0 : i32
      %dma_wait3A_302 = tpu.memref_slice %arg19[%add3A_31, %dma_wait3A_301] : memref<10240x16xf32, #tpu.memory_space<vmem_shared>> -> memref<64x16xf32, #tpu.memory_space<vmem_shared>>
      tpu.wait_dma2 semaphore(%run_scoped3A : memref<!tpu.dma_semaphore, #tpu.memory_space<semaphore_mem>>) src(%arg17 : memref<64x16xf32, #tpu.memory_space<vmem>>) dst(%dma_wait3A_302 : memref<64x16xf32, #tpu.memory_space<vmem_shared>>)
      tpu.yield
    }) : () -> ()
    %mul3A_32 = arith.constant 640 : i32
    %mul3A_33 = arith.muli %arg1, %mul3A_32 : i32
    %add3A_34 = arith.constant 128 : i32
    %add3A_35 = arith.addi %mul3A_33, %add3A_34 : i32
    "tpu.region"() ({
      %run_scoped3A = tpu.sem_alloc : memref<!tpu.dma_semaphore, #tpu.memory_space<semaphore_mem>>
      %dma_start3A_295 = arith.constant 0 : i32
      %dma_start3A_296 = tpu.memref_slice %arg19[%add3A_35, %dma_start3A_295] : memref<10240x16xf32, #tpu.memory_space<vmem_shared>> -> memref<64x16xf32, #tpu.memory_space<vmem_shared>>
      %dma_start3A_297 = arith.constant 0 : i32
      %dma_start3A_298 = tpu.memref_slice %arg19[%add3A_35, %dma_start3A_297] : memref<10240x16xf32, #tpu.memory_space<vmem_shared>> -> memref<64x16xf32, #tpu.memory_space<vmem_shared>>
      tpu.enqueue_dma source(%arg17 : memref<64x16xf32, #tpu.memory_space<vmem>>) target(%dma_start3A_298 : memref<64x16xf32, #tpu.memory_space<vmem_shared>>) target_semaphore(%run_scoped3A : memref<!tpu.dma_semaphore, #tpu.memory_space<semaphore_mem>>)
      %dma_wait3A_299 = arith.constant 0 : i32
      %dma_wait3A_300 = tpu.memref_slice %arg19[%add3A_35, %dma_wait3A_299] : memref<10240x16xf32, #tpu.memory_space<vmem_shared>> -> memref<64x16xf32, #tpu.memory_space<vmem_shared>>
      %dma_wait3A_301 = arith.constant 0 : i32
      %dma_wait3A_302 = tpu.memref_slice %arg19[%add3A_35, %dma_wait3A_301] : memref<10240x16xf32, #tpu.memory_space<vmem_shared>> -> memref<64x16xf32, #tpu.memory_space<vmem_shared>>
      tpu.wait_dma2 semaphore(%run_scoped3A : memref<!tpu.dma_semaphore, #tpu.memory_space<semaphore_mem>>) src(%arg17 : memref<64x16xf32, #tpu.memory_space<vmem>>) dst(%dma_wait3A_302 : memref<64x16xf32, #tpu.memory_space<vmem_shared>>)
      tpu.yield
    }) : () -> ()
    %mul3A_36 = arith.constant 640 : i32
    %mul3A_37 = arith.muli %arg1, %mul3A_36 : i32
    %add3A_38 = arith.constant 192 : i32
    %add3A_39 = arith.addi %mul3A_37, %add3A_38 : i32
    "tpu.region"() ({
      %run_scoped3A = tpu.sem_alloc : memref<!tpu.dma_semaphore, #tpu.memory_space<semaphore_mem>>
      %dma_start3A_295 = arith.constant 0 : i32
      %dma_start3A_296 = tpu.memref_slice %arg19[%add3A_39, %dma_start3A_295] : memref<10240x16xf32, #tpu.memory_space<vmem_shared>> -> memref<64x16xf32, #tpu.memory_space<vmem_shared>>
      %dma_start3A_297 = arith.constant 0 : i32
      %dma_start3A_298 = tpu.memref_slice %arg19[%add3A_39, %dma_start3A_297] : memref<10240x16xf32, #tpu.memory_space<vmem_shared>> -> memref<64x16xf32, #tpu.memory_space<vmem_shared>>
      tpu.enqueue_dma source(%arg17 : memref<64x16xf32, #tpu.memory_space<vmem>>) target(%dma_start3A_298 : memref<64x16xf32, #tpu.memory_space<vmem_shared>>) target_semaphore(%run_scoped3A : memref<!tpu.dma_semaphore, #tpu.memory_space<semaphore_mem>>)
      %dma_wait3A_299 = arith.constant 0 : i32
      %dma_wait3A_300 = tpu.memref_slice %arg19[%add3A_39, %dma_wait3A_299] : memref<10240x16xf32, #tpu.memory_space<vmem_shared>> -> memref<64x16xf32, #tpu.memory_space<vmem_shared>>
      %dma_wait3A_301 = arith.constant 0 : i32
      %dma_wait3A_302 = tpu.memref_slice %arg19[%add3A_39, %dma_wait3A_301] : memref<10240x16xf32, #tpu.memory_space<vmem_shared>> -> memref<64x16xf32, #tpu.memory_space<vmem_shared>>
      tpu.wait_dma2 semaphore(%run_scoped3A : memref<!tpu.dma_semaphore, #tpu.memory_space<semaphore_mem>>) src(%arg17 : memref<64x16xf32, #tpu.memory_space<vmem>>) dst(%dma_wait3A_302 : memref<64x16xf32, #tpu.memory_space<vmem_shared>>)
      tpu.yield
    }) : () -> ()
    %mul3A_40 = arith.constant 640 : i32
    %mul3A_41 = arith.muli %arg1, %mul3A_40 : i32
    %add3A_42 = arith.constant 256 : i32
    %add3A_43 = arith.addi %mul3A_41, %add3A_42 : i32
    "tpu.region"() ({
      %run_scoped3A = tpu.sem_alloc : memref<!tpu.dma_semaphore, #tpu.memory_space<semaphore_mem>>
      %dma_start3A_295 = arith.constant 0 : i32
      %dma_start3A_296 = tpu.memref_slice %arg19[%add3A_43, %dma_start3A_295] : memref<10240x16xf32, #tpu.memory_space<vmem_shared>> -> memref<64x16xf32, #tpu.memory_space<vmem_shared>>
      %dma_start3A_297 = arith.constant 0 : i32
      %dma_start3A_298 = tpu.memref_slice %arg19[%add3A_43, %dma_start3A_297] : memref<10240x16xf32, #tpu.memory_space<vmem_shared>> -> memref<64x16xf32, #tpu.memory_space<vmem_shared>>
      tpu.enqueue_dma source(%arg17 : memref<64x16xf32, #tpu.memory_space<vmem>>) target(%dma_start3A_298 : memref<64x16xf32, #tpu.memory_space<vmem_shared>>) target_semaphore(%run_scoped3A : memref<!tpu.dma_semaphore, #tpu.memory_space<semaphore_mem>>)
      %dma_wait3A_299 = arith.constant 0 : i32
      %dma_wait3A_300 = tpu.memref_slice %arg19[%add3A_43, %dma_wait3A_299] : memref<10240x16xf32, #tpu.memory_space<vmem_shared>> -> memref<64x16xf32, #tpu.memory_space<vmem_shared>>
      %dma_wait3A_301 = arith.constant 0 : i32
      %dma_wait3A_302 = tpu.memref_slice %arg19[%add3A_43, %dma_wait3A_301] : memref<10240x16xf32, #tpu.memory_space<vmem_shared>> -> memref<64x16xf32, #tpu.memory_space<vmem_shared>>
      tpu.wait_dma2 semaphore(%run_scoped3A : memref<!tpu.dma_semaphore, #tpu.memory_space<semaphore_mem>>) src(%arg17 : memref<64x16xf32, #tpu.memory_space<vmem>>) dst(%dma_wait3A_302 : memref<64x16xf32, #tpu.memory_space<vmem_shared>>)
      tpu.yield
    }) : () -> ()
    %mul3A_44 = arith.constant 640 : i32
    %mul3A_45 = arith.muli %arg1, %mul3A_44 : i32
    %add3A_46 = arith.constant 320 : i32
    %add3A_47 = arith.addi %mul3A_45, %add3A_46 : i32
    "tpu.region"() ({
      %run_scoped3A = tpu.sem_alloc : memref<!tpu.dma_semaphore, #tpu.memory_space<semaphore_mem>>
      %dma_start3A_295 = arith.constant 0 : i32
      %dma_start3A_296 = tpu.memref_slice %arg19[%add3A_47, %dma_start3A_295] : memref<10240x16xf32, #tpu.memory_space<vmem_shared>> -> memref<64x16xf32, #tpu.memory_space<vmem_shared>>
      %dma_start3A_297 = arith.constant 0 : i32
      %dma_start3A_298 = tpu.memref_slice %arg19[%add3A_47, %dma_start3A_297] : memref<10240x16xf32, #tpu.memory_space<vmem_shared>> -> memref<64x16xf32, #tpu.memory_space<vmem_shared>>
      tpu.enqueue_dma source(%arg17 : memref<64x16xf32, #tpu.memory_space<vmem>>) target(%dma_start3A_298 : memref<64x16xf32, #tpu.memory_space<vmem_shared>>) target_semaphore(%run_scoped3A : memref<!tpu.dma_semaphore, #tpu.memory_space<semaphore_mem>>)
      %dma_wait3A_299 = arith.constant 0 : i32
      %dma_wait3A_300 = tpu.memref_slice %arg19[%add3A_47, %dma_wait3A_299] : memref<10240x16xf32, #tpu.memory_space<vmem_shared>> -> memref<64x16xf32, #tpu.memory_space<vmem_shared>>
      %dma_wait3A_301 = arith.constant 0 : i32
      %dma_wait3A_302 = tpu.memref_slice %arg19[%add3A_47, %dma_wait3A_301] : memref<10240x16xf32, #tpu.memory_space<vmem_shared>> -> memref<64x16xf32, #tpu.memory_space<vmem_shared>>
      tpu.wait_dma2 semaphore(%run_scoped3A : memref<!tpu.dma_semaphore, #tpu.memory_space<semaphore_mem>>) src(%arg17 : memref<64x16xf32, #tpu.memory_space<vmem>>) dst(%dma_wait3A_302 : memref<64x16xf32, #tpu.memory_space<vmem_shared>>)
      tpu.yield
    }) : () -> ()
    %mul3A_48 = arith.constant 640 : i32
    %mul3A_49 = arith.muli %arg1, %mul3A_48 : i32
    %add3A_50 = arith.constant 384 : i32
    %add3A_51 = arith.addi %mul3A_49, %add3A_50 : i32
    "tpu.region"() ({
      %run_scoped3A = tpu.sem_alloc : memref<!tpu.dma_semaphore, #tpu.memory_space<semaphore_mem>>
      %dma_start3A_295 = arith.constant 0 : i32
      %dma_start3A_296 = tpu.memref_slice %arg19[%add3A_51, %dma_start3A_295] : memref<10240x16xf32, #tpu.memory_space<vmem_shared>> -> memref<64x16xf32, #tpu.memory_space<vmem_shared>>
      %dma_start3A_297 = arith.constant 0 : i32
      %dma_start3A_298 = tpu.memref_slice %arg19[%add3A_51, %dma_start3A_297] : memref<10240x16xf32, #tpu.memory_space<vmem_shared>> -> memref<64x16xf32, #tpu.memory_space<vmem_shared>>
      tpu.enqueue_dma source(%arg17 : memref<64x16xf32, #tpu.memory_space<vmem>>) target(%dma_start3A_298 : memref<64x16xf32, #tpu.memory_space<vmem_shared>>) target_semaphore(%run_scoped3A : memref<!tpu.dma_semaphore, #tpu.memory_space<semaphore_mem>>)
      %dma_wait3A_299 = arith.constant 0 : i32
      %dma_wait3A_300 = tpu.memref_slice %arg19[%add3A_51, %dma_wait3A_299] : memref<10240x16xf32, #tpu.memory_space<vmem_shared>> -> memref<64x16xf32, #tpu.memory_space<vmem_shared>>
      %dma_wait3A_301 = arith.constant 0 : i32
      %dma_wait3A_302 = tpu.memref_slice %arg19[%add3A_51, %dma_wait3A_301] : memref<10240x16xf32, #tpu.memory_space<vmem_shared>> -> memref<64x16xf32, #tpu.memory_space<vmem_shared>>
      tpu.wait_dma2 semaphore(%run_scoped3A : memref<!tpu.dma_semaphore, #tpu.memory_space<semaphore_mem>>) src(%arg17 : memref<64x16xf32, #tpu.memory_space<vmem>>) dst(%dma_wait3A_302 : memref<64x16xf32, #tpu.memory_space<vmem_shared>>)
      tpu.yield
    }) : () -> ()
    %mul3A_52 = arith.constant 640 : i32
    %mul3A_53 = arith.muli %arg1, %mul3A_52 : i32
    %add3A_54 = arith.constant 448 : i32
    %add3A_55 = arith.addi %mul3A_53, %add3A_54 : i32
    "tpu.region"() ({
      %run_scoped3A = tpu.sem_alloc : memref<!tpu.dma_semaphore, #tpu.memory_space<semaphore_mem>>
      %dma_start3A_295 = arith.constant 0 : i32
      %dma_start3A_296 = tpu.memref_slice %arg19[%add3A_55, %dma_start3A_295] : memref<10240x16xf32, #tpu.memory_space<vmem_shared>> -> memref<64x16xf32, #tpu.memory_space<vmem_shared>>
      %dma_start3A_297 = arith.constant 0 : i32
      %dma_start3A_298 = tpu.memref_slice %arg19[%add3A_55, %dma_start3A_297] : memref<10240x16xf32, #tpu.memory_space<vmem_shared>> -> memref<64x16xf32, #tpu.memory_space<vmem_shared>>
      tpu.enqueue_dma source(%arg17 : memref<64x16xf32, #tpu.memory_space<vmem>>) target(%dma_start3A_298 : memref<64x16xf32, #tpu.memory_space<vmem_shared>>) target_semaphore(%run_scoped3A : memref<!tpu.dma_semaphore, #tpu.memory_space<semaphore_mem>>)
      %dma_wait3A_299 = arith.constant 0 : i32
      %dma_wait3A_300 = tpu.memref_slice %arg19[%add3A_55, %dma_wait3A_299] : memref<10240x16xf32, #tpu.memory_space<vmem_shared>> -> memref<64x16xf32, #tpu.memory_space<vmem_shared>>
      %dma_wait3A_301 = arith.constant 0 : i32
      %dma_wait3A_302 = tpu.memref_slice %arg19[%add3A_55, %dma_wait3A_301] : memref<10240x16xf32, #tpu.memory_space<vmem_shared>> -> memref<64x16xf32, #tpu.memory_space<vmem_shared>>
      tpu.wait_dma2 semaphore(%run_scoped3A : memref<!tpu.dma_semaphore, #tpu.memory_space<semaphore_mem>>) src(%arg17 : memref<64x16xf32, #tpu.memory_space<vmem>>) dst(%dma_wait3A_302 : memref<64x16xf32, #tpu.memory_space<vmem_shared>>)
      tpu.yield
    }) : () -> ()
    %mul3A_56 = arith.constant 640 : i32
    %mul3A_57 = arith.muli %arg1, %mul3A_56 : i32
    %add3A_58 = arith.constant 512 : i32
    %add3A_59 = arith.addi %mul3A_57, %add3A_58 : i32
    "tpu.region"() ({
      %run_scoped3A = tpu.sem_alloc : memref<!tpu.dma_semaphore, #tpu.memory_space<semaphore_mem>>
      %dma_start3A_295 = arith.constant 0 : i32
      %dma_start3A_296 = tpu.memref_slice %arg19[%add3A_59, %dma_start3A_295] : memref<10240x16xf32, #tpu.memory_space<vmem_shared>> -> memref<64x16xf32, #tpu.memory_space<vmem_shared>>
      %dma_start3A_297 = arith.constant 0 : i32
      %dma_start3A_298 = tpu.memref_slice %arg19[%add3A_59, %dma_start3A_297] : memref<10240x16xf32, #tpu.memory_space<vmem_shared>> -> memref<64x16xf32, #tpu.memory_space<vmem_shared>>
      tpu.enqueue_dma source(%arg17 : memref<64x16xf32, #tpu.memory_space<vmem>>) target(%dma_start3A_298 : memref<64x16xf32, #tpu.memory_space<vmem_shared>>) target_semaphore(%run_scoped3A : memref<!tpu.dma_semaphore, #tpu.memory_space<semaphore_mem>>)
      %dma_wait3A_299 = arith.constant 0 : i32
      %dma_wait3A_300 = tpu.memref_slice %arg19[%add3A_59, %dma_wait3A_299] : memref<10240x16xf32, #tpu.memory_space<vmem_shared>> -> memref<64x16xf32, #tpu.memory_space<vmem_shared>>
      %dma_wait3A_301 = arith.constant 0 : i32
      %dma_wait3A_302 = tpu.memref_slice %arg19[%add3A_59, %dma_wait3A_301] : memref<10240x16xf32, #tpu.memory_space<vmem_shared>> -> memref<64x16xf32, #tpu.memory_space<vmem_shared>>
      tpu.wait_dma2 semaphore(%run_scoped3A : memref<!tpu.dma_semaphore, #tpu.memory_space<semaphore_mem>>) src(%arg17 : memref<64x16xf32, #tpu.memory_space<vmem>>) dst(%dma_wait3A_302 : memref<64x16xf32, #tpu.memory_space<vmem_shared>>)
      tpu.yield
    }) : () -> ()
    %mul3A_60 = arith.constant 640 : i32
    %mul3A_61 = arith.muli %arg1, %mul3A_60 : i32
    %add3A_62 = arith.constant 576 : i32
    %add3A_63 = arith.addi %mul3A_61, %add3A_62 : i32
    "tpu.region"() ({
      %run_scoped3A = tpu.sem_alloc : memref<!tpu.dma_semaphore, #tpu.memory_space<semaphore_mem>>
      %dma_start3A_295 = arith.constant 0 : i32
      %dma_start3A_296 = tpu.memref_slice %arg19[%add3A_63, %dma_start3A_295] : memref<10240x16xf32, #tpu.memory_space<vmem_shared>> -> memref<64x16xf32, #tpu.memory_space<vmem_shared>>
      %dma_start3A_297 = arith.constant 0 : i32
      %dma_start3A_298 = tpu.memref_slice %arg19[%add3A_63, %dma_start3A_297] : memref<10240x16xf32, #tpu.memory_space<vmem_shared>> -> memref<64x16xf32, #tpu.memory_space<vmem_shared>>
      tpu.enqueue_dma source(%arg17 : memref<64x16xf32, #tpu.memory_space<vmem>>) target(%dma_start3A_298 : memref<64x16xf32, #tpu.memory_space<vmem_shared>>) target_semaphore(%run_scoped3A : memref<!tpu.dma_semaphore, #tpu.memory_space<semaphore_mem>>)
      %dma_wait3A_299 = arith.constant 0 : i32
      %dma_wait3A_300 = tpu.memref_slice %arg19[%add3A_63, %dma_wait3A_299] : memref<10240x16xf32, #tpu.memory_space<vmem_shared>> -> memref<64x16xf32, #tpu.memory_space<vmem_shared>>
      %dma_wait3A_301 = arith.constant 0 : i32
      %dma_wait3A_302 = tpu.memref_slice %arg19[%add3A_63, %dma_wait3A_301] : memref<10240x16xf32, #tpu.memory_space<vmem_shared>> -> memref<64x16xf32, #tpu.memory_space<vmem_shared>>
      tpu.wait_dma2 semaphore(%run_scoped3A : memref<!tpu.dma_semaphore, #tpu.memory_space<semaphore_mem>>) src(%arg17 : memref<64x16xf32, #tpu.memory_space<vmem>>) dst(%dma_wait3A_302 : memref<64x16xf32, #tpu.memory_space<vmem_shared>>)
      tpu.yield
    }) : () -> ()
    %barrier3A = arith.constant 0 : index
    tpu.barrier barrier_id(%barrier3A)
    %rem3A = arith.constant 0 : i32
    %rem3A_64 = arith.constant 3 : i32
    %rem3A_65 = arith.remsi %rem3A, %rem3A_64 : i32
    %dma_start3A = arith.constant 0 : i32
    %dma_start3A_66 = arith.constant 0 : i32
    %dma_start3A_67 = tpu.memref_slice %arg6[%rem3A_65, %dma_start3A_66] : memref<3x1024xi32, #tpu.memory_space<vmem>> -> memref<1x1024xi32, #tpu.memory_space<vmem>>
    %dma_start3A_68 = tpu.memref_squeeze %dma_start3A_67 : memref<1x1024xi32, #tpu.memory_space<vmem>> -> memref<1024xi32, #tpu.memory_space<vmem>>
    %dma_start3A_69 = arith.constant 0 : i32
    %dma_start3A_70 = tpu.memref_slice %arg3[%dma_start3A, %arg1, %dma_start3A_69] : memref<2x16x20480xi32, #tpu.memory_space<hbm>> -> memref<1x1x20480xi32, #tpu.memory_space<hbm>>
    %dma_start3A_71 = tpu.memref_squeeze %dma_start3A_70 : memref<1x1x20480xi32, #tpu.memory_space<hbm>> -> memref<20480xi32, #tpu.memory_space<hbm>>
    %dma_start3A_72 = arith.constant 0 : i32
    %dma_start3A_73 = tpu.memref_slice %dma_start3A_71[%dma_start3A_72] : memref<20480xi32, #tpu.memory_space<hbm>> -> memref<1024xi32, #tpu.memory_space<hbm>>
    %dma_start3A_74 = arith.constant 0 : i32
    %dma_start3A_75 = tpu.memref_slice %arg6[%rem3A_65, %dma_start3A_74] : memref<3x1024xi32, #tpu.memory_space<vmem>> -> memref<1x1024xi32, #tpu.memory_space<vmem>>
    %dma_start3A_76 = tpu.memref_squeeze %dma_start3A_75 : memref<1x1024xi32, #tpu.memory_space<vmem>> -> memref<1024xi32, #tpu.memory_space<vmem>>
    %dma_start3A_77 = arith.constant 0 : i32
    %dma_start3A_78 = tpu.memref_slice %arg3[%dma_start3A, %arg1, %dma_start3A_77] : memref<2x16x20480xi32, #tpu.memory_space<hbm>> -> memref<1x1x20480xi32, #tpu.memory_space<hbm>>
    %dma_start3A_79 = tpu.memref_squeeze %dma_start3A_78 : memref<1x1x20480xi32, #tpu.memory_space<hbm>> -> memref<20480xi32, #tpu.memory_space<hbm>>
    %dma_start3A_80 = arith.constant 0 : i32
    %dma_start3A_81 = tpu.memref_slice %dma_start3A_79[%dma_start3A_80] : memref<20480xi32, #tpu.memory_space<hbm>> -> memref<1024xi32, #tpu.memory_space<hbm>>
    tpu.enqueue_dma source(%dma_start3A_81 : memref<1024xi32, #tpu.memory_space<hbm>>) target(%dma_start3A_76 : memref<1024xi32, #tpu.memory_space<vmem>>) target_semaphore(%arg36 : memref<!tpu.dma_semaphore, #tpu.memory_space<semaphore_mem>>)
    %dma_start3A_82 = arith.constant 1 : i32
    %dma_start3A_83 = arith.constant 0 : i32
    %dma_start3A_84 = tpu.memref_slice %arg7[%rem3A_65, %dma_start3A_83] : memref<3x1024xi32, #tpu.memory_space<vmem>> -> memref<1x1024xi32, #tpu.memory_space<vmem>>
    %dma_start3A_85 = tpu.memref_squeeze %dma_start3A_84 : memref<1x1024xi32, #tpu.memory_space<vmem>> -> memref<1024xi32, #tpu.memory_space<vmem>>
    %dma_start3A_86 = arith.constant 0 : i32
    %dma_start3A_87 = tpu.memref_slice %arg3[%dma_start3A_82, %arg1, %dma_start3A_86] : memref<2x16x20480xi32, #tpu.memory_space<hbm>> -> memref<1x1x20480xi32, #tpu.memory_space<hbm>>
    %dma_start3A_88 = tpu.memref_squeeze %dma_start3A_87 : memref<1x1x20480xi32, #tpu.memory_space<hbm>> -> memref<20480xi32, #tpu.memory_space<hbm>>
    %dma_start3A_89 = arith.constant 0 : i32
    %dma_start3A_90 = tpu.memref_slice %dma_start3A_88[%dma_start3A_89] : memref<20480xi32, #tpu.memory_space<hbm>> -> memref<1024xi32, #tpu.memory_space<hbm>>
    %dma_start3A_91 = arith.constant 0 : i32
    %dma_start3A_92 = tpu.memref_slice %arg7[%rem3A_65, %dma_start3A_91] : memref<3x1024xi32, #tpu.memory_space<vmem>> -> memref<1x1024xi32, #tpu.memory_space<vmem>>
    %dma_start3A_93 = tpu.memref_squeeze %dma_start3A_92 : memref<1x1024xi32, #tpu.memory_space<vmem>> -> memref<1024xi32, #tpu.memory_space<vmem>>
    %dma_start3A_94 = arith.constant 0 : i32
    %dma_start3A_95 = tpu.memref_slice %arg3[%dma_start3A_82, %arg1, %dma_start3A_94] : memref<2x16x20480xi32, #tpu.memory_space<hbm>> -> memref<1x1x20480xi32, #tpu.memory_space<hbm>>
    %dma_start3A_96 = tpu.memref_squeeze %dma_start3A_95 : memref<1x1x20480xi32, #tpu.memory_space<hbm>> -> memref<20480xi32, #tpu.memory_space<hbm>>
    %dma_start3A_97 = arith.constant 0 : i32
    %dma_start3A_98 = tpu.memref_slice %dma_start3A_96[%dma_start3A_97] : memref<20480xi32, #tpu.memory_space<hbm>> -> memref<1024xi32, #tpu.memory_space<hbm>>
    tpu.enqueue_dma source(%dma_start3A_98 : memref<1024xi32, #tpu.memory_space<hbm>>) target(%dma_start3A_93 : memref<1024xi32, #tpu.memory_space<vmem>>) target_semaphore(%arg36 : memref<!tpu.dma_semaphore, #tpu.memory_space<semaphore_mem>>)
    %dma_wait3A = arith.constant 0 : i32
    %dma_wait3A_99 = arith.constant 0 : i32
    %dma_wait3A_100 = arith.constant 0 : i32
    %dma_wait3A_101 = tpu.memref_slice %arg6[%dma_wait3A_99, %dma_wait3A_100] : memref<3x1024xi32, #tpu.memory_space<vmem>> -> memref<1x1024xi32, #tpu.memory_space<vmem>>
    %dma_wait3A_102 = tpu.memref_squeeze %dma_wait3A_101 : memref<1x1024xi32, #tpu.memory_space<vmem>> -> memref<1024xi32, #tpu.memory_space<vmem>>
    %dma_wait3A_103 = arith.constant 0 : i32
    %dma_wait3A_104 = tpu.memref_slice %arg3[%dma_wait3A, %arg1, %dma_wait3A_103] : memref<2x16x20480xi32, #tpu.memory_space<hbm>> -> memref<1x1x20480xi32, #tpu.memory_space<hbm>>
    %dma_wait3A_105 = tpu.memref_squeeze %dma_wait3A_104 : memref<1x1x20480xi32, #tpu.memory_space<hbm>> -> memref<20480xi32, #tpu.memory_space<hbm>>
    %dma_wait3A_106 = arith.constant 0 : i32
    %dma_wait3A_107 = tpu.memref_slice %dma_wait3A_105[%dma_wait3A_106] : memref<20480xi32, #tpu.memory_space<hbm>> -> memref<1024xi32, #tpu.memory_space<hbm>>
    %dma_wait3A_108 = arith.constant 0 : i32
    %dma_wait3A_109 = tpu.memref_slice %arg6[%dma_wait3A_99, %dma_wait3A_108] : memref<3x1024xi32, #tpu.memory_space<vmem>> -> memref<1x1024xi32, #tpu.memory_space<vmem>>
    %dma_wait3A_110 = tpu.memref_squeeze %dma_wait3A_109 : memref<1x1024xi32, #tpu.memory_space<vmem>> -> memref<1024xi32, #tpu.memory_space<vmem>>
    %dma_wait3A_111 = arith.constant 0 : i32
    %dma_wait3A_112 = tpu.memref_slice %arg3[%dma_wait3A, %arg1, %dma_wait3A_111] : memref<2x16x20480xi32, #tpu.memory_space<hbm>> -> memref<1x1x20480xi32, #tpu.memory_space<hbm>>
    %dma_wait3A_113 = tpu.memref_squeeze %dma_wait3A_112 : memref<1x1x20480xi32, #tpu.memory_space<hbm>> -> memref<20480xi32, #tpu.memory_space<hbm>>
    %dma_wait3A_114 = arith.constant 0 : i32
    %dma_wait3A_115 = tpu.memref_slice %dma_wait3A_113[%dma_wait3A_114] : memref<20480xi32, #tpu.memory_space<hbm>> -> memref<1024xi32, #tpu.memory_space<hbm>>
    tpu.wait_dma2 semaphore(%arg36 : memref<!tpu.dma_semaphore, #tpu.memory_space<semaphore_mem>>) src(%dma_wait3A_115 : memref<1024xi32, #tpu.memory_space<hbm>>) dst(%dma_wait3A_110 : memref<1024xi32, #tpu.memory_space<vmem>>)
    %dma_wait3A_116 = arith.constant 1 : i32
    %dma_wait3A_117 = arith.constant 0 : i32
    %dma_wait3A_118 = arith.constant 0 : i32
    %dma_wait3A_119 = tpu.memref_slice %arg7[%dma_wait3A_117, %dma_wait3A_118] : memref<3x1024xi32, #tpu.memory_space<vmem>> -> memref<1x1024xi32, #tpu.memory_space<vmem>>
    %dma_wait3A_120 = tpu.memref_squeeze %dma_wait3A_119 : memref<1x1024xi32, #tpu.memory_space<vmem>> -> memref<1024xi32, #tpu.memory_space<vmem>>
    %dma_wait3A_121 = arith.constant 0 : i32
    %dma_wait3A_122 = tpu.memref_slice %arg3[%dma_wait3A_116, %arg1, %dma_wait3A_121] : memref<2x16x20480xi32, #tpu.memory_space<hbm>> -> memref<1x1x20480xi32, #tpu.memory_space<hbm>>
    %dma_wait3A_123 = tpu.memref_squeeze %dma_wait3A_122 : memref<1x1x20480xi32, #tpu.memory_space<hbm>> -> memref<20480xi32, #tpu.memory_space<hbm>>
    %dma_wait3A_124 = arith.constant 0 : i32
    %dma_wait3A_125 = tpu.memref_slice %dma_wait3A_123[%dma_wait3A_124] : memref<20480xi32, #tpu.memory_space<hbm>> -> memref<1024xi32, #tpu.memory_space<hbm>>
    %dma_wait3A_126 = arith.constant 0 : i32
    %dma_wait3A_127 = tpu.memref_slice %arg7[%dma_wait3A_117, %dma_wait3A_126] : memref<3x1024xi32, #tpu.memory_space<vmem>> -> memref<1x1024xi32, #tpu.memory_space<vmem>>
    %dma_wait3A_128 = tpu.memref_squeeze %dma_wait3A_127 : memref<1x1024xi32, #tpu.memory_space<vmem>> -> memref<1024xi32, #tpu.memory_space<vmem>>
    %dma_wait3A_129 = arith.constant 0 : i32
    %dma_wait3A_130 = tpu.memref_slice %arg3[%dma_wait3A_116, %arg1, %dma_wait3A_129] : memref<2x16x20480xi32, #tpu.memory_space<hbm>> -> memref<1x1x20480xi32, #tpu.memory_space<hbm>>
    %dma_wait3A_131 = tpu.memref_squeeze %dma_wait3A_130 : memref<1x1x20480xi32, #tpu.memory_space<hbm>> -> memref<20480xi32, #tpu.memory_space<hbm>>
    %dma_wait3A_132 = arith.constant 0 : i32
    %dma_wait3A_133 = tpu.memref_slice %dma_wait3A_131[%dma_wait3A_132] : memref<20480xi32, #tpu.memory_space<hbm>> -> memref<1024xi32, #tpu.memory_space<hbm>>
    tpu.wait_dma2 semaphore(%arg36 : memref<!tpu.dma_semaphore, #tpu.memory_space<semaphore_mem>>) src(%dma_wait3A_133 : memref<1024xi32, #tpu.memory_space<hbm>>) dst(%dma_wait3A_128 : memref<1024xi32, #tpu.memory_space<vmem>>)
    %rem3A_134 = arith.constant 1 : i32
    %rem3A_135 = arith.constant 3 : i32
    %rem3A_136 = arith.remsi %rem3A_134, %rem3A_135 : i32
    %dma_start3A_137 = arith.constant 0 : i32
    %dma_start3A_138 = arith.constant 0 : i32
    %dma_start3A_139 = tpu.memref_slice %arg6[%rem3A_136, %dma_start3A_138] : memref<3x1024xi32, #tpu.memory_space<vmem>> -> memref<1x1024xi32, #tpu.memory_space<vmem>>
    %dma_start3A_140 = tpu.memref_squeeze %dma_start3A_139 : memref<1x1024xi32, #tpu.memory_space<vmem>> -> memref<1024xi32, #tpu.memory_space<vmem>>
    %dma_start3A_141 = arith.constant 0 : i32
    %dma_start3A_142 = tpu.memref_slice %arg3[%dma_start3A_137, %arg1, %dma_start3A_141] : memref<2x16x20480xi32, #tpu.memory_space<hbm>> -> memref<1x1x20480xi32, #tpu.memory_space<hbm>>
    %dma_start3A_143 = tpu.memref_squeeze %dma_start3A_142 : memref<1x1x20480xi32, #tpu.memory_space<hbm>> -> memref<20480xi32, #tpu.memory_space<hbm>>
    %dma_start3A_144 = arith.constant 1024 : i32
    %dma_start3A_145 = tpu.memref_slice %dma_start3A_143[%dma_start3A_144] : memref<20480xi32, #tpu.memory_space<hbm>> -> memref<1024xi32, #tpu.memory_space<hbm>>
    %dma_start3A_146 = arith.constant 0 : i32
    %dma_start3A_147 = tpu.memref_slice %arg6[%rem3A_136, %dma_start3A_146] : memref<3x1024xi32, #tpu.memory_space<vmem>> -> memref<1x1024xi32, #tpu.memory_space<vmem>>
    %dma_start3A_148 = tpu.memref_squeeze %dma_start3A_147 : memref<1x1024xi32, #tpu.memory_space<vmem>> -> memref<1024xi32, #tpu.memory_space<vmem>>
    %dma_start3A_149 = arith.constant 0 : i32
    %dma_start3A_150 = tpu.memref_slice %arg3[%dma_start3A_137, %arg1, %dma_start3A_149] : memref<2x16x20480xi32, #tpu.memory_space<hbm>> -> memref<1x1x20480xi32, #tpu.memory_space<hbm>>
    %dma_start3A_151 = tpu.memref_squeeze %dma_start3A_150 : memref<1x1x20480xi32, #tpu.memory_space<hbm>> -> memref<20480xi32, #tpu.memory_space<hbm>>
    %dma_start3A_152 = arith.constant 1024 : i32
    %dma_start3A_153 = tpu.memref_slice %dma_start3A_151[%dma_start3A_152] : memref<20480xi32, #tpu.memory_space<hbm>> -> memref<1024xi32, #tpu.memory_space<hbm>>
    tpu.enqueue_dma source(%dma_start3A_153 : memref<1024xi32, #tpu.memory_space<hbm>>) target(%dma_start3A_148 : memref<1024xi32, #tpu.memory_space<vmem>>) target_semaphore(%arg36 : memref<!tpu.dma_semaphore, #tpu.memory_space<semaphore_mem>>)
    %dma_start3A_154 = arith.constant 1 : i32
    %dma_start3A_155 = arith.constant 0 : i32
    %dma_start3A_156 = tpu.memref_slice %arg7[%rem3A_136, %dma_start3A_155] : memref<3x1024xi32, #tpu.memory_space<vmem>> -> memref<1x1024xi32, #tpu.memory_space<vmem>>
    %dma_start3A_157 = tpu.memref_squeeze %dma_start3A_156 : memref<1x1024xi32, #tpu.memory_space<vmem>> -> memref<1024xi32, #tpu.memory_space<vmem>>
    %dma_start3A_158 = arith.constant 0 : i32
    %dma_start3A_159 = tpu.memref_slice %arg3[%dma_start3A_154, %arg1, %dma_start3A_158] : memref<2x16x20480xi32, #tpu.memory_space<hbm>> -> memref<1x1x20480xi32, #tpu.memory_space<hbm>>
    %dma_start3A_160 = tpu.memref_squeeze %dma_start3A_159 : memref<1x1x20480xi32, #tpu.memory_space<hbm>> -> memref<20480xi32, #tpu.memory_space<hbm>>
    %dma_start3A_161 = arith.constant 1024 : i32
    %dma_start3A_162 = tpu.memref_slice %dma_start3A_160[%dma_start3A_161] : memref<20480xi32, #tpu.memory_space<hbm>> -> memref<1024xi32, #tpu.memory_space<hbm>>
    %dma_start3A_163 = arith.constant 0 : i32
    %dma_start3A_164 = tpu.memref_slice %arg7[%rem3A_136, %dma_start3A_163] : memref<3x1024xi32, #tpu.memory_space<vmem>> -> memref<1x1024xi32, #tpu.memory_space<vmem>>
    %dma_start3A_165 = tpu.memref_squeeze %dma_start3A_164 : memref<1x1024xi32, #tpu.memory_space<vmem>> -> memref<1024xi32, #tpu.memory_space<vmem>>
    %dma_start3A_166 = arith.constant 0 : i32
    %dma_start3A_167 = tpu.memref_slice %arg3[%dma_start3A_154, %arg1, %dma_start3A_166] : memref<2x16x20480xi32, #tpu.memory_space<hbm>> -> memref<1x1x20480xi32, #tpu.memory_space<hbm>>
    %dma_start3A_168 = tpu.memref_squeeze %dma_start3A_167 : memref<1x1x20480xi32, #tpu.memory_space<hbm>> -> memref<20480xi32, #tpu.memory_space<hbm>>
    %dma_start3A_169 = arith.constant 1024 : i32
    %dma_start3A_170 = tpu.memref_slice %dma_start3A_168[%dma_start3A_169] : memref<20480xi32, #tpu.memory_space<hbm>> -> memref<1024xi32, #tpu.memory_space<hbm>>
    tpu.enqueue_dma source(%dma_start3A_170 : memref<1024xi32, #tpu.memory_space<hbm>>) target(%dma_start3A_165 : memref<1024xi32, #tpu.memory_space<vmem>>) target_semaphore(%arg36 : memref<!tpu.dma_semaphore, #tpu.memory_space<semaphore_mem>>)
    %rem3A_171 = arith.constant 0 : i32
    %rem3A_172 = arith.constant 3 : i32
    %rem3A_173 = arith.remsi %rem3A_171, %rem3A_172 : i32
    %dma_start3A_174 = arith.constant 0 : i32
    %dma_start3A_175 = tpu.memref_slice %arg6[%rem3A_173, %dma_start3A_174] : memref<3x1024xi32, #tpu.memory_space<vmem>> -> memref<1x128xi32, #tpu.memory_space<vmem>>
    %dma_start3A_176 = tpu.memref_squeeze %dma_start3A_175 : memref<1x128xi32, #tpu.memory_space<vmem>> -> memref<128xi32, #tpu.memory_space<vmem>>
    %dma_start3A_177 = arith.constant 0 : i32
    %dma_start3A_178 = arith.constant 0 : i32
    %dma_start3A_179 = tpu.memref_slice %arg2[%arg0, %dma_start3A_177, %dma_start3A_178] : memref<2x10240x64xf32, #tpu.memory_space<hbm>> -> memref<1x10240x64xf32, #tpu.memory_space<hbm>>
    %dma_start3A_180 = tpu.memref_squeeze %dma_start3A_179 : memref<1x10240x64xf32, #tpu.memory_space<hbm>> -> memref<10240x64xf32, #tpu.memory_space<hbm>>
    %dma_start3A_181 = arith.constant 0 : i32
    %dma_start3A_182 = arith.constant 0 : i32
    %dma_start3A_183 = tpu.memref_slice %dma_start3A_180[%dma_start3A_181, %dma_start3A_182] : memref<10240x64xf32, #tpu.memory_space<hbm>> -> memref<10240x64xf32, #tpu.memory_space<hbm>>
    tpu.enqueue_indirect_dma source(%dma_start3A_183 : memref<10240x64xf32, #tpu.memory_space<hbm>>) target(%arg8 : memref<128x64xf32, #tpu.memory_space<vmem>>) offsets(%dma_start3A_176 : memref<128xi32, #tpu.memory_space<vmem>>) semaphore(%arg20 : memref<!tpu.dma_semaphore, #tpu.memory_space<semaphore_mem>>)
    %dma_start3A_184 = arith.constant 128 : i32
    %dma_start3A_185 = tpu.memref_slice %arg6[%rem3A_173, %dma_start3A_184] : memref<3x1024xi32, #tpu.memory_space<vmem>> -> memref<1x128xi32, #tpu.memory_space<vmem>>
    %dma_start3A_186 = tpu.memref_squeeze %dma_start3A_185 : memref<1x128xi32, #tpu.memory_space<vmem>> -> memref<128xi32, #tpu.memory_space<vmem>>
    %dma_start3A_187 = arith.constant 0 : i32
    %dma_start3A_188 = arith.constant 0 : i32
    %dma_start3A_189 = tpu.memref_slice %arg2[%arg0, %dma_start3A_187, %dma_start3A_188] : memref<2x10240x64xf32, #tpu.memory_space<hbm>> -> memref<1x10240x64xf32, #tpu.memory_space<hbm>>
    %dma_start3A_190 = tpu.memref_squeeze %dma_start3A_189 : memref<1x10240x64xf32, #tpu.memory_space<hbm>> -> memref<10240x64xf32, #tpu.memory_space<hbm>>
    %dma_start3A_191 = arith.constant 0 : i32
    %dma_start3A_192 = arith.constant 0 : i32
    %dma_start3A_193 = tpu.memref_slice %dma_start3A_190[%dma_start3A_191, %dma_start3A_192] : memref<10240x64xf32, #tpu.memory_space<hbm>> -> memref<10240x64xf32, #tpu.memory_space<hbm>>
    tpu.enqueue_indirect_dma source(%dma_start3A_193 : memref<10240x64xf32, #tpu.memory_space<hbm>>) target(%arg9 : memref<128x64xf32, #tpu.memory_space<vmem>>) offsets(%dma_start3A_186 : memref<128xi32, #tpu.memory_space<vmem>>) semaphore(%arg21 : memref<!tpu.dma_semaphore, #tpu.memory_space<semaphore_mem>>)
    %dma_start3A_194 = arith.constant 256 : i32
    %dma_start3A_195 = tpu.memref_slice %arg6[%rem3A_173, %dma_start3A_194] : memref<3x1024xi32, #tpu.memory_space<vmem>> -> memref<1x128xi32, #tpu.memory_space<vmem>>
    %dma_start3A_196 = tpu.memref_squeeze %dma_start3A_195 : memref<1x128xi32, #tpu.memory_space<vmem>> -> memref<128xi32, #tpu.memory_space<vmem>>
    %dma_start3A_197 = arith.constant 0 : i32
    %dma_start3A_198 = arith.constant 0 : i32
    %dma_start3A_199 = tpu.memref_slice %arg2[%arg0, %dma_start3A_197, %dma_start3A_198] : memref<2x10240x64xf32, #tpu.memory_space<hbm>> -> memref<1x10240x64xf32, #tpu.memory_space<hbm>>
    %dma_start3A_200 = tpu.memref_squeeze %dma_start3A_199 : memref<1x10240x64xf32, #tpu.memory_space<hbm>> -> memref<10240x64xf32, #tpu.memory_space<hbm>>
    %dma_start3A_201 = arith.constant 0 : i32
    %dma_start3A_202 = arith.constant 0 : i32
    %dma_start3A_203 = tpu.memref_slice %dma_start3A_200[%dma_start3A_201, %dma_start3A_202] : memref<10240x64xf32, #tpu.memory_space<hbm>> -> memref<10240x64xf32, #tpu.memory_space<hbm>>
    tpu.enqueue_indirect_dma source(%dma_start3A_203 : memref<10240x64xf32, #tpu.memory_space<hbm>>) target(%arg10 : memref<128x64xf32, #tpu.memory_space<vmem>>) offsets(%dma_start3A_196 : memref<128xi32, #tpu.memory_space<vmem>>) semaphore(%arg22 : memref<!tpu.dma_semaphore, #tpu.memory_space<semaphore_mem>>)
    %dma_start3A_204 = arith.constant 384 : i32
    %dma_start3A_205 = tpu.memref_slice %arg6[%rem3A_173, %dma_start3A_204] : memref<3x1024xi32, #tpu.memory_space<vmem>> -> memref<1x128xi32, #tpu.memory_space<vmem>>
    %dma_start3A_206 = tpu.memref_squeeze %dma_start3A_205 : memref<1x128xi32, #tpu.memory_space<vmem>> -> memref<128xi32, #tpu.memory_space<vmem>>
    %dma_start3A_207 = arith.constant 0 : i32
    %dma_start3A_208 = arith.constant 0 : i32
    %dma_start3A_209 = tpu.memref_slice %arg2[%arg0, %dma_start3A_207, %dma_start3A_208] : memref<2x10240x64xf32, #tpu.memory_space<hbm>> -> memref<1x10240x64xf32, #tpu.memory_space<hbm>>
    %dma_start3A_210 = tpu.memref_squeeze %dma_start3A_209 : memref<1x10240x64xf32, #tpu.memory_space<hbm>> -> memref<10240x64xf32, #tpu.memory_space<hbm>>
    %dma_start3A_211 = arith.constant 0 : i32
    %dma_start3A_212 = arith.constant 0 : i32
    %dma_start3A_213 = tpu.memref_slice %dma_start3A_210[%dma_start3A_211, %dma_start3A_212] : memref<10240x64xf32, #tpu.memory_space<hbm>> -> memref<10240x64xf32, #tpu.memory_space<hbm>>
    tpu.enqueue_indirect_dma source(%dma_start3A_213 : memref<10240x64xf32, #tpu.memory_space<hbm>>) target(%arg11 : memref<128x64xf32, #tpu.memory_space<vmem>>) offsets(%dma_start3A_206 : memref<128xi32, #tpu.memory_space<vmem>>) semaphore(%arg23 : memref<!tpu.dma_semaphore, #tpu.memory_space<semaphore_mem>>)
    %scan3A_214 = arith.constant 0 : i32
    %scan3A_215 = arith.constant 1 : i32
    %scan3A_216 = arith.constant 0 : i32
    %scan3A_217 = arith.constant 0 : i32
    %scan3A_218 = arith.constant 20 : i32
    %scan3A_219 = arith.addi %scan3A_217, %scan3A_218 : i32
    %scan3A_220 = arith.constant 1 : i32
    %scan3A_221 = scf.for %scan3A_295 = %scan3A_217 to %scan3A_219 step %scan3A_220 iter_args(%scan3A_296 = %scan3A_216) -> (i32)  : i32 {
      %rem3A_297 = arith.constant 3 : i32
      %rem3A_298 = arith.remsi %scan3A_295, %rem3A_297 : i32
      %add3A_299 = arith.constant 1 : i32
      %add3A_300 = arith.addi %scan3A_295, %add3A_299 : i32
      %rem3A_301 = arith.constant 3 : i32
      %rem3A_302 = arith.remsi %add3A_300, %rem3A_301 : i32
      %add3A_303 = arith.constant 1 : i32
      %add3A_304 = arith.addi %scan3A_295, %add3A_303 : i32
      %lt3A = arith.constant 20 : i32
      %lt3A_305 = arith.cmpi slt, %add3A_304, %lt3A : i32
      %convert_element_type3A_306 = arith.extui %lt3A_305 : i1 to i32
      %cond3A_307 = arith.constant 0 : i32
      %cond3A_308 = arith.cmpi ne, %convert_element_type3A_306, %cond3A_307 : i32
      scf.if %cond3A_308 {
        %dma_wait3A_648 = arith.constant 0 : i32
        %dma_wait3A_649 = arith.constant 0 : i32
        %dma_wait3A_650 = tpu.memref_slice %arg6[%dma_wait3A_648, %dma_wait3A_649] : memref<3x1024xi32, #tpu.memory_space<vmem>> -> memref<1x1024xi32, #tpu.memory_space<vmem>>
        %dma_wait3A_651 = tpu.memref_squeeze %dma_wait3A_650 : memref<1x1024xi32, #tpu.memory_space<vmem>> -> memref<1024xi32, #tpu.memory_space<vmem>>
        %dma_wait3A_652 = arith.constant 0 : i32
        %dma_wait3A_653 = tpu.memref_slice %arg3[%scan3A_214, %arg1, %dma_wait3A_652] : memref<2x16x20480xi32, #tpu.memory_space<hbm>> -> memref<1x1x20480xi32, #tpu.memory_space<hbm>>
        %dma_wait3A_654 = tpu.memref_squeeze %dma_wait3A_653 : memref<1x1x20480xi32, #tpu.memory_space<hbm>> -> memref<20480xi32, #tpu.memory_space<hbm>>
        %dma_wait3A_655 = arith.constant 0 : i32
        %dma_wait3A_656 = tpu.memref_slice %dma_wait3A_654[%dma_wait3A_655] : memref<20480xi32, #tpu.memory_space<hbm>> -> memref<1024xi32, #tpu.memory_space<hbm>>
        %dma_wait3A_657 = arith.constant 0 : i32
        %dma_wait3A_658 = tpu.memref_slice %arg6[%dma_wait3A_648, %dma_wait3A_657] : memref<3x1024xi32, #tpu.memory_space<vmem>> -> memref<1x1024xi32, #tpu.memory_space<vmem>>
        %dma_wait3A_659 = tpu.memref_squeeze %dma_wait3A_658 : memref<1x1024xi32, #tpu.memory_space<vmem>> -> memref<1024xi32, #tpu.memory_space<vmem>>
        %dma_wait3A_660 = arith.constant 0 : i32
        %dma_wait3A_661 = tpu.memref_slice %arg3[%scan3A_214, %arg1, %dma_wait3A_660] : memref<2x16x20480xi32, #tpu.memory_space<hbm>> -> memref<1x1x20480xi32, #tpu.memory_space<hbm>>
        %dma_wait3A_662 = tpu.memref_squeeze %dma_wait3A_661 : memref<1x1x20480xi32, #tpu.memory_space<hbm>> -> memref<20480xi32, #tpu.memory_space<hbm>>
        %dma_wait3A_663 = arith.constant 0 : i32
        %dma_wait3A_664 = tpu.memref_slice %dma_wait3A_662[%dma_wait3A_663] : memref<20480xi32, #tpu.memory_space<hbm>> -> memref<1024xi32, #tpu.memory_space<hbm>>
        tpu.wait_dma2 semaphore(%arg36 : memref<!tpu.dma_semaphore, #tpu.memory_space<semaphore_mem>>) src(%dma_wait3A_664 : memref<1024xi32, #tpu.memory_space<hbm>>) dst(%dma_wait3A_659 : memref<1024xi32, #tpu.memory_space<vmem>>)
        %dma_wait3A_665 = arith.constant 0 : i32
        %dma_wait3A_666 = arith.constant 0 : i32
        %dma_wait3A_667 = tpu.memref_slice %arg7[%dma_wait3A_665, %dma_wait3A_666] : memref<3x1024xi32, #tpu.memory_space<vmem>> -> memref<1x1024xi32, #tpu.memory_space<vmem>>
        %dma_wait3A_668 = tpu.memref_squeeze %dma_wait3A_667 : memref<1x1024xi32, #tpu.memory_space<vmem>> -> memref<1024xi32, #tpu.memory_space<vmem>>
        %dma_wait3A_669 = arith.constant 0 : i32
        %dma_wait3A_670 = tpu.memref_slice %arg3[%scan3A_215, %arg1, %dma_wait3A_669] : memref<2x16x20480xi32, #tpu.memory_space<hbm>> -> memref<1x1x20480xi32, #tpu.memory_space<hbm>>
        %dma_wait3A_671 = tpu.memref_squeeze %dma_wait3A_670 : memref<1x1x20480xi32, #tpu.memory_space<hbm>> -> memref<20480xi32, #tpu.memory_space<hbm>>
        %dma_wait3A_672 = arith.constant 0 : i32
        %dma_wait3A_673 = tpu.memref_slice %dma_wait3A_671[%dma_wait3A_672] : memref<20480xi32, #tpu.memory_space<hbm>> -> memref<1024xi32, #tpu.memory_space<hbm>>
        %dma_wait3A_674 = arith.constant 0 : i32
        %dma_wait3A_675 = tpu.memref_slice %arg7[%dma_wait3A_665, %dma_wait3A_674] : memref<3x1024xi32, #tpu.memory_space<vmem>> -> memref<1x1024xi32, #tpu.memory_space<vmem>>
        %dma_wait3A_676 = tpu.memref_squeeze %dma_wait3A_675 : memref<1x1024xi32, #tpu.memory_space<vmem>> -> memref<1024xi32, #tpu.memory_space<vmem>>
        %dma_wait3A_677 = arith.constant 0 : i32
        %dma_wait3A_678 = tpu.memref_slice %arg3[%scan3A_215, %arg1, %dma_wait3A_677] : memref<2x16x20480xi32, #tpu.memory_space<hbm>> -> memref<1x1x20480xi32, #tpu.memory_space<hbm>>
        %dma_wait3A_679 = tpu.memref_squeeze %dma_wait3A_678 : memref<1x1x20480xi32, #tpu.memory_space<hbm>> -> memref<20480xi32, #tpu.memory_space<hbm>>
        %dma_wait3A_680 = arith.constant 0 : i32
        %dma_wait3A_681 = tpu.memref_slice %dma_wait3A_679[%dma_wait3A_680] : memref<20480xi32, #tpu.memory_space<hbm>> -> memref<1024xi32, #tpu.memory_space<hbm>>
        tpu.wait_dma2 semaphore(%arg36 : memref<!tpu.dma_semaphore, #tpu.memory_space<semaphore_mem>>) src(%dma_wait3A_681 : memref<1024xi32, #tpu.memory_space<hbm>>) dst(%dma_wait3A_676 : memref<1024xi32, #tpu.memory_space<vmem>>)
      } else {
      }
      %mul3A_309 = arith.constant 8 : i32
      %mul3A_310 = arith.muli %scan3A_295, %mul3A_309 : i32
      %add3A_311 = arith.constant 0 : i32
      %add3A_312 = arith.addi %mul3A_310, %add3A_311 : i32
      %gt3A = arith.constant 0 : i32
      %gt3A_313 = arith.cmpi sgt, %scan3A_295, %gt3A : i32
      %convert_element_type3A_314 = arith.extui %gt3A_313 : i1 to i32
      %cond3A_315 = arith.constant 0 : i32
      %cond3A_316 = arith.cmpi ne, %convert_element_type3A_314, %cond3A_315 : i32
      scf.if %cond3A_316 {
        %dma_wait3A_648 = arith.constant 0 : i32
        %dma_wait3A_649 = arith.constant 0 : i32
        %dma_wait3A_650 = tpu.memref_slice %arg18[%dma_wait3A_648, %dma_wait3A_649] : memref<10240x64xf32, #tpu.memory_space<vmem_shared>> -> memref<128x64xf32, #tpu.memory_space<vmem_shared>>
        %dma_wait3A_651 = arith.constant 0 : i32
        %dma_wait3A_652 = arith.constant 0 : i32
        %dma_wait3A_653 = tpu.memref_slice %arg18[%dma_wait3A_651, %dma_wait3A_652] : memref<10240x64xf32, #tpu.memory_space<vmem_shared>> -> memref<128x64xf32, #tpu.memory_space<vmem_shared>>
        tpu.wait_dma2 semaphore(%arg32 : memref<!tpu.dma_semaphore, #tpu.memory_space<semaphore_mem>>) src(%arg12 : memref<128x64xf32, #tpu.memory_space<vmem>>) dst(%dma_wait3A_653 : memref<128x64xf32, #tpu.memory_space<vmem_shared>>)
      } else {
      }
      %add3A_317 = arith.constant 4 : i32
      %add3A_318 = arith.addi %add3A_312, %add3A_317 : i32
      %lt3A_319 = arith.constant 160 : i32
      %lt3A_320 = arith.cmpi slt, %add3A_318, %lt3A_319 : i32
      %convert_element_type3A_321 = arith.extui %lt3A_320 : i1 to i32
      %cond3A_322 = arith.constant 0 : i32
      %cond3A_323 = arith.cmpi ne, %convert_element_type3A_321, %cond3A_322 : i32
      scf.if %cond3A_323 {
        %dma_start3A_648 = arith.constant 512 : i32
        %dma_start3A_649 = tpu.memref_slice %arg6[%rem3A_298, %dma_start3A_648] : memref<3x1024xi32, #tpu.memory_space<vmem>> -> memref<1x128xi32, #tpu.memory_space<vmem>>
        %dma_start3A_650 = tpu.memref_squeeze %dma_start3A_649 : memref<1x128xi32, #tpu.memory_space<vmem>> -> memref<128xi32, #tpu.memory_space<vmem>>
        %dma_start3A_651 = arith.constant 0 : i32
        %dma_start3A_652 = arith.constant 0 : i32
        %dma_start3A_653 = tpu.memref_slice %arg2[%arg0, %dma_start3A_651, %dma_start3A_652] : memref<2x10240x64xf32, #tpu.memory_space<hbm>> -> memref<1x10240x64xf32, #tpu.memory_space<hbm>>
        %dma_start3A_654 = tpu.memref_squeeze %dma_start3A_653 : memref<1x10240x64xf32, #tpu.memory_space<hbm>> -> memref<10240x64xf32, #tpu.memory_space<hbm>>
        %dma_start3A_655 = arith.constant 0 : i32
        %dma_start3A_656 = arith.constant 0 : i32
        %dma_start3A_657 = tpu.memref_slice %dma_start3A_654[%dma_start3A_655, %dma_start3A_656] : memref<10240x64xf32, #tpu.memory_space<hbm>> -> memref<10240x64xf32, #tpu.memory_space<hbm>>
        tpu.enqueue_indirect_dma source(%dma_start3A_657 : memref<10240x64xf32, #tpu.memory_space<hbm>>) target(%arg12 : memref<128x64xf32, #tpu.memory_space<vmem>>) offsets(%dma_start3A_650 : memref<128xi32, #tpu.memory_space<vmem>>) semaphore(%arg24 : memref<!tpu.dma_semaphore, #tpu.memory_space<semaphore_mem>>)
      } else {
      }
      %dma_wait3A_324 = arith.constant 0 : i32
      %dma_wait3A_325 = arith.constant 0 : i32
      %dma_wait3A_326 = tpu.memref_slice %arg2[%arg0, %dma_wait3A_324, %dma_wait3A_325] : memref<2x10240x64xf32, #tpu.memory_space<hbm>> -> memref<1x10240x64xf32, #tpu.memory_space<hbm>>
      %dma_wait3A_327 = tpu.memref_squeeze %dma_wait3A_326 : memref<1x10240x64xf32, #tpu.memory_space<hbm>> -> memref<10240x64xf32, #tpu.memory_space<hbm>>
      %dma_wait3A_328 = arith.constant 0 : i32
      %dma_wait3A_329 = arith.constant 0 : i32
      %dma_wait3A_330 = tpu.memref_slice %dma_wait3A_327[%dma_wait3A_328, %dma_wait3A_329] : memref<10240x64xf32, #tpu.memory_space<hbm>> -> memref<128x64xf32, #tpu.memory_space<hbm>>
      %dma_wait3A_331 = arith.constant 0 : i32
      %dma_wait3A_332 = arith.constant 0 : i32
      %dma_wait3A_333 = tpu.memref_slice %arg2[%arg0, %dma_wait3A_331, %dma_wait3A_332] : memref<2x10240x64xf32, #tpu.memory_space<hbm>> -> memref<1x10240x64xf32, #tpu.memory_space<hbm>>
      %dma_wait3A_334 = tpu.memref_squeeze %dma_wait3A_333 : memref<1x10240x64xf32, #tpu.memory_space<hbm>> -> memref<10240x64xf32, #tpu.memory_space<hbm>>
      %dma_wait3A_335 = arith.constant 0 : i32
      %dma_wait3A_336 = arith.constant 0 : i32
      %dma_wait3A_337 = tpu.memref_slice %dma_wait3A_334[%dma_wait3A_335, %dma_wait3A_336] : memref<10240x64xf32, #tpu.memory_space<hbm>> -> memref<128x64xf32, #tpu.memory_space<hbm>>
      tpu.wait_dma2 semaphore(%arg20 : memref<!tpu.dma_semaphore, #tpu.memory_space<semaphore_mem>>) src(%dma_wait3A_337 : memref<128x64xf32, #tpu.memory_space<hbm>>) dst(%arg8 : memref<128x64xf32, #tpu.memory_space<vmem>>)
      %dma_start3A_338 = arith.constant 0 : i32
      %dma_start3A_339 = tpu.memref_slice %arg7[%rem3A_298, %dma_start3A_338] : memref<3x1024xi32, #tpu.memory_space<vmem>> -> memref<1x128xi32, #tpu.memory_space<vmem>>
      %dma_start3A_340 = tpu.memref_squeeze %dma_start3A_339 : memref<1x128xi32, #tpu.memory_space<vmem>> -> memref<128xi32, #tpu.memory_space<vmem>>
      %dma_start3A_341 = arith.constant 0 : i32
      %dma_start3A_342 = arith.constant 0 : i32
      %dma_start3A_343 = tpu.memref_slice %arg18[%dma_start3A_341, %dma_start3A_342] : memref<10240x64xf32, #tpu.memory_space<vmem_shared>> -> memref<10240x64xf32, #tpu.memory_space<vmem_shared>>
      tpu.enqueue_indirect_dma source(%arg8 : memref<128x64xf32, #tpu.memory_space<vmem>>) target(%dma_start3A_343 : memref<10240x64xf32, #tpu.memory_space<vmem_shared>>) offsets(%dma_start3A_340 : memref<128xi32, #tpu.memory_space<vmem>>) semaphore(%arg28 : memref<!tpu.dma_semaphore, #tpu.memory_space<semaphore_mem>>) {add = true}
      %eq3A_344 = arith.constant 0 : i32
      %eq3A_345 = arith.cmpi eq, %arg0, %eq3A_344 : i32
      %convert_element_type3A_346 = arith.extui %eq3A_345 : i1 to i32
      %cond3A_347 = arith.constant 0 : i32
      %cond3A_348 = arith.cmpi ne, %convert_element_type3A_346, %cond3A_347 : i32
      scf.if %cond3A_348 {
        %dma_start3A_648 = arith.constant 0 : i32
        %dma_start3A_649 = tpu.memref_slice %arg7[%rem3A_298, %dma_start3A_648] : memref<3x1024xi32, #tpu.memory_space<vmem>> -> memref<1x128xi32, #tpu.memory_space<vmem>>
        %dma_start3A_650 = tpu.memref_squeeze %dma_start3A_649 : memref<1x128xi32, #tpu.memory_space<vmem>> -> memref<128xi32, #tpu.memory_space<vmem>>
        %dma_start3A_651 = arith.constant 0 : i32
        %dma_start3A_652 = arith.constant 0 : i32
        %dma_start3A_653 = tpu.memref_slice %arg19[%dma_start3A_651, %dma_start3A_652] : memref<10240x16xf32, #tpu.memory_space<vmem_shared>> -> memref<10240x16xf32, #tpu.memory_space<vmem_shared>>
        tpu.enqueue_indirect_dma source(%arg16 : memref<128x16xf32, #tpu.memory_space<vmem>>) target(%dma_start3A_653 : memref<10240x16xf32, #tpu.memory_space<vmem_shared>>) offsets(%dma_start3A_650 : memref<128xi32, #tpu.memory_space<vmem>>) semaphore(%arg37 : memref<!tpu.dma_semaphore, #tpu.memory_space<semaphore_mem>>) {add = true}
        %ge3A = arith.constant 4 : i32
        %ge3A_654 = arith.cmpi sge, %add3A_312, %ge3A : i32
        %convert_element_type3A_655 = arith.extui %ge3A_654 : i1 to i32
        %cond3A_656 = arith.constant 0 : i32
        %cond3A_657 = arith.cmpi ne, %convert_element_type3A_655, %cond3A_656 : i32
        scf.if %cond3A_657 {
          %dma_wait3A_658 = arith.constant 0 : i32
          %dma_wait3A_659 = arith.constant 0 : i32
          %dma_wait3A_660 = tpu.memref_slice %arg19[%dma_wait3A_658, %dma_wait3A_659] : memref<10240x16xf32, #tpu.memory_space<vmem_shared>> -> memref<128x16xf32, #tpu.memory_space<vmem_shared>>
          %dma_wait3A_661 = arith.constant 0 : i32
          %dma_wait3A_662 = arith.constant 0 : i32
          %dma_wait3A_663 = tpu.memref_slice %arg19[%dma_wait3A_661, %dma_wait3A_662] : memref<10240x16xf32, #tpu.memory_space<vmem_shared>> -> memref<128x16xf32, #tpu.memory_space<vmem_shared>>
          tpu.wait_dma2 semaphore(%arg37 : memref<!tpu.dma_semaphore, #tpu.memory_space<semaphore_mem>>) src(%arg16 : memref<128x16xf32, #tpu.memory_space<vmem>>) dst(%dma_wait3A_663 : memref<128x16xf32, #tpu.memory_space<vmem_shared>>)
        } else {
        }
      } else {
      }
      %mul3A_349 = arith.constant 8 : i32
      %mul3A_350 = arith.muli %scan3A_295, %mul3A_349 : i32
      %add3A_351 = arith.constant 1 : i32
      %add3A_352 = arith.addi %mul3A_350, %add3A_351 : i32
      %gt3A_353 = arith.constant 0 : i32
      %gt3A_354 = arith.cmpi sgt, %scan3A_295, %gt3A_353 : i32
      %convert_element_type3A_355 = arith.extui %gt3A_354 : i1 to i32
      %cond3A_356 = arith.constant 0 : i32
      %cond3A_357 = arith.cmpi ne, %convert_element_type3A_355, %cond3A_356 : i32
      scf.if %cond3A_357 {
        %dma_wait3A_648 = arith.constant 0 : i32
        %dma_wait3A_649 = arith.constant 0 : i32
        %dma_wait3A_650 = tpu.memref_slice %arg18[%dma_wait3A_648, %dma_wait3A_649] : memref<10240x64xf32, #tpu.memory_space<vmem_shared>> -> memref<128x64xf32, #tpu.memory_space<vmem_shared>>
        %dma_wait3A_651 = arith.constant 0 : i32
        %dma_wait3A_652 = arith.constant 0 : i32
        %dma_wait3A_653 = tpu.memref_slice %arg18[%dma_wait3A_651, %dma_wait3A_652] : memref<10240x64xf32, #tpu.memory_space<vmem_shared>> -> memref<128x64xf32, #tpu.memory_space<vmem_shared>>
        tpu.wait_dma2 semaphore(%arg33 : memref<!tpu.dma_semaphore, #tpu.memory_space<semaphore_mem>>) src(%arg13 : memref<128x64xf32, #tpu.memory_space<vmem>>) dst(%dma_wait3A_653 : memref<128x64xf32, #tpu.memory_space<vmem_shared>>)
      } else {
      }
      %add3A_358 = arith.constant 4 : i32
      %add3A_359 = arith.addi %add3A_352, %add3A_358 : i32
      %lt3A_360 = arith.constant 160 : i32
      %lt3A_361 = arith.cmpi slt, %add3A_359, %lt3A_360 : i32
      %convert_element_type3A_362 = arith.extui %lt3A_361 : i1 to i32
      %cond3A_363 = arith.constant 0 : i32
      %cond3A_364 = arith.cmpi ne, %convert_element_type3A_362, %cond3A_363 : i32
      scf.if %cond3A_364 {
        %dma_start3A_648 = arith.constant 640 : i32
        %dma_start3A_649 = tpu.memref_slice %arg6[%rem3A_298, %dma_start3A_648] : memref<3x1024xi32, #tpu.memory_space<vmem>> -> memref<1x128xi32, #tpu.memory_space<vmem>>
        %dma_start3A_650 = tpu.memref_squeeze %dma_start3A_649 : memref<1x128xi32, #tpu.memory_space<vmem>> -> memref<128xi32, #tpu.memory_space<vmem>>
        %dma_start3A_651 = arith.constant 0 : i32
        %dma_start3A_652 = arith.constant 0 : i32
        %dma_start3A_653 = tpu.memref_slice %arg2[%arg0, %dma_start3A_651, %dma_start3A_652] : memref<2x10240x64xf32, #tpu.memory_space<hbm>> -> memref<1x10240x64xf32, #tpu.memory_space<hbm>>
        %dma_start3A_654 = tpu.memref_squeeze %dma_start3A_653 : memref<1x10240x64xf32, #tpu.memory_space<hbm>> -> memref<10240x64xf32, #tpu.memory_space<hbm>>
        %dma_start3A_655 = arith.constant 0 : i32
        %dma_start3A_656 = arith.constant 0 : i32
        %dma_start3A_657 = tpu.memref_slice %dma_start3A_654[%dma_start3A_655, %dma_start3A_656] : memref<10240x64xf32, #tpu.memory_space<hbm>> -> memref<10240x64xf32, #tpu.memory_space<hbm>>
        tpu.enqueue_indirect_dma source(%dma_start3A_657 : memref<10240x64xf32, #tpu.memory_space<hbm>>) target(%arg13 : memref<128x64xf32, #tpu.memory_space<vmem>>) offsets(%dma_start3A_650 : memref<128xi32, #tpu.memory_space<vmem>>) semaphore(%arg25 : memref<!tpu.dma_semaphore, #tpu.memory_space<semaphore_mem>>)
      } else {
      }
      %dma_wait3A_365 = arith.constant 0 : i32
      %dma_wait3A_366 = arith.constant 0 : i32
      %dma_wait3A_367 = tpu.memref_slice %arg2[%arg0, %dma_wait3A_365, %dma_wait3A_366] : memref<2x10240x64xf32, #tpu.memory_space<hbm>> -> memref<1x10240x64xf32, #tpu.memory_space<hbm>>
      %dma_wait3A_368 = tpu.memref_squeeze %dma_wait3A_367 : memref<1x10240x64xf32, #tpu.memory_space<hbm>> -> memref<10240x64xf32, #tpu.memory_space<hbm>>
      %dma_wait3A_369 = arith.constant 0 : i32
      %dma_wait3A_370 = arith.constant 0 : i32
      %dma_wait3A_371 = tpu.memref_slice %dma_wait3A_368[%dma_wait3A_369, %dma_wait3A_370] : memref<10240x64xf32, #tpu.memory_space<hbm>> -> memref<128x64xf32, #tpu.memory_space<hbm>>
      %dma_wait3A_372 = arith.constant 0 : i32
      %dma_wait3A_373 = arith.constant 0 : i32
      %dma_wait3A_374 = tpu.memref_slice %arg2[%arg0, %dma_wait3A_372, %dma_wait3A_373] : memref<2x10240x64xf32, #tpu.memory_space<hbm>> -> memref<1x10240x64xf32, #tpu.memory_space<hbm>>
      %dma_wait3A_375 = tpu.memref_squeeze %dma_wait3A_374 : memref<1x10240x64xf32, #tpu.memory_space<hbm>> -> memref<10240x64xf32, #tpu.memory_space<hbm>>
      %dma_wait3A_376 = arith.constant 0 : i32
      %dma_wait3A_377 = arith.constant 0 : i32
      %dma_wait3A_378 = tpu.memref_slice %dma_wait3A_375[%dma_wait3A_376, %dma_wait3A_377] : memref<10240x64xf32, #tpu.memory_space<hbm>> -> memref<128x64xf32, #tpu.memory_space<hbm>>
      tpu.wait_dma2 semaphore(%arg21 : memref<!tpu.dma_semaphore, #tpu.memory_space<semaphore_mem>>) src(%dma_wait3A_378 : memref<128x64xf32, #tpu.memory_space<hbm>>) dst(%arg9 : memref<128x64xf32, #tpu.memory_space<vmem>>)
      %dma_start3A_379 = arith.constant 128 : i32
      %dma_start3A_380 = tpu.memref_slice %arg7[%rem3A_298, %dma_start3A_379] : memref<3x1024xi32, #tpu.memory_space<vmem>> -> memref<1x128xi32, #tpu.memory_space<vmem>>
      %dma_start3A_381 = tpu.memref_squeeze %dma_start3A_380 : memref<1x128xi32, #tpu.memory_space<vmem>> -> memref<128xi32, #tpu.memory_space<vmem>>
      %dma_start3A_382 = arith.constant 0 : i32
      %dma_start3A_383 = arith.constant 0 : i32
      %dma_start3A_384 = tpu.memref_slice %arg18[%dma_start3A_382, %dma_start3A_383] : memref<10240x64xf32, #tpu.memory_space<vmem_shared>> -> memref<10240x64xf32, #tpu.memory_space<vmem_shared>>
      tpu.enqueue_indirect_dma source(%arg9 : memref<128x64xf32, #tpu.memory_space<vmem>>) target(%dma_start3A_384 : memref<10240x64xf32, #tpu.memory_space<vmem_shared>>) offsets(%dma_start3A_381 : memref<128xi32, #tpu.memory_space<vmem>>) semaphore(%arg29 : memref<!tpu.dma_semaphore, #tpu.memory_space<semaphore_mem>>) {add = true}
      %eq3A_385 = arith.constant 0 : i32
      %eq3A_386 = arith.cmpi eq, %arg0, %eq3A_385 : i32
      %convert_element_type3A_387 = arith.extui %eq3A_386 : i1 to i32
      %cond3A_388 = arith.constant 0 : i32
      %cond3A_389 = arith.cmpi ne, %convert_element_type3A_387, %cond3A_388 : i32
      scf.if %cond3A_389 {
        %dma_start3A_648 = arith.constant 128 : i32
        %dma_start3A_649 = tpu.memref_slice %arg7[%rem3A_298, %dma_start3A_648] : memref<3x1024xi32, #tpu.memory_space<vmem>> -> memref<1x128xi32, #tpu.memory_space<vmem>>
        %dma_start3A_650 = tpu.memref_squeeze %dma_start3A_649 : memref<1x128xi32, #tpu.memory_space<vmem>> -> memref<128xi32, #tpu.memory_space<vmem>>
        %dma_start3A_651 = arith.constant 0 : i32
        %dma_start3A_652 = arith.constant 0 : i32
        %dma_start3A_653 = tpu.memref_slice %arg19[%dma_start3A_651, %dma_start3A_652] : memref<10240x16xf32, #tpu.memory_space<vmem_shared>> -> memref<10240x16xf32, #tpu.memory_space<vmem_shared>>
        tpu.enqueue_indirect_dma source(%arg16 : memref<128x16xf32, #tpu.memory_space<vmem>>) target(%dma_start3A_653 : memref<10240x16xf32, #tpu.memory_space<vmem_shared>>) offsets(%dma_start3A_650 : memref<128xi32, #tpu.memory_space<vmem>>) semaphore(%arg37 : memref<!tpu.dma_semaphore, #tpu.memory_space<semaphore_mem>>) {add = true}
        %ge3A = arith.constant 4 : i32
        %ge3A_654 = arith.cmpi sge, %add3A_352, %ge3A : i32
        %convert_element_type3A_655 = arith.extui %ge3A_654 : i1 to i32
        %cond3A_656 = arith.constant 0 : i32
        %cond3A_657 = arith.cmpi ne, %convert_element_type3A_655, %cond3A_656 : i32
        scf.if %cond3A_657 {
          %dma_wait3A_658 = arith.constant 0 : i32
          %dma_wait3A_659 = arith.constant 0 : i32
          %dma_wait3A_660 = tpu.memref_slice %arg19[%dma_wait3A_658, %dma_wait3A_659] : memref<10240x16xf32, #tpu.memory_space<vmem_shared>> -> memref<128x16xf32, #tpu.memory_space<vmem_shared>>
          %dma_wait3A_661 = arith.constant 0 : i32
          %dma_wait3A_662 = arith.constant 0 : i32
          %dma_wait3A_663 = tpu.memref_slice %arg19[%dma_wait3A_661, %dma_wait3A_662] : memref<10240x16xf32, #tpu.memory_space<vmem_shared>> -> memref<128x16xf32, #tpu.memory_space<vmem_shared>>
          tpu.wait_dma2 semaphore(%arg37 : memref<!tpu.dma_semaphore, #tpu.memory_space<semaphore_mem>>) src(%arg16 : memref<128x16xf32, #tpu.memory_space<vmem>>) dst(%dma_wait3A_663 : memref<128x16xf32, #tpu.memory_space<vmem_shared>>)
        } else {
        }
      } else {
      }
      %mul3A_390 = arith.constant 8 : i32
      %mul3A_391 = arith.muli %scan3A_295, %mul3A_390 : i32
      %add3A_392 = arith.constant 2 : i32
      %add3A_393 = arith.addi %mul3A_391, %add3A_392 : i32
      %gt3A_394 = arith.constant 0 : i32
      %gt3A_395 = arith.cmpi sgt, %scan3A_295, %gt3A_394 : i32
      %convert_element_type3A_396 = arith.extui %gt3A_395 : i1 to i32
      %cond3A_397 = arith.constant 0 : i32
      %cond3A_398 = arith.cmpi ne, %convert_element_type3A_396, %cond3A_397 : i32
      scf.if %cond3A_398 {
        %dma_wait3A_648 = arith.constant 0 : i32
        %dma_wait3A_649 = arith.constant 0 : i32
        %dma_wait3A_650 = tpu.memref_slice %arg18[%dma_wait3A_648, %dma_wait3A_649] : memref<10240x64xf32, #tpu.memory_space<vmem_shared>> -> memref<128x64xf32, #tpu.memory_space<vmem_shared>>
        %dma_wait3A_651 = arith.constant 0 : i32
        %dma_wait3A_652 = arith.constant 0 : i32
        %dma_wait3A_653 = tpu.memref_slice %arg18[%dma_wait3A_651, %dma_wait3A_652] : memref<10240x64xf32, #tpu.memory_space<vmem_shared>> -> memref<128x64xf32, #tpu.memory_space<vmem_shared>>
        tpu.wait_dma2 semaphore(%arg34 : memref<!tpu.dma_semaphore, #tpu.memory_space<semaphore_mem>>) src(%arg14 : memref<128x64xf32, #tpu.memory_space<vmem>>) dst(%dma_wait3A_653 : memref<128x64xf32, #tpu.memory_space<vmem_shared>>)
      } else {
      }
      %add3A_399 = arith.constant 4 : i32
      %add3A_400 = arith.addi %add3A_393, %add3A_399 : i32
      %lt3A_401 = arith.constant 160 : i32
      %lt3A_402 = arith.cmpi slt, %add3A_400, %lt3A_401 : i32
      %convert_element_type3A_403 = arith.extui %lt3A_402 : i1 to i32
      %cond3A_404 = arith.constant 0 : i32
      %cond3A_405 = arith.cmpi ne, %convert_element_type3A_403, %cond3A_404 : i32
      scf.if %cond3A_405 {
        %dma_start3A_648 = arith.constant 768 : i32
        %dma_start3A_649 = tpu.memref_slice %arg6[%rem3A_298, %dma_start3A_648] : memref<3x1024xi32, #tpu.memory_space<vmem>> -> memref<1x128xi32, #tpu.memory_space<vmem>>
        %dma_start3A_650 = tpu.memref_squeeze %dma_start3A_649 : memref<1x128xi32, #tpu.memory_space<vmem>> -> memref<128xi32, #tpu.memory_space<vmem>>
        %dma_start3A_651 = arith.constant 0 : i32
        %dma_start3A_652 = arith.constant 0 : i32
        %dma_start3A_653 = tpu.memref_slice %arg2[%arg0, %dma_start3A_651, %dma_start3A_652] : memref<2x10240x64xf32, #tpu.memory_space<hbm>> -> memref<1x10240x64xf32, #tpu.memory_space<hbm>>
        %dma_start3A_654 = tpu.memref_squeeze %dma_start3A_653 : memref<1x10240x64xf32, #tpu.memory_space<hbm>> -> memref<10240x64xf32, #tpu.memory_space<hbm>>
        %dma_start3A_655 = arith.constant 0 : i32
        %dma_start3A_656 = arith.constant 0 : i32
        %dma_start3A_657 = tpu.memref_slice %dma_start3A_654[%dma_start3A_655, %dma_start3A_656] : memref<10240x64xf32, #tpu.memory_space<hbm>> -> memref<10240x64xf32, #tpu.memory_space<hbm>>
        tpu.enqueue_indirect_dma source(%dma_start3A_657 : memref<10240x64xf32, #tpu.memory_space<hbm>>) target(%arg14 : memref<128x64xf32, #tpu.memory_space<vmem>>) offsets(%dma_start3A_650 : memref<128xi32, #tpu.memory_space<vmem>>) semaphore(%arg26 : memref<!tpu.dma_semaphore, #tpu.memory_space<semaphore_mem>>)
      } else {
      }
      %dma_wait3A_406 = arith.constant 0 : i32
      %dma_wait3A_407 = arith.constant 0 : i32
      %dma_wait3A_408 = tpu.memref_slice %arg2[%arg0, %dma_wait3A_406, %dma_wait3A_407] : memref<2x10240x64xf32, #tpu.memory_space<hbm>> -> memref<1x10240x64xf32, #tpu.memory_space<hbm>>
      %dma_wait3A_409 = tpu.memref_squeeze %dma_wait3A_408 : memref<1x10240x64xf32, #tpu.memory_space<hbm>> -> memref<10240x64xf32, #tpu.memory_space<hbm>>
      %dma_wait3A_410 = arith.constant 0 : i32
      %dma_wait3A_411 = arith.constant 0 : i32
      %dma_wait3A_412 = tpu.memref_slice %dma_wait3A_409[%dma_wait3A_410, %dma_wait3A_411] : memref<10240x64xf32, #tpu.memory_space<hbm>> -> memref<128x64xf32, #tpu.memory_space<hbm>>
      %dma_wait3A_413 = arith.constant 0 : i32
      %dma_wait3A_414 = arith.constant 0 : i32
      %dma_wait3A_415 = tpu.memref_slice %arg2[%arg0, %dma_wait3A_413, %dma_wait3A_414] : memref<2x10240x64xf32, #tpu.memory_space<hbm>> -> memref<1x10240x64xf32, #tpu.memory_space<hbm>>
      %dma_wait3A_416 = tpu.memref_squeeze %dma_wait3A_415 : memref<1x10240x64xf32, #tpu.memory_space<hbm>> -> memref<10240x64xf32, #tpu.memory_space<hbm>>
      %dma_wait3A_417 = arith.constant 0 : i32
      %dma_wait3A_418 = arith.constant 0 : i32
      %dma_wait3A_419 = tpu.memref_slice %dma_wait3A_416[%dma_wait3A_417, %dma_wait3A_418] : memref<10240x64xf32, #tpu.memory_space<hbm>> -> memref<128x64xf32, #tpu.memory_space<hbm>>
      tpu.wait_dma2 semaphore(%arg22 : memref<!tpu.dma_semaphore, #tpu.memory_space<semaphore_mem>>) src(%dma_wait3A_419 : memref<128x64xf32, #tpu.memory_space<hbm>>) dst(%arg10 : memref<128x64xf32, #tpu.memory_space<vmem>>)
      %dma_start3A_420 = arith.constant 256 : i32
      %dma_start3A_421 = tpu.memref_slice %arg7[%rem3A_298, %dma_start3A_420] : memref<3x1024xi32, #tpu.memory_space<vmem>> -> memref<1x128xi32, #tpu.memory_space<vmem>>
      %dma_start3A_422 = tpu.memref_squeeze %dma_start3A_421 : memref<1x128xi32, #tpu.memory_space<vmem>> -> memref<128xi32, #tpu.memory_space<vmem>>
      %dma_start3A_423 = arith.constant 0 : i32
      %dma_start3A_424 = arith.constant 0 : i32
      %dma_start3A_425 = tpu.memref_slice %arg18[%dma_start3A_423, %dma_start3A_424] : memref<10240x64xf32, #tpu.memory_space<vmem_shared>> -> memref<10240x64xf32, #tpu.memory_space<vmem_shared>>
      tpu.enqueue_indirect_dma source(%arg10 : memref<128x64xf32, #tpu.memory_space<vmem>>) target(%dma_start3A_425 : memref<10240x64xf32, #tpu.memory_space<vmem_shared>>) offsets(%dma_start3A_422 : memref<128xi32, #tpu.memory_space<vmem>>) semaphore(%arg30 : memref<!tpu.dma_semaphore, #tpu.memory_space<semaphore_mem>>) {add = true}
      %eq3A_426 = arith.constant 0 : i32
      %eq3A_427 = arith.cmpi eq, %arg0, %eq3A_426 : i32
      %convert_element_type3A_428 = arith.extui %eq3A_427 : i1 to i32
      %cond3A_429 = arith.constant 0 : i32
      %cond3A_430 = arith.cmpi ne, %convert_element_type3A_428, %cond3A_429 : i32
      scf.if %cond3A_430 {
        %dma_start3A_648 = arith.constant 256 : i32
        %dma_start3A_649 = tpu.memref_slice %arg7[%rem3A_298, %dma_start3A_648] : memref<3x1024xi32, #tpu.memory_space<vmem>> -> memref<1x128xi32, #tpu.memory_space<vmem>>
        %dma_start3A_650 = tpu.memref_squeeze %dma_start3A_649 : memref<1x128xi32, #tpu.memory_space<vmem>> -> memref<128xi32, #tpu.memory_space<vmem>>
        %dma_start3A_651 = arith.constant 0 : i32
        %dma_start3A_652 = arith.constant 0 : i32
        %dma_start3A_653 = tpu.memref_slice %arg19[%dma_start3A_651, %dma_start3A_652] : memref<10240x16xf32, #tpu.memory_space<vmem_shared>> -> memref<10240x16xf32, #tpu.memory_space<vmem_shared>>
        tpu.enqueue_indirect_dma source(%arg16 : memref<128x16xf32, #tpu.memory_space<vmem>>) target(%dma_start3A_653 : memref<10240x16xf32, #tpu.memory_space<vmem_shared>>) offsets(%dma_start3A_650 : memref<128xi32, #tpu.memory_space<vmem>>) semaphore(%arg37 : memref<!tpu.dma_semaphore, #tpu.memory_space<semaphore_mem>>) {add = true}
        %ge3A = arith.constant 4 : i32
        %ge3A_654 = arith.cmpi sge, %add3A_393, %ge3A : i32
        %convert_element_type3A_655 = arith.extui %ge3A_654 : i1 to i32
        %cond3A_656 = arith.constant 0 : i32
        %cond3A_657 = arith.cmpi ne, %convert_element_type3A_655, %cond3A_656 : i32
        scf.if %cond3A_657 {
          %dma_wait3A_658 = arith.constant 0 : i32
          %dma_wait3A_659 = arith.constant 0 : i32
          %dma_wait3A_660 = tpu.memref_slice %arg19[%dma_wait3A_658, %dma_wait3A_659] : memref<10240x16xf32, #tpu.memory_space<vmem_shared>> -> memref<128x16xf32, #tpu.memory_space<vmem_shared>>
          %dma_wait3A_661 = arith.constant 0 : i32
          %dma_wait3A_662 = arith.constant 0 : i32
          %dma_wait3A_663 = tpu.memref_slice %arg19[%dma_wait3A_661, %dma_wait3A_662] : memref<10240x16xf32, #tpu.memory_space<vmem_shared>> -> memref<128x16xf32, #tpu.memory_space<vmem_shared>>
          tpu.wait_dma2 semaphore(%arg37 : memref<!tpu.dma_semaphore, #tpu.memory_space<semaphore_mem>>) src(%arg16 : memref<128x16xf32, #tpu.memory_space<vmem>>) dst(%dma_wait3A_663 : memref<128x16xf32, #tpu.memory_space<vmem_shared>>)
        } else {
        }
      } else {
      }
      %mul3A_431 = arith.constant 8 : i32
      %mul3A_432 = arith.muli %scan3A_295, %mul3A_431 : i32
      %add3A_433 = arith.constant 3 : i32
      %add3A_434 = arith.addi %mul3A_432, %add3A_433 : i32
      %gt3A_435 = arith.constant 0 : i32
      %gt3A_436 = arith.cmpi sgt, %scan3A_295, %gt3A_435 : i32
      %convert_element_type3A_437 = arith.extui %gt3A_436 : i1 to i32
      %cond3A_438 = arith.constant 0 : i32
      %cond3A_439 = arith.cmpi ne, %convert_element_type3A_437, %cond3A_438 : i32
      scf.if %cond3A_439 {
        %dma_wait3A_648 = arith.constant 0 : i32
        %dma_wait3A_649 = arith.constant 0 : i32
        %dma_wait3A_650 = tpu.memref_slice %arg18[%dma_wait3A_648, %dma_wait3A_649] : memref<10240x64xf32, #tpu.memory_space<vmem_shared>> -> memref<128x64xf32, #tpu.memory_space<vmem_shared>>
        %dma_wait3A_651 = arith.constant 0 : i32
        %dma_wait3A_652 = arith.constant 0 : i32
        %dma_wait3A_653 = tpu.memref_slice %arg18[%dma_wait3A_651, %dma_wait3A_652] : memref<10240x64xf32, #tpu.memory_space<vmem_shared>> -> memref<128x64xf32, #tpu.memory_space<vmem_shared>>
        tpu.wait_dma2 semaphore(%arg35 : memref<!tpu.dma_semaphore, #tpu.memory_space<semaphore_mem>>) src(%arg15 : memref<128x64xf32, #tpu.memory_space<vmem>>) dst(%dma_wait3A_653 : memref<128x64xf32, #tpu.memory_space<vmem_shared>>)
      } else {
      }
      %add3A_440 = arith.constant 4 : i32
      %add3A_441 = arith.addi %add3A_434, %add3A_440 : i32
      %lt3A_442 = arith.constant 160 : i32
      %lt3A_443 = arith.cmpi slt, %add3A_441, %lt3A_442 : i32
      %convert_element_type3A_444 = arith.extui %lt3A_443 : i1 to i32
      %cond3A_445 = arith.constant 0 : i32
      %cond3A_446 = arith.cmpi ne, %convert_element_type3A_444, %cond3A_445 : i32
      scf.if %cond3A_446 {
        %dma_start3A_648 = arith.constant 896 : i32
        %dma_start3A_649 = tpu.memref_slice %arg6[%rem3A_298, %dma_start3A_648] : memref<3x1024xi32, #tpu.memory_space<vmem>> -> memref<1x128xi32, #tpu.memory_space<vmem>>
        %dma_start3A_650 = tpu.memref_squeeze %dma_start3A_649 : memref<1x128xi32, #tpu.memory_space<vmem>> -> memref<128xi32, #tpu.memory_space<vmem>>
        %dma_start3A_651 = arith.constant 0 : i32
        %dma_start3A_652 = arith.constant 0 : i32
        %dma_start3A_653 = tpu.memref_slice %arg2[%arg0, %dma_start3A_651, %dma_start3A_652] : memref<2x10240x64xf32, #tpu.memory_space<hbm>> -> memref<1x10240x64xf32, #tpu.memory_space<hbm>>
        %dma_start3A_654 = tpu.memref_squeeze %dma_start3A_653 : memref<1x10240x64xf32, #tpu.memory_space<hbm>> -> memref<10240x64xf32, #tpu.memory_space<hbm>>
        %dma_start3A_655 = arith.constant 0 : i32
        %dma_start3A_656 = arith.constant 0 : i32
        %dma_start3A_657 = tpu.memref_slice %dma_start3A_654[%dma_start3A_655, %dma_start3A_656] : memref<10240x64xf32, #tpu.memory_space<hbm>> -> memref<10240x64xf32, #tpu.memory_space<hbm>>
        tpu.enqueue_indirect_dma source(%dma_start3A_657 : memref<10240x64xf32, #tpu.memory_space<hbm>>) target(%arg15 : memref<128x64xf32, #tpu.memory_space<vmem>>) offsets(%dma_start3A_650 : memref<128xi32, #tpu.memory_space<vmem>>) semaphore(%arg27 : memref<!tpu.dma_semaphore, #tpu.memory_space<semaphore_mem>>)
      } else {
      }
      %dma_wait3A_447 = arith.constant 0 : i32
      %dma_wait3A_448 = arith.constant 0 : i32
      %dma_wait3A_449 = tpu.memref_slice %arg2[%arg0, %dma_wait3A_447, %dma_wait3A_448] : memref<2x10240x64xf32, #tpu.memory_space<hbm>> -> memref<1x10240x64xf32, #tpu.memory_space<hbm>>
      %dma_wait3A_450 = tpu.memref_squeeze %dma_wait3A_449 : memref<1x10240x64xf32, #tpu.memory_space<hbm>> -> memref<10240x64xf32, #tpu.memory_space<hbm>>
      %dma_wait3A_451 = arith.constant 0 : i32
      %dma_wait3A_452 = arith.constant 0 : i32
      %dma_wait3A_453 = tpu.memref_slice %dma_wait3A_450[%dma_wait3A_451, %dma_wait3A_452] : memref<10240x64xf32, #tpu.memory_space<hbm>> -> memref<128x64xf32, #tpu.memory_space<hbm>>
      %dma_wait3A_454 = arith.constant 0 : i32
      %dma_wait3A_455 = arith.constant 0 : i32
      %dma_wait3A_456 = tpu.memref_slice %arg2[%arg0, %dma_wait3A_454, %dma_wait3A_455] : memref<2x10240x64xf32, #tpu.memory_space<hbm>> -> memref<1x10240x64xf32, #tpu.memory_space<hbm>>
      %dma_wait3A_457 = tpu.memref_squeeze %dma_wait3A_456 : memref<1x10240x64xf32, #tpu.memory_space<hbm>> -> memref<10240x64xf32, #tpu.memory_space<hbm>>
      %dma_wait3A_458 = arith.constant 0 : i32
      %dma_wait3A_459 = arith.constant 0 : i32
      %dma_wait3A_460 = tpu.memref_slice %dma_wait3A_457[%dma_wait3A_458, %dma_wait3A_459] : memref<10240x64xf32, #tpu.memory_space<hbm>> -> memref<128x64xf32, #tpu.memory_space<hbm>>
      tpu.wait_dma2 semaphore(%arg23 : memref<!tpu.dma_semaphore, #tpu.memory_space<semaphore_mem>>) src(%dma_wait3A_460 : memref<128x64xf32, #tpu.memory_space<hbm>>) dst(%arg11 : memref<128x64xf32, #tpu.memory_space<vmem>>)
      %dma_start3A_461 = arith.constant 384 : i32
      %dma_start3A_462 = tpu.memref_slice %arg7[%rem3A_298, %dma_start3A_461] : memref<3x1024xi32, #tpu.memory_space<vmem>> -> memref<1x128xi32, #tpu.memory_space<vmem>>
      %dma_start3A_463 = tpu.memref_squeeze %dma_start3A_462 : memref<1x128xi32, #tpu.memory_space<vmem>> -> memref<128xi32, #tpu.memory_space<vmem>>
      %dma_start3A_464 = arith.constant 0 : i32
      %dma_start3A_465 = arith.constant 0 : i32
      %dma_start3A_466 = tpu.memref_slice %arg18[%dma_start3A_464, %dma_start3A_465] : memref<10240x64xf32, #tpu.memory_space<vmem_shared>> -> memref<10240x64xf32, #tpu.memory_space<vmem_shared>>
      tpu.enqueue_indirect_dma source(%arg11 : memref<128x64xf32, #tpu.memory_space<vmem>>) target(%dma_start3A_466 : memref<10240x64xf32, #tpu.memory_space<vmem_shared>>) offsets(%dma_start3A_463 : memref<128xi32, #tpu.memory_space<vmem>>) semaphore(%arg31 : memref<!tpu.dma_semaphore, #tpu.memory_space<semaphore_mem>>) {add = true}
      %eq3A_467 = arith.constant 0 : i32
      %eq3A_468 = arith.cmpi eq, %arg0, %eq3A_467 : i32
      %convert_element_type3A_469 = arith.extui %eq3A_468 : i1 to i32
      %cond3A_470 = arith.constant 0 : i32
      %cond3A_471 = arith.cmpi ne, %convert_element_type3A_469, %cond3A_470 : i32
      scf.if %cond3A_471 {
        %dma_start3A_648 = arith.constant 384 : i32
        %dma_start3A_649 = tpu.memref_slice %arg7[%rem3A_298, %dma_start3A_648] : memref<3x1024xi32, #tpu.memory_space<vmem>> -> memref<1x128xi32, #tpu.memory_space<vmem>>
        %dma_start3A_650 = tpu.memref_squeeze %dma_start3A_649 : memref<1x128xi32, #tpu.memory_space<vmem>> -> memref<128xi32, #tpu.memory_space<vmem>>
        %dma_start3A_651 = arith.constant 0 : i32
        %dma_start3A_652 = arith.constant 0 : i32
        %dma_start3A_653 = tpu.memref_slice %arg19[%dma_start3A_651, %dma_start3A_652] : memref<10240x16xf32, #tpu.memory_space<vmem_shared>> -> memref<10240x16xf32, #tpu.memory_space<vmem_shared>>
        tpu.enqueue_indirect_dma source(%arg16 : memref<128x16xf32, #tpu.memory_space<vmem>>) target(%dma_start3A_653 : memref<10240x16xf32, #tpu.memory_space<vmem_shared>>) offsets(%dma_start3A_650 : memref<128xi32, #tpu.memory_space<vmem>>) semaphore(%arg37 : memref<!tpu.dma_semaphore, #tpu.memory_space<semaphore_mem>>) {add = true}
        %ge3A = arith.constant 4 : i32
        %ge3A_654 = arith.cmpi sge, %add3A_434, %ge3A : i32
        %convert_element_type3A_655 = arith.extui %ge3A_654 : i1 to i32
        %cond3A_656 = arith.constant 0 : i32
        %cond3A_657 = arith.cmpi ne, %convert_element_type3A_655, %cond3A_656 : i32
        scf.if %cond3A_657 {
          %dma_wait3A_658 = arith.constant 0 : i32
          %dma_wait3A_659 = arith.constant 0 : i32
          %dma_wait3A_660 = tpu.memref_slice %arg19[%dma_wait3A_658, %dma_wait3A_659] : memref<10240x16xf32, #tpu.memory_space<vmem_shared>> -> memref<128x16xf32, #tpu.memory_space<vmem_shared>>
          %dma_wait3A_661 = arith.constant 0 : i32
          %dma_wait3A_662 = arith.constant 0 : i32
          %dma_wait3A_663 = tpu.memref_slice %arg19[%dma_wait3A_661, %dma_wait3A_662] : memref<10240x16xf32, #tpu.memory_space<vmem_shared>> -> memref<128x16xf32, #tpu.memory_space<vmem_shared>>
          tpu.wait_dma2 semaphore(%arg37 : memref<!tpu.dma_semaphore, #tpu.memory_space<semaphore_mem>>) src(%arg16 : memref<128x16xf32, #tpu.memory_space<vmem>>) dst(%dma_wait3A_663 : memref<128x16xf32, #tpu.memory_space<vmem_shared>>)
        } else {
        }
      } else {
      }
      %add3A_472 = arith.constant 2 : i32
      %add3A_473 = arith.addi %scan3A_295, %add3A_472 : i32
      %lt3A_474 = arith.constant 20 : i32
      %lt3A_475 = arith.cmpi slt, %add3A_473, %lt3A_474 : i32
      %convert_element_type3A_476 = arith.extui %lt3A_475 : i1 to i32
      %cond3A_477 = arith.constant 0 : i32
      %cond3A_478 = arith.cmpi ne, %convert_element_type3A_476, %cond3A_477 : i32
      scf.if %cond3A_478 {
        %add3A_648 = arith.constant 2 : i32
        %add3A_649 = arith.addi %scan3A_295, %add3A_648 : i32
        %rem3A_650 = arith.constant 3 : i32
        %rem3A_651 = arith.remsi %add3A_649, %rem3A_650 : i32
        %mul3A_652 = arith.constant 1024 : i32
        %mul3A_653 = arith.muli %add3A_649, %mul3A_652 : i32
        %dma_start3A_654 = arith.constant 0 : i32
        %dma_start3A_655 = tpu.memref_slice %arg6[%rem3A_651, %dma_start3A_654] : memref<3x1024xi32, #tpu.memory_space<vmem>> -> memref<1x1024xi32, #tpu.memory_space<vmem>>
        %dma_start3A_656 = tpu.memref_squeeze %dma_start3A_655 : memref<1x1024xi32, #tpu.memory_space<vmem>> -> memref<1024xi32, #tpu.memory_space<vmem>>
        %dma_start3A_657 = arith.constant 0 : i32
        %dma_start3A_658 = tpu.memref_slice %arg3[%scan3A_214, %arg1, %dma_start3A_657] : memref<2x16x20480xi32, #tpu.memory_space<hbm>> -> memref<1x1x20480xi32, #tpu.memory_space<hbm>>
        %dma_start3A_659 = tpu.memref_squeeze %dma_start3A_658 : memref<1x1x20480xi32, #tpu.memory_space<hbm>> -> memref<20480xi32, #tpu.memory_space<hbm>>
        %dma_start3A_660 = tpu.memref_slice %dma_start3A_659[%mul3A_653] : memref<20480xi32, #tpu.memory_space<hbm>> -> memref<1024xi32, #tpu.memory_space<hbm>>
        %dma_start3A_661 = arith.constant 0 : i32
        %dma_start3A_662 = tpu.memref_slice %arg6[%rem3A_651, %dma_start3A_661] : memref<3x1024xi32, #tpu.memory_space<vmem>> -> memref<1x1024xi32, #tpu.memory_space<vmem>>
        %dma_start3A_663 = tpu.memref_squeeze %dma_start3A_662 : memref<1x1024xi32, #tpu.memory_space<vmem>> -> memref<1024xi32, #tpu.memory_space<vmem>>
        %dma_start3A_664 = arith.constant 0 : i32
        %dma_start3A_665 = tpu.memref_slice %arg3[%scan3A_214, %arg1, %dma_start3A_664] : memref<2x16x20480xi32, #tpu.memory_space<hbm>> -> memref<1x1x20480xi32, #tpu.memory_space<hbm>>
        %dma_start3A_666 = tpu.memref_squeeze %dma_start3A_665 : memref<1x1x20480xi32, #tpu.memory_space<hbm>> -> memref<20480xi32, #tpu.memory_space<hbm>>
        %dma_start3A_667 = tpu.memref_slice %dma_start3A_666[%mul3A_653] : memref<20480xi32, #tpu.memory_space<hbm>> -> memref<1024xi32, #tpu.memory_space<hbm>>
        tpu.enqueue_dma source(%dma_start3A_667 : memref<1024xi32, #tpu.memory_space<hbm>>) target(%dma_start3A_663 : memref<1024xi32, #tpu.memory_space<vmem>>) target_semaphore(%arg36 : memref<!tpu.dma_semaphore, #tpu.memory_space<semaphore_mem>>)
        %mul3A_668 = arith.constant 1024 : i32
        %mul3A_669 = arith.muli %add3A_649, %mul3A_668 : i32
        %dma_start3A_670 = arith.constant 0 : i32
        %dma_start3A_671 = tpu.memref_slice %arg7[%rem3A_651, %dma_start3A_670] : memref<3x1024xi32, #tpu.memory_space<vmem>> -> memref<1x1024xi32, #tpu.memory_space<vmem>>
        %dma_start3A_672 = tpu.memref_squeeze %dma_start3A_671 : memref<1x1024xi32, #tpu.memory_space<vmem>> -> memref<1024xi32, #tpu.memory_space<vmem>>
        %dma_start3A_673 = arith.constant 0 : i32
        %dma_start3A_674 = tpu.memref_slice %arg3[%scan3A_215, %arg1, %dma_start3A_673] : memref<2x16x20480xi32, #tpu.memory_space<hbm>> -> memref<1x1x20480xi32, #tpu.memory_space<hbm>>
        %dma_start3A_675 = tpu.memref_squeeze %dma_start3A_674 : memref<1x1x20480xi32, #tpu.memory_space<hbm>> -> memref<20480xi32, #tpu.memory_space<hbm>>
        %dma_start3A_676 = tpu.memref_slice %dma_start3A_675[%mul3A_669] : memref<20480xi32, #tpu.memory_space<hbm>> -> memref<1024xi32, #tpu.memory_space<hbm>>
        %dma_start3A_677 = arith.constant 0 : i32
        %dma_start3A_678 = tpu.memref_slice %arg7[%rem3A_651, %dma_start3A_677] : memref<3x1024xi32, #tpu.memory_space<vmem>> -> memref<1x1024xi32, #tpu.memory_space<vmem>>
        %dma_start3A_679 = tpu.memref_squeeze %dma_start3A_678 : memref<1x1024xi32, #tpu.memory_space<vmem>> -> memref<1024xi32, #tpu.memory_space<vmem>>
        %dma_start3A_680 = arith.constant 0 : i32
        %dma_start3A_681 = tpu.memref_slice %arg3[%scan3A_215, %arg1, %dma_start3A_680] : memref<2x16x20480xi32, #tpu.memory_space<hbm>> -> memref<1x1x20480xi32, #tpu.memory_space<hbm>>
        %dma_start3A_682 = tpu.memref_squeeze %dma_start3A_681 : memref<1x1x20480xi32, #tpu.memory_space<hbm>> -> memref<20480xi32, #tpu.memory_space<hbm>>
        %dma_start3A_683 = tpu.memref_slice %dma_start3A_682[%mul3A_669] : memref<20480xi32, #tpu.memory_space<hbm>> -> memref<1024xi32, #tpu.memory_space<hbm>>
        tpu.enqueue_dma source(%dma_start3A_683 : memref<1024xi32, #tpu.memory_space<hbm>>) target(%dma_start3A_679 : memref<1024xi32, #tpu.memory_space<vmem>>) target_semaphore(%arg36 : memref<!tpu.dma_semaphore, #tpu.memory_space<semaphore_mem>>)
      } else {
      }
      %mul3A_479 = arith.constant 8 : i32
      %mul3A_480 = arith.muli %scan3A_295, %mul3A_479 : i32
      %add3A_481 = arith.constant 4 : i32
      %add3A_482 = arith.addi %mul3A_480, %add3A_481 : i32
      %dma_wait3A_483 = arith.constant 0 : i32
      %dma_wait3A_484 = arith.constant 0 : i32
      %dma_wait3A_485 = tpu.memref_slice %arg18[%dma_wait3A_483, %dma_wait3A_484] : memref<10240x64xf32, #tpu.memory_space<vmem_shared>> -> memref<128x64xf32, #tpu.memory_space<vmem_shared>>
      %dma_wait3A_486 = arith.constant 0 : i32
      %dma_wait3A_487 = arith.constant 0 : i32
      %dma_wait3A_488 = tpu.memref_slice %arg18[%dma_wait3A_486, %dma_wait3A_487] : memref<10240x64xf32, #tpu.memory_space<vmem_shared>> -> memref<128x64xf32, #tpu.memory_space<vmem_shared>>
      tpu.wait_dma2 semaphore(%arg28 : memref<!tpu.dma_semaphore, #tpu.memory_space<semaphore_mem>>) src(%arg8 : memref<128x64xf32, #tpu.memory_space<vmem>>) dst(%dma_wait3A_488 : memref<128x64xf32, #tpu.memory_space<vmem_shared>>)
      %add3A_489 = arith.constant 4 : i32
      %add3A_490 = arith.addi %add3A_482, %add3A_489 : i32
      %lt3A_491 = arith.constant 160 : i32
      %lt3A_492 = arith.cmpi slt, %add3A_490, %lt3A_491 : i32
      %convert_element_type3A_493 = arith.extui %lt3A_492 : i1 to i32
      %cond3A_494 = arith.constant 0 : i32
      %cond3A_495 = arith.cmpi ne, %convert_element_type3A_493, %cond3A_494 : i32
      scf.if %cond3A_495 {
        %dma_start3A_648 = arith.constant 0 : i32
        %dma_start3A_649 = tpu.memref_slice %arg6[%rem3A_302, %dma_start3A_648] : memref<3x1024xi32, #tpu.memory_space<vmem>> -> memref<1x128xi32, #tpu.memory_space<vmem>>
        %dma_start3A_650 = tpu.memref_squeeze %dma_start3A_649 : memref<1x128xi32, #tpu.memory_space<vmem>> -> memref<128xi32, #tpu.memory_space<vmem>>
        %dma_start3A_651 = arith.constant 0 : i32
        %dma_start3A_652 = arith.constant 0 : i32
        %dma_start3A_653 = tpu.memref_slice %arg2[%arg0, %dma_start3A_651, %dma_start3A_652] : memref<2x10240x64xf32, #tpu.memory_space<hbm>> -> memref<1x10240x64xf32, #tpu.memory_space<hbm>>
        %dma_start3A_654 = tpu.memref_squeeze %dma_start3A_653 : memref<1x10240x64xf32, #tpu.memory_space<hbm>> -> memref<10240x64xf32, #tpu.memory_space<hbm>>
        %dma_start3A_655 = arith.constant 0 : i32
        %dma_start3A_656 = arith.constant 0 : i32
        %dma_start3A_657 = tpu.memref_slice %dma_start3A_654[%dma_start3A_655, %dma_start3A_656] : memref<10240x64xf32, #tpu.memory_space<hbm>> -> memref<10240x64xf32, #tpu.memory_space<hbm>>
        tpu.enqueue_indirect_dma source(%dma_start3A_657 : memref<10240x64xf32, #tpu.memory_space<hbm>>) target(%arg8 : memref<128x64xf32, #tpu.memory_space<vmem>>) offsets(%dma_start3A_650 : memref<128xi32, #tpu.memory_space<vmem>>) semaphore(%arg20 : memref<!tpu.dma_semaphore, #tpu.memory_space<semaphore_mem>>)
      } else {
      }
      %dma_wait3A_496 = arith.constant 0 : i32
      %dma_wait3A_497 = arith.constant 0 : i32
      %dma_wait3A_498 = tpu.memref_slice %arg2[%arg0, %dma_wait3A_496, %dma_wait3A_497] : memref<2x10240x64xf32, #tpu.memory_space<hbm>> -> memref<1x10240x64xf32, #tpu.memory_space<hbm>>
      %dma_wait3A_499 = tpu.memref_squeeze %dma_wait3A_498 : memref<1x10240x64xf32, #tpu.memory_space<hbm>> -> memref<10240x64xf32, #tpu.memory_space<hbm>>
      %dma_wait3A_500 = arith.constant 0 : i32
      %dma_wait3A_501 = arith.constant 0 : i32
      %dma_wait3A_502 = tpu.memref_slice %dma_wait3A_499[%dma_wait3A_500, %dma_wait3A_501] : memref<10240x64xf32, #tpu.memory_space<hbm>> -> memref<128x64xf32, #tpu.memory_space<hbm>>
      %dma_wait3A_503 = arith.constant 0 : i32
      %dma_wait3A_504 = arith.constant 0 : i32
      %dma_wait3A_505 = tpu.memref_slice %arg2[%arg0, %dma_wait3A_503, %dma_wait3A_504] : memref<2x10240x64xf32, #tpu.memory_space<hbm>> -> memref<1x10240x64xf32, #tpu.memory_space<hbm>>
      %dma_wait3A_506 = tpu.memref_squeeze %dma_wait3A_505 : memref<1x10240x64xf32, #tpu.memory_space<hbm>> -> memref<10240x64xf32, #tpu.memory_space<hbm>>
      %dma_wait3A_507 = arith.constant 0 : i32
      %dma_wait3A_508 = arith.constant 0 : i32
      %dma_wait3A_509 = tpu.memref_slice %dma_wait3A_506[%dma_wait3A_507, %dma_wait3A_508] : memref<10240x64xf32, #tpu.memory_space<hbm>> -> memref<128x64xf32, #tpu.memory_space<hbm>>
      tpu.wait_dma2 semaphore(%arg24 : memref<!tpu.dma_semaphore, #tpu.memory_space<semaphore_mem>>) src(%dma_wait3A_509 : memref<128x64xf32, #tpu.memory_space<hbm>>) dst(%arg12 : memref<128x64xf32, #tpu.memory_space<vmem>>)
      %dma_start3A_510 = arith.constant 512 : i32
      %dma_start3A_511 = tpu.memref_slice %arg7[%rem3A_298, %dma_start3A_510] : memref<3x1024xi32, #tpu.memory_space<vmem>> -> memref<1x128xi32, #tpu.memory_space<vmem>>
      %dma_start3A_512 = tpu.memref_squeeze %dma_start3A_511 : memref<1x128xi32, #tpu.memory_space<vmem>> -> memref<128xi32, #tpu.memory_space<vmem>>
      %dma_start3A_513 = arith.constant 0 : i32
      %dma_start3A_514 = arith.constant 0 : i32
      %dma_start3A_515 = tpu.memref_slice %arg18[%dma_start3A_513, %dma_start3A_514] : memref<10240x64xf32, #tpu.memory_space<vmem_shared>> -> memref<10240x64xf32, #tpu.memory_space<vmem_shared>>
      tpu.enqueue_indirect_dma source(%arg12 : memref<128x64xf32, #tpu.memory_space<vmem>>) target(%dma_start3A_515 : memref<10240x64xf32, #tpu.memory_space<vmem_shared>>) offsets(%dma_start3A_512 : memref<128xi32, #tpu.memory_space<vmem>>) semaphore(%arg32 : memref<!tpu.dma_semaphore, #tpu.memory_space<semaphore_mem>>) {add = true}
      %eq3A_516 = arith.constant 0 : i32
      %eq3A_517 = arith.cmpi eq, %arg0, %eq3A_516 : i32
      %convert_element_type3A_518 = arith.extui %eq3A_517 : i1 to i32
      %cond3A_519 = arith.constant 0 : i32
      %cond3A_520 = arith.cmpi ne, %convert_element_type3A_518, %cond3A_519 : i32
      scf.if %cond3A_520 {
        %dma_start3A_648 = arith.constant 512 : i32
        %dma_start3A_649 = tpu.memref_slice %arg7[%rem3A_298, %dma_start3A_648] : memref<3x1024xi32, #tpu.memory_space<vmem>> -> memref<1x128xi32, #tpu.memory_space<vmem>>
        %dma_start3A_650 = tpu.memref_squeeze %dma_start3A_649 : memref<1x128xi32, #tpu.memory_space<vmem>> -> memref<128xi32, #tpu.memory_space<vmem>>
        %dma_start3A_651 = arith.constant 0 : i32
        %dma_start3A_652 = arith.constant 0 : i32
        %dma_start3A_653 = tpu.memref_slice %arg19[%dma_start3A_651, %dma_start3A_652] : memref<10240x16xf32, #tpu.memory_space<vmem_shared>> -> memref<10240x16xf32, #tpu.memory_space<vmem_shared>>
        tpu.enqueue_indirect_dma source(%arg16 : memref<128x16xf32, #tpu.memory_space<vmem>>) target(%dma_start3A_653 : memref<10240x16xf32, #tpu.memory_space<vmem_shared>>) offsets(%dma_start3A_650 : memref<128xi32, #tpu.memory_space<vmem>>) semaphore(%arg37 : memref<!tpu.dma_semaphore, #tpu.memory_space<semaphore_mem>>) {add = true}
        %ge3A = arith.constant 4 : i32
        %ge3A_654 = arith.cmpi sge, %add3A_482, %ge3A : i32
        %convert_element_type3A_655 = arith.extui %ge3A_654 : i1 to i32
        %cond3A_656 = arith.constant 0 : i32
        %cond3A_657 = arith.cmpi ne, %convert_element_type3A_655, %cond3A_656 : i32
        scf.if %cond3A_657 {
          %dma_wait3A_658 = arith.constant 0 : i32
          %dma_wait3A_659 = arith.constant 0 : i32
          %dma_wait3A_660 = tpu.memref_slice %arg19[%dma_wait3A_658, %dma_wait3A_659] : memref<10240x16xf32, #tpu.memory_space<vmem_shared>> -> memref<128x16xf32, #tpu.memory_space<vmem_shared>>
          %dma_wait3A_661 = arith.constant 0 : i32
          %dma_wait3A_662 = arith.constant 0 : i32
          %dma_wait3A_663 = tpu.memref_slice %arg19[%dma_wait3A_661, %dma_wait3A_662] : memref<10240x16xf32, #tpu.memory_space<vmem_shared>> -> memref<128x16xf32, #tpu.memory_space<vmem_shared>>
          tpu.wait_dma2 semaphore(%arg37 : memref<!tpu.dma_semaphore, #tpu.memory_space<semaphore_mem>>) src(%arg16 : memref<128x16xf32, #tpu.memory_space<vmem>>) dst(%dma_wait3A_663 : memref<128x16xf32, #tpu.memory_space<vmem_shared>>)
        } else {
        }
      } else {
      }
      %mul3A_521 = arith.constant 8 : i32
      %mul3A_522 = arith.muli %scan3A_295, %mul3A_521 : i32
      %add3A_523 = arith.constant 5 : i32
      %add3A_524 = arith.addi %mul3A_522, %add3A_523 : i32
      %dma_wait3A_525 = arith.constant 0 : i32
      %dma_wait3A_526 = arith.constant 0 : i32
      %dma_wait3A_527 = tpu.memref_slice %arg18[%dma_wait3A_525, %dma_wait3A_526] : memref<10240x64xf32, #tpu.memory_space<vmem_shared>> -> memref<128x64xf32, #tpu.memory_space<vmem_shared>>
      %dma_wait3A_528 = arith.constant 0 : i32
      %dma_wait3A_529 = arith.constant 0 : i32
      %dma_wait3A_530 = tpu.memref_slice %arg18[%dma_wait3A_528, %dma_wait3A_529] : memref<10240x64xf32, #tpu.memory_space<vmem_shared>> -> memref<128x64xf32, #tpu.memory_space<vmem_shared>>
      tpu.wait_dma2 semaphore(%arg29 : memref<!tpu.dma_semaphore, #tpu.memory_space<semaphore_mem>>) src(%arg9 : memref<128x64xf32, #tpu.memory_space<vmem>>) dst(%dma_wait3A_530 : memref<128x64xf32, #tpu.memory_space<vmem_shared>>)
      %add3A_531 = arith.constant 4 : i32
      %add3A_532 = arith.addi %add3A_524, %add3A_531 : i32
      %lt3A_533 = arith.constant 160 : i32
      %lt3A_534 = arith.cmpi slt, %add3A_532, %lt3A_533 : i32
      %convert_element_type3A_535 = arith.extui %lt3A_534 : i1 to i32
      %cond3A_536 = arith.constant 0 : i32
      %cond3A_537 = arith.cmpi ne, %convert_element_type3A_535, %cond3A_536 : i32
      scf.if %cond3A_537 {
        %dma_start3A_648 = arith.constant 128 : i32
        %dma_start3A_649 = tpu.memref_slice %arg6[%rem3A_302, %dma_start3A_648] : memref<3x1024xi32, #tpu.memory_space<vmem>> -> memref<1x128xi32, #tpu.memory_space<vmem>>
        %dma_start3A_650 = tpu.memref_squeeze %dma_start3A_649 : memref<1x128xi32, #tpu.memory_space<vmem>> -> memref<128xi32, #tpu.memory_space<vmem>>
        %dma_start3A_651 = arith.constant 0 : i32
        %dma_start3A_652 = arith.constant 0 : i32
        %dma_start3A_653 = tpu.memref_slice %arg2[%arg0, %dma_start3A_651, %dma_start3A_652] : memref<2x10240x64xf32, #tpu.memory_space<hbm>> -> memref<1x10240x64xf32, #tpu.memory_space<hbm>>
        %dma_start3A_654 = tpu.memref_squeeze %dma_start3A_653 : memref<1x10240x64xf32, #tpu.memory_space<hbm>> -> memref<10240x64xf32, #tpu.memory_space<hbm>>
        %dma_start3A_655 = arith.constant 0 : i32
        %dma_start3A_656 = arith.constant 0 : i32
        %dma_start3A_657 = tpu.memref_slice %dma_start3A_654[%dma_start3A_655, %dma_start3A_656] : memref<10240x64xf32, #tpu.memory_space<hbm>> -> memref<10240x64xf32, #tpu.memory_space<hbm>>
        tpu.enqueue_indirect_dma source(%dma_start3A_657 : memref<10240x64xf32, #tpu.memory_space<hbm>>) target(%arg9 : memref<128x64xf32, #tpu.memory_space<vmem>>) offsets(%dma_start3A_650 : memref<128xi32, #tpu.memory_space<vmem>>) semaphore(%arg21 : memref<!tpu.dma_semaphore, #tpu.memory_space<semaphore_mem>>)
      } else {
      }
      %dma_wait3A_538 = arith.constant 0 : i32
      %dma_wait3A_539 = arith.constant 0 : i32
      %dma_wait3A_540 = tpu.memref_slice %arg2[%arg0, %dma_wait3A_538, %dma_wait3A_539] : memref<2x10240x64xf32, #tpu.memory_space<hbm>> -> memref<1x10240x64xf32, #tpu.memory_space<hbm>>
      %dma_wait3A_541 = tpu.memref_squeeze %dma_wait3A_540 : memref<1x10240x64xf32, #tpu.memory_space<hbm>> -> memref<10240x64xf32, #tpu.memory_space<hbm>>
      %dma_wait3A_542 = arith.constant 0 : i32
      %dma_wait3A_543 = arith.constant 0 : i32
      %dma_wait3A_544 = tpu.memref_slice %dma_wait3A_541[%dma_wait3A_542, %dma_wait3A_543] : memref<10240x64xf32, #tpu.memory_space<hbm>> -> memref<128x64xf32, #tpu.memory_space<hbm>>
      %dma_wait3A_545 = arith.constant 0 : i32
      %dma_wait3A_546 = arith.constant 0 : i32
      %dma_wait3A_547 = tpu.memref_slice %arg2[%arg0, %dma_wait3A_545, %dma_wait3A_546] : memref<2x10240x64xf32, #tpu.memory_space<hbm>> -> memref<1x10240x64xf32, #tpu.memory_space<hbm>>
      %dma_wait3A_548 = tpu.memref_squeeze %dma_wait3A_547 : memref<1x10240x64xf32, #tpu.memory_space<hbm>> -> memref<10240x64xf32, #tpu.memory_space<hbm>>
      %dma_wait3A_549 = arith.constant 0 : i32
      %dma_wait3A_550 = arith.constant 0 : i32
      %dma_wait3A_551 = tpu.memref_slice %dma_wait3A_548[%dma_wait3A_549, %dma_wait3A_550] : memref<10240x64xf32, #tpu.memory_space<hbm>> -> memref<128x64xf32, #tpu.memory_space<hbm>>
      tpu.wait_dma2 semaphore(%arg25 : memref<!tpu.dma_semaphore, #tpu.memory_space<semaphore_mem>>) src(%dma_wait3A_551 : memref<128x64xf32, #tpu.memory_space<hbm>>) dst(%arg13 : memref<128x64xf32, #tpu.memory_space<vmem>>)
      %dma_start3A_552 = arith.constant 640 : i32
      %dma_start3A_553 = tpu.memref_slice %arg7[%rem3A_298, %dma_start3A_552] : memref<3x1024xi32, #tpu.memory_space<vmem>> -> memref<1x128xi32, #tpu.memory_space<vmem>>
      %dma_start3A_554 = tpu.memref_squeeze %dma_start3A_553 : memref<1x128xi32, #tpu.memory_space<vmem>> -> memref<128xi32, #tpu.memory_space<vmem>>
      %dma_start3A_555 = arith.constant 0 : i32
      %dma_start3A_556 = arith.constant 0 : i32
      %dma_start3A_557 = tpu.memref_slice %arg18[%dma_start3A_555, %dma_start3A_556] : memref<10240x64xf32, #tpu.memory_space<vmem_shared>> -> memref<10240x64xf32, #tpu.memory_space<vmem_shared>>
      tpu.enqueue_indirect_dma source(%arg13 : memref<128x64xf32, #tpu.memory_space<vmem>>) target(%dma_start3A_557 : memref<10240x64xf32, #tpu.memory_space<vmem_shared>>) offsets(%dma_start3A_554 : memref<128xi32, #tpu.memory_space<vmem>>) semaphore(%arg33 : memref<!tpu.dma_semaphore, #tpu.memory_space<semaphore_mem>>) {add = true}
      %eq3A_558 = arith.constant 0 : i32
      %eq3A_559 = arith.cmpi eq, %arg0, %eq3A_558 : i32
      %convert_element_type3A_560 = arith.extui %eq3A_559 : i1 to i32
      %cond3A_561 = arith.constant 0 : i32
      %cond3A_562 = arith.cmpi ne, %convert_element_type3A_560, %cond3A_561 : i32
      scf.if %cond3A_562 {
        %dma_start3A_648 = arith.constant 640 : i32
        %dma_start3A_649 = tpu.memref_slice %arg7[%rem3A_298, %dma_start3A_648] : memref<3x1024xi32, #tpu.memory_space<vmem>> -> memref<1x128xi32, #tpu.memory_space<vmem>>
        %dma_start3A_650 = tpu.memref_squeeze %dma_start3A_649 : memref<1x128xi32, #tpu.memory_space<vmem>> -> memref<128xi32, #tpu.memory_space<vmem>>
        %dma_start3A_651 = arith.constant 0 : i32
        %dma_start3A_652 = arith.constant 0 : i32
        %dma_start3A_653 = tpu.memref_slice %arg19[%dma_start3A_651, %dma_start3A_652] : memref<10240x16xf32, #tpu.memory_space<vmem_shared>> -> memref<10240x16xf32, #tpu.memory_space<vmem_shared>>
        tpu.enqueue_indirect_dma source(%arg16 : memref<128x16xf32, #tpu.memory_space<vmem>>) target(%dma_start3A_653 : memref<10240x16xf32, #tpu.memory_space<vmem_shared>>) offsets(%dma_start3A_650 : memref<128xi32, #tpu.memory_space<vmem>>) semaphore(%arg37 : memref<!tpu.dma_semaphore, #tpu.memory_space<semaphore_mem>>) {add = true}
        %ge3A = arith.constant 4 : i32
        %ge3A_654 = arith.cmpi sge, %add3A_524, %ge3A : i32
        %convert_element_type3A_655 = arith.extui %ge3A_654 : i1 to i32
        %cond3A_656 = arith.constant 0 : i32
        %cond3A_657 = arith.cmpi ne, %convert_element_type3A_655, %cond3A_656 : i32
        scf.if %cond3A_657 {
          %dma_wait3A_658 = arith.constant 0 : i32
          %dma_wait3A_659 = arith.constant 0 : i32
          %dma_wait3A_660 = tpu.memref_slice %arg19[%dma_wait3A_658, %dma_wait3A_659] : memref<10240x16xf32, #tpu.memory_space<vmem_shared>> -> memref<128x16xf32, #tpu.memory_space<vmem_shared>>
          %dma_wait3A_661 = arith.constant 0 : i32
          %dma_wait3A_662 = arith.constant 0 : i32
          %dma_wait3A_663 = tpu.memref_slice %arg19[%dma_wait3A_661, %dma_wait3A_662] : memref<10240x16xf32, #tpu.memory_space<vmem_shared>> -> memref<128x16xf32, #tpu.memory_space<vmem_shared>>
          tpu.wait_dma2 semaphore(%arg37 : memref<!tpu.dma_semaphore, #tpu.memory_space<semaphore_mem>>) src(%arg16 : memref<128x16xf32, #tpu.memory_space<vmem>>) dst(%dma_wait3A_663 : memref<128x16xf32, #tpu.memory_space<vmem_shared>>)
        } else {
        }
      } else {
      }
      %mul3A_563 = arith.constant 8 : i32
      %mul3A_564 = arith.muli %scan3A_295, %mul3A_563 : i32
      %add3A_565 = arith.constant 6 : i32
      %add3A_566 = arith.addi %mul3A_564, %add3A_565 : i32
      %dma_wait3A_567 = arith.constant 0 : i32
      %dma_wait3A_568 = arith.constant 0 : i32
      %dma_wait3A_569 = tpu.memref_slice %arg18[%dma_wait3A_567, %dma_wait3A_568] : memref<10240x64xf32, #tpu.memory_space<vmem_shared>> -> memref<128x64xf32, #tpu.memory_space<vmem_shared>>
      %dma_wait3A_570 = arith.constant 0 : i32
      %dma_wait3A_571 = arith.constant 0 : i32
      %dma_wait3A_572 = tpu.memref_slice %arg18[%dma_wait3A_570, %dma_wait3A_571] : memref<10240x64xf32, #tpu.memory_space<vmem_shared>> -> memref<128x64xf32, #tpu.memory_space<vmem_shared>>
      tpu.wait_dma2 semaphore(%arg30 : memref<!tpu.dma_semaphore, #tpu.memory_space<semaphore_mem>>) src(%arg10 : memref<128x64xf32, #tpu.memory_space<vmem>>) dst(%dma_wait3A_572 : memref<128x64xf32, #tpu.memory_space<vmem_shared>>)
      %add3A_573 = arith.constant 4 : i32
      %add3A_574 = arith.addi %add3A_566, %add3A_573 : i32
      %lt3A_575 = arith.constant 160 : i32
      %lt3A_576 = arith.cmpi slt, %add3A_574, %lt3A_575 : i32
      %convert_element_type3A_577 = arith.extui %lt3A_576 : i1 to i32
      %cond3A_578 = arith.constant 0 : i32
      %cond3A_579 = arith.cmpi ne, %convert_element_type3A_577, %cond3A_578 : i32
      scf.if %cond3A_579 {
        %dma_start3A_648 = arith.constant 256 : i32
        %dma_start3A_649 = tpu.memref_slice %arg6[%rem3A_302, %dma_start3A_648] : memref<3x1024xi32, #tpu.memory_space<vmem>> -> memref<1x128xi32, #tpu.memory_space<vmem>>
        %dma_start3A_650 = tpu.memref_squeeze %dma_start3A_649 : memref<1x128xi32, #tpu.memory_space<vmem>> -> memref<128xi32, #tpu.memory_space<vmem>>
        %dma_start3A_651 = arith.constant 0 : i32
        %dma_start3A_652 = arith.constant 0 : i32
        %dma_start3A_653 = tpu.memref_slice %arg2[%arg0, %dma_start3A_651, %dma_start3A_652] : memref<2x10240x64xf32, #tpu.memory_space<hbm>> -> memref<1x10240x64xf32, #tpu.memory_space<hbm>>
        %dma_start3A_654 = tpu.memref_squeeze %dma_start3A_653 : memref<1x10240x64xf32, #tpu.memory_space<hbm>> -> memref<10240x64xf32, #tpu.memory_space<hbm>>
        %dma_start3A_655 = arith.constant 0 : i32
        %dma_start3A_656 = arith.constant 0 : i32
        %dma_start3A_657 = tpu.memref_slice %dma_start3A_654[%dma_start3A_655, %dma_start3A_656] : memref<10240x64xf32, #tpu.memory_space<hbm>> -> memref<10240x64xf32, #tpu.memory_space<hbm>>
        tpu.enqueue_indirect_dma source(%dma_start3A_657 : memref<10240x64xf32, #tpu.memory_space<hbm>>) target(%arg10 : memref<128x64xf32, #tpu.memory_space<vmem>>) offsets(%dma_start3A_650 : memref<128xi32, #tpu.memory_space<vmem>>) semaphore(%arg22 : memref<!tpu.dma_semaphore, #tpu.memory_space<semaphore_mem>>)
      } else {
      }
      %dma_wait3A_580 = arith.constant 0 : i32
      %dma_wait3A_581 = arith.constant 0 : i32
      %dma_wait3A_582 = tpu.memref_slice %arg2[%arg0, %dma_wait3A_580, %dma_wait3A_581] : memref<2x10240x64xf32, #tpu.memory_space<hbm>> -> memref<1x10240x64xf32, #tpu.memory_space<hbm>>
      %dma_wait3A_583 = tpu.memref_squeeze %dma_wait3A_582 : memref<1x10240x64xf32, #tpu.memory_space<hbm>> -> memref<10240x64xf32, #tpu.memory_space<hbm>>
      %dma_wait3A_584 = arith.constant 0 : i32
      %dma_wait3A_585 = arith.constant 0 : i32
      %dma_wait3A_586 = tpu.memref_slice %dma_wait3A_583[%dma_wait3A_584, %dma_wait3A_585] : memref<10240x64xf32, #tpu.memory_space<hbm>> -> memref<128x64xf32, #tpu.memory_space<hbm>>
      %dma_wait3A_587 = arith.constant 0 : i32
      %dma_wait3A_588 = arith.constant 0 : i32
      %dma_wait3A_589 = tpu.memref_slice %arg2[%arg0, %dma_wait3A_587, %dma_wait3A_588] : memref<2x10240x64xf32, #tpu.memory_space<hbm>> -> memref<1x10240x64xf32, #tpu.memory_space<hbm>>
      %dma_wait3A_590 = tpu.memref_squeeze %dma_wait3A_589 : memref<1x10240x64xf32, #tpu.memory_space<hbm>> -> memref<10240x64xf32, #tpu.memory_space<hbm>>
      %dma_wait3A_591 = arith.constant 0 : i32
      %dma_wait3A_592 = arith.constant 0 : i32
      %dma_wait3A_593 = tpu.memref_slice %dma_wait3A_590[%dma_wait3A_591, %dma_wait3A_592] : memref<10240x64xf32, #tpu.memory_space<hbm>> -> memref<128x64xf32, #tpu.memory_space<hbm>>
      tpu.wait_dma2 semaphore(%arg26 : memref<!tpu.dma_semaphore, #tpu.memory_space<semaphore_mem>>) src(%dma_wait3A_593 : memref<128x64xf32, #tpu.memory_space<hbm>>) dst(%arg14 : memref<128x64xf32, #tpu.memory_space<vmem>>)
      %dma_start3A_594 = arith.constant 768 : i32
      %dma_start3A_595 = tpu.memref_slice %arg7[%rem3A_298, %dma_start3A_594] : memref<3x1024xi32, #tpu.memory_space<vmem>> -> memref<1x128xi32, #tpu.memory_space<vmem>>
      %dma_start3A_596 = tpu.memref_squeeze %dma_start3A_595 : memref<1x128xi32, #tpu.memory_space<vmem>> -> memref<128xi32, #tpu.memory_space<vmem>>
      %dma_start3A_597 = arith.constant 0 : i32
      %dma_start3A_598 = arith.constant 0 : i32
      %dma_start3A_599 = tpu.memref_slice %arg18[%dma_start3A_597, %dma_start3A_598] : memref<10240x64xf32, #tpu.memory_space<vmem_shared>> -> memref<10240x64xf32, #tpu.memory_space<vmem_shared>>
      tpu.enqueue_indirect_dma source(%arg14 : memref<128x64xf32, #tpu.memory_space<vmem>>) target(%dma_start3A_599 : memref<10240x64xf32, #tpu.memory_space<vmem_shared>>) offsets(%dma_start3A_596 : memref<128xi32, #tpu.memory_space<vmem>>) semaphore(%arg34 : memref<!tpu.dma_semaphore, #tpu.memory_space<semaphore_mem>>) {add = true}
      %eq3A_600 = arith.constant 0 : i32
      %eq3A_601 = arith.cmpi eq, %arg0, %eq3A_600 : i32
      %convert_element_type3A_602 = arith.extui %eq3A_601 : i1 to i32
      %cond3A_603 = arith.constant 0 : i32
      %cond3A_604 = arith.cmpi ne, %convert_element_type3A_602, %cond3A_603 : i32
      scf.if %cond3A_604 {
        %dma_start3A_648 = arith.constant 768 : i32
        %dma_start3A_649 = tpu.memref_slice %arg7[%rem3A_298, %dma_start3A_648] : memref<3x1024xi32, #tpu.memory_space<vmem>> -> memref<1x128xi32, #tpu.memory_space<vmem>>
        %dma_start3A_650 = tpu.memref_squeeze %dma_start3A_649 : memref<1x128xi32, #tpu.memory_space<vmem>> -> memref<128xi32, #tpu.memory_space<vmem>>
        %dma_start3A_651 = arith.constant 0 : i32
        %dma_start3A_652 = arith.constant 0 : i32
        %dma_start3A_653 = tpu.memref_slice %arg19[%dma_start3A_651, %dma_start3A_652] : memref<10240x16xf32, #tpu.memory_space<vmem_shared>> -> memref<10240x16xf32, #tpu.memory_space<vmem_shared>>
        tpu.enqueue_indirect_dma source(%arg16 : memref<128x16xf32, #tpu.memory_space<vmem>>) target(%dma_start3A_653 : memref<10240x16xf32, #tpu.memory_space<vmem_shared>>) offsets(%dma_start3A_650 : memref<128xi32, #tpu.memory_space<vmem>>) semaphore(%arg37 : memref<!tpu.dma_semaphore, #tpu.memory_space<semaphore_mem>>) {add = true}
        %ge3A = arith.constant 4 : i32
        %ge3A_654 = arith.cmpi sge, %add3A_566, %ge3A : i32
        %convert_element_type3A_655 = arith.extui %ge3A_654 : i1 to i32
        %cond3A_656 = arith.constant 0 : i32
        %cond3A_657 = arith.cmpi ne, %convert_element_type3A_655, %cond3A_656 : i32
        scf.if %cond3A_657 {
          %dma_wait3A_658 = arith.constant 0 : i32
          %dma_wait3A_659 = arith.constant 0 : i32
          %dma_wait3A_660 = tpu.memref_slice %arg19[%dma_wait3A_658, %dma_wait3A_659] : memref<10240x16xf32, #tpu.memory_space<vmem_shared>> -> memref<128x16xf32, #tpu.memory_space<vmem_shared>>
          %dma_wait3A_661 = arith.constant 0 : i32
          %dma_wait3A_662 = arith.constant 0 : i32
          %dma_wait3A_663 = tpu.memref_slice %arg19[%dma_wait3A_661, %dma_wait3A_662] : memref<10240x16xf32, #tpu.memory_space<vmem_shared>> -> memref<128x16xf32, #tpu.memory_space<vmem_shared>>
          tpu.wait_dma2 semaphore(%arg37 : memref<!tpu.dma_semaphore, #tpu.memory_space<semaphore_mem>>) src(%arg16 : memref<128x16xf32, #tpu.memory_space<vmem>>) dst(%dma_wait3A_663 : memref<128x16xf32, #tpu.memory_space<vmem_shared>>)
        } else {
        }
      } else {
      }
      %mul3A_605 = arith.constant 8 : i32
      %mul3A_606 = arith.muli %scan3A_295, %mul3A_605 : i32
      %add3A_607 = arith.constant 7 : i32
      %add3A_608 = arith.addi %mul3A_606, %add3A_607 : i32
      %dma_wait3A_609 = arith.constant 0 : i32
      %dma_wait3A_610 = arith.constant 0 : i32
      %dma_wait3A_611 = tpu.memref_slice %arg18[%dma_wait3A_609, %dma_wait3A_610] : memref<10240x64xf32, #tpu.memory_space<vmem_shared>> -> memref<128x64xf32, #tpu.memory_space<vmem_shared>>
      %dma_wait3A_612 = arith.constant 0 : i32
      %dma_wait3A_613 = arith.constant 0 : i32
      %dma_wait3A_614 = tpu.memref_slice %arg18[%dma_wait3A_612, %dma_wait3A_613] : memref<10240x64xf32, #tpu.memory_space<vmem_shared>> -> memref<128x64xf32, #tpu.memory_space<vmem_shared>>
      tpu.wait_dma2 semaphore(%arg31 : memref<!tpu.dma_semaphore, #tpu.memory_space<semaphore_mem>>) src(%arg11 : memref<128x64xf32, #tpu.memory_space<vmem>>) dst(%dma_wait3A_614 : memref<128x64xf32, #tpu.memory_space<vmem_shared>>)
      %add3A_615 = arith.constant 4 : i32
      %add3A_616 = arith.addi %add3A_608, %add3A_615 : i32
      %lt3A_617 = arith.constant 160 : i32
      %lt3A_618 = arith.cmpi slt, %add3A_616, %lt3A_617 : i32
      %convert_element_type3A_619 = arith.extui %lt3A_618 : i1 to i32
      %cond3A_620 = arith.constant 0 : i32
      %cond3A_621 = arith.cmpi ne, %convert_element_type3A_619, %cond3A_620 : i32
      scf.if %cond3A_621 {
        %dma_start3A_648 = arith.constant 384 : i32
        %dma_start3A_649 = tpu.memref_slice %arg6[%rem3A_302, %dma_start3A_648] : memref<3x1024xi32, #tpu.memory_space<vmem>> -> memref<1x128xi32, #tpu.memory_space<vmem>>
        %dma_start3A_650 = tpu.memref_squeeze %dma_start3A_649 : memref<1x128xi32, #tpu.memory_space<vmem>> -> memref<128xi32, #tpu.memory_space<vmem>>
        %dma_start3A_651 = arith.constant 0 : i32
        %dma_start3A_652 = arith.constant 0 : i32
        %dma_start3A_653 = tpu.memref_slice %arg2[%arg0, %dma_start3A_651, %dma_start3A_652] : memref<2x10240x64xf32, #tpu.memory_space<hbm>> -> memref<1x10240x64xf32, #tpu.memory_space<hbm>>
        %dma_start3A_654 = tpu.memref_squeeze %dma_start3A_653 : memref<1x10240x64xf32, #tpu.memory_space<hbm>> -> memref<10240x64xf32, #tpu.memory_space<hbm>>
        %dma_start3A_655 = arith.constant 0 : i32
        %dma_start3A_656 = arith.constant 0 : i32
        %dma_start3A_657 = tpu.memref_slice %dma_start3A_654[%dma_start3A_655, %dma_start3A_656] : memref<10240x64xf32, #tpu.memory_space<hbm>> -> memref<10240x64xf32, #tpu.memory_space<hbm>>
        tpu.enqueue_indirect_dma source(%dma_start3A_657 : memref<10240x64xf32, #tpu.memory_space<hbm>>) target(%arg11 : memref<128x64xf32, #tpu.memory_space<vmem>>) offsets(%dma_start3A_650 : memref<128xi32, #tpu.memory_space<vmem>>) semaphore(%arg23 : memref<!tpu.dma_semaphore, #tpu.memory_space<semaphore_mem>>)
      } else {
      }
      %dma_wait3A_622 = arith.constant 0 : i32
      %dma_wait3A_623 = arith.constant 0 : i32
      %dma_wait3A_624 = tpu.memref_slice %arg2[%arg0, %dma_wait3A_622, %dma_wait3A_623] : memref<2x10240x64xf32, #tpu.memory_space<hbm>> -> memref<1x10240x64xf32, #tpu.memory_space<hbm>>
      %dma_wait3A_625 = tpu.memref_squeeze %dma_wait3A_624 : memref<1x10240x64xf32, #tpu.memory_space<hbm>> -> memref<10240x64xf32, #tpu.memory_space<hbm>>
      %dma_wait3A_626 = arith.constant 0 : i32
      %dma_wait3A_627 = arith.constant 0 : i32
      %dma_wait3A_628 = tpu.memref_slice %dma_wait3A_625[%dma_wait3A_626, %dma_wait3A_627] : memref<10240x64xf32, #tpu.memory_space<hbm>> -> memref<128x64xf32, #tpu.memory_space<hbm>>
      %dma_wait3A_629 = arith.constant 0 : i32
      %dma_wait3A_630 = arith.constant 0 : i32
      %dma_wait3A_631 = tpu.memref_slice %arg2[%arg0, %dma_wait3A_629, %dma_wait3A_630] : memref<2x10240x64xf32, #tpu.memory_space<hbm>> -> memref<1x10240x64xf32, #tpu.memory_space<hbm>>
      %dma_wait3A_632 = tpu.memref_squeeze %dma_wait3A_631 : memref<1x10240x64xf32, #tpu.memory_space<hbm>> -> memref<10240x64xf32, #tpu.memory_space<hbm>>
      %dma_wait3A_633 = arith.constant 0 : i32
      %dma_wait3A_634 = arith.constant 0 : i32
      %dma_wait3A_635 = tpu.memref_slice %dma_wait3A_632[%dma_wait3A_633, %dma_wait3A_634] : memref<10240x64xf32, #tpu.memory_space<hbm>> -> memref<128x64xf32, #tpu.memory_space<hbm>>
      tpu.wait_dma2 semaphore(%arg27 : memref<!tpu.dma_semaphore, #tpu.memory_space<semaphore_mem>>) src(%dma_wait3A_635 : memref<128x64xf32, #tpu.memory_space<hbm>>) dst(%arg15 : memref<128x64xf32, #tpu.memory_space<vmem>>)
      %dma_start3A_636 = arith.constant 896 : i32
      %dma_start3A_637 = tpu.memref_slice %arg7[%rem3A_298, %dma_start3A_636] : memref<3x1024xi32, #tpu.memory_space<vmem>> -> memref<1x128xi32, #tpu.memory_space<vmem>>
      %dma_start3A_638 = tpu.memref_squeeze %dma_start3A_637 : memref<1x128xi32, #tpu.memory_space<vmem>> -> memref<128xi32, #tpu.memory_space<vmem>>
      %dma_start3A_639 = arith.constant 0 : i32
      %dma_start3A_640 = arith.constant 0 : i32
      %dma_start3A_641 = tpu.memref_slice %arg18[%dma_start3A_639, %dma_start3A_640] : memref<10240x64xf32, #tpu.memory_space<vmem_shared>> -> memref<10240x64xf32, #tpu.memory_space<vmem_shared>>
      tpu.enqueue_indirect_dma source(%arg15 : memref<128x64xf32, #tpu.memory_space<vmem>>) target(%dma_start3A_641 : memref<10240x64xf32, #tpu.memory_space<vmem_shared>>) offsets(%dma_start3A_638 : memref<128xi32, #tpu.memory_space<vmem>>) semaphore(%arg35 : memref<!tpu.dma_semaphore, #tpu.memory_space<semaphore_mem>>) {add = true}
      %eq3A_642 = arith.constant 0 : i32
      %eq3A_643 = arith.cmpi eq, %arg0, %eq3A_642 : i32
      %convert_element_type3A_644 = arith.extui %eq3A_643 : i1 to i32
      %cond3A_645 = arith.constant 0 : i32
      %cond3A_646 = arith.cmpi ne, %convert_element_type3A_644, %cond3A_645 : i32
      scf.if %cond3A_646 {
        %dma_start3A_648 = arith.constant 896 : i32
        %dma_start3A_649 = tpu.memref_slice %arg7[%rem3A_298, %dma_start3A_648] : memref<3x1024xi32, #tpu.memory_space<vmem>> -> memref<1x128xi32, #tpu.memory_space<vmem>>
        %dma_start3A_650 = tpu.memref_squeeze %dma_start3A_649 : memref<1x128xi32, #tpu.memory_space<vmem>> -> memref<128xi32, #tpu.memory_space<vmem>>
        %dma_start3A_651 = arith.constant 0 : i32
        %dma_start3A_652 = arith.constant 0 : i32
        %dma_start3A_653 = tpu.memref_slice %arg19[%dma_start3A_651, %dma_start3A_652] : memref<10240x16xf32, #tpu.memory_space<vmem_shared>> -> memref<10240x16xf32, #tpu.memory_space<vmem_shared>>
        tpu.enqueue_indirect_dma source(%arg16 : memref<128x16xf32, #tpu.memory_space<vmem>>) target(%dma_start3A_653 : memref<10240x16xf32, #tpu.memory_space<vmem_shared>>) offsets(%dma_start3A_650 : memref<128xi32, #tpu.memory_space<vmem>>) semaphore(%arg37 : memref<!tpu.dma_semaphore, #tpu.memory_space<semaphore_mem>>) {add = true}
        %ge3A = arith.constant 4 : i32
        %ge3A_654 = arith.cmpi sge, %add3A_608, %ge3A : i32
        %convert_element_type3A_655 = arith.extui %ge3A_654 : i1 to i32
        %cond3A_656 = arith.constant 0 : i32
        %cond3A_657 = arith.cmpi ne, %convert_element_type3A_655, %cond3A_656 : i32
        scf.if %cond3A_657 {
          %dma_wait3A_658 = arith.constant 0 : i32
          %dma_wait3A_659 = arith.constant 0 : i32
          %dma_wait3A_660 = tpu.memref_slice %arg19[%dma_wait3A_658, %dma_wait3A_659] : memref<10240x16xf32, #tpu.memory_space<vmem_shared>> -> memref<128x16xf32, #tpu.memory_space<vmem_shared>>
          %dma_wait3A_661 = arith.constant 0 : i32
          %dma_wait3A_662 = arith.constant 0 : i32
          %dma_wait3A_663 = tpu.memref_slice %arg19[%dma_wait3A_661, %dma_wait3A_662] : memref<10240x16xf32, #tpu.memory_space<vmem_shared>> -> memref<128x16xf32, #tpu.memory_space<vmem_shared>>
          tpu.wait_dma2 semaphore(%arg37 : memref<!tpu.dma_semaphore, #tpu.memory_space<semaphore_mem>>) src(%arg16 : memref<128x16xf32, #tpu.memory_space<vmem>>) dst(%dma_wait3A_663 : memref<128x16xf32, #tpu.memory_space<vmem_shared>>)
        } else {
        }
      } else {
      }
      %scan3A_647 = arith.constant 0 : i32
      scf.yield %scan3A_647 : i32
    }
    %scan3A_222 = arith.constant 20 : i32
    %dma_wait3A_223 = arith.constant 0 : i32
    %dma_wait3A_224 = arith.constant 0 : i32
    %dma_wait3A_225 = tpu.memref_slice %arg18[%dma_wait3A_223, %dma_wait3A_224] : memref<10240x64xf32, #tpu.memory_space<vmem_shared>> -> memref<128x64xf32, #tpu.memory_space<vmem_shared>>
    %dma_wait3A_226 = arith.constant 0 : i32
    %dma_wait3A_227 = arith.constant 0 : i32
    %dma_wait3A_228 = tpu.memref_slice %arg18[%dma_wait3A_226, %dma_wait3A_227] : memref<10240x64xf32, #tpu.memory_space<vmem_shared>> -> memref<128x64xf32, #tpu.memory_space<vmem_shared>>
    tpu.wait_dma2 semaphore(%arg32 : memref<!tpu.dma_semaphore, #tpu.memory_space<semaphore_mem>>) src(%arg12 : memref<128x64xf32, #tpu.memory_space<vmem>>) dst(%dma_wait3A_228 : memref<128x64xf32, #tpu.memory_space<vmem_shared>>)
    %dma_wait3A_229 = arith.constant 0 : i32
    %dma_wait3A_230 = arith.constant 0 : i32
    %dma_wait3A_231 = tpu.memref_slice %arg18[%dma_wait3A_229, %dma_wait3A_230] : memref<10240x64xf32, #tpu.memory_space<vmem_shared>> -> memref<128x64xf32, #tpu.memory_space<vmem_shared>>
    %dma_wait3A_232 = arith.constant 0 : i32
    %dma_wait3A_233 = arith.constant 0 : i32
    %dma_wait3A_234 = tpu.memref_slice %arg18[%dma_wait3A_232, %dma_wait3A_233] : memref<10240x64xf32, #tpu.memory_space<vmem_shared>> -> memref<128x64xf32, #tpu.memory_space<vmem_shared>>
    tpu.wait_dma2 semaphore(%arg33 : memref<!tpu.dma_semaphore, #tpu.memory_space<semaphore_mem>>) src(%arg13 : memref<128x64xf32, #tpu.memory_space<vmem>>) dst(%dma_wait3A_234 : memref<128x64xf32, #tpu.memory_space<vmem_shared>>)
    %dma_wait3A_235 = arith.constant 0 : i32
    %dma_wait3A_236 = arith.constant 0 : i32
    %dma_wait3A_237 = tpu.memref_slice %arg18[%dma_wait3A_235, %dma_wait3A_236] : memref<10240x64xf32, #tpu.memory_space<vmem_shared>> -> memref<128x64xf32, #tpu.memory_space<vmem_shared>>
    %dma_wait3A_238 = arith.constant 0 : i32
    %dma_wait3A_239 = arith.constant 0 : i32
    %dma_wait3A_240 = tpu.memref_slice %arg18[%dma_wait3A_238, %dma_wait3A_239] : memref<10240x64xf32, #tpu.memory_space<vmem_shared>> -> memref<128x64xf32, #tpu.memory_space<vmem_shared>>
    tpu.wait_dma2 semaphore(%arg34 : memref<!tpu.dma_semaphore, #tpu.memory_space<semaphore_mem>>) src(%arg14 : memref<128x64xf32, #tpu.memory_space<vmem>>) dst(%dma_wait3A_240 : memref<128x64xf32, #tpu.memory_space<vmem_shared>>)
    %dma_wait3A_241 = arith.constant 0 : i32
    %dma_wait3A_242 = arith.constant 0 : i32
    %dma_wait3A_243 = tpu.memref_slice %arg18[%dma_wait3A_241, %dma_wait3A_242] : memref<10240x64xf32, #tpu.memory_space<vmem_shared>> -> memref<128x64xf32, #tpu.memory_space<vmem_shared>>
    %dma_wait3A_244 = arith.constant 0 : i32
    %dma_wait3A_245 = arith.constant 0 : i32
    %dma_wait3A_246 = tpu.memref_slice %arg18[%dma_wait3A_244, %dma_wait3A_245] : memref<10240x64xf32, #tpu.memory_space<vmem_shared>> -> memref<128x64xf32, #tpu.memory_space<vmem_shared>>
    tpu.wait_dma2 semaphore(%arg35 : memref<!tpu.dma_semaphore, #tpu.memory_space<semaphore_mem>>) src(%arg15 : memref<128x64xf32, #tpu.memory_space<vmem>>) dst(%dma_wait3A_246 : memref<128x64xf32, #tpu.memory_space<vmem_shared>>)
    %eq3A = arith.constant 0 : i32
    %eq3A_247 = arith.cmpi eq, %arg0, %eq3A : i32
    %convert_element_type3A = arith.extui %eq3A_247 : i1 to i32
    %cond3A = arith.constant 0 : i32
    %cond3A_248 = arith.cmpi ne, %convert_element_type3A, %cond3A : i32
    scf.if %cond3A_248 {
      %dma_wait3A_295 = arith.constant 0 : i32
      %dma_wait3A_296 = arith.constant 0 : i32
      %dma_wait3A_297 = tpu.memref_slice %arg19[%dma_wait3A_295, %dma_wait3A_296] : memref<10240x16xf32, #tpu.memory_space<vmem_shared>> -> memref<128x16xf32, #tpu.memory_space<vmem_shared>>
      %dma_wait3A_298 = arith.constant 0 : i32
      %dma_wait3A_299 = arith.constant 0 : i32
      %dma_wait3A_300 = tpu.memref_slice %arg19[%dma_wait3A_298, %dma_wait3A_299] : memref<10240x16xf32, #tpu.memory_space<vmem_shared>> -> memref<128x16xf32, #tpu.memory_space<vmem_shared>>
      tpu.wait_dma2 semaphore(%arg37 : memref<!tpu.dma_semaphore, #tpu.memory_space<semaphore_mem>>) src(%arg16 : memref<128x16xf32, #tpu.memory_space<vmem>>) dst(%dma_wait3A_300 : memref<128x16xf32, #tpu.memory_space<vmem_shared>>)
      %dma_wait3A_301 = arith.constant 0 : i32
      %dma_wait3A_302 = arith.constant 0 : i32
      %dma_wait3A_303 = tpu.memref_slice %arg19[%dma_wait3A_301, %dma_wait3A_302] : memref<10240x16xf32, #tpu.memory_space<vmem_shared>> -> memref<128x16xf32, #tpu.memory_space<vmem_shared>>
      %dma_wait3A_304 = arith.constant 0 : i32
      %dma_wait3A_305 = arith.constant 0 : i32
      %dma_wait3A_306 = tpu.memref_slice %arg19[%dma_wait3A_304, %dma_wait3A_305] : memref<10240x16xf32, #tpu.memory_space<vmem_shared>> -> memref<128x16xf32, #tpu.memory_space<vmem_shared>>
      tpu.wait_dma2 semaphore(%arg37 : memref<!tpu.dma_semaphore, #tpu.memory_space<semaphore_mem>>) src(%arg16 : memref<128x16xf32, #tpu.memory_space<vmem>>) dst(%dma_wait3A_306 : memref<128x16xf32, #tpu.memory_space<vmem_shared>>)
      %dma_wait3A_307 = arith.constant 0 : i32
      %dma_wait3A_308 = arith.constant 0 : i32
      %dma_wait3A_309 = tpu.memref_slice %arg19[%dma_wait3A_307, %dma_wait3A_308] : memref<10240x16xf32, #tpu.memory_space<vmem_shared>> -> memref<128x16xf32, #tpu.memory_space<vmem_shared>>
      %dma_wait3A_310 = arith.constant 0 : i32
      %dma_wait3A_311 = arith.constant 0 : i32
      %dma_wait3A_312 = tpu.memref_slice %arg19[%dma_wait3A_310, %dma_wait3A_311] : memref<10240x16xf32, #tpu.memory_space<vmem_shared>> -> memref<128x16xf32, #tpu.memory_space<vmem_shared>>
      tpu.wait_dma2 semaphore(%arg37 : memref<!tpu.dma_semaphore, #tpu.memory_space<semaphore_mem>>) src(%arg16 : memref<128x16xf32, #tpu.memory_space<vmem>>) dst(%dma_wait3A_312 : memref<128x16xf32, #tpu.memory_space<vmem_shared>>)
      %dma_wait3A_313 = arith.constant 0 : i32
      %dma_wait3A_314 = arith.constant 0 : i32
      %dma_wait3A_315 = tpu.memref_slice %arg19[%dma_wait3A_313, %dma_wait3A_314] : memref<10240x16xf32, #tpu.memory_space<vmem_shared>> -> memref<128x16xf32, #tpu.memory_space<vmem_shared>>
      %dma_wait3A_316 = arith.constant 0 : i32
      %dma_wait3A_317 = arith.constant 0 : i32
      %dma_wait3A_318 = tpu.memref_slice %arg19[%dma_wait3A_316, %dma_wait3A_317] : memref<10240x16xf32, #tpu.memory_space<vmem_shared>> -> memref<128x16xf32, #tpu.memory_space<vmem_shared>>
      tpu.wait_dma2 semaphore(%arg37 : memref<!tpu.dma_semaphore, #tpu.memory_space<semaphore_mem>>) src(%arg16 : memref<128x16xf32, #tpu.memory_space<vmem>>) dst(%dma_wait3A_318 : memref<128x16xf32, #tpu.memory_space<vmem_shared>>)
    } else {
    }
    %barrier3A_249 = arith.constant 0 : index
    tpu.barrier barrier_id(%barrier3A_249)
    %mul3A_250 = arith.constant 640 : i32
    %mul3A_251 = arith.muli %arg1, %mul3A_250 : i32
    %add3A_252 = arith.constant 0 : i32
    %add3A_253 = arith.addi %mul3A_251, %add3A_252 : i32
    "tpu.region"() ({
      %run_scoped3A = tpu.sem_alloc : memref<!tpu.dma_semaphore, #tpu.memory_space<semaphore_mem>>
      %dma_start3A_295 = arith.constant 0 : i32
      %dma_start3A_296 = tpu.memref_slice %arg18[%add3A_253, %dma_start3A_295] : memref<10240x64xf32, #tpu.memory_space<vmem_shared>> -> memref<128x64xf32, #tpu.memory_space<vmem_shared>>
      %dma_start3A_297 = arith.constant 0 : i32
      %dma_start3A_298 = tpu.memref_slice %arg18[%add3A_253, %dma_start3A_297] : memref<10240x64xf32, #tpu.memory_space<vmem_shared>> -> memref<128x64xf32, #tpu.memory_space<vmem_shared>>
      tpu.enqueue_dma source(%dma_start3A_298 : memref<128x64xf32, #tpu.memory_space<vmem_shared>>) target(%arg8 : memref<128x64xf32, #tpu.memory_space<vmem>>) target_semaphore(%run_scoped3A : memref<!tpu.dma_semaphore, #tpu.memory_space<semaphore_mem>>)
      %dma_wait3A_299 = arith.constant 0 : i32
      %dma_wait3A_300 = tpu.memref_slice %arg18[%add3A_253, %dma_wait3A_299] : memref<10240x64xf32, #tpu.memory_space<vmem_shared>> -> memref<128x64xf32, #tpu.memory_space<vmem_shared>>
      %dma_wait3A_301 = arith.constant 0 : i32
      %dma_wait3A_302 = tpu.memref_slice %arg18[%add3A_253, %dma_wait3A_301] : memref<10240x64xf32, #tpu.memory_space<vmem_shared>> -> memref<128x64xf32, #tpu.memory_space<vmem_shared>>
      tpu.wait_dma2 semaphore(%run_scoped3A : memref<!tpu.dma_semaphore, #tpu.memory_space<semaphore_mem>>) src(%dma_wait3A_302 : memref<128x64xf32, #tpu.memory_space<vmem_shared>>) dst(%arg8 : memref<128x64xf32, #tpu.memory_space<vmem>>)
      tpu.yield
    }) : () -> ()
    "tpu.region"() ({
      %run_scoped3A = tpu.sem_alloc : memref<!tpu.dma_semaphore, #tpu.memory_space<semaphore_mem>>
      %dma_start3A_295 = arith.constant 0 : i32
      %dma_start3A_296 = tpu.memref_slice %arg4[%arg0, %add3A_253, %dma_start3A_295] : memref<2x10240x64xf32, #tpu.memory_space<hbm>> -> memref<1x128x64xf32, #tpu.memory_space<hbm>>
      %dma_start3A_297 = tpu.memref_squeeze %dma_start3A_296 : memref<1x128x64xf32, #tpu.memory_space<hbm>> -> memref<128x64xf32, #tpu.memory_space<hbm>>
      %dma_start3A_298 = arith.constant 0 : i32
      %dma_start3A_299 = tpu.memref_slice %arg4[%arg0, %add3A_253, %dma_start3A_298] : memref<2x10240x64xf32, #tpu.memory_space<hbm>> -> memref<1x128x64xf32, #tpu.memory_space<hbm>>
      %dma_start3A_300 = tpu.memref_squeeze %dma_start3A_299 : memref<1x128x64xf32, #tpu.memory_space<hbm>> -> memref<128x64xf32, #tpu.memory_space<hbm>>
      tpu.enqueue_dma source(%arg8 : memref<128x64xf32, #tpu.memory_space<vmem>>) target(%dma_start3A_300 : memref<128x64xf32, #tpu.memory_space<hbm>>) target_semaphore(%run_scoped3A : memref<!tpu.dma_semaphore, #tpu.memory_space<semaphore_mem>>)
      %dma_wait3A_301 = arith.constant 0 : i32
      %dma_wait3A_302 = tpu.memref_slice %arg4[%arg0, %add3A_253, %dma_wait3A_301] : memref<2x10240x64xf32, #tpu.memory_space<hbm>> -> memref<1x128x64xf32, #tpu.memory_space<hbm>>
      %dma_wait3A_303 = tpu.memref_squeeze %dma_wait3A_302 : memref<1x128x64xf32, #tpu.memory_space<hbm>> -> memref<128x64xf32, #tpu.memory_space<hbm>>
      %dma_wait3A_304 = arith.constant 0 : i32
      %dma_wait3A_305 = tpu.memref_slice %arg4[%arg0, %add3A_253, %dma_wait3A_304] : memref<2x10240x64xf32, #tpu.memory_space<hbm>> -> memref<1x128x64xf32, #tpu.memory_space<hbm>>
      %dma_wait3A_306 = tpu.memref_squeeze %dma_wait3A_305 : memref<1x128x64xf32, #tpu.memory_space<hbm>> -> memref<128x64xf32, #tpu.memory_space<hbm>>
      tpu.wait_dma2 semaphore(%run_scoped3A : memref<!tpu.dma_semaphore, #tpu.memory_space<semaphore_mem>>) src(%arg8 : memref<128x64xf32, #tpu.memory_space<vmem>>) dst(%dma_wait3A_306 : memref<128x64xf32, #tpu.memory_space<hbm>>)
      tpu.yield
    }) : () -> ()
    %eq3A_254 = arith.constant 0 : i32
    %eq3A_255 = arith.cmpi eq, %arg0, %eq3A_254 : i32
    %convert_element_type3A_256 = arith.extui %eq3A_255 : i1 to i32
    %cond3A_257 = arith.constant 0 : i32
    %cond3A_258 = arith.cmpi ne, %convert_element_type3A_256, %cond3A_257 : i32
    scf.if %cond3A_258 {
      %mul3A_295 = arith.constant 640 : i32
      %mul3A_296 = arith.muli %arg1, %mul3A_295 : i32
      %add3A_297 = arith.constant 0 : i32
      %add3A_298 = arith.addi %mul3A_296, %add3A_297 : i32
      %add3A_299 = arith.constant 0 : i32
      %add3A_300 = arith.addi %add3A_298, %add3A_299 : i32
      "tpu.region"() ({
        %run_scoped3A = tpu.sem_alloc : memref<!tpu.dma_semaphore, #tpu.memory_space<semaphore_mem>>
        %dma_start3A_307 = arith.constant 0 : i32
        %dma_start3A_308 = tpu.memref_slice %arg19[%add3A_300, %dma_start3A_307] : memref<10240x16xf32, #tpu.memory_space<vmem_shared>> -> memref<64x16xf32, #tpu.memory_space<vmem_shared>>
        %dma_start3A_309 = arith.constant 0 : i32
        %dma_start3A_310 = tpu.memref_slice %arg19[%add3A_300, %dma_start3A_309] : memref<10240x16xf32, #tpu.memory_space<vmem_shared>> -> memref<64x16xf32, #tpu.memory_space<vmem_shared>>
        tpu.enqueue_dma source(%dma_start3A_310 : memref<64x16xf32, #tpu.memory_space<vmem_shared>>) target(%arg17 : memref<64x16xf32, #tpu.memory_space<vmem>>) target_semaphore(%run_scoped3A : memref<!tpu.dma_semaphore, #tpu.memory_space<semaphore_mem>>)
        %dma_wait3A_311 = arith.constant 0 : i32
        %dma_wait3A_312 = tpu.memref_slice %arg19[%add3A_300, %dma_wait3A_311] : memref<10240x16xf32, #tpu.memory_space<vmem_shared>> -> memref<64x16xf32, #tpu.memory_space<vmem_shared>>
        %dma_wait3A_313 = arith.constant 0 : i32
        %dma_wait3A_314 = tpu.memref_slice %arg19[%add3A_300, %dma_wait3A_313] : memref<10240x16xf32, #tpu.memory_space<vmem_shared>> -> memref<64x16xf32, #tpu.memory_space<vmem_shared>>
        tpu.wait_dma2 semaphore(%run_scoped3A : memref<!tpu.dma_semaphore, #tpu.memory_space<semaphore_mem>>) src(%dma_wait3A_314 : memref<64x16xf32, #tpu.memory_space<vmem_shared>>) dst(%arg17 : memref<64x16xf32, #tpu.memory_space<vmem>>)
        tpu.yield
      }) : () -> ()
      "tpu.region"() ({
        %run_scoped3A = tpu.sem_alloc : memref<!tpu.dma_semaphore, #tpu.memory_space<semaphore_mem>>
        %dma_start3A_307 = arith.constant 0 : i32
        %dma_start3A_308 = tpu.memref_slice %arg5[%add3A_300, %dma_start3A_307] : memref<10240x16xf32, #tpu.memory_space<hbm>> -> memref<64x16xf32, #tpu.memory_space<hbm>>
        %dma_start3A_309 = arith.constant 0 : i32
        %dma_start3A_310 = tpu.memref_slice %arg5[%add3A_300, %dma_start3A_309] : memref<10240x16xf32, #tpu.memory_space<hbm>> -> memref<64x16xf32, #tpu.memory_space<hbm>>
        tpu.enqueue_dma source(%arg17 : memref<64x16xf32, #tpu.memory_space<vmem>>) target(%dma_start3A_310 : memref<64x16xf32, #tpu.memory_space<hbm>>) target_semaphore(%run_scoped3A : memref<!tpu.dma_semaphore, #tpu.memory_space<semaphore_mem>>)
        %dma_wait3A_311 = arith.constant 0 : i32
        %dma_wait3A_312 = tpu.memref_slice %arg5[%add3A_300, %dma_wait3A_311] : memref<10240x16xf32, #tpu.memory_space<hbm>> -> memref<64x16xf32, #tpu.memory_space<hbm>>
        %dma_wait3A_313 = arith.constant 0 : i32
        %dma_wait3A_314 = tpu.memref_slice %arg5[%add3A_300, %dma_wait3A_313] : memref<10240x16xf32, #tpu.memory_space<hbm>> -> memref<64x16xf32, #tpu.memory_space<hbm>>
        tpu.wait_dma2 semaphore(%run_scoped3A : memref<!tpu.dma_semaphore, #tpu.memory_space<semaphore_mem>>) src(%arg17 : memref<64x16xf32, #tpu.memory_space<vmem>>) dst(%dma_wait3A_314 : memref<64x16xf32, #tpu.memory_space<hbm>>)
        tpu.yield
      }) : () -> ()
      %mul3A_301 = arith.constant 640 : i32
      %mul3A_302 = arith.muli %arg1, %mul3A_301 : i32
      %add3A_303 = arith.constant 0 : i32
      %add3A_304 = arith.addi %mul3A_302, %add3A_303 : i32
      %add3A_305 = arith.constant 64 : i32
      %add3A_306 = arith.addi %add3A_304, %add3A_305 : i32
      "tpu.region"() ({
        %run_scoped3A = tpu.sem_alloc : memref<!tpu.dma_semaphore, #tpu.memory_space<semaphore_mem>>
        %dma_start3A_307 = arith.constant 0 : i32
        %dma_start3A_308 = tpu.memref_slice %arg19[%add3A_306, %dma_start3A_307] : memref<10240x16xf32, #tpu.memory_space<vmem_shared>> -> memref<64x16xf32, #tpu.memory_space<vmem_shared>>
        %dma_start3A_309 = arith.constant 0 : i32
        %dma_start3A_310 = tpu.memref_slice %arg19[%add3A_306, %dma_start3A_309] : memref<10240x16xf32, #tpu.memory_space<vmem_shared>> -> memref<64x16xf32, #tpu.memory_space<vmem_shared>>
        tpu.enqueue_dma source(%dma_start3A_310 : memref<64x16xf32, #tpu.memory_space<vmem_shared>>) target(%arg17 : memref<64x16xf32, #tpu.memory_space<vmem>>) target_semaphore(%run_scoped3A : memref<!tpu.dma_semaphore, #tpu.memory_space<semaphore_mem>>)
        %dma_wait3A_311 = arith.constant 0 : i32
        %dma_wait3A_312 = tpu.memref_slice %arg19[%add3A_306, %dma_wait3A_311] : memref<10240x16xf32, #tpu.memory_space<vmem_shared>> -> memref<64x16xf32, #tpu.memory_space<vmem_shared>>
        %dma_wait3A_313 = arith.constant 0 : i32
        %dma_wait3A_314 = tpu.memref_slice %arg19[%add3A_306, %dma_wait3A_313] : memref<10240x16xf32, #tpu.memory_space<vmem_shared>> -> memref<64x16xf32, #tpu.memory_space<vmem_shared>>
        tpu.wait_dma2 semaphore(%run_scoped3A : memref<!tpu.dma_semaphore, #tpu.memory_space<semaphore_mem>>) src(%dma_wait3A_314 : memref<64x16xf32, #tpu.memory_space<vmem_shared>>) dst(%arg17 : memref<64x16xf32, #tpu.memory_space<vmem>>)
        tpu.yield
      }) : () -> ()
      "tpu.region"() ({
        %run_scoped3A = tpu.sem_alloc : memref<!tpu.dma_semaphore, #tpu.memory_space<semaphore_mem>>
        %dma_start3A_307 = arith.constant 0 : i32
        %dma_start3A_308 = tpu.memref_slice %arg5[%add3A_306, %dma_start3A_307] : memref<10240x16xf32, #tpu.memory_space<hbm>> -> memref<64x16xf32, #tpu.memory_space<hbm>>
        %dma_start3A_309 = arith.constant 0 : i32
        %dma_start3A_310 = tpu.memref_slice %arg5[%add3A_306, %dma_start3A_309] : memref<10240x16xf32, #tpu.memory_space<hbm>> -> memref<64x16xf32, #tpu.memory_space<hbm>>
        tpu.enqueue_dma source(%arg17 : memref<64x16xf32, #tpu.memory_space<vmem>>) target(%dma_start3A_310 : memref<64x16xf32, #tpu.memory_space<hbm>>) target_semaphore(%run_scoped3A : memref<!tpu.dma_semaphore, #tpu.memory_space<semaphore_mem>>)
        %dma_wait3A_311 = arith.constant 0 : i32
        %dma_wait3A_312 = tpu.memref_slice %arg5[%add3A_306, %dma_wait3A_311] : memref<10240x16xf32, #tpu.memory_space<hbm>> -> memref<64x16xf32, #tpu.memory_space<hbm>>
        %dma_wait3A_313 = arith.constant 0 : i32
        %dma_wait3A_314 = tpu.memref_slice %arg5[%add3A_306, %dma_wait3A_313] : memref<10240x16xf32, #tpu.memory_space<hbm>> -> memref<64x16xf32, #tpu.memory_space<hbm>>
        tpu.wait_dma2 semaphore(%run_scoped3A : memref<!tpu.dma_semaphore, #tpu.memory_space<semaphore_mem>>) src(%arg17 : memref<64x16xf32, #tpu.memory_space<vmem>>) dst(%dma_wait3A_314 : memref<64x16xf32, #tpu.memory_space<hbm>>)
        tpu.yield
      }) : () -> ()
    } else {
    }
    %mul3A_259 = arith.constant 640 : i32
    %mul3A_260 = arith.muli %arg1, %mul3A_259 : i32
    %add3A_261 = arith.constant 128 : i32
    %add3A_262 = arith.addi %mul3A_260, %add3A_261 : i32
    "tpu.region"() ({
      %run_scoped3A = tpu.sem_alloc : memref<!tpu.dma_semaphore, #tpu.memory_space<semaphore_mem>>
      %dma_start3A_295 = arith.constant 0 : i32
      %dma_start3A_296 = tpu.memref_slice %arg18[%add3A_262, %dma_start3A_295] : memref<10240x64xf32, #tpu.memory_space<vmem_shared>> -> memref<128x64xf32, #tpu.memory_space<vmem_shared>>
      %dma_start3A_297 = arith.constant 0 : i32
      %dma_start3A_298 = tpu.memref_slice %arg18[%add3A_262, %dma_start3A_297] : memref<10240x64xf32, #tpu.memory_space<vmem_shared>> -> memref<128x64xf32, #tpu.memory_space<vmem_shared>>
      tpu.enqueue_dma source(%dma_start3A_298 : memref<128x64xf32, #tpu.memory_space<vmem_shared>>) target(%arg8 : memref<128x64xf32, #tpu.memory_space<vmem>>) target_semaphore(%run_scoped3A : memref<!tpu.dma_semaphore, #tpu.memory_space<semaphore_mem>>)
      %dma_wait3A_299 = arith.constant 0 : i32
      %dma_wait3A_300 = tpu.memref_slice %arg18[%add3A_262, %dma_wait3A_299] : memref<10240x64xf32, #tpu.memory_space<vmem_shared>> -> memref<128x64xf32, #tpu.memory_space<vmem_shared>>
      %dma_wait3A_301 = arith.constant 0 : i32
      %dma_wait3A_302 = tpu.memref_slice %arg18[%add3A_262, %dma_wait3A_301] : memref<10240x64xf32, #tpu.memory_space<vmem_shared>> -> memref<128x64xf32, #tpu.memory_space<vmem_shared>>
      tpu.wait_dma2 semaphore(%run_scoped3A : memref<!tpu.dma_semaphore, #tpu.memory_space<semaphore_mem>>) src(%dma_wait3A_302 : memref<128x64xf32, #tpu.memory_space<vmem_shared>>) dst(%arg8 : memref<128x64xf32, #tpu.memory_space<vmem>>)
      tpu.yield
    }) : () -> ()
    "tpu.region"() ({
      %run_scoped3A = tpu.sem_alloc : memref<!tpu.dma_semaphore, #tpu.memory_space<semaphore_mem>>
      %dma_start3A_295 = arith.constant 0 : i32
      %dma_start3A_296 = tpu.memref_slice %arg4[%arg0, %add3A_262, %dma_start3A_295] : memref<2x10240x64xf32, #tpu.memory_space<hbm>> -> memref<1x128x64xf32, #tpu.memory_space<hbm>>
      %dma_start3A_297 = tpu.memref_squeeze %dma_start3A_296 : memref<1x128x64xf32, #tpu.memory_space<hbm>> -> memref<128x64xf32, #tpu.memory_space<hbm>>
      %dma_start3A_298 = arith.constant 0 : i32
      %dma_start3A_299 = tpu.memref_slice %arg4[%arg0, %add3A_262, %dma_start3A_298] : memref<2x10240x64xf32, #tpu.memory_space<hbm>> -> memref<1x128x64xf32, #tpu.memory_space<hbm>>
      %dma_start3A_300 = tpu.memref_squeeze %dma_start3A_299 : memref<1x128x64xf32, #tpu.memory_space<hbm>> -> memref<128x64xf32, #tpu.memory_space<hbm>>
      tpu.enqueue_dma source(%arg8 : memref<128x64xf32, #tpu.memory_space<vmem>>) target(%dma_start3A_300 : memref<128x64xf32, #tpu.memory_space<hbm>>) target_semaphore(%run_scoped3A : memref<!tpu.dma_semaphore, #tpu.memory_space<semaphore_mem>>)
      %dma_wait3A_301 = arith.constant 0 : i32
      %dma_wait3A_302 = tpu.memref_slice %arg4[%arg0, %add3A_262, %dma_wait3A_301] : memref<2x10240x64xf32, #tpu.memory_space<hbm>> -> memref<1x128x64xf32, #tpu.memory_space<hbm>>
      %dma_wait3A_303 = tpu.memref_squeeze %dma_wait3A_302 : memref<1x128x64xf32, #tpu.memory_space<hbm>> -> memref<128x64xf32, #tpu.memory_space<hbm>>
      %dma_wait3A_304 = arith.constant 0 : i32
      %dma_wait3A_305 = tpu.memref_slice %arg4[%arg0, %add3A_262, %dma_wait3A_304] : memref<2x10240x64xf32, #tpu.memory_space<hbm>> -> memref<1x128x64xf32, #tpu.memory_space<hbm>>
      %dma_wait3A_306 = tpu.memref_squeeze %dma_wait3A_305 : memref<1x128x64xf32, #tpu.memory_space<hbm>> -> memref<128x64xf32, #tpu.memory_space<hbm>>
      tpu.wait_dma2 semaphore(%run_scoped3A : memref<!tpu.dma_semaphore, #tpu.memory_space<semaphore_mem>>) src(%arg8 : memref<128x64xf32, #tpu.memory_space<vmem>>) dst(%dma_wait3A_306 : memref<128x64xf32, #tpu.memory_space<hbm>>)
      tpu.yield
    }) : () -> ()
    %eq3A_263 = arith.constant 0 : i32
    %eq3A_264 = arith.cmpi eq, %arg0, %eq3A_263 : i32
    %convert_element_type3A_265 = arith.extui %eq3A_264 : i1 to i32
    %cond3A_266 = arith.constant 0 : i32
    %cond3A_267 = arith.cmpi ne, %convert_element_type3A_265, %cond3A_266 : i32
    scf.if %cond3A_267 {
      %mul3A_295 = arith.constant 640 : i32
      %mul3A_296 = arith.muli %arg1, %mul3A_295 : i32
      %add3A_297 = arith.constant 128 : i32
      %add3A_298 = arith.addi %mul3A_296, %add3A_297 : i32
      %add3A_299 = arith.constant 0 : i32
      %add3A_300 = arith.addi %add3A_298, %add3A_299 : i32
      "tpu.region"() ({
        %run_scoped3A = tpu.sem_alloc : memref<!tpu.dma_semaphore, #tpu.memory_space<semaphore_mem>>
        %dma_start3A_307 = arith.constant 0 : i32
        %dma_start3A_308 = tpu.memref_slice %arg19[%add3A_300, %dma_start3A_307] : memref<10240x16xf32, #tpu.memory_space<vmem_shared>> -> memref<64x16xf32, #tpu.memory_space<vmem_shared>>
        %dma_start3A_309 = arith.constant 0 : i32
        %dma_start3A_310 = tpu.memref_slice %arg19[%add3A_300, %dma_start3A_309] : memref<10240x16xf32, #tpu.memory_space<vmem_shared>> -> memref<64x16xf32, #tpu.memory_space<vmem_shared>>
        tpu.enqueue_dma source(%dma_start3A_310 : memref<64x16xf32, #tpu.memory_space<vmem_shared>>) target(%arg17 : memref<64x16xf32, #tpu.memory_space<vmem>>) target_semaphore(%run_scoped3A : memref<!tpu.dma_semaphore, #tpu.memory_space<semaphore_mem>>)
        %dma_wait3A_311 = arith.constant 0 : i32
        %dma_wait3A_312 = tpu.memref_slice %arg19[%add3A_300, %dma_wait3A_311] : memref<10240x16xf32, #tpu.memory_space<vmem_shared>> -> memref<64x16xf32, #tpu.memory_space<vmem_shared>>
        %dma_wait3A_313 = arith.constant 0 : i32
        %dma_wait3A_314 = tpu.memref_slice %arg19[%add3A_300, %dma_wait3A_313] : memref<10240x16xf32, #tpu.memory_space<vmem_shared>> -> memref<64x16xf32, #tpu.memory_space<vmem_shared>>
        tpu.wait_dma2 semaphore(%run_scoped3A : memref<!tpu.dma_semaphore, #tpu.memory_space<semaphore_mem>>) src(%dma_wait3A_314 : memref<64x16xf32, #tpu.memory_space<vmem_shared>>) dst(%arg17 : memref<64x16xf32, #tpu.memory_space<vmem>>)
        tpu.yield
      }) : () -> ()
      "tpu.region"() ({
        %run_scoped3A = tpu.sem_alloc : memref<!tpu.dma_semaphore, #tpu.memory_space<semaphore_mem>>
        %dma_start3A_307 = arith.constant 0 : i32
        %dma_start3A_308 = tpu.memref_slice %arg5[%add3A_300, %dma_start3A_307] : memref<10240x16xf32, #tpu.memory_space<hbm>> -> memref<64x16xf32, #tpu.memory_space<hbm>>
        %dma_start3A_309 = arith.constant 0 : i32
        %dma_start3A_310 = tpu.memref_slice %arg5[%add3A_300, %dma_start3A_309] : memref<10240x16xf32, #tpu.memory_space<hbm>> -> memref<64x16xf32, #tpu.memory_space<hbm>>
        tpu.enqueue_dma source(%arg17 : memref<64x16xf32, #tpu.memory_space<vmem>>) target(%dma_start3A_310 : memref<64x16xf32, #tpu.memory_space<hbm>>) target_semaphore(%run_scoped3A : memref<!tpu.dma_semaphore, #tpu.memory_space<semaphore_mem>>)
        %dma_wait3A_311 = arith.constant 0 : i32
        %dma_wait3A_312 = tpu.memref_slice %arg5[%add3A_300, %dma_wait3A_311] : memref<10240x16xf32, #tpu.memory_space<hbm>> -> memref<64x16xf32, #tpu.memory_space<hbm>>
        %dma_wait3A_313 = arith.constant 0 : i32
        %dma_wait3A_314 = tpu.memref_slice %arg5[%add3A_300, %dma_wait3A_313] : memref<10240x16xf32, #tpu.memory_space<hbm>> -> memref<64x16xf32, #tpu.memory_space<hbm>>
        tpu.wait_dma2 semaphore(%run_scoped3A : memref<!tpu.dma_semaphore, #tpu.memory_space<semaphore_mem>>) src(%arg17 : memref<64x16xf32, #tpu.memory_space<vmem>>) dst(%dma_wait3A_314 : memref<64x16xf32, #tpu.memory_space<hbm>>)
        tpu.yield
      }) : () -> ()
      %mul3A_301 = arith.constant 640 : i32
      %mul3A_302 = arith.muli %arg1, %mul3A_301 : i32
      %add3A_303 = arith.constant 128 : i32
      %add3A_304 = arith.addi %mul3A_302, %add3A_303 : i32
      %add3A_305 = arith.constant 64 : i32
      %add3A_306 = arith.addi %add3A_304, %add3A_305 : i32
      "tpu.region"() ({
        %run_scoped3A = tpu.sem_alloc : memref<!tpu.dma_semaphore, #tpu.memory_space<semaphore_mem>>
        %dma_start3A_307 = arith.constant 0 : i32
        %dma_start3A_308 = tpu.memref_slice %arg19[%add3A_306, %dma_start3A_307] : memref<10240x16xf32, #tpu.memory_space<vmem_shared>> -> memref<64x16xf32, #tpu.memory_space<vmem_shared>>
        %dma_start3A_309 = arith.constant 0 : i32
        %dma_start3A_310 = tpu.memref_slice %arg19[%add3A_306, %dma_start3A_309] : memref<10240x16xf32, #tpu.memory_space<vmem_shared>> -> memref<64x16xf32, #tpu.memory_space<vmem_shared>>
        tpu.enqueue_dma source(%dma_start3A_310 : memref<64x16xf32, #tpu.memory_space<vmem_shared>>) target(%arg17 : memref<64x16xf32, #tpu.memory_space<vmem>>) target_semaphore(%run_scoped3A : memref<!tpu.dma_semaphore, #tpu.memory_space<semaphore_mem>>)
        %dma_wait3A_311 = arith.constant 0 : i32
        %dma_wait3A_312 = tpu.memref_slice %arg19[%add3A_306, %dma_wait3A_311] : memref<10240x16xf32, #tpu.memory_space<vmem_shared>> -> memref<64x16xf32, #tpu.memory_space<vmem_shared>>
        %dma_wait3A_313 = arith.constant 0 : i32
        %dma_wait3A_314 = tpu.memref_slice %arg19[%add3A_306, %dma_wait3A_313] : memref<10240x16xf32, #tpu.memory_space<vmem_shared>> -> memref<64x16xf32, #tpu.memory_space<vmem_shared>>
        tpu.wait_dma2 semaphore(%run_scoped3A : memref<!tpu.dma_semaphore, #tpu.memory_space<semaphore_mem>>) src(%dma_wait3A_314 : memref<64x16xf32, #tpu.memory_space<vmem_shared>>) dst(%arg17 : memref<64x16xf32, #tpu.memory_space<vmem>>)
        tpu.yield
      }) : () -> ()
      "tpu.region"() ({
        %run_scoped3A = tpu.sem_alloc : memref<!tpu.dma_semaphore, #tpu.memory_space<semaphore_mem>>
        %dma_start3A_307 = arith.constant 0 : i32
        %dma_start3A_308 = tpu.memref_slice %arg5[%add3A_306, %dma_start3A_307] : memref<10240x16xf32, #tpu.memory_space<hbm>> -> memref<64x16xf32, #tpu.memory_space<hbm>>
        %dma_start3A_309 = arith.constant 0 : i32
        %dma_start3A_310 = tpu.memref_slice %arg5[%add3A_306, %dma_start3A_309] : memref<10240x16xf32, #tpu.memory_space<hbm>> -> memref<64x16xf32, #tpu.memory_space<hbm>>
        tpu.enqueue_dma source(%arg17 : memref<64x16xf32, #tpu.memory_space<vmem>>) target(%dma_start3A_310 : memref<64x16xf32, #tpu.memory_space<hbm>>) target_semaphore(%run_scoped3A : memref<!tpu.dma_semaphore, #tpu.memory_space<semaphore_mem>>)
        %dma_wait3A_311 = arith.constant 0 : i32
        %dma_wait3A_312 = tpu.memref_slice %arg5[%add3A_306, %dma_wait3A_311] : memref<10240x16xf32, #tpu.memory_space<hbm>> -> memref<64x16xf32, #tpu.memory_space<hbm>>
        %dma_wait3A_313 = arith.constant 0 : i32
        %dma_wait3A_314 = tpu.memref_slice %arg5[%add3A_306, %dma_wait3A_313] : memref<10240x16xf32, #tpu.memory_space<hbm>> -> memref<64x16xf32, #tpu.memory_space<hbm>>
        tpu.wait_dma2 semaphore(%run_scoped3A : memref<!tpu.dma_semaphore, #tpu.memory_space<semaphore_mem>>) src(%arg17 : memref<64x16xf32, #tpu.memory_space<vmem>>) dst(%dma_wait3A_314 : memref<64x16xf32, #tpu.memory_space<hbm>>)
        tpu.yield
      }) : () -> ()
    } else {
    }
    %mul3A_268 = arith.constant 640 : i32
    %mul3A_269 = arith.muli %arg1, %mul3A_268 : i32
    %add3A_270 = arith.constant 256 : i32
    %add3A_271 = arith.addi %mul3A_269, %add3A_270 : i32
    "tpu.region"() ({
      %run_scoped3A = tpu.sem_alloc : memref<!tpu.dma_semaphore, #tpu.memory_space<semaphore_mem>>
      %dma_start3A_295 = arith.constant 0 : i32
      %dma_start3A_296 = tpu.memref_slice %arg18[%add3A_271, %dma_start3A_295] : memref<10240x64xf32, #tpu.memory_space<vmem_shared>> -> memref<128x64xf32, #tpu.memory_space<vmem_shared>>
      %dma_start3A_297 = arith.constant 0 : i32
      %dma_start3A_298 = tpu.memref_slice %arg18[%add3A_271, %dma_start3A_297] : memref<10240x64xf32, #tpu.memory_space<vmem_shared>> -> memref<128x64xf32, #tpu.memory_space<vmem_shared>>
      tpu.enqueue_dma source(%dma_start3A_298 : memref<128x64xf32, #tpu.memory_space<vmem_shared>>) target(%arg8 : memref<128x64xf32, #tpu.memory_space<vmem>>) target_semaphore(%run_scoped3A : memref<!tpu.dma_semaphore, #tpu.memory_space<semaphore_mem>>)
      %dma_wait3A_299 = arith.constant 0 : i32
      %dma_wait3A_300 = tpu.memref_slice %arg18[%add3A_271, %dma_wait3A_299] : memref<10240x64xf32, #tpu.memory_space<vmem_shared>> -> memref<128x64xf32, #tpu.memory_space<vmem_shared>>
      %dma_wait3A_301 = arith.constant 0 : i32
      %dma_wait3A_302 = tpu.memref_slice %arg18[%add3A_271, %dma_wait3A_301] : memref<10240x64xf32, #tpu.memory_space<vmem_shared>> -> memref<128x64xf32, #tpu.memory_space<vmem_shared>>
      tpu.wait_dma2 semaphore(%run_scoped3A : memref<!tpu.dma_semaphore, #tpu.memory_space<semaphore_mem>>) src(%dma_wait3A_302 : memref<128x64xf32, #tpu.memory_space<vmem_shared>>) dst(%arg8 : memref<128x64xf32, #tpu.memory_space<vmem>>)
      tpu.yield
    }) : () -> ()
    "tpu.region"() ({
      %run_scoped3A = tpu.sem_alloc : memref<!tpu.dma_semaphore, #tpu.memory_space<semaphore_mem>>
      %dma_start3A_295 = arith.constant 0 : i32
      %dma_start3A_296 = tpu.memref_slice %arg4[%arg0, %add3A_271, %dma_start3A_295] : memref<2x10240x64xf32, #tpu.memory_space<hbm>> -> memref<1x128x64xf32, #tpu.memory_space<hbm>>
      %dma_start3A_297 = tpu.memref_squeeze %dma_start3A_296 : memref<1x128x64xf32, #tpu.memory_space<hbm>> -> memref<128x64xf32, #tpu.memory_space<hbm>>
      %dma_start3A_298 = arith.constant 0 : i32
      %dma_start3A_299 = tpu.memref_slice %arg4[%arg0, %add3A_271, %dma_start3A_298] : memref<2x10240x64xf32, #tpu.memory_space<hbm>> -> memref<1x128x64xf32, #tpu.memory_space<hbm>>
      %dma_start3A_300 = tpu.memref_squeeze %dma_start3A_299 : memref<1x128x64xf32, #tpu.memory_space<hbm>> -> memref<128x64xf32, #tpu.memory_space<hbm>>
      tpu.enqueue_dma source(%arg8 : memref<128x64xf32, #tpu.memory_space<vmem>>) target(%dma_start3A_300 : memref<128x64xf32, #tpu.memory_space<hbm>>) target_semaphore(%run_scoped3A : memref<!tpu.dma_semaphore, #tpu.memory_space<semaphore_mem>>)
      %dma_wait3A_301 = arith.constant 0 : i32
      %dma_wait3A_302 = tpu.memref_slice %arg4[%arg0, %add3A_271, %dma_wait3A_301] : memref<2x10240x64xf32, #tpu.memory_space<hbm>> -> memref<1x128x64xf32, #tpu.memory_space<hbm>>
      %dma_wait3A_303 = tpu.memref_squeeze %dma_wait3A_302 : memref<1x128x64xf32, #tpu.memory_space<hbm>> -> memref<128x64xf32, #tpu.memory_space<hbm>>
      %dma_wait3A_304 = arith.constant 0 : i32
      %dma_wait3A_305 = tpu.memref_slice %arg4[%arg0, %add3A_271, %dma_wait3A_304] : memref<2x10240x64xf32, #tpu.memory_space<hbm>> -> memref<1x128x64xf32, #tpu.memory_space<hbm>>
      %dma_wait3A_306 = tpu.memref_squeeze %dma_wait3A_305 : memref<1x128x64xf32, #tpu.memory_space<hbm>> -> memref<128x64xf32, #tpu.memory_space<hbm>>
      tpu.wait_dma2 semaphore(%run_scoped3A : memref<!tpu.dma_semaphore, #tpu.memory_space<semaphore_mem>>) src(%arg8 : memref<128x64xf32, #tpu.memory_space<vmem>>) dst(%dma_wait3A_306 : memref<128x64xf32, #tpu.memory_space<hbm>>)
      tpu.yield
    }) : () -> ()
    %eq3A_272 = arith.constant 0 : i32
    %eq3A_273 = arith.cmpi eq, %arg0, %eq3A_272 : i32
    %convert_element_type3A_274 = arith.extui %eq3A_273 : i1 to i32
    %cond3A_275 = arith.constant 0 : i32
    %cond3A_276 = arith.cmpi ne, %convert_element_type3A_274, %cond3A_275 : i32
    scf.if %cond3A_276 {
      %mul3A_295 = arith.constant 640 : i32
      %mul3A_296 = arith.muli %arg1, %mul3A_295 : i32
      %add3A_297 = arith.constant 256 : i32
      %add3A_298 = arith.addi %mul3A_296, %add3A_297 : i32
      %add3A_299 = arith.constant 0 : i32
      %add3A_300 = arith.addi %add3A_298, %add3A_299 : i32
      "tpu.region"() ({
        %run_scoped3A = tpu.sem_alloc : memref<!tpu.dma_semaphore, #tpu.memory_space<semaphore_mem>>
        %dma_start3A_307 = arith.constant 0 : i32
        %dma_start3A_308 = tpu.memref_slice %arg19[%add3A_300, %dma_start3A_307] : memref<10240x16xf32, #tpu.memory_space<vmem_shared>> -> memref<64x16xf32, #tpu.memory_space<vmem_shared>>
        %dma_start3A_309 = arith.constant 0 : i32
        %dma_start3A_310 = tpu.memref_slice %arg19[%add3A_300, %dma_start3A_309] : memref<10240x16xf32, #tpu.memory_space<vmem_shared>> -> memref<64x16xf32, #tpu.memory_space<vmem_shared>>
        tpu.enqueue_dma source(%dma_start3A_310 : memref<64x16xf32, #tpu.memory_space<vmem_shared>>) target(%arg17 : memref<64x16xf32, #tpu.memory_space<vmem>>) target_semaphore(%run_scoped3A : memref<!tpu.dma_semaphore, #tpu.memory_space<semaphore_mem>>)
        %dma_wait3A_311 = arith.constant 0 : i32
        %dma_wait3A_312 = tpu.memref_slice %arg19[%add3A_300, %dma_wait3A_311] : memref<10240x16xf32, #tpu.memory_space<vmem_shared>> -> memref<64x16xf32, #tpu.memory_space<vmem_shared>>
        %dma_wait3A_313 = arith.constant 0 : i32
        %dma_wait3A_314 = tpu.memref_slice %arg19[%add3A_300, %dma_wait3A_313] : memref<10240x16xf32, #tpu.memory_space<vmem_shared>> -> memref<64x16xf32, #tpu.memory_space<vmem_shared>>
        tpu.wait_dma2 semaphore(%run_scoped3A : memref<!tpu.dma_semaphore, #tpu.memory_space<semaphore_mem>>) src(%dma_wait3A_314 : memref<64x16xf32, #tpu.memory_space<vmem_shared>>) dst(%arg17 : memref<64x16xf32, #tpu.memory_space<vmem>>)
        tpu.yield
      }) : () -> ()
      "tpu.region"() ({
        %run_scoped3A = tpu.sem_alloc : memref<!tpu.dma_semaphore, #tpu.memory_space<semaphore_mem>>
        %dma_start3A_307 = arith.constant 0 : i32
        %dma_start3A_308 = tpu.memref_slice %arg5[%add3A_300, %dma_start3A_307] : memref<10240x16xf32, #tpu.memory_space<hbm>> -> memref<64x16xf32, #tpu.memory_space<hbm>>
        %dma_start3A_309 = arith.constant 0 : i32
        %dma_start3A_310 = tpu.memref_slice %arg5[%add3A_300, %dma_start3A_309] : memref<10240x16xf32, #tpu.memory_space<hbm>> -> memref<64x16xf32, #tpu.memory_space<hbm>>
        tpu.enqueue_dma source(%arg17 : memref<64x16xf32, #tpu.memory_space<vmem>>) target(%dma_start3A_310 : memref<64x16xf32, #tpu.memory_space<hbm>>) target_semaphore(%run_scoped3A : memref<!tpu.dma_semaphore, #tpu.memory_space<semaphore_mem>>)
        %dma_wait3A_311 = arith.constant 0 : i32
        %dma_wait3A_312 = tpu.memref_slice %arg5[%add3A_300, %dma_wait3A_311] : memref<10240x16xf32, #tpu.memory_space<hbm>> -> memref<64x16xf32, #tpu.memory_space<hbm>>
        %dma_wait3A_313 = arith.constant 0 : i32
        %dma_wait3A_314 = tpu.memref_slice %arg5[%add3A_300, %dma_wait3A_313] : memref<10240x16xf32, #tpu.memory_space<hbm>> -> memref<64x16xf32, #tpu.memory_space<hbm>>
        tpu.wait_dma2 semaphore(%run_scoped3A : memref<!tpu.dma_semaphore, #tpu.memory_space<semaphore_mem>>) src(%arg17 : memref<64x16xf32, #tpu.memory_space<vmem>>) dst(%dma_wait3A_314 : memref<64x16xf32, #tpu.memory_space<hbm>>)
        tpu.yield
      }) : () -> ()
      %mul3A_301 = arith.constant 640 : i32
      %mul3A_302 = arith.muli %arg1, %mul3A_301 : i32
      %add3A_303 = arith.constant 256 : i32
      %add3A_304 = arith.addi %mul3A_302, %add3A_303 : i32
      %add3A_305 = arith.constant 64 : i32
      %add3A_306 = arith.addi %add3A_304, %add3A_305 : i32
      "tpu.region"() ({
        %run_scoped3A = tpu.sem_alloc : memref<!tpu.dma_semaphore, #tpu.memory_space<semaphore_mem>>
        %dma_start3A_307 = arith.constant 0 : i32
        %dma_start3A_308 = tpu.memref_slice %arg19[%add3A_306, %dma_start3A_307] : memref<10240x16xf32, #tpu.memory_space<vmem_shared>> -> memref<64x16xf32, #tpu.memory_space<vmem_shared>>
        %dma_start3A_309 = arith.constant 0 : i32
        %dma_start3A_310 = tpu.memref_slice %arg19[%add3A_306, %dma_start3A_309] : memref<10240x16xf32, #tpu.memory_space<vmem_shared>> -> memref<64x16xf32, #tpu.memory_space<vmem_shared>>
        tpu.enqueue_dma source(%dma_start3A_310 : memref<64x16xf32, #tpu.memory_space<vmem_shared>>) target(%arg17 : memref<64x16xf32, #tpu.memory_space<vmem>>) target_semaphore(%run_scoped3A : memref<!tpu.dma_semaphore, #tpu.memory_space<semaphore_mem>>)
        %dma_wait3A_311 = arith.constant 0 : i32
        %dma_wait3A_312 = tpu.memref_slice %arg19[%add3A_306, %dma_wait3A_311] : memref<10240x16xf32, #tpu.memory_space<vmem_shared>> -> memref<64x16xf32, #tpu.memory_space<vmem_shared>>
        %dma_wait3A_313 = arith.constant 0 : i32
        %dma_wait3A_314 = tpu.memref_slice %arg19[%add3A_306, %dma_wait3A_313] : memref<10240x16xf32, #tpu.memory_space<vmem_shared>> -> memref<64x16xf32, #tpu.memory_space<vmem_shared>>
        tpu.wait_dma2 semaphore(%run_scoped3A : memref<!tpu.dma_semaphore, #tpu.memory_space<semaphore_mem>>) src(%dma_wait3A_314 : memref<64x16xf32, #tpu.memory_space<vmem_shared>>) dst(%arg17 : memref<64x16xf32, #tpu.memory_space<vmem>>)
        tpu.yield
      }) : () -> ()
      "tpu.region"() ({
        %run_scoped3A = tpu.sem_alloc : memref<!tpu.dma_semaphore, #tpu.memory_space<semaphore_mem>>
        %dma_start3A_307 = arith.constant 0 : i32
        %dma_start3A_308 = tpu.memref_slice %arg5[%add3A_306, %dma_start3A_307] : memref<10240x16xf32, #tpu.memory_space<hbm>> -> memref<64x16xf32, #tpu.memory_space<hbm>>
        %dma_start3A_309 = arith.constant 0 : i32
        %dma_start3A_310 = tpu.memref_slice %arg5[%add3A_306, %dma_start3A_309] : memref<10240x16xf32, #tpu.memory_space<hbm>> -> memref<64x16xf32, #tpu.memory_space<hbm>>
        tpu.enqueue_dma source(%arg17 : memref<64x16xf32, #tpu.memory_space<vmem>>) target(%dma_start3A_310 : memref<64x16xf32, #tpu.memory_space<hbm>>) target_semaphore(%run_scoped3A : memref<!tpu.dma_semaphore, #tpu.memory_space<semaphore_mem>>)
        %dma_wait3A_311 = arith.constant 0 : i32
        %dma_wait3A_312 = tpu.memref_slice %arg5[%add3A_306, %dma_wait3A_311] : memref<10240x16xf32, #tpu.memory_space<hbm>> -> memref<64x16xf32, #tpu.memory_space<hbm>>
        %dma_wait3A_313 = arith.constant 0 : i32
        %dma_wait3A_314 = tpu.memref_slice %arg5[%add3A_306, %dma_wait3A_313] : memref<10240x16xf32, #tpu.memory_space<hbm>> -> memref<64x16xf32, #tpu.memory_space<hbm>>
        tpu.wait_dma2 semaphore(%run_scoped3A : memref<!tpu.dma_semaphore, #tpu.memory_space<semaphore_mem>>) src(%arg17 : memref<64x16xf32, #tpu.memory_space<vmem>>) dst(%dma_wait3A_314 : memref<64x16xf32, #tpu.memory_space<hbm>>)
        tpu.yield
      }) : () -> ()
    } else {
    }
    %mul3A_277 = arith.constant 640 : i32
    %mul3A_278 = arith.muli %arg1, %mul3A_277 : i32
    %add3A_279 = arith.constant 384 : i32
    %add3A_280 = arith.addi %mul3A_278, %add3A_279 : i32
    "tpu.region"() ({
      %run_scoped3A = tpu.sem_alloc : memref<!tpu.dma_semaphore, #tpu.memory_space<semaphore_mem>>
      %dma_start3A_295 = arith.constant 0 : i32
      %dma_start3A_296 = tpu.memref_slice %arg18[%add3A_280, %dma_start3A_295] : memref<10240x64xf32, #tpu.memory_space<vmem_shared>> -> memref<128x64xf32, #tpu.memory_space<vmem_shared>>
      %dma_start3A_297 = arith.constant 0 : i32
      %dma_start3A_298 = tpu.memref_slice %arg18[%add3A_280, %dma_start3A_297] : memref<10240x64xf32, #tpu.memory_space<vmem_shared>> -> memref<128x64xf32, #tpu.memory_space<vmem_shared>>
      tpu.enqueue_dma source(%dma_start3A_298 : memref<128x64xf32, #tpu.memory_space<vmem_shared>>) target(%arg8 : memref<128x64xf32, #tpu.memory_space<vmem>>) target_semaphore(%run_scoped3A : memref<!tpu.dma_semaphore, #tpu.memory_space<semaphore_mem>>)
      %dma_wait3A_299 = arith.constant 0 : i32
      %dma_wait3A_300 = tpu.memref_slice %arg18[%add3A_280, %dma_wait3A_299] : memref<10240x64xf32, #tpu.memory_space<vmem_shared>> -> memref<128x64xf32, #tpu.memory_space<vmem_shared>>
      %dma_wait3A_301 = arith.constant 0 : i32
      %dma_wait3A_302 = tpu.memref_slice %arg18[%add3A_280, %dma_wait3A_301] : memref<10240x64xf32, #tpu.memory_space<vmem_shared>> -> memref<128x64xf32, #tpu.memory_space<vmem_shared>>
      tpu.wait_dma2 semaphore(%run_scoped3A : memref<!tpu.dma_semaphore, #tpu.memory_space<semaphore_mem>>) src(%dma_wait3A_302 : memref<128x64xf32, #tpu.memory_space<vmem_shared>>) dst(%arg8 : memref<128x64xf32, #tpu.memory_space<vmem>>)
      tpu.yield
    }) : () -> ()
    "tpu.region"() ({
      %run_scoped3A = tpu.sem_alloc : memref<!tpu.dma_semaphore, #tpu.memory_space<semaphore_mem>>
      %dma_start3A_295 = arith.constant 0 : i32
      %dma_start3A_296 = tpu.memref_slice %arg4[%arg0, %add3A_280, %dma_start3A_295] : memref<2x10240x64xf32, #tpu.memory_space<hbm>> -> memref<1x128x64xf32, #tpu.memory_space<hbm>>
      %dma_start3A_297 = tpu.memref_squeeze %dma_start3A_296 : memref<1x128x64xf32, #tpu.memory_space<hbm>> -> memref<128x64xf32, #tpu.memory_space<hbm>>
      %dma_start3A_298 = arith.constant 0 : i32
      %dma_start3A_299 = tpu.memref_slice %arg4[%arg0, %add3A_280, %dma_start3A_298] : memref<2x10240x64xf32, #tpu.memory_space<hbm>> -> memref<1x128x64xf32, #tpu.memory_space<hbm>>
      %dma_start3A_300 = tpu.memref_squeeze %dma_start3A_299 : memref<1x128x64xf32, #tpu.memory_space<hbm>> -> memref<128x64xf32, #tpu.memory_space<hbm>>
      tpu.enqueue_dma source(%arg8 : memref<128x64xf32, #tpu.memory_space<vmem>>) target(%dma_start3A_300 : memref<128x64xf32, #tpu.memory_space<hbm>>) target_semaphore(%run_scoped3A : memref<!tpu.dma_semaphore, #tpu.memory_space<semaphore_mem>>)
      %dma_wait3A_301 = arith.constant 0 : i32
      %dma_wait3A_302 = tpu.memref_slice %arg4[%arg0, %add3A_280, %dma_wait3A_301] : memref<2x10240x64xf32, #tpu.memory_space<hbm>> -> memref<1x128x64xf32, #tpu.memory_space<hbm>>
      %dma_wait3A_303 = tpu.memref_squeeze %dma_wait3A_302 : memref<1x128x64xf32, #tpu.memory_space<hbm>> -> memref<128x64xf32, #tpu.memory_space<hbm>>
      %dma_wait3A_304 = arith.constant 0 : i32
      %dma_wait3A_305 = tpu.memref_slice %arg4[%arg0, %add3A_280, %dma_wait3A_304] : memref<2x10240x64xf32, #tpu.memory_space<hbm>> -> memref<1x128x64xf32, #tpu.memory_space<hbm>>
      %dma_wait3A_306 = tpu.memref_squeeze %dma_wait3A_305 : memref<1x128x64xf32, #tpu.memory_space<hbm>> -> memref<128x64xf32, #tpu.memory_space<hbm>>
      tpu.wait_dma2 semaphore(%run_scoped3A : memref<!tpu.dma_semaphore, #tpu.memory_space<semaphore_mem>>) src(%arg8 : memref<128x64xf32, #tpu.memory_space<vmem>>) dst(%dma_wait3A_306 : memref<128x64xf32, #tpu.memory_space<hbm>>)
      tpu.yield
    }) : () -> ()
    %eq3A_281 = arith.constant 0 : i32
    %eq3A_282 = arith.cmpi eq, %arg0, %eq3A_281 : i32
    %convert_element_type3A_283 = arith.extui %eq3A_282 : i1 to i32
    %cond3A_284 = arith.constant 0 : i32
    %cond3A_285 = arith.cmpi ne, %convert_element_type3A_283, %cond3A_284 : i32
    scf.if %cond3A_285 {
      %mul3A_295 = arith.constant 640 : i32
      %mul3A_296 = arith.muli %arg1, %mul3A_295 : i32
      %add3A_297 = arith.constant 384 : i32
      %add3A_298 = arith.addi %mul3A_296, %add3A_297 : i32
      %add3A_299 = arith.constant 0 : i32
      %add3A_300 = arith.addi %add3A_298, %add3A_299 : i32
      "tpu.region"() ({
        %run_scoped3A = tpu.sem_alloc : memref<!tpu.dma_semaphore, #tpu.memory_space<semaphore_mem>>
        %dma_start3A_307 = arith.constant 0 : i32
        %dma_start3A_308 = tpu.memref_slice %arg19[%add3A_300, %dma_start3A_307] : memref<10240x16xf32, #tpu.memory_space<vmem_shared>> -> memref<64x16xf32, #tpu.memory_space<vmem_shared>>
        %dma_start3A_309 = arith.constant 0 : i32
        %dma_start3A_310 = tpu.memref_slice %arg19[%add3A_300, %dma_start3A_309] : memref<10240x16xf32, #tpu.memory_space<vmem_shared>> -> memref<64x16xf32, #tpu.memory_space<vmem_shared>>
        tpu.enqueue_dma source(%dma_start3A_310 : memref<64x16xf32, #tpu.memory_space<vmem_shared>>) target(%arg17 : memref<64x16xf32, #tpu.memory_space<vmem>>) target_semaphore(%run_scoped3A : memref<!tpu.dma_semaphore, #tpu.memory_space<semaphore_mem>>)
        %dma_wait3A_311 = arith.constant 0 : i32
        %dma_wait3A_312 = tpu.memref_slice %arg19[%add3A_300, %dma_wait3A_311] : memref<10240x16xf32, #tpu.memory_space<vmem_shared>> -> memref<64x16xf32, #tpu.memory_space<vmem_shared>>
        %dma_wait3A_313 = arith.constant 0 : i32
        %dma_wait3A_314 = tpu.memref_slice %arg19[%add3A_300, %dma_wait3A_313] : memref<10240x16xf32, #tpu.memory_space<vmem_shared>> -> memref<64x16xf32, #tpu.memory_space<vmem_shared>>
        tpu.wait_dma2 semaphore(%run_scoped3A : memref<!tpu.dma_semaphore, #tpu.memory_space<semaphore_mem>>) src(%dma_wait3A_314 : memref<64x16xf32, #tpu.memory_space<vmem_shared>>) dst(%arg17 : memref<64x16xf32, #tpu.memory_space<vmem>>)
        tpu.yield
      }) : () -> ()
      "tpu.region"() ({
        %run_scoped3A = tpu.sem_alloc : memref<!tpu.dma_semaphore, #tpu.memory_space<semaphore_mem>>
        %dma_start3A_307 = arith.constant 0 : i32
        %dma_start3A_308 = tpu.memref_slice %arg5[%add3A_300, %dma_start3A_307] : memref<10240x16xf32, #tpu.memory_space<hbm>> -> memref<64x16xf32, #tpu.memory_space<hbm>>
        %dma_start3A_309 = arith.constant 0 : i32
        %dma_start3A_310 = tpu.memref_slice %arg5[%add3A_300, %dma_start3A_309] : memref<10240x16xf32, #tpu.memory_space<hbm>> -> memref<64x16xf32, #tpu.memory_space<hbm>>
        tpu.enqueue_dma source(%arg17 : memref<64x16xf32, #tpu.memory_space<vmem>>) target(%dma_start3A_310 : memref<64x16xf32, #tpu.memory_space<hbm>>) target_semaphore(%run_scoped3A : memref<!tpu.dma_semaphore, #tpu.memory_space<semaphore_mem>>)
        %dma_wait3A_311 = arith.constant 0 : i32
        %dma_wait3A_312 = tpu.memref_slice %arg5[%add3A_300, %dma_wait3A_311] : memref<10240x16xf32, #tpu.memory_space<hbm>> -> memref<64x16xf32, #tpu.memory_space<hbm>>
        %dma_wait3A_313 = arith.constant 0 : i32
        %dma_wait3A_314 = tpu.memref_slice %arg5[%add3A_300, %dma_wait3A_313] : memref<10240x16xf32, #tpu.memory_space<hbm>> -> memref<64x16xf32, #tpu.memory_space<hbm>>
        tpu.wait_dma2 semaphore(%run_scoped3A : memref<!tpu.dma_semaphore, #tpu.memory_space<semaphore_mem>>) src(%arg17 : memref<64x16xf32, #tpu.memory_space<vmem>>) dst(%dma_wait3A_314 : memref<64x16xf32, #tpu.memory_space<hbm>>)
        tpu.yield
      }) : () -> ()
      %mul3A_301 = arith.constant 640 : i32
      %mul3A_302 = arith.muli %arg1, %mul3A_301 : i32
      %add3A_303 = arith.constant 384 : i32
      %add3A_304 = arith.addi %mul3A_302, %add3A_303 : i32
      %add3A_305 = arith.constant 64 : i32
      %add3A_306 = arith.addi %add3A_304, %add3A_305 : i32
      "tpu.region"() ({
        %run_scoped3A = tpu.sem_alloc : memref<!tpu.dma_semaphore, #tpu.memory_space<semaphore_mem>>
        %dma_start3A_307 = arith.constant 0 : i32
        %dma_start3A_308 = tpu.memref_slice %arg19[%add3A_306, %dma_start3A_307] : memref<10240x16xf32, #tpu.memory_space<vmem_shared>> -> memref<64x16xf32, #tpu.memory_space<vmem_shared>>
        %dma_start3A_309 = arith.constant 0 : i32
        %dma_start3A_310 = tpu.memref_slice %arg19[%add3A_306, %dma_start3A_309] : memref<10240x16xf32, #tpu.memory_space<vmem_shared>> -> memref<64x16xf32, #tpu.memory_space<vmem_shared>>
        tpu.enqueue_dma source(%dma_start3A_310 : memref<64x16xf32, #tpu.memory_space<vmem_shared>>) target(%arg17 : memref<64x16xf32, #tpu.memory_space<vmem>>) target_semaphore(%run_scoped3A : memref<!tpu.dma_semaphore, #tpu.memory_space<semaphore_mem>>)
        %dma_wait3A_311 = arith.constant 0 : i32
        %dma_wait3A_312 = tpu.memref_slice %arg19[%add3A_306, %dma_wait3A_311] : memref<10240x16xf32, #tpu.memory_space<vmem_shared>> -> memref<64x16xf32, #tpu.memory_space<vmem_shared>>
        %dma_wait3A_313 = arith.constant 0 : i32
        %dma_wait3A_314 = tpu.memref_slice %arg19[%add3A_306, %dma_wait3A_313] : memref<10240x16xf32, #tpu.memory_space<vmem_shared>> -> memref<64x16xf32, #tpu.memory_space<vmem_shared>>
        tpu.wait_dma2 semaphore(%run_scoped3A : memref<!tpu.dma_semaphore, #tpu.memory_space<semaphore_mem>>) src(%dma_wait3A_314 : memref<64x16xf32, #tpu.memory_space<vmem_shared>>) dst(%arg17 : memref<64x16xf32, #tpu.memory_space<vmem>>)
        tpu.yield
      }) : () -> ()
      "tpu.region"() ({
        %run_scoped3A = tpu.sem_alloc : memref<!tpu.dma_semaphore, #tpu.memory_space<semaphore_mem>>
        %dma_start3A_307 = arith.constant 0 : i32
        %dma_start3A_308 = tpu.memref_slice %arg5[%add3A_306, %dma_start3A_307] : memref<10240x16xf32, #tpu.memory_space<hbm>> -> memref<64x16xf32, #tpu.memory_space<hbm>>
        %dma_start3A_309 = arith.constant 0 : i32
        %dma_start3A_310 = tpu.memref_slice %arg5[%add3A_306, %dma_start3A_309] : memref<10240x16xf32, #tpu.memory_space<hbm>> -> memref<64x16xf32, #tpu.memory_space<hbm>>
        tpu.enqueue_dma source(%arg17 : memref<64x16xf32, #tpu.memory_space<vmem>>) target(%dma_start3A_310 : memref<64x16xf32, #tpu.memory_space<hbm>>) target_semaphore(%run_scoped3A : memref<!tpu.dma_semaphore, #tpu.memory_space<semaphore_mem>>)
        %dma_wait3A_311 = arith.constant 0 : i32
        %dma_wait3A_312 = tpu.memref_slice %arg5[%add3A_306, %dma_wait3A_311] : memref<10240x16xf32, #tpu.memory_space<hbm>> -> memref<64x16xf32, #tpu.memory_space<hbm>>
        %dma_wait3A_313 = arith.constant 0 : i32
        %dma_wait3A_314 = tpu.memref_slice %arg5[%add3A_306, %dma_wait3A_313] : memref<10240x16xf32, #tpu.memory_space<hbm>> -> memref<64x16xf32, #tpu.memory_space<hbm>>
        tpu.wait_dma2 semaphore(%run_scoped3A : memref<!tpu.dma_semaphore, #tpu.memory_space<semaphore_mem>>) src(%arg17 : memref<64x16xf32, #tpu.memory_space<vmem>>) dst(%dma_wait3A_314 : memref<64x16xf32, #tpu.memory_space<hbm>>)
        tpu.yield
      }) : () -> ()
    } else {
    }
    %mul3A_286 = arith.constant 640 : i32
    %mul3A_287 = arith.muli %arg1, %mul3A_286 : i32
    %add3A_288 = arith.constant 512 : i32
    %add3A_289 = arith.addi %mul3A_287, %add3A_288 : i32
    "tpu.region"() ({
      %run_scoped3A = tpu.sem_alloc : memref<!tpu.dma_semaphore, #tpu.memory_space<semaphore_mem>>
      %dma_start3A_295 = arith.constant 0 : i32
      %dma_start3A_296 = tpu.memref_slice %arg18[%add3A_289, %dma_start3A_295] : memref<10240x64xf32, #tpu.memory_space<vmem_shared>> -> memref<128x64xf32, #tpu.memory_space<vmem_shared>>
      %dma_start3A_297 = arith.constant 0 : i32
      %dma_start3A_298 = tpu.memref_slice %arg18[%add3A_289, %dma_start3A_297] : memref<10240x64xf32, #tpu.memory_space<vmem_shared>> -> memref<128x64xf32, #tpu.memory_space<vmem_shared>>
      tpu.enqueue_dma source(%dma_start3A_298 : memref<128x64xf32, #tpu.memory_space<vmem_shared>>) target(%arg8 : memref<128x64xf32, #tpu.memory_space<vmem>>) target_semaphore(%run_scoped3A : memref<!tpu.dma_semaphore, #tpu.memory_space<semaphore_mem>>)
      %dma_wait3A_299 = arith.constant 0 : i32
      %dma_wait3A_300 = tpu.memref_slice %arg18[%add3A_289, %dma_wait3A_299] : memref<10240x64xf32, #tpu.memory_space<vmem_shared>> -> memref<128x64xf32, #tpu.memory_space<vmem_shared>>
      %dma_wait3A_301 = arith.constant 0 : i32
      %dma_wait3A_302 = tpu.memref_slice %arg18[%add3A_289, %dma_wait3A_301] : memref<10240x64xf32, #tpu.memory_space<vmem_shared>> -> memref<128x64xf32, #tpu.memory_space<vmem_shared>>
      tpu.wait_dma2 semaphore(%run_scoped3A : memref<!tpu.dma_semaphore, #tpu.memory_space<semaphore_mem>>) src(%dma_wait3A_302 : memref<128x64xf32, #tpu.memory_space<vmem_shared>>) dst(%arg8 : memref<128x64xf32, #tpu.memory_space<vmem>>)
      tpu.yield
    }) : () -> ()
    "tpu.region"() ({
      %run_scoped3A = tpu.sem_alloc : memref<!tpu.dma_semaphore, #tpu.memory_space<semaphore_mem>>
      %dma_start3A_295 = arith.constant 0 : i32
      %dma_start3A_296 = tpu.memref_slice %arg4[%arg0, %add3A_289, %dma_start3A_295] : memref<2x10240x64xf32, #tpu.memory_space<hbm>> -> memref<1x128x64xf32, #tpu.memory_space<hbm>>
      %dma_start3A_297 = tpu.memref_squeeze %dma_start3A_296 : memref<1x128x64xf32, #tpu.memory_space<hbm>> -> memref<128x64xf32, #tpu.memory_space<hbm>>
      %dma_start3A_298 = arith.constant 0 : i32
      %dma_start3A_299 = tpu.memref_slice %arg4[%arg0, %add3A_289, %dma_start3A_298] : memref<2x10240x64xf32, #tpu.memory_space<hbm>> -> memref<1x128x64xf32, #tpu.memory_space<hbm>>
      %dma_start3A_300 = tpu.memref_squeeze %dma_start3A_299 : memref<1x128x64xf32, #tpu.memory_space<hbm>> -> memref<128x64xf32, #tpu.memory_space<hbm>>
      tpu.enqueue_dma source(%arg8 : memref<128x64xf32, #tpu.memory_space<vmem>>) target(%dma_start3A_300 : memref<128x64xf32, #tpu.memory_space<hbm>>) target_semaphore(%run_scoped3A : memref<!tpu.dma_semaphore, #tpu.memory_space<semaphore_mem>>)
      %dma_wait3A_301 = arith.constant 0 : i32
      %dma_wait3A_302 = tpu.memref_slice %arg4[%arg0, %add3A_289, %dma_wait3A_301] : memref<2x10240x64xf32, #tpu.memory_space<hbm>> -> memref<1x128x64xf32, #tpu.memory_space<hbm>>
      %dma_wait3A_303 = tpu.memref_squeeze %dma_wait3A_302 : memref<1x128x64xf32, #tpu.memory_space<hbm>> -> memref<128x64xf32, #tpu.memory_space<hbm>>
      %dma_wait3A_304 = arith.constant 0 : i32
      %dma_wait3A_305 = tpu.memref_slice %arg4[%arg0, %add3A_289, %dma_wait3A_304] : memref<2x10240x64xf32, #tpu.memory_space<hbm>> -> memref<1x128x64xf32, #tpu.memory_space<hbm>>
      %dma_wait3A_306 = tpu.memref_squeeze %dma_wait3A_305 : memref<1x128x64xf32, #tpu.memory_space<hbm>> -> memref<128x64xf32, #tpu.memory_space<hbm>>
      tpu.wait_dma2 semaphore(%run_scoped3A : memref<!tpu.dma_semaphore, #tpu.memory_space<semaphore_mem>>) src(%arg8 : memref<128x64xf32, #tpu.memory_space<vmem>>) dst(%dma_wait3A_306 : memref<128x64xf32, #tpu.memory_space<hbm>>)
      tpu.yield
    }) : () -> ()
    %eq3A_290 = arith.constant 0 : i32
    %eq3A_291 = arith.cmpi eq, %arg0, %eq3A_290 : i32
    %convert_element_type3A_292 = arith.extui %eq3A_291 : i1 to i32
    %cond3A_293 = arith.constant 0 : i32
    %cond3A_294 = arith.cmpi ne, %convert_element_type3A_292, %cond3A_293 : i32
    scf.if %cond3A_294 {
      %mul3A_295 = arith.constant 640 : i32
      %mul3A_296 = arith.muli %arg1, %mul3A_295 : i32
      %add3A_297 = arith.constant 512 : i32
      %add3A_298 = arith.addi %mul3A_296, %add3A_297 : i32
      %add3A_299 = arith.constant 0 : i32
      %add3A_300 = arith.addi %add3A_298, %add3A_299 : i32
      "tpu.region"() ({
        %run_scoped3A = tpu.sem_alloc : memref<!tpu.dma_semaphore, #tpu.memory_space<semaphore_mem>>
        %dma_start3A_307 = arith.constant 0 : i32
        %dma_start3A_308 = tpu.memref_slice %arg19[%add3A_300, %dma_start3A_307] : memref<10240x16xf32, #tpu.memory_space<vmem_shared>> -> memref<64x16xf32, #tpu.memory_space<vmem_shared>>
        %dma_start3A_309 = arith.constant 0 : i32
        %dma_start3A_310 = tpu.memref_slice %arg19[%add3A_300, %dma_start3A_309] : memref<10240x16xf32, #tpu.memory_space<vmem_shared>> -> memref<64x16xf32, #tpu.memory_space<vmem_shared>>
        tpu.enqueue_dma source(%dma_start3A_310 : memref<64x16xf32, #tpu.memory_space<vmem_shared>>) target(%arg17 : memref<64x16xf32, #tpu.memory_space<vmem>>) target_semaphore(%run_scoped3A : memref<!tpu.dma_semaphore, #tpu.memory_space<semaphore_mem>>)
        %dma_wait3A_311 = arith.constant 0 : i32
        %dma_wait3A_312 = tpu.memref_slice %arg19[%add3A_300, %dma_wait3A_311] : memref<10240x16xf32, #tpu.memory_space<vmem_shared>> -> memref<64x16xf32, #tpu.memory_space<vmem_shared>>
        %dma_wait3A_313 = arith.constant 0 : i32
        %dma_wait3A_314 = tpu.memref_slice %arg19[%add3A_300, %dma_wait3A_313] : memref<10240x16xf32, #tpu.memory_space<vmem_shared>> -> memref<64x16xf32, #tpu.memory_space<vmem_shared>>
        tpu.wait_dma2 semaphore(%run_scoped3A : memref<!tpu.dma_semaphore, #tpu.memory_space<semaphore_mem>>) src(%dma_wait3A_314 : memref<64x16xf32, #tpu.memory_space<vmem_shared>>) dst(%arg17 : memref<64x16xf32, #tpu.memory_space<vmem>>)
        tpu.yield
      }) : () -> ()
      "tpu.region"() ({
        %run_scoped3A = tpu.sem_alloc : memref<!tpu.dma_semaphore, #tpu.memory_space<semaphore_mem>>
        %dma_start3A_307 = arith.constant 0 : i32
        %dma_start3A_308 = tpu.memref_slice %arg5[%add3A_300, %dma_start3A_307] : memref<10240x16xf32, #tpu.memory_space<hbm>> -> memref<64x16xf32, #tpu.memory_space<hbm>>
        %dma_start3A_309 = arith.constant 0 : i32
        %dma_start3A_310 = tpu.memref_slice %arg5[%add3A_300, %dma_start3A_309] : memref<10240x16xf32, #tpu.memory_space<hbm>> -> memref<64x16xf32, #tpu.memory_space<hbm>>
        tpu.enqueue_dma source(%arg17 : memref<64x16xf32, #tpu.memory_space<vmem>>) target(%dma_start3A_310 : memref<64x16xf32, #tpu.memory_space<hbm>>) target_semaphore(%run_scoped3A : memref<!tpu.dma_semaphore, #tpu.memory_space<semaphore_mem>>)
        %dma_wait3A_311 = arith.constant 0 : i32
        %dma_wait3A_312 = tpu.memref_slice %arg5[%add3A_300, %dma_wait3A_311] : memref<10240x16xf32, #tpu.memory_space<hbm>> -> memref<64x16xf32, #tpu.memory_space<hbm>>
        %dma_wait3A_313 = arith.constant 0 : i32
        %dma_wait3A_314 = tpu.memref_slice %arg5[%add3A_300, %dma_wait3A_313] : memref<10240x16xf32, #tpu.memory_space<hbm>> -> memref<64x16xf32, #tpu.memory_space<hbm>>
        tpu.wait_dma2 semaphore(%run_scoped3A : memref<!tpu.dma_semaphore, #tpu.memory_space<semaphore_mem>>) src(%arg17 : memref<64x16xf32, #tpu.memory_space<vmem>>) dst(%dma_wait3A_314 : memref<64x16xf32, #tpu.memory_space<hbm>>)
        tpu.yield
      }) : () -> ()
      %mul3A_301 = arith.constant 640 : i32
      %mul3A_302 = arith.muli %arg1, %mul3A_301 : i32
      %add3A_303 = arith.constant 512 : i32
      %add3A_304 = arith.addi %mul3A_302, %add3A_303 : i32
      %add3A_305 = arith.constant 64 : i32
      %add3A_306 = arith.addi %add3A_304, %add3A_305 : i32
      "tpu.region"() ({
        %run_scoped3A = tpu.sem_alloc : memref<!tpu.dma_semaphore, #tpu.memory_space<semaphore_mem>>
        %dma_start3A_307 = arith.constant 0 : i32
        %dma_start3A_308 = tpu.memref_slice %arg19[%add3A_306, %dma_start3A_307] : memref<10240x16xf32, #tpu.memory_space<vmem_shared>> -> memref<64x16xf32, #tpu.memory_space<vmem_shared>>
        %dma_start3A_309 = arith.constant 0 : i32
        %dma_start3A_310 = tpu.memref_slice %arg19[%add3A_306, %dma_start3A_309] : memref<10240x16xf32, #tpu.memory_space<vmem_shared>> -> memref<64x16xf32, #tpu.memory_space<vmem_shared>>
        tpu.enqueue_dma source(%dma_start3A_310 : memref<64x16xf32, #tpu.memory_space<vmem_shared>>) target(%arg17 : memref<64x16xf32, #tpu.memory_space<vmem>>) target_semaphore(%run_scoped3A : memref<!tpu.dma_semaphore, #tpu.memory_space<semaphore_mem>>)
        %dma_wait3A_311 = arith.constant 0 : i32
        %dma_wait3A_312 = tpu.memref_slice %arg19[%add3A_306, %dma_wait3A_311] : memref<10240x16xf32, #tpu.memory_space<vmem_shared>> -> memref<64x16xf32, #tpu.memory_space<vmem_shared>>
        %dma_wait3A_313 = arith.constant 0 : i32
        %dma_wait3A_314 = tpu.memref_slice %arg19[%add3A_306, %dma_wait3A_313] : memref<10240x16xf32, #tpu.memory_space<vmem_shared>> -> memref<64x16xf32, #tpu.memory_space<vmem_shared>>
        tpu.wait_dma2 semaphore(%run_scoped3A : memref<!tpu.dma_semaphore, #tpu.memory_space<semaphore_mem>>) src(%dma_wait3A_314 : memref<64x16xf32, #tpu.memory_space<vmem_shared>>) dst(%arg17 : memref<64x16xf32, #tpu.memory_space<vmem>>)
        tpu.yield
      }) : () -> ()
      "tpu.region"() ({
        %run_scoped3A = tpu.sem_alloc : memref<!tpu.dma_semaphore, #tpu.memory_space<semaphore_mem>>
        %dma_start3A_307 = arith.constant 0 : i32
        %dma_start3A_308 = tpu.memref_slice %arg5[%add3A_306, %dma_start3A_307] : memref<10240x16xf32, #tpu.memory_space<hbm>> -> memref<64x16xf32, #tpu.memory_space<hbm>>
        %dma_start3A_309 = arith.constant 0 : i32
        %dma_start3A_310 = tpu.memref_slice %arg5[%add3A_306, %dma_start3A_309] : memref<10240x16xf32, #tpu.memory_space<hbm>> -> memref<64x16xf32, #tpu.memory_space<hbm>>
        tpu.enqueue_dma source(%arg17 : memref<64x16xf32, #tpu.memory_space<vmem>>) target(%dma_start3A_310 : memref<64x16xf32, #tpu.memory_space<hbm>>) target_semaphore(%run_scoped3A : memref<!tpu.dma_semaphore, #tpu.memory_space<semaphore_mem>>)
        %dma_wait3A_311 = arith.constant 0 : i32
        %dma_wait3A_312 = tpu.memref_slice %arg5[%add3A_306, %dma_wait3A_311] : memref<10240x16xf32, #tpu.memory_space<hbm>> -> memref<64x16xf32, #tpu.memory_space<hbm>>
        %dma_wait3A_313 = arith.constant 0 : i32
        %dma_wait3A_314 = tpu.memref_slice %arg5[%add3A_306, %dma_wait3A_313] : memref<10240x16xf32, #tpu.memory_space<hbm>> -> memref<64x16xf32, #tpu.memory_space<hbm>>
        tpu.wait_dma2 semaphore(%run_scoped3A : memref<!tpu.dma_semaphore, #tpu.memory_space<semaphore_mem>>) src(%arg17 : memref<64x16xf32, #tpu.memory_space<vmem>>) dst(%dma_wait3A_314 : memref<64x16xf32, #tpu.memory_space<hbm>>)
        tpu.yield
      }) : () -> ()
    } else {
    }
    return
  }
}

module attributes {stable_mosaic.version = 14 : i64} {
  func.func @_xr1_body(%arg0: i32, %arg1: memref<1024x128xf32, #tpu.memory_space<vmem>>, %arg2: memref<128x128xf32, #tpu.memory_space<vmem>>, %arg3: memref<1x128xf32, #tpu.memory_space<vmem>>, %arg4: memref<1024x128xf32, #tpu.memory_space<vmem>>) attributes {dimension_semantics = [#tpu.dimension_semantics<arbitrary>], iteration_bounds = array<i64: 10>, scalar_prefetch = 0 : i64, scratch_operands = 0 : i64, tpu.core_type = #tpu.core_type<tc>, window_params = [{transform_indices = @transform_0, window_bounds = array<i64: 1024, 128>}, {pipeline_mode = #tpu.pipeline_mode<synchronous>, transform_indices = @transform_1, window_bounds = array<i64: 128, 128>}, {pipeline_mode = #tpu.pipeline_mode<synchronous>, transform_indices = @transform_2, window_bounds = array<i64: 1, 128>}, {transform_indices = @transform_3, window_bounds = array<i64: 1024, 128>}]} {
    %get3A = arith.constant 0 : index
    %get3A_0 = arith.constant 0 : index
    %get3A_1 = vector.load %arg1[%get3A, %get3A_0] : memref<1024x128xf32, #tpu.memory_space<vmem>>, vector<1024x128xf32>
    %get3A_2 = arith.constant 0 : index
    %get3A_3 = arith.constant 0 : index
    %get3A_4 = vector.load %arg2[%get3A_2, %get3A_3] : memref<128x128xf32, #tpu.memory_space<vmem>>, vector<128x128xf32>
    %dot_general3A = arith.constant dense<0.000000e+00> : vector<1024x128xf32>
    %dot_general3A_5 = tpu.matmul %get3A_1, %get3A_4, %dot_general3A {dimension_numbers = #tpu.dot_dimension_numbers<[1], [0], [0], [1], [0, 0, 1, 1], [], []>, transpose_lhs_hint = false} : vector<1024x128xf32>, vector<128x128xf32>, vector<1024x128xf32> -> vector<1024x128xf32>
    %get3A_6 = arith.constant 0 : index
    %get3A_7 = arith.constant 0 : index
    %get3A_8 = vector.load %arg3[%get3A_6, %get3A_7] : memref<1x128xf32, #tpu.memory_space<vmem>>, vector<1x128xf32>
    %add3A = vector.broadcast %get3A_8 : vector<1x128xf32> to vector<1024x128xf32>
    %add3A_9 = arith.addf %dot_general3A_5, %add3A : vector<1024x128xf32>
    %swap3A = arith.constant 0 : index
    %swap3A_10 = arith.constant 0 : index
    %swap3A_11 = vector.load %arg4[%swap3A, %swap3A_10] : memref<1024x128xf32, #tpu.memory_space<vmem>>, vector<1024x128xf32>
    tpu.vector_store %arg4[%swap3A, %swap3A_10], %add3A_9 {strides = array<i32>} : memref<1024x128xf32, #tpu.memory_space<vmem>>, vector<1024x128xf32>,
    return
  }
  func.func @transform_0(%arg0: i32) -> (i32, i32) {
    %c0_i32 = arith.constant 0 : i32
    %c0_i32_0 = arith.constant 0 : i32
    return %arg0, %c0_i32 : i32, i32
  }
  func.func @transform_1(%arg0: i32) -> (i32, i32) {
    %c0_i32 = arith.constant 0 : i32
    %c0_i32_0 = arith.constant 0 : i32
    %c0_i32_1 = arith.constant 0 : i32
    return %c0_i32, %c0_i32_0 : i32, i32
  }
  func.func @transform_2(%arg0: i32) -> (i32, i32) {
    %c0_i32 = arith.constant 0 : i32
    %c0_i32_0 = arith.constant 0 : i32
    %c0_i32_1 = arith.constant 0 : i32
    return %c0_i32, %c0_i32_0 : i32, i32
  }
  func.func @transform_3(%arg0: i32) -> (i32, i32) {
    %c0_i32 = arith.constant 0 : i32
    %c0_i32_0 = arith.constant 0 : i32
    return %arg0, %c0_i32 : i32, i32
  }
}

module attributes {stable_mosaic.version = 14 : i64} {
  func.func @_dense1_body(%arg0: i32, %arg1: memref<2x1024x64xf32, #tpu.memory_space<vmem>>, %arg2: memref<1024x16xf32, #tpu.memory_space<vmem>>, %arg3: memref<1024x128xf32, #tpu.memory_space<vmem>>, %arg4: memref<128x128xf32, #tpu.memory_space<vmem>>, %arg5: memref<2x1024x64xf32, #tpu.memory_space<vmem>>) attributes {dimension_semantics = [#tpu.dimension_semantics<arbitrary>], iteration_bounds = array<i64: 10>, scalar_prefetch = 0 : i64, scratch_operands = 0 : i64, tpu.core_type = #tpu.core_type<tc>, window_params = [{transform_indices = @transform_0, window_bounds = array<i64: 2, 1024, 64>}, {transform_indices = @transform_1, window_bounds = array<i64: 1024, 16>}, {transform_indices = @transform_2, window_bounds = array<i64: 1024, 128>}, {pipeline_mode = #tpu.pipeline_mode<synchronous>, transform_indices = @transform_3, window_bounds = array<i64: 128, 128>}, {transform_indices = @transform_4, window_bounds = array<i64: 2, 1024, 64>}]} {
    %get3A = arith.constant 0 : index
    %get3A_0 = arith.constant 0 : index
    %get3A_1 = vector.load %arg2[%get3A, %get3A_0] : memref<1024x16xf32, #tpu.memory_space<vmem>>, vector<1024x1xf32>
    %get3A_2 = arith.constant 0 : index
    %get3A_3 = arith.constant 0 : index
    %get3A_4 = arith.constant 0 : index
    %get3A_5 = vector.load %arg1[%get3A_2, %get3A_3, %get3A_4] : memref<2x1024x64xf32, #tpu.memory_space<vmem>>, vector<1x1024x64xf32>
    %get3A_6 = vector.shape_cast %get3A_5 : vector<1x1024x64xf32> to vector<1024x64xf32>
    %get3A_7 = arith.constant 1 : index
    %get3A_8 = arith.constant 0 : index
    %get3A_9 = arith.constant 0 : index
    %get3A_10 = vector.load %arg1[%get3A_7, %get3A_8, %get3A_9] : memref<2x1024x64xf32, #tpu.memory_space<vmem>>, vector<1x1024x64xf32>
    %get3A_11 = vector.shape_cast %get3A_10 : vector<1x1024x64xf32> to vector<1024x64xf32>
    %concatenate3A = tpu.concatenate %get3A_6, %get3A_11 in 1 : vector<1024x64xf32>, vector<1024x64xf32> -> vector<1024x128xf32>
    %max3A = arith.constant 1.000000e+00 : f32
    %max3A_12 = vector.broadcast %max3A : f32 to vector<1024x1xf32>
    %max3A_13 = arith.maximumf %get3A_1, %max3A_12 : vector<1024x1xf32>
    %div3A = vector.broadcast %max3A_13 : vector<1024x1xf32> to vector<1024x128xf32>
    %div3A_14 = arith.divf %concatenate3A, %div3A : vector<1024x128xf32>
    %get3A_15 = arith.constant 0 : index
    %get3A_16 = arith.constant 0 : index
    %get3A_17 = vector.load %arg4[%get3A_15, %get3A_16] : memref<128x128xf32, #tpu.memory_space<vmem>>, vector<128x128xf32>
    %dot_general3A = arith.constant dense<0.000000e+00> : vector<1024x128xf32>
    %dot_general3A_18 = tpu.matmul %div3A_14, %get3A_17, %dot_general3A {dimension_numbers = #tpu.dot_dimension_numbers<[1], [0], [0], [1], [0, 0, 1, 1], [], []>, transpose_lhs_hint = false} : vector<1024x128xf32>, vector<128x128xf32>, vector<1024x128xf32> -> vector<1024x128xf32>
    %get3A_19 = arith.constant 0 : index
    %get3A_20 = arith.constant 0 : index
    %get3A_21 = vector.load %arg3[%get3A_19, %get3A_20] : memref<1024x128xf32, #tpu.memory_space<vmem>>, vector<1024x128xf32>
    %add3A = arith.addf %dot_general3A_18, %get3A_21 : vector<1024x128xf32>
    %max3A_22 = arith.constant 0.000000e+00 : f32
    %max3A_23 = vector.broadcast %max3A_22 : f32 to vector<1024x128xf32>
    %max3A_24 = arith.maximumf %add3A, %max3A_23 : vector<1024x128xf32>
    %slice3A = vector.extract_strided_slice %max3A_24 {offsets = [0, 0], sizes = [1024, 64], strides = [1, 1]} : vector<1024x128xf32> to vector<1024x64xf32>
    %swap3A = arith.constant 0 : index
    %swap3A_25 = arith.constant 0 : index
    %swap3A_26 = arith.constant 0 : index
    %swap3A_27 = vector.load %arg5[%swap3A, %swap3A_25, %swap3A_26] : memref<2x1024x64xf32, #tpu.memory_space<vmem>>, vector<1x1024x64xf32>
    %swap3A_28 = vector.shape_cast %swap3A_27 : vector<1x1024x64xf32> to vector<1024x64xf32>
    %swap3A_29 = vector.shape_cast %slice3A : vector<1024x64xf32> to vector<1x1024x64xf32>
    tpu.vector_store %arg5[%swap3A, %swap3A_25, %swap3A_26], %swap3A_29 {strides = array<i32>} : memref<2x1024x64xf32, #tpu.memory_space<vmem>>, vector<1x1024x64xf32>,
    %slice3A_30 = vector.extract_strided_slice %max3A_24 {offsets = [0, 64], sizes = [1024, 64], strides = [1, 1]} : vector<1024x128xf32> to vector<1024x64xf32>
    %swap3A_31 = arith.constant 1 : index
    %swap3A_32 = arith.constant 0 : index
    %swap3A_33 = arith.constant 0 : index
    %swap3A_34 = vector.load %arg5[%swap3A_31, %swap3A_32, %swap3A_33] : memref<2x1024x64xf32, #tpu.memory_space<vmem>>, vector<1x1024x64xf32>
    %swap3A_35 = vector.shape_cast %swap3A_34 : vector<1x1024x64xf32> to vector<1024x64xf32>
    %swap3A_36 = vector.shape_cast %slice3A_30 : vector<1024x64xf32> to vector<1x1024x64xf32>
    tpu.vector_store %arg5[%swap3A_31, %swap3A_32, %swap3A_33], %swap3A_36 {strides = array<i32>} : memref<2x1024x64xf32, #tpu.memory_space<vmem>>, vector<1x1024x64xf32>,
    return
  }
  func.func @transform_0(%arg0: i32) -> (i32, i32, i32) {
    %c0_i32 = arith.constant 0 : i32
    %c0_i32_0 = arith.constant 0 : i32
    %c0_i32_1 = arith.constant 0 : i32
    return %c0_i32, %arg0, %c0_i32_0 : i32, i32, i32
  }
  func.func @transform_1(%arg0: i32) -> (i32, i32) {
    %c0_i32 = arith.constant 0 : i32
    %c0_i32_0 = arith.constant 0 : i32
    return %arg0, %c0_i32 : i32, i32
  }
  func.func @transform_2(%arg0: i32) -> (i32, i32) {
    %c0_i32 = arith.constant 0 : i32
    %c0_i32_0 = arith.constant 0 : i32
    return %arg0, %c0_i32 : i32, i32
  }
  func.func @transform_3(%arg0: i32) -> (i32, i32) {
    %c0_i32 = arith.constant 0 : i32
    %c0_i32_0 = arith.constant 0 : i32
    %c0_i32_1 = arith.constant 0 : i32
    return %c0_i32, %c0_i32_0 : i32, i32
  }
  func.func @transform_4(%arg0: i32) -> (i32, i32, i32) {
    %c0_i32 = arith.constant 0 : i32
    %c0_i32_0 = arith.constant 0 : i32
    %c0_i32_1 = arith.constant 0 : i32
    return %c0_i32, %arg0, %c0_i32_0 : i32, i32, i32
  }
}

module attributes {stable_mosaic.version = 14 : i64} {
  func.func @_xr2_body(%arg0: i32, %arg1: memref<2x1024x64xf32, #tpu.memory_space<vmem>>, %arg2: memref<128x128xf32, #tpu.memory_space<vmem>>, %arg3: memref<1x128xf32, #tpu.memory_space<vmem>>, %arg4: memref<1024x128xf32, #tpu.memory_space<vmem>>) attributes {dimension_semantics = [#tpu.dimension_semantics<arbitrary>], iteration_bounds = array<i64: 10>, scalar_prefetch = 0 : i64, scratch_operands = 0 : i64, tpu.core_type = #tpu.core_type<tc>, window_params = [{transform_indices = @transform_0, window_bounds = array<i64: 2, 1024, 64>}, {pipeline_mode = #tpu.pipeline_mode<synchronous>, transform_indices = @transform_1, window_bounds = array<i64: 128, 128>}, {pipeline_mode = #tpu.pipeline_mode<synchronous>, transform_indices = @transform_2, window_bounds = array<i64: 1, 128>}, {transform_indices = @transform_3, window_bounds = array<i64: 1024, 128>}]} {
    %get3A = arith.constant 0 : index
    %get3A_0 = arith.constant 0 : index
    %get3A_1 = arith.constant 0 : index
    %get3A_2 = vector.load %arg1[%get3A, %get3A_0, %get3A_1] : memref<2x1024x64xf32, #tpu.memory_space<vmem>>, vector<1x1024x64xf32>
    %get3A_3 = vector.shape_cast %get3A_2 : vector<1x1024x64xf32> to vector<1024x64xf32>
    %get3A_4 = arith.constant 1 : index
    %get3A_5 = arith.constant 0 : index
    %get3A_6 = arith.constant 0 : index
    %get3A_7 = vector.load %arg1[%get3A_4, %get3A_5, %get3A_6] : memref<2x1024x64xf32, #tpu.memory_space<vmem>>, vector<1x1024x64xf32>
    %get3A_8 = vector.shape_cast %get3A_7 : vector<1x1024x64xf32> to vector<1024x64xf32>
    %concatenate3A = tpu.concatenate %get3A_3, %get3A_8 in 1 : vector<1024x64xf32>, vector<1024x64xf32> -> vector<1024x128xf32>
    %get3A_9 = arith.constant 0 : index
    %get3A_10 = arith.constant 0 : index
    %get3A_11 = vector.load %arg2[%get3A_9, %get3A_10] : memref<128x128xf32, #tpu.memory_space<vmem>>, vector<128x128xf32>
    %dot_general3A = arith.constant dense<0.000000e+00> : vector<1024x128xf32>
    %dot_general3A_12 = tpu.matmul %concatenate3A, %get3A_11, %dot_general3A {dimension_numbers = #tpu.dot_dimension_numbers<[1], [0], [0], [1], [0, 0, 1, 1], [], []>, transpose_lhs_hint = false} : vector<1024x128xf32>, vector<128x128xf32>, vector<1024x128xf32> -> vector<1024x128xf32>
    %get3A_13 = arith.constant 0 : index
    %get3A_14 = arith.constant 0 : index
    %get3A_15 = vector.load %arg3[%get3A_13, %get3A_14] : memref<1x128xf32, #tpu.memory_space<vmem>>, vector<1x128xf32>
    %add3A = vector.broadcast %get3A_15 : vector<1x128xf32> to vector<1024x128xf32>
    %add3A_16 = arith.addf %dot_general3A_12, %add3A : vector<1024x128xf32>
    %swap3A = arith.constant 0 : index
    %swap3A_17 = arith.constant 0 : index
    %swap3A_18 = vector.load %arg4[%swap3A, %swap3A_17] : memref<1024x128xf32, #tpu.memory_space<vmem>>, vector<1024x128xf32>
    tpu.vector_store %arg4[%swap3A, %swap3A_17], %add3A_16 {strides = array<i32>} : memref<1024x128xf32, #tpu.memory_space<vmem>>, vector<1024x128xf32>,
    return
  }
  func.func @transform_0(%arg0: i32) -> (i32, i32, i32) {
    %c0_i32 = arith.constant 0 : i32
    %c0_i32_0 = arith.constant 0 : i32
    %c0_i32_1 = arith.constant 0 : i32
    return %c0_i32, %arg0, %c0_i32_0 : i32, i32, i32
  }
  func.func @transform_1(%arg0: i32) -> (i32, i32) {
    %c0_i32 = arith.constant 0 : i32
    %c0_i32_0 = arith.constant 0 : i32
    %c0_i32_1 = arith.constant 0 : i32
    return %c0_i32, %c0_i32_0 : i32, i32
  }
  func.func @transform_2(%arg0: i32) -> (i32, i32) {
    %c0_i32 = arith.constant 0 : i32
    %c0_i32_0 = arith.constant 0 : i32
    %c0_i32_1 = arith.constant 0 : i32
    return %c0_i32, %c0_i32_0 : i32, i32
  }
  func.func @transform_3(%arg0: i32) -> (i32, i32) {
    %c0_i32 = arith.constant 0 : i32
    %c0_i32_0 = arith.constant 0 : i32
    return %arg0, %c0_i32 : i32, i32
  }
}

module attributes {stable_mosaic.version = 14 : i64} {
  func.func @_dense2_body(%arg0: i32, %arg1: memref<2x1024x64xf32, #tpu.memory_space<vmem>>, %arg2: memref<1024x16xf32, #tpu.memory_space<vmem>>, %arg3: memref<1024x128xf32, #tpu.memory_space<vmem>>, %arg4: memref<128x128xf32, #tpu.memory_space<vmem>>, %arg5: memref<128x64xf32, #tpu.memory_space<vmem>>, %arg6: memref<1024x128xf32, #tpu.memory_space<vmem>>, %arg7: memref<1024x64xf32, #tpu.memory_space<vmem>>) attributes {dimension_semantics = [#tpu.dimension_semantics<arbitrary>], iteration_bounds = array<i64: 10>, scalar_prefetch = 0 : i64, scratch_operands = 0 : i64, tpu.core_type = #tpu.core_type<tc>, window_params = [{transform_indices = @transform_0, window_bounds = array<i64: 2, 1024, 64>}, {transform_indices = @transform_1, window_bounds = array<i64: 1024, 16>}, {transform_indices = @transform_2, window_bounds = array<i64: 1024, 128>}, {pipeline_mode = #tpu.pipeline_mode<synchronous>, transform_indices = @transform_3, window_bounds = array<i64: 128, 128>}, {pipeline_mode = #tpu.pipeline_mode<synchronous>, transform_indices = @transform_4, window_bounds = array<i64: 128, 64>}, {transform_indices = @transform_5, window_bounds = array<i64: 1024, 128>}, {transform_indices = @transform_6, window_bounds = array<i64: 1024, 64>}]} {
    %get3A = arith.constant 0 : index
    %get3A_0 = arith.constant 0 : index
    %get3A_1 = vector.load %arg2[%get3A, %get3A_0] : memref<1024x16xf32, #tpu.memory_space<vmem>>, vector<1024x1xf32>
    %get3A_2 = arith.constant 0 : index
    %get3A_3 = arith.constant 0 : index
    %get3A_4 = arith.constant 0 : index
    %get3A_5 = vector.load %arg1[%get3A_2, %get3A_3, %get3A_4] : memref<2x1024x64xf32, #tpu.memory_space<vmem>>, vector<1x1024x64xf32>
    %get3A_6 = vector.shape_cast %get3A_5 : vector<1x1024x64xf32> to vector<1024x64xf32>
    %get3A_7 = arith.constant 1 : index
    %get3A_8 = arith.constant 0 : index
    %get3A_9 = arith.constant 0 : index
    %get3A_10 = vector.load %arg1[%get3A_7, %get3A_8, %get3A_9] : memref<2x1024x64xf32, #tpu.memory_space<vmem>>, vector<1x1024x64xf32>
    %get3A_11 = vector.shape_cast %get3A_10 : vector<1x1024x64xf32> to vector<1024x64xf32>
    %concatenate3A = tpu.concatenate %get3A_6, %get3A_11 in 1 : vector<1024x64xf32>, vector<1024x64xf32> -> vector<1024x128xf32>
    %max3A = arith.constant 1.000000e+00 : f32
    %max3A_12 = vector.broadcast %max3A : f32 to vector<1024x1xf32>
    %max3A_13 = arith.maximumf %get3A_1, %max3A_12 : vector<1024x1xf32>
    %div3A = vector.broadcast %max3A_13 : vector<1024x1xf32> to vector<1024x128xf32>
    %div3A_14 = arith.divf %concatenate3A, %div3A : vector<1024x128xf32>
    %get3A_15 = arith.constant 0 : index
    %get3A_16 = arith.constant 0 : index
    %get3A_17 = vector.load %arg4[%get3A_15, %get3A_16] : memref<128x128xf32, #tpu.memory_space<vmem>>, vector<128x128xf32>
    %dot_general3A = arith.constant dense<0.000000e+00> : vector<1024x128xf32>
    %dot_general3A_18 = tpu.matmul %div3A_14, %get3A_17, %dot_general3A {dimension_numbers = #tpu.dot_dimension_numbers<[1], [0], [0], [1], [0, 0, 1, 1], [], []>, transpose_lhs_hint = false} : vector<1024x128xf32>, vector<128x128xf32>, vector<1024x128xf32> -> vector<1024x128xf32>
    %get3A_19 = arith.constant 0 : index
    %get3A_20 = arith.constant 0 : index
    %get3A_21 = vector.load %arg3[%get3A_19, %get3A_20] : memref<1024x128xf32, #tpu.memory_space<vmem>>, vector<1024x128xf32>
    %add3A = arith.addf %dot_general3A_18, %get3A_21 : vector<1024x128xf32>
    %swap3A = arith.constant 0 : index
    %swap3A_22 = arith.constant 0 : index
    %swap3A_23 = vector.load %arg6[%swap3A, %swap3A_22] : memref<1024x128xf32, #tpu.memory_space<vmem>>, vector<1024x128xf32>
    tpu.vector_store %arg6[%swap3A, %swap3A_22], %add3A {strides = array<i32>} : memref<1024x128xf32, #tpu.memory_space<vmem>>, vector<1024x128xf32>,
    %get3A_24 = arith.constant 0 : index
    %get3A_25 = arith.constant 0 : index
    %get3A_26 = vector.load %arg5[%get3A_24, %get3A_25] : memref<128x64xf32, #tpu.memory_space<vmem>>, vector<128x64xf32>
    %dot_general3A_27 = arith.constant dense<0.000000e+00> : vector<1024x64xf32>
    %dot_general3A_28 = tpu.matmul %add3A, %get3A_26, %dot_general3A_27 {dimension_numbers = #tpu.dot_dimension_numbers<[1], [0], [0], [1], [0, 0, 1, 1], [], []>, transpose_lhs_hint = false} : vector<1024x128xf32>, vector<128x64xf32>, vector<1024x64xf32> -> vector<1024x64xf32>
    %swap3A_29 = arith.constant 0 : index
    %swap3A_30 = arith.constant 0 : index
    %swap3A_31 = vector.load %arg7[%swap3A_29, %swap3A_30] : memref<1024x64xf32, #tpu.memory_space<vmem>>, vector<1024x64xf32>
    tpu.vector_store %arg7[%swap3A_29, %swap3A_30], %dot_general3A_28 {strides = array<i32>} : memref<1024x64xf32, #tpu.memory_space<vmem>>, vector<1024x64xf32>,
    return
  }
  func.func @transform_0(%arg0: i32) -> (i32, i32, i32) {
    %c0_i32 = arith.constant 0 : i32
    %c0_i32_0 = arith.constant 0 : i32
    %c0_i32_1 = arith.constant 0 : i32
    return %c0_i32, %arg0, %c0_i32_0 : i32, i32, i32
  }
  func.func @transform_1(%arg0: i32) -> (i32, i32) {
    %c0_i32 = arith.constant 0 : i32
    %c0_i32_0 = arith.constant 0 : i32
    return %arg0, %c0_i32 : i32, i32
  }
  func.func @transform_2(%arg0: i32) -> (i32, i32) {
    %c0_i32 = arith.constant 0 : i32
    %c0_i32_0 = arith.constant 0 : i32
    return %arg0, %c0_i32 : i32, i32
  }
  func.func @transform_3(%arg0: i32) -> (i32, i32) {
    %c0_i32 = arith.constant 0 : i32
    %c0_i32_0 = arith.constant 0 : i32
    %c0_i32_1 = arith.constant 0 : i32
    return %c0_i32, %c0_i32_0 : i32, i32
  }
  func.func @transform_4(%arg0: i32) -> (i32, i32) {
    %c0_i32 = arith.constant 0 : i32
    %c0_i32_0 = arith.constant 0 : i32
    %c0_i32_1 = arith.constant 0 : i32
    return %c0_i32, %c0_i32_0 : i32, i32
  }
  func.func @transform_5(%arg0: i32) -> (i32, i32) {
    %c0_i32 = arith.constant 0 : i32
    %c0_i32_0 = arith.constant 0 : i32
    return %arg0, %c0_i32 : i32, i32
  }
  func.func @transform_6(%arg0: i32) -> (i32, i32) {
    %c0_i32 = arith.constant 0 : i32
    %c0_i32_0 = arith.constant 0 : i32
    return %arg0, %c0_i32 : i32, i32
  }
}

</mosaic_0001>

<sc_bundles>
// kernel: kernel.11.cloned.1.call-start
scs
__scs_entry_jumppad:
0x0: {  	(pc) =	sbr.rel $0x88, $3  }
0x1: {  	(tag) =	ssettag $0x0;
	lr =	simm.s32 $0x1  }
0x2: {  	[smem:$0x3F98] =	sst lr;
	_ =	strace $0xD0000000  }
0x3: {  	_ = 	snop  }
0x4: {  	_ = 	snop  }
0x5: {  	_ = 	snop  }
0x6: {  	_ = 	snop  }
0x7: {  	_ = 	snop  }
__scs_overlays_trampoline_lowered:
0x8: {  	[smem:$0x3FA7] =	sst s0  }
0x9: {  	[smem:$0x3FA8] =	sst s1  }
0xa: {  	[smem:$0x3FA9] =	sst s2  }
0xb: {  	[smem:$0x3FAA] =	sst s3  }
0xc: {  	[smem:$0x3FAB] =	sst s4  }
0xd: {  	[smem:$0x3FAC] =	sst s5  }
0xe: {  	[smem:$0x3FAD] =	sst s6  }
0xf: {  	[smem:$0x3FAE] =	sst s7  }
0x10: {  	[smem:$0x3FAF] =	sst s8  }
0x11: {  	[smem:$0x3FB0] =	sst s9;
	s0 =	simm.s32 @!p0 $0x0  }
0x12: {  	s1 =	sld [smem:$0x3F96];
	s0 =	simm.s32 @p0 $0x1  }
0x13: {  	[smem:$0x3FB1] =	sst s0;
	s0 =	simm.s32 @!p1 $0x0  }
0x14: {  	s2 =	sld [smem:$0x3F95];
	s0 =	simm.s32 @p1 $0x1  }
0x15: {  	[smem:$0x3FB2] =	sst s0;
	s0 =	simm.s32 @!p2 $0x0  }
0x16: {  	s3 =	sld [smem:$0x3FDB];
	s0 =	simm.s32 @p2 $0x1  }
0x17: {  	s4 =	simm.s32 $0x1BF5;
	[smem:$0x3FB4] =	sst s0  }
0x18: {  	s0 =	sld [smem:$0x3F97];
	_ =	swait.ge [sflag:s4], $0x0  }
0x19: {  	s7 =	sld [smem:$0x3F98]  }
0x1a: {  	s8 =	sadd.s32 $0xFFFFE003, lr  }
0x1b: {  	s9 =	sadd.s32 $0xFFFFFEF7, lr;
	s5 =	simm.s32 $0xFFFFFFFF;
	p2 =	slt.u32 s8, $0xFFFFF086  }
0x1c: {  	p1 =	slt.u32 s9, $0xF7A;
	s5 =	simm.s32 @!p2 $0x0  }
0x1d: {  	s5 =	simm.s32 @p1 $0x1;
	p0 =	seq.s32 s7, s2  }
0x1e: {  	s7 =	smul.u32 @!p0 $0xF7A, s2;
	p2 =	seq.s32 @!p0 s5, $0x0  }
0x1f: {  	s9 =	smul.u32 $0xF7A, s1;
	s8 =	simm.s32 @!p0 $0x1BF5;
	p2 =	por !p2, p0  }
0x20: {  	[sflag:s8] =	ssyncset.s32 @!p0 $0xFFFFF086;
	s6 =	sadd.s32 @!p0 s3, s7;
	s7 =	simm.s32 @!p0 $0x108  }
0x21: {  	s3 =	sadd.s32 s3, s9;
	s6 =	sadd.s32 @!p0 $0x88, s6;
	s7 =	simm.s32 @p2 $0x1082  }
0x22: {  	[simem:s7], [sflag:s8] =	dma.local @!p0 [hbm:s6], $0xF7A  }
0x23: {  	s9 =	sor.u32 $0xD0000000, s2;
	s6 =	simm.s32 $0x108;
	_ =	swait.ge @!p0 [sflag:s8], $0x0  }
0x24: {  	s3 =	sadd.s32 $0x88, s3;
	s6 =	simm.s32 @!p1 $0x1082;
	[sflag:s4] =	ssyncset.s32 $0xFFFFF086  }
0x25: {  	[simem:s6], [sflag:s4] =	dma.local [hbm:s3], $0xF7A  }
0x26: {  	[smem:$0x3F98] =	sst s1;
	(tag) =	ssettag s2;
	_ =	strace s9  }
0x27: {  	s1 =	sld [smem:$0x3FA8]  }
0x28: {  	s2 =	sld [smem:$0x3FA9]  }
0x29: {  	s4 =	sld [smem:$0x3FAB]  }
0x2a: {  	p0 =	seq.s32 s5, $0x0;
	s5 =	sld [smem:$0x3FAC]  }
0x2b: {  	s6 =	sld [smem:$0x3FAD]  }
0x2c: {  	s7 =	sld [smem:$0x3FAE]  }
0x2d: {  	s3 =	simm.s32 $0x108;
	s8 =	sld [smem:$0x3FAF]  }
0x2e: {  	s3 =	simm.s32 @!p0 $0x1082;
	s9 =	sld [smem:$0x3FB0]  }
0x2f: {  	lr =	sadd.s32 s0, s3;
	s0 =	sld [smem:$0x3FA7]  }
0x30: {  	s3 =	sld [smem:$0x3FAA]  }
0x31: {  	[smem:$0x3FB3] =	sst s10  }
0x32: {  	s10 =	sld [smem:$0x3FB1];
	_ =	sdelay $0x3  }
0x33: {  	p0 =	seq.s32 s10, $0x1;
	s10 =	sld [smem:$0x3FB3];
	_ =	sdelay $0x3  }
0x34: {  	[smem:$0x3FB3] =	sst s10  }
0x35: {  	s10 =	sld [smem:$0x3FB2];
	_ =	sdelay $0x3  }
0x36: {  	p1 =	seq.s32 s10, $0x1;
	s10 =	sld [smem:$0x3FB3];
	_ =	sdelay $0x3  }
0x37: {  	[smem:$0x3FB3] =	sst s10  }
0x38: {  	s10 =	sld [smem:$0x3FB4]  }
0x39: {  	_ = 	snop;
	(pc) =	sbr.ind lr, $3  }
0x3a: {  	_ = 	snop  }
0x3b: {  	_ = 	snop  }
0x3c: {  	p2 =	seq.s32 s10, $0x1;
	s10 =	sld [smem:$0x3FB3]  }
0x3d: {  	_ =	shalt  }
0x3e: {  	_ =	shalt  }
0x3f: {  	_ =	shalt  }
0x40: {  	_ =	shalt  }
0x41: {  	_ =	shalt  }
0x42: {  	_ =	shalt  }
0x43: {  	_ =	shalt  }
0x44: {  	_ =	shalt  }
0x45: {  	_ =	shalt  }
0x46: {  	_ =	shalt  }
0x47: {  	_ =	shalt  }
0x48: {  	_ =	shalt  }
0x49: {  	_ =	shalt  }
0x4a: {  	_ =	shalt  }
0x4b: {  	_ =	shalt  }
0x4c: {  	_ =	shalt  }
0x4d: {  	_ =	shalt  }
0x4e: {  	_ =	shalt  }
0x4f: {  	_ =	shalt  }
0x50: {  	_ =	shalt  }
0x51: {  	_ =	shalt  }
0x52: {  	_ =	shalt  }
0x53: {  	_ =	shalt  }
0x54: {  	_ =	shalt  }
0x55: {  	_ =	shalt  }
0x56: {  	_ =	shalt  }
0x57: {  	_ =	shalt  }
0x58: {  	_ =	shalt  }
0x59: {  	_ =	shalt  }
0x5a: {  	_ =	shalt  }
0x5b: {  	_ =	shalt  }
0x5c: {  	_ =	shalt  }
0x5d: {  	_ =	shalt  }
0x5e: {  	_ =	shalt  }
0x5f: {  	_ =	shalt  }
0x60: {  	_ =	shalt  }
0x61: {  	_ =	shalt  }
0x62: {  	_ =	shalt  }
0x63: {  	_ =	shalt  }
0x64: {  	_ =	shalt  }
0x65: {  	_ =	shalt  }
0x66: {  	_ =	shalt  }
0x67: {  	_ =	shalt  }
0x68: {  	_ =	shalt  }
0x69: {  	_ =	shalt  }
0x6a: {  	_ =	shalt  }
0x6b: {  	_ =	shalt  }
0x6c: {  	_ =	shalt  }
0x6d: {  	_ =	shalt  }
0x6e: {  	_ =	shalt  }
0x6f: {  	_ =	shalt  }
0x70: {  	_ =	shalt  }
0x71: {  	_ =	shalt  }
0x72: {  	_ =	shalt  }
0x73: {  	_ =	shalt  }
0x74: {  	_ =	shalt  }
0x75: {  	_ =	shalt  }
0x76: {  	_ =	shalt  }
0x77: {  	_ =	shalt  }
0x78: {  	_ =	shalt  }
0x79: {  	_ =	shalt  }
0x7a: {  	_ =	shalt  }
0x7b: {  	_ =	shalt  }
0x7c: {  	_ =	shalt  }
0x7d: {  	_ =	shalt  }
0x7e: {  	_ =	shalt  }
0x7f: {  	_ =	shalt  }
0x80: {  	_ =	shalt  }
0x81: {  	_ =	shalt  }
0x82: {  	_ =	shalt  }
0x83: {  	_ =	shalt  }
0x84: {  	_ =	shalt  }
0x85: {  	_ =	shalt  }
0x86: {  	_ =	shalt  }
0x87: {  	_ =	shalt  }
.Lfunc_end0:
.L_simem_size_0:
called_computation.1_lowered:
.L_overlay_start_0:
0x88: {  	s2 =	sld [smem:$0x3FD9]  }
0x89: {  	s3 =	sld [smem:$0x3FFE];
	_ =	sdelay $0x1  }
0x8a: {  	s1 =	srdreg.scid  }
0x8b: {  	s0 =	sand.u32 $0x1, s1  }
0x8c: {  	s14 =	sshll.u32 s0, $0xA;
	s2 =	sadd.s32 s3, s2  }
0x8d: {  	s2 =	sadd.s32 s2, s14  }
0x8e: {  	[smem:$0x3FBF] =	sst s2  }
0x8f: {  	_ = 	snop  }
0x90: {  	s2 =	sld [smem:$0x3FD0];
	_ =	sdelay $0x2  }
0x91: {  	s15 =	simm.s32 $0xA;
	s4 =	simm.s32 $0x10  }
0x92: {  	[smem:s4], [sflag:s15] =	dma.local [hbm:s2], $0x1  }
0x93: {  	_ =	swait.eq [sflag:s15], $0x1  }
0x94: {  	[sflag:s15] =	ssyncset.done $0x0  }
0x95: {  	[sflag:s15] =	ssyncadd.s32 $0xFFFFFFFF  }
0x96: {  	s16 =	sld [smem:$0x11];
	(tm) =	ssettm $0x1  }
0x97: {  	s17 =	sld [smem:$0x3FFB];
	_ =	sdelay $0x3  }
0x98: {  	_ =	strace s17  }
0x99: {  	s3 =	sld [smem:$0x3FFC];
	_ =	sdelay $0x3  }
0x9a: {  	_ =	strace s3  }
0x9b: {  	s3 =	sld [smem:$0x3FFD];
	_ =	sdelay $0x3  }
0x9c: {  	_ =	strace s3  }
0x9d: {  	_ =	strace $0x8FFFFFFF  }
0x9e: {  	s18 =	sld [smem:$0x3FDB];
	_ =	sdelay $0x1  }
0x9f: {  	s19 =	simm.s32 $_scs_section_size  }
0xa0: {  	s5 =	simm.s32 $_size__tile_overlayer_lowered;
	s6 =	simm.s32 $_tile_overlayer_lowered  }
0xa1: {  	s22 =	simm.s32 $0x1BFF;
	s21 =	sshll.u32 s6, $0x1;
	s3 =	sadd.s32 s19, s18  }
0xa2: {  	s7 =	simm.s32 $0x0;
	s20 =	sshll.u32 s5, $0x1;
	s5 =	sadd.s32 s21, s3  }
0xa3: {  	[timem:s7], [sflag:s22] =	dma.local [hbm:s5], s20  }
0xa4: {  	_ =	swait.ge [sflag:s22], s20  }
0xa5: {  	s4 =	ssub.s32 $0x0, s20;
	[sflag:s22] =	ssyncset.done $0x0  }
0xa6: {  	[sflag:s22] =	ssyncadd.s32 s4;
	_ =	sdelay $0x1  }
0xa7: {  	s23 =	simm.s32 $0x1B8B  }
0xa8: {  	_ =	swait.ge [sflag:s23], $0x1  }
0xa9: {  	[sflag:s23] =	ssyncset.done $0x0  }
0xaa: {  	s25 =	simm.s32 $0x1B8E;
	s24 =	sld [smem:$0x3FFE];
	[sflag:s23] =	ssyncadd.s32 $0xFFFFFFFF  }
0xab: {  	s26 =	simm.s32 $execute0_lowered;
	[smem:$0x3FD2] =	sst s25  }
0xac: {  	s5 =	sshll.u32 s26, $0x1;
	_ =	strace $0x80000049;
	[dreg:$0x1] =	wrdreg $0xFFFFFFFF  }
0xad: {  	s28 =	simm.s32 $_size_execute0_lowered;
	s3 =	sadd.s32 s3, s5;
	[dreg:$0x0] =	wrdreg $0x0  }
0xae: {  	s5 =	sshll.u32 s28, $0x1;
	[dreg:$0x2] =	wrdreg s3  }
0xaf: {  	[dreg:$0x3] =	wrdreg s5  }
0xb0: {  	[dreg:$0x4] =	wrdreg $0xC0  }
0xb1: {  	_ =	task [dreg:s7], $0x5FFFF  }
0xb2: {  	[dreg:$0x1] =	wrdreg $0xFFFFFFFF  }
0xb3: {  	[dreg:$0x0] =	wrdreg $0x60  }
0xb4: {  	[dreg:$0x2] =	wrdreg s24  }
0xb5: {  	[dreg:$0x3] =	wrdreg s16  }
0xb6: {  	[dreg:$0x4] =	wrdreg $0x118000  }
0xb7: {  	[dreg:$0x5] =	wrdreg $0x9  }
0xb8: {  	_ =	task.clear_ibuf [dreg:s7], $0x6FFFF;
	_ =	strace $0x90000049  }
0xb9: {  	s29 =	simm.s32 $0x9;
	_ =	strace $0x8000004B  }
0xba: {  	_ =	swait.ge [sflag:s29], $0x1  }
0xbb: {  	[sflag:s29] =	ssyncadd.s32 $0xFFFFFFFF  }
0xbc: {  	_ =	strace $0x9000004B  }
0xbd: {  	_ =	sfence  }
0xbe: {  	s30 =	sld [smem:$0x0];
	_ =	sdelay $0x2  }
0xbf: {  	s31 =	sshll.u32 s1, $0xD;
	s1 =	sshrl.u32 s1, $0x2  }
0xc0: {  	s3 =	sand.u32 $0x4000, s31;
	s1 =	sadd.s32 s1, s30  }
0xc1: {  	s0 =	sor.u32 s3, s0;
	s1 =	sshll.u32 s1, $0x11  }
0xc2: {  	s0 =	sor.u32 s1, s0  }
0xc3: {  	s0 =	sadd.s32 $0x8F2B, s0  }
0xc4: {  	[sflag:s0] =	ssyncadd.remote.s32 $0x1  }
0xc5: {  	_ =	sfence.sel $0xFFFF  }
0xc6: {  	[dreg:$0x0] =	wrdreg $0xFFFFFFFF;
	(pc) =	sbr.abs _section_cstart, $3  }
0xc7: {  	[dreg:$0x1] =	wrdreg $0xFFFFFFFF  }
0xc8: {  	_ =	task.clear_ibuf [dreg:s7], $0x2FFFF;
	_ =	strace $0x9FFFFFFF  }
0xc9: {  	(tm) =	ssettm $0x7FFFFFFF  }
tec
execute0_lowered:
.L_overlay_start_1:
0x0: {  	(tag) =	ssettag $0x1  }
0x1: {  	s0 =	rddreg [dreg:$0x0]  }
0x2: {  	s3 =	rddreg [dreg:$0x1]  }
0x3: {  	s1 =	rddreg [dreg:$0x2]  }
0x4: {  	s4 =	srdreg.scid;
	s2 =	simm.s32 $0x0;
	s10 =	stileid.u32  }
0x5: {  	s28 =	simm.s32 $0x5800;
	s30 =	simm.s32 $0x7800;
	s31 =	simm.s32 $0x9800  }
0x6: {  	s29 =	simm.s32 $0x5;
	s14 =	simm.s32 $0xB800;
	s8 =	smul.u32 $0xA000, s10  }
0x7: {  	s4 =	sand.u32 $0x1, s4;
	[smem:$0x7FF] =	sst s2;
	s10 =	smul.u32 $0x5000, s10  }
0x8: {  	s5 =	smul.u32 $0xA0000, s4;
	_ =	strace $0x8000004A;
	s4 =	ssub.s32 $0x2, s4  }
0x9: {  	s7 =	sshrl.u32 s4, $0x1;
	s15 =	sadd.s32 $0x2000, s8;
	s9 =	sadd.s32 $0x4000, s8  }
0xa: {  	s21 =	sadd.s32 s8, s1;
	s12 =	sadd.s32 $0x6000, s8;
	s13 =	sadd.s32 $0x8000, s8  }
0xb: {  	s10 =	sshrl.u32 s10, $0x3;
	s6 =	sshrl.u32 s5, $0x3;
	s4 =	ssub.s32 s4, s7  }
0xc: {  	s11 =	sadd.s32 s15, s1;
	s16 =	sadd.s32 s9, s1;
	s17 =	sadd.s32 s12, s1  }
0xd: {  	s18 =	sadd.s32 s13, s1;
	s3 =	sadd.s32 s3, s10;
	[dreg:$0x4] =	wrdreg s21  }
0xe: {  	s19 =	sadd.s32 s8, s5;
	s7 =	sadd.s32 s5, s15;
	[dreg:$0x5] =	wrdreg s11  }
0xf: {  	s23 =	sadd.s32 s5, s9;
	s24 =	sadd.s32 s5, s12;
	[dreg:$0x6] =	wrdreg s16  }
0x10: {  	s5 =	sadd.s32 s5, s13;
	s12 =	simm.s32 $0xA;
	[dreg:$0x7] =	wrdreg s17  }
0x11: {  	s13 =	simm.s32 $0x6;
	s15 =	simm.s32 $0xB;
	[dreg:$0x8] =	wrdreg s18  }
0x12: {  	s6 =	sadd.s32 s6, s0;
	s0 =	sadd.s32 $0x29E00, s0;
	[dreg:$0x9] =	wrdreg s3  }
0x13: {  	s3 =	sadd.s32 $0xA000, s3;
	s20 =	sshrl.u32 s7, $0x3;
	s25 =	sshrl.u32 s24, $0x3  }
0x14: {  	s5 =	sshrl.u32 s5, $0x3;
	s26 =	smax.u32 s4, $0x1;
	s18 =	simm.s32 $0x1800  }
0x15: {  	s24 =	simm.s32 $0x80;
	s16 =	simm.s32 $0x8;
	s17 =	simm.s32 $0xD  }
0x16: {  	[dreg:$0xa] =	wrdreg s3;
	s11 =	sadd.s32 $0x1E00, s6;
	s3 =	sshrl.u32 s19, $0x3  }
0x17: {  	s22 =	sadd.s32 s0, s20;
	[dreg:$0x10] =	wrdreg s26;
	s19 =	simm.s32 $0x12  }
0x18: {  	s20 =	simm.s32 $0x3;
	s26 =	simm.s32 $0x9;
	s3 =	sadd.s32 s0, s3  }
.Ltmp0:
0x19: {  	[dreg:$0xb] =	wrdreg s3;
	s3 =	sshrl.u32 s23, $0x3;
	(pc) =	sbr.rel .LBB2_1-.Ltmp0, $4  }
0x1a: {  	[dreg:$0xc] =	wrdreg s22;
	s22 =	simm.s32 $0xF800;
	s3 =	sadd.s32 s0, s3  }
0x1b: {  	s23 =	simm.s32 $0x4;
	[dreg:$0xd] =	wrdreg s3;
	s3 =	sadd.s32 s0, s25  }
0x1c: {  	s0 =	sadd.s32 s0, s5;
	s5 =	simm.s32 $0x0;
	[dreg:$0xe] =	wrdreg s3  }
0x1d: {  	v0 =	vimm.f32 $0.0e+00;
	[dreg:$0xf] =	wrdreg s0;
	s0 =	simm.s32 $0x1;
	s3 =	simm.s32 $0xD800  }
.LBB2_10:
0x1e: {  	_ =	swait.ge [sflag:s17], $0x2000  }
0x1f: {  	[sflag:s17] =	ssyncset.done $0x0  }
0x20: {  	s4 =	simm.s32 $0xE;
	[sflag:s17] =	ssyncadd.s32 $0xFFFFE000  }
0x21: {  	_ =	swait.ge [sflag:s4], $0x2000  }
0x22: {  	[sflag:s4] =	ssyncset.done $0x0  }
0x23: {  	s7 =	simm.s32 $0xF;
	[sflag:s4] =	ssyncadd.s32 $0xFFFFE000  }
0x24: {  	_ =	swait.ge [sflag:s7], $0x2000  }
0x25: {  	[sflag:s7] =	ssyncset.done $0x0  }
0x26: {  	s8 =	simm.s32 $0x10;
	[sflag:s7] =	ssyncadd.s32 $0xFFFFE000  }
0x27: {  	_ =	swait.ge [sflag:s8], $0x2000  }
0x28: {  	[sflag:s8] =	ssyncset.done $0x0  }
0x29: {  	[sflag:s8] =	ssyncadd.s32 $0xFFFFE000  }
0x2a: {  	[bflag:$0x0] =	sbarrier.arrive $0xFFFF  }
0x2b: {  	s21 =	rddreg [dreg:$0x4]  }
0x2c: {  	[tilespmem:s18], [sflag:$0x12] =	stream.linear.gather [spmem:s21], $0x2000, $0x38;
	[tilespmem:$0x1B800] =	vst v63  }
0x2d: {  	_ =	swait.ge [sflag:s19], $0x2000  }
0x2e: {  	[sflag:s19] =	ssyncset.done $0x0  }
0x2f: {  	s9 =	rddreg [dreg:$0xb];
	[sflag:s19] =	ssyncadd.s32 $0xFFFFE000  }
0x30: {  	[hbm4b:s9+s2] =	stream.linear.scatter [tilespmem:s18], [sflag:$0x12], $0x2000, $0x38;
	[tilespmem:$0x1B800] =	vst v63  }
0x31: {  	_ =	swait.ge [sflag:s19], $0x2000  }
0x32: {  	[sflag:s19] =	ssyncset.done $0x0  }
0x33: {  	s10 =	rddreg [dreg:$0x5];
	[sflag:s19] =	ssyncadd.s32 $0xFFFFE000  }
0x34: {  	[tilespmem:s18], [sflag:$0x12] =	stream.linear.gather [spmem:s10], $0x2000, $0x38;
	[tilespmem:$0x1B800] =	vst v63  }
0x35: {  	_ =	swait.ge [sflag:s19], $0x2000  }
0x36: {  	[sflag:s19] =	ssyncset.done $0x0  }
0x37: {  	s25 =	rddreg [dreg:$0xc];
	[sflag:s19] =	ssyncadd.s32 $0xFFFFE000  }
0x38: {  	[hbm4b:s25+s2] =	stream.linear.scatter [tilespmem:s18], [sflag:$0x12], $0x2000, $0x38;
	[tilespmem:$0x1B800] =	vst v63  }
0x39: {  	_ =	swait.ge [sflag:s19], $0x2000  }
0x3a: {  	[sflag:s19] =	ssyncset.done $0x0  }
0x3b: {  	s5 =	rddreg [dreg:$0x6];
	[sflag:s19] =	ssyncadd.s32 $0xFFFFE000  }
0x3c: {  	[tilespmem:s18], [sflag:$0x12] =	stream.linear.gather [spmem:s5], $0x2000, $0x38;
	[tilespmem:$0x1B800] =	vst v63  }
0x3d: {  	_ =	swait.ge [sflag:s19], $0x2000  }
0x3e: {  	[sflag:s19] =	ssyncset.done $0x0  }
0x3f: {  	s6 =	rddreg [dreg:$0xd];
	[sflag:s19] =	ssyncadd.s32 $0xFFFFE000  }
0x40: {  	[hbm4b:s6+s2] =	stream.linear.scatter [tilespmem:s18], [sflag:$0x12], $0x2000, $0x38;
	[tilespmem:$0x1B800] =	vst v63  }
0x41: {  	_ =	swait.ge [sflag:s19], $0x2000  }
0x42: {  	[sflag:s19] =	ssyncset.done $0x0  }
0x43: {  	s7 =	rddreg [dreg:$0x7];
	[sflag:s19] =	ssyncadd.s32 $0xFFFFE000  }
0x44: {  	[tilespmem:s18], [sflag:$0x12] =	stream.linear.gather [spmem:s7], $0x2000, $0x38;
	[tilespmem:$0x1B800] =	vst v63  }
0x45: {  	_ =	swait.ge [sflag:s19], $0x2000  }
0x46: {  	[sflag:s19] =	ssyncset.done $0x0  }
0x47: {  	s8 =	rddreg [dreg:$0xe];
	[sflag:s19] =	ssyncadd.s32 $0xFFFFE000  }
0x48: {  	[hbm4b:s8+s2] =	stream.linear.scatter [tilespmem:s18], [sflag:$0x12], $0x2000, $0x38;
	[tilespmem:$0x1B800] =	vst v63  }
0x49: {  	_ =	swait.ge [sflag:s19], $0x2000  }
0x4a: {  	[sflag:s19] =	ssyncset.done $0x0  }
0x4b: {  	s9 =	rddreg [dreg:$0x8];
	[sflag:s19] =	ssyncadd.s32 $0xFFFFE000  }
0x4c: {  	[tilespmem:s18], [sflag:$0x12] =	stream.linear.gather [spmem:s9], $0x2000, $0x38;
	[tilespmem:$0x1B800] =	vst v63  }
0x4d: {  	_ =	swait.ge [sflag:s19], $0x2000  }
0x4e: {  	[sflag:s19] =	ssyncset.done $0x0  }
0x4f: {  	s10 =	rddreg [dreg:$0xf];
	[sflag:s19] =	ssyncadd.s32 $0xFFFFE000  }
0x50: {  	[hbm4b:s10+s2] =	stream.linear.scatter [tilespmem:s18], [sflag:$0x12], $0x2000, $0x38;
	[tilespmem:$0x1B800] =	vst v63  }
0x51: {  	_ =	swait.ge [sflag:s19], $0x2000  }
0x52: {  	s5 =	rddreg [dreg:$0x11]  }
0x53: {  	s25 =	rddreg [dreg:$0x10];
	s5 =	sadd.s32 $0x1, s5  }
0x54: {  	p0 =	sne.s32 s5, s25  }
.Ltmp1:
0x55: {  	_ = 	snop;
	(pc) =	sbr.rel @!p0 .LBB2_11-.Ltmp1, $3  }
0x56: {  	_ =	sdelay $0x1  }
0x57: {  	[sflag:s19] =	ssyncset.done $0x0  }
0x58: {  	[sflag:s19] =	ssyncadd.s32 $0xFFFFE000  }
.LBB2_1:
0x59: {  	[dreg:$0x11] =	wrdreg s5;
	s6 =	simm.s32 $0x100;
	s5 =	simm.s32 $0x0  }
.LBB2_2:
0x5a: {  	p0 =	sne.s32 s6, $0x7F00;
	[tilespmem:s5+$0x1830] =	vst v0;
	s7 =	smov.u32 s6;
	s6 =	sadd.s32 $0x100, s6  }
.Ltmp2:
0x5b: {  	[tilespmem:s5+$0x1820] =	vst v0;
	(pc) =	sbr.rel @p0 .LBB2_2-.Ltmp2, $3  }
0x5c: {  	[tilespmem:s5+$0x1800] =	vst v0  }
0x5d: {  	[tilespmem:s5+$0x1810] =	vst v0;
	_ =	sdelay $0x1  }
0x5e: {  	s5 =	sshra.s32 s7, $0x2  }
0x5f: {  	[tilespmem:s5+$0x1830] =	vst v0  }
0x60: {  	[tilespmem:s5+$0x1820] =	vst v0  }
0x61: {  	[tilespmem:s5+$0x1800] =	vst v0  }
0x62: {  	[tilespmem:s5+$0x1810] =	vst v0  }
0x63: {  	[spmem:s21] =	stream.linear.scatter [tilespmem:s18], [sflag:$0x12], $0x2000, $0x38;
	[tilespmem:$0x1B800] =	vst v63  }
0x64: {  	_ =	swait.ge [sflag:s19], $0x2000  }
0x65: {  	[sflag:s19] =	ssyncset.done $0x0  }
0x66: {  	s4 =	rddreg [dreg:$0x5];
	[sflag:s19] =	ssyncadd.s32 $0xFFFFE000  }
0x67: {  	[spmem:s4] =	stream.linear.scatter [tilespmem:s18], [sflag:$0x12], $0x2000, $0x38;
	[tilespmem:$0x1B800] =	vst v63  }
0x68: {  	_ =	swait.ge [sflag:s19], $0x2000  }
0x69: {  	[sflag:s19] =	ssyncset.done $0x0  }
0x6a: {  	s7 =	rddreg [dreg:$0x6];
	[sflag:s19] =	ssyncadd.s32 $0xFFFFE000  }
0x6b: {  	[spmem:s7] =	stream.linear.scatter [tilespmem:s18], [sflag:$0x12], $0x2000, $0x38;
	[tilespmem:$0x1B800] =	vst v63  }
0x6c: {  	_ =	swait.ge [sflag:s19], $0x2000  }
0x6d: {  	[sflag:s19] =	ssyncset.done $0x0  }
0x6e: {  	s8 =	rddreg [dreg:$0x7];
	[sflag:s19] =	ssyncadd.s32 $0xFFFFE000  }
0x6f: {  	[spmem:s8] =	stream.linear.scatter [tilespmem:s18], [sflag:$0x12], $0x2000, $0x38;
	[tilespmem:$0x1B800] =	vst v63  }
0x70: {  	_ =	swait.ge [sflag:s19], $0x2000  }
0x71: {  	[sflag:s19] =	ssyncset.done $0x0  }
0x72: {  	s9 =	rddreg [dreg:$0x8];
	[sflag:s19] =	ssyncadd.s32 $0xFFFFE000  }
0x73: {  	[spmem:s9] =	stream.linear.scatter [tilespmem:s18], [sflag:$0x12], $0x2000, $0x38;
	[tilespmem:$0x1B800] =	vst v63  }
0x74: {  	_ =	swait.ge [sflag:s19], $0x2000  }
0x75: {  	[sflag:s19] =	ssyncset.done $0x0  }
0x76: {  	[sflag:s19] =	ssyncadd.s32 $0xFFFFE000  }
0x77: {  	[bflag:$0x0] =	sbarrier.arrive $0xFFFF  }
0x78: {  	s4 =	rddreg [dreg:$0x9]  }
0x79: {  	[tilespmem:s2], [sflag:$0x11] =	stream.linear.gather [hbm4b:s4+s2], $0x400, $0x38;
	[tilespmem:$0x1B800] =	vst v63  }
0x7a: {  	s10 =	simm.s32 $0xC00;
	s21 =	simm.s32 $0x11;
	s6 =	rddreg [dreg:$0xa]  }
0x7b: {  	[tilespmem:s10], [sflag:$0x11] =	stream.linear.gather [hbm4b:s6+s2], $0x400, $0x38;
	[tilespmem:$0x1B800] =	vst v63  }
0x7c: {  	_ =	swait.ge [sflag:s21], $0x400  }
0x7d: {  	[sflag:s21] =	ssyncset.done $0x0  }
0x7e: {  	[sflag:s21] =	ssyncadd.s32 $0xFFFFFC00  }
0x7f: {  	_ =	swait.ge [sflag:s21], $0x400  }
0x80: {  	[sflag:s21] =	ssyncset.done $0x0  }
0x81: {  	s7 =	simm.s32 $0x400;
	s25 =	sadd.s32 $0x80, s4;
	[sflag:s21] =	ssyncadd.s32 $0xFFFFFC00  }
0x82: {  	[tilespmem:s7], [sflag:$0x11] =	stream.linear.gather [hbm4b:s25+s2], $0x400, $0x38;
	[tilespmem:$0x1B800] =	vst v63  }
0x83: {  	s9 =	simm.s32 $0x1000;
	s8 =	sadd.s32 $0x80, s6  }
0x84: {  	[tilespmem:s9], [sflag:$0x11] =	stream.linear.gather [hbm4b:s8+s2], $0x400, $0x38;
	[tilespmem:$0x1B800] =	vst v63  }
0x85: {  	_ = 	snop  }
0x86: {  	[tilespmem:s18], [sflag:$0x1] =	stream.indirect.gather [hbm4b:s11+s24], $0x40, s2, s24, $0xb8;
	[tilespmem:$0x1B800] =	vst v63  }
0x87: {  	s10 =	simm.s32 $0x3800  }
0x88: {  	[tilespmem:s10], [sflag:$0x2] =	stream.indirect.gather [hbm4b:s11+s24], $0x40, s24, s24, $0xb8;
	[tilespmem:$0x1B800] =	vst v63  }
.Ltmp3:
0x89: {  	_ = 	snop;
	(pc) =	sbr.rel .LBB2_4-.Ltmp3, $4  }
0x8a: {  	s5 =	sadd.s32 $0x100, s6;
	s21 =	simm.s32 $0x100  }
0x8b: {  	[tilespmem:s28], [sflag:$0x3] =	stream.indirect.gather [hbm4b:s11+s24], $0x40, s21, s24, $0xb8;
	[tilespmem:$0x1B800] =	vst v63  }
0x8c: {  	s6 =	sadd.s32 $0x100, s4;
	s25 =	simm.s32 $0x180;
	s7 =	simm.s32 $0x2  }
0x8d: {  	[tilespmem:s30], [sflag:$0x4] =	stream.indirect.gather [hbm4b:s11+s24], $0x40, s25, s24, $0xb8;
	[tilespmem:$0x1B800] =	vst v63  }
.LBB2_8:
0x8e: {  	_ =	swait.ge [sflag:s29], $0x2000  }
0x8f: {  	[sflag:s29] =	ssyncset.done $0x0  }
0x90: {  	s4 =	sadd.s32 $0xE00, s8;
	[sflag:s29] =	ssyncadd.s32 $0xFFFFE000  }
0x91: {  	[spmem:s1] =	stream.indirect.scatter.add.f32 [tilespmem:s31], [sflag:$0xD], $0x40, s4, s24, $0xb8;
	[tilespmem:$0x1B800] =	vst v63  }
0x92: {  	_ =	swait.ge [sflag:s12], $0x2000  }
0x93: {  	[sflag:s12] =	ssyncset.done $0x0  }
0x94: {  	[sflag:s12] =	ssyncadd.s32 $0xFFFFE000  }
.LBB2_9:
0x95: {  	_ =	swait.ge [sflag:s13], $0x2000  }
0x96: {  	[sflag:s13] =	ssyncset.done $0x0  }
0x97: {  	s4 =	sadd.s32 $0xE80, s8;
	[sflag:s13] =	ssyncadd.s32 $0xFFFFE000  }
0x98: {  	[spmem:s1] =	stream.indirect.scatter.add.f32 [tilespmem:s14], [sflag:$0xE], $0x40, s4, s24, $0xb8;
	[tilespmem:$0x1B800] =	vst v63  }
0x99: {  	_ =	swait.ge [sflag:s15], $0x2000  }
0x9a: {  	[sflag:s15] =	ssyncset.done $0x0  }
0x9b: {  	s4 =	simm.s32 @p0 $0x7;
	[sflag:s15] =	ssyncadd.s32 $0xFFFFE000  }
0x9c: {  	_ =	swait.ge @p0 [sflag:s4], $0x2000  }
0x9d: {  	s10 =	simm.s32 @p0 $0x80;
	[sflag:s4] =	ssyncset.done @p0 $0x0  }
0x9e: {  	s21 =	simm.s32 @p0 $0xD800;
	[sflag:s4] =	ssyncadd.s32 @p0 $0xFFFFE000;
	s4 =	sadd.s32 @p0 $0xF00, s8  }
0x9f: {  	[spmem:s1] =	stream.indirect.scatter.add.f32 @p0 [tilespmem:s21], [sflag:$0xF], $0x40, s4, s10, $0xb8;
	[tilespmem:$0x1B800] =	vst v63  }
0xa0: {  	s4 =	simm.s32 @p0 $0xC  }
0xa1: {  	_ =	swait.ge @p0 [sflag:s4], $0x2000  }
0xa2: {  	[sflag:s4] =	ssyncset.done @p0 $0x0  }
0xa3: {  	[sflag:s4] =	ssyncadd.s32 @p0 $0xFFFFE000;
	s4 =	sshll.u32 @!p0 s9, $0xA  }
0xa4: {  	s10 =	simm.s32 @!p0 $0x80;
	s21 =	simm.s32 @!p0 $0x5800;
	s9 =	sor.u32 @!p0 $0x100, s4  }
0xa5: {  	[tilespmem:s21], [sflag:$0x3] =	stream.indirect.gather @!p0 [hbm4b:s11+s10], $0x40, s9, s10, $0xb8;
	[tilespmem:$0x1B800] =	vst v63  }
0xa6: {  	s9 =	simm.s32 @!p0 $0x7  }
0xa7: {  	_ =	swait.ge @!p0 [sflag:s9], $0x2000  }
0xa8: {  	[sflag:s9] =	ssyncset.done @!p0 $0x0  }
0xa9: {  	s21 =	simm.s32 @!p0 $0xD800;
	[sflag:s9] =	ssyncadd.s32 @!p0 $0xFFFFE000;
	s9 =	sadd.s32 @!p0 $0xF00, s8  }
0xaa: {  	[spmem:s1] =	stream.indirect.scatter.add.f32 @!p0 [tilespmem:s21], [sflag:$0xF], $0x40, s9, s10, $0xb8;
	[tilespmem:$0x1B800] =	vst v63  }
0xab: {  	s9 =	simm.s32 @!p0 $0xC  }
0xac: {  	_ =	swait.ge @!p0 [sflag:s9], $0x2000  }
0xad: {  	s7 =	sadd.s32 $0x1, s7;
	[sflag:s9] =	ssyncset.done @!p0 $0x0  }
0xae: {  	s4 =	sor.u32 @!p0 $0x180, s4;
	[sflag:s9] =	ssyncadd.s32 @!p0 $0xFFFFE000;
	s9 =	simm.s32 @!p0 $0x7800  }
0xaf: {  	[tilespmem:s9], [sflag:$0x4] =	stream.indirect.gather @!p0 [hbm4b:s11+s10], $0x40, s4, s10, $0xb8;
	[tilespmem:$0x1B800] =	vst v63  }
0xb0: {  	p0 =	sne.s32 s7, $0x16  }
.Ltmp4:
0xb1: {  	_ = 	snop;
	(pc) =	sbr.rel @!p0 .LBB2_10-.Ltmp4, $4  }
0xb2: {  	_ =	swait.ge [sflag:s16], $0x2000  }
0xb3: {  	s25 =	sadd.s32 $0xF80, s8;
	[sflag:s16] =	ssyncset.done $0x0  }
0xb4: {  	s5 =	sadd.s32 $0x80, s5;
	s6 =	sadd.s32 $0x80, s6;
	[sflag:s16] =	ssyncadd.s32 $0xFFFFE000  }
0xb5: {  	[spmem:s1] =	stream.indirect.scatter.add.f32 [tilespmem:s22], [sflag:$0x10], $0x40, s25, s24, $0xb8;
	[tilespmem:$0x1B800] =	vst v63  }
.LBB2_4:
0xb6: {  	p0 =	seq.s32 s7, $0x15  }
0xb7: {  	s8 =	simm.s32 @!p0 $0x11  }
0xb8: {  	_ =	swait.ge @!p0 [sflag:s8], $0x400  }
0xb9: {  	[sflag:s8] =	ssyncset.done @!p0 $0x0  }
0xba: {  	s10 =	smul.u32 $0xAB, s7;
	[sflag:s8] =	ssyncadd.s32 @!p0 $0xFFFFFC00  }
0xbb: {  	_ =	swait.ge @!p0 [sflag:s8], $0x400  }
0xbc: {  	s25 =	sadd.s32 $0xFFFFFEAA, s10;
	[sflag:s8] =	ssyncset.done @!p0 $0x0  }
0xbd: {  	[sflag:s8] =	ssyncadd.s32 @!p0 $0xFFFFFC00;
	s8 =	sshrl.u32 s25, $0x9  }
0xbe: {  	s8 =	sand.u32 $0x7F, s8  }
0xbf: {  	s8 =	smul.u32 $0x3, s8  }
0xc0: {  	s9 =	sadd.s32 $0xFFFFFFFE, s7;
	p1 =	seq.s32 @!p0 s7, $0x2  }
0xc1: {  	p2 =	por p0, !p1;
	s8 =	ssub.s32 s9, s8  }
0xc2: {  	_ =	swait.ge @p2 [sflag:s17], $0x2000;
	s8 =	sand.u32 $0xFF, s8  }
0xc3: {  	[sflag:s17] =	ssyncset.done @p2 $0x0;
	s8 =	sshll.u32 s8, $0xA  }
0xc4: {  	[sflag:s17] =	ssyncadd.s32 @p2 $0xFFFFE000;
	s21 =	sor.u32 $0x200, s8  }
0xc5: {  	[tilespmem:s31], [sflag:$0x5] =	stream.indirect.gather [hbm4b:s11+s24], $0x40, s21, s24, $0xb8;
	[tilespmem:$0x1B800] =	vst v63  }
0xc6: {  	_ =	swait.ge [sflag:s0], $0x2000  }
0xc7: {  	p1 =	por @!p0 $0x1, $0x1;
	[sflag:s0] =	ssyncset.done $0x0  }
0xc8: {  	p1 =	por @p2 $0x0, $0x0;
	s4 =	sadd.s32 $0xC00, s8;
	[sflag:s0] =	ssyncadd.s32 $0xFFFFE000  }
0xc9: {  	[spmem:s1] =	stream.indirect.scatter.add.f32 [tilespmem:s18], [sflag:$0x9], $0x40, s4, s24, $0xb8;
	[tilespmem:$0x1B800] =	vst v63  }
0xca: {  	s25 =	simm.s32 @p1 $0xB800;
	s21 =	sadd.s32 @p1 $0x280, s8;
	s4 =	simm.s32 @p1 $0x80  }
0xcb: {  	[tilespmem:s25], [sflag:$0x6] =	stream.indirect.gather @p1 [hbm4b:s11+s4], $0x40, s21, s4, $0xb8;
	[tilespmem:$0x1B800] =	vst v63  }
0xcc: {  	s21 =	simm.s32 @p1 $0x2  }
0xcd: {  	_ =	swait.ge @p1 [sflag:s21], $0x2000  }
0xce: {  	[sflag:s21] =	ssyncset.done @p1 $0x0  }
0xcf: {  	s25 =	simm.s32 @p1 $0x3800;
	[sflag:s21] =	ssyncadd.s32 @p1 $0xFFFFE000;
	s21 =	sadd.s32 @p1 $0xC80, s8  }
0xd0: {  	[spmem:s1] =	stream.indirect.scatter.add.f32 @p1 [tilespmem:s25], [sflag:$0xA], $0x40, s21, s4, $0xb8;
	[tilespmem:$0x1B800] =	vst v63  }
0xd1: {  	s4 =	simm.s32 @!p1 $0xE  }
0xd2: {  	_ =	swait.ge @!p1 [sflag:s4], $0x2000  }
0xd3: {  	s21 =	simm.s32 @!p1 $0x80;
	[sflag:s4] =	ssyncset.done @!p1 $0x0  }
0xd4: {  	s25 =	simm.s32 @!p1 $0xB800;
	[sflag:s4] =	ssyncadd.s32 @!p1 $0xFFFFE000;
	s4 =	sadd.s32 @!p1 $0x280, s8  }
0xd5: {  	[tilespmem:s25], [sflag:$0x6] =	stream.indirect.gather @!p1 [hbm4b:s11+s21], $0x40, s4, s21, $0xb8;
	[tilespmem:$0x1B800] =	vst v63  }
0xd6: {  	s4 =	simm.s32 @!p1 $0x2  }
0xd7: {  	_ =	swait.ge @!p1 [sflag:s4], $0x2000  }
0xd8: {  	[sflag:s4] =	ssyncset.done @!p1 $0x0  }
0xd9: {  	s25 =	simm.s32 @!p1 $0x3800;
	[sflag:s4] =	ssyncadd.s32 @!p1 $0xFFFFE000;
	s4 =	sadd.s32 @!p1 $0xC80, s8  }
0xda: {  	[spmem:s1] =	stream.indirect.scatter.add.f32 @!p1 [tilespmem:s25], [sflag:$0xA], $0x40, s4, s21, $0xb8;
	[tilespmem:$0x1B800] =	vst v63  }
0xdb: {  	s4 =	simm.s32 @!p1 $0xF  }
0xdc: {  	_ =	swait.ge @!p1 [sflag:s4], $0x2000  }
0xdd: {  	[sflag:s4] =	ssyncset.done @!p1 $0x0  }
0xde: {  	s25 =	sadd.s32 $0x300, s8;
	[sflag:s4] =	ssyncadd.s32 @!p1 $0xFFFFE000  }
0xdf: {  	[tilespmem:s3], [sflag:$0x7] =	stream.indirect.gather [hbm4b:s11+s24], $0x40, s25, s24, $0xb8;
	[tilespmem:$0x1B800] =	vst v63  }
0xe0: {  	_ =	swait.ge [sflag:s20], $0x2000  }
0xe1: {  	s21 =	sadd.s32 $0xD00, s8;
	[sflag:s20] =	ssyncset.done $0x0  }
0xe2: {  	s4 =	simm.s32 @!p1 $0x10;
	s25 =	sadd.s32 $0xFFFFFF55, s10;
	[sflag:s20] =	ssyncadd.s32 $0xFFFFE000  }
0xe3: {  	[spmem:s1] =	stream.indirect.scatter.add.f32 [tilespmem:s28], [sflag:$0xB], $0x40, s21, s24, $0xb8;
	[tilespmem:$0x1B800] =	vst v63  }
0xe4: {  	s21 =	sshrl.u32 s25, $0x9;
	_ =	swait.ge @!p1 [sflag:s4], $0x2000  }
0xe5: {  	s25 =	sadd.s32 $0x380, s8;
	s21 =	sand.u32 $0x7F, s21;
	[sflag:s4] =	ssyncset.done @!p1 $0x0  }
0xe6: {  	s21 =	smul.u32 $0x3, s21;
	[sflag:s4] =	ssyncadd.s32 @!p1 $0xFFFFE000;
	p1 =	sgt.u32 s9, $0x11  }
0xe7: {  	[tilespmem:s22], [sflag:$0x8] =	stream.indirect.gather [hbm4b:s11+s24], $0x40, s25, s24, $0xb8;
	[tilespmem:$0x1B800] =	vst v63  }
.Ltmp5:
0xe8: {  	_ = 	snop;
	(pc) =	sbr.rel @p1 .LBB2_6-.Ltmp5, $4  }
0xe9: {  	s4 =	sxor.u32 $0xFFFFFFFF, s21;
	_ =	swait.ge [sflag:s23], $0x2000  }
0xea: {  	s4 =	sadd.s32 s7, s4;
	[sflag:s23] =	ssyncset.done $0x0  }
0xeb: {  	s25 =	sadd.s32 $0xD80, s8;
	s9 =	sand.u32 $0xFF, s4;
	[sflag:s23] =	ssyncadd.s32 $0xFFFFE000  }
0xec: {  	[spmem:s1] =	stream.indirect.scatter.add.f32 [tilespmem:s30], [sflag:$0xC], $0x40, s25, s24, $0xb8;
	[tilespmem:$0x1B800] =	vst v63  }
0xed: {  	s4 =	sshrl.u32 s10, $0x9  }
0xee: {  	s4 =	sand.u32 $0x7F, s4  }
0xef: {  	s4 =	smul.u32 $0x3, s4;
	_ =	sdelay $0x1  }
0xf0: {  	s4 =	ssub.s32 s7, s4  }
0xf1: {  	s4 =	sand.u32 $0xFF, s4  }
0xf2: {  	s4 =	sshll.u32 s4, $0xA  }
0xf3: {  	[tilespmem:s4], [sflag:$0x11] =	stream.linear.gather [hbm4b:s6+s2], $0x400, $0x38;
	[tilespmem:$0x1B800] =	vst v63  }
.Ltmp6:
0xf4: {  	s4 =	sadd.s32 $0xC00, s4;
	(pc) =	sbr.rel .LBB2_7-.Ltmp6, $4  }
0xf5: {  	[tilespmem:s4], [sflag:$0x11] =	stream.linear.gather [hbm4b:s5+s2], $0x400, $0x38;
	[tilespmem:$0x1B800] =	vst v63  }
0xf6: {  	_ =	swait.ge [sflag:s26], $0x2000  }
0xf7: {  	[sflag:s26] =	ssyncset.done $0x0  }
0xf8: {  	[sflag:s26] =	ssyncadd.s32 $0xFFFFE000  }
.LBB2_6:
.Ltmp7:
0xf9: {  	(pc) =	sbr.rel @p0 .LBB2_8-.Ltmp7, $4  }
0xfa: {  	_ = 	snop  }
0xfb: {  	_ =	swait.ge [sflag:s26], $0x2000  }
0xfc: {  	[sflag:s26] =	ssyncset.done $0x0  }
0xfd: {  	[sflag:s26] =	ssyncadd.s32 $0xFFFFE000  }
.LBB2_7:
0xfe: {  	s4 =	sshll.u32 s9, $0xA  }
0xff: {  	[tilespmem:s18], [sflag:$0x1] =	stream.indirect.gather [hbm4b:s11+s24], $0x40, s4, s24, $0xb8;
	[tilespmem:$0x1B800] =	vst v63  }
0x100: {  	_ =	swait.ge [sflag:s29], $0x2000  }
0x101: {  	[sflag:s29] =	ssyncset.done $0x0  }
0x102: {  	s10 =	sadd.s32 $0xE00, s8;
	[sflag:s29] =	ssyncadd.s32 $0xFFFFE000  }
0x103: {  	[spmem:s1] =	stream.indirect.scatter.add.f32 [tilespmem:s31], [sflag:$0xD], $0x40, s10, s24, $0xb8;
	[tilespmem:$0x1B800] =	vst v63  }
.Ltmp8:
0x104: {  	_ = 	snop;
	(pc) =	sbr.rel .LBB2_9-.Ltmp8, $4  }
0x105: {  	_ =	swait.ge [sflag:s12], $0x2000  }
0x106: {  	[sflag:s12] =	ssyncset.done $0x0  }
0x107: {  	s25 =	simm.s32 $0x3800;
	s4 =	sor.u32 $0x80, s4;
	[sflag:s12] =	ssyncadd.s32 $0xFFFFE000  }
0x108: {  	[tilespmem:s25], [sflag:$0x2] =	stream.indirect.gather [hbm4b:s11+s24], $0x40, s4, s24, $0xb8;
	[tilespmem:$0x1B800] =	vst v63  }
.LBB2_11:
0x109: {  	_ =	sfence.sel $0x180000  }
0x10a: {  	[bflag:$0x0] =	sbarrier.arrive $0xFFFF  }
0x10b: {  	_ =	strace $0x9000004A  }
0x10c: {  	s0 =	stileid.u32;
	[bflag:$0x2] =	sbarrier.arrive $0xFFFF  }
0x10d: {  	p0 =	sne.s32 s0, $0x0;
	s0 =	rddreg [dreg:$0x3]  }
0x10e: {  	s0 =	sadd.s32 @!p0 $0x100000, s0  }
0x10f: {  	[sflag:s0] =	ssyncadd.tile.s32 @!p0 $0x1;
	_ =	shalt  }
.Lfunc_end2:
_tile_overlayer_lowered:
.L_overlay_start_2:
0x110: {  	(tag) =	ssettag $0x2  }
0x111: {  	s0 =	rddreg [dreg:$0x0];
	s2 =	stileid.u32  }
0x112: {  	s1 =	rddreg [dreg:$0x1];
	p0 =	sne.s32 s2, $0x0  }
0x113: {  	s3 =	rddreg [dreg:$0x2];
	[bflag:$0x3] =	sbarrier.arrive $0xFFFF;
	s2 =	simm.s32 @!p0 $0x1C12  }
0x114: {  	[timem:s3], [sflag:s2] =	dma.local @!p0 [hbm:s0], s1  }
0x115: {  	s0 =	simm.s32 @!p0 $0x12  }
0x116: {  	_ =	swait.ge @!p0 [sflag:s0], s1  }
0x117: {  	s1 =	ssub.s32 @!p0 $0x0, s1;
	[sflag:s0] =	ssyncset.done @!p0 $0x0  }
0x118: {  	[sflag:s0] =	ssyncadd.s32 @!p0 s1  }
0x119: {  	[bflag:$0x3] =	sbarrier.arrive $0xFFFF  }
0x11a: {  	_ =	shalt  }

// kernel: kernel.8.cloned.1.call-start
scs
__scs_entry_jumppad:
0x0: {  	(pc) =	sbr.rel $0x88, $3  }
0x1: {  	(tag) =	ssettag $0x0;
	lr =	simm.s32 $0x1  }
0x2: {  	[smem:$0x3F98] =	sst lr;
	_ =	strace $0xD0000000  }
0x3: {  	_ = 	snop  }
0x4: {  	_ = 	snop  }
0x5: {  	_ = 	snop  }
0x6: {  	_ = 	snop  }
0x7: {  	_ = 	snop  }
__scs_overlays_trampoline_lowered:
0x8: {  	[smem:$0x3FA7] =	sst s0  }
0x9: {  	[smem:$0x3FA8] =	sst s1  }
0xa: {  	[smem:$0x3FA9] =	sst s2  }
0xb: {  	[smem:$0x3FAA] =	sst s3  }
0xc: {  	[smem:$0x3FAB] =	sst s4  }
0xd: {  	[smem:$0x3FAC] =	sst s5  }
0xe: {  	[smem:$0x3FAD] =	sst s6  }
0xf: {  	[smem:$0x3FAE] =	sst s7  }
0x10: {  	[smem:$0x3FAF] =	sst s8  }
0x11: {  	[smem:$0x3FB0] =	sst s9;
	s0 =	simm.s32 @!p0 $0x0  }
0x12: {  	s1 =	sld [smem:$0x3F96];
	s0 =	simm.s32 @p0 $0x1  }
0x13: {  	[smem:$0x3FB1] =	sst s0;
	s0 =	simm.s32 @!p1 $0x0  }
0x14: {  	s2 =	sld [smem:$0x3F95];
	s0 =	simm.s32 @p1 $0x1  }
0x15: {  	[smem:$0x3FB2] =	sst s0;
	s0 =	simm.s32 @!p2 $0x0  }
0x16: {  	s3 =	sld [smem:$0x3FDB];
	s0 =	simm.s32 @p2 $0x1  }
0x17: {  	s4 =	simm.s32 $0x1BF5;
	[smem:$0x3FB4] =	sst s0  }
0x18: {  	s0 =	sld [smem:$0x3F97];
	_ =	swait.ge [sflag:s4], $0x0  }
0x19: {  	s7 =	sld [smem:$0x3F98]  }
0x1a: {  	s8 =	sadd.s32 $0xFFFFE003, lr  }
0x1b: {  	s9 =	sadd.s32 $0xFFFFFEF7, lr;
	s5 =	simm.s32 $0xFFFFFFFF;
	p2 =	slt.u32 s8, $0xFFFFF086  }
0x1c: {  	p1 =	slt.u32 s9, $0xF7A;
	s5 =	simm.s32 @!p2 $0x0  }
0x1d: {  	s5 =	simm.s32 @p1 $0x1;
	p0 =	seq.s32 s7, s2  }
0x1e: {  	s7 =	smul.u32 @!p0 $0xF7A, s2;
	p2 =	seq.s32 @!p0 s5, $0x0  }
0x1f: {  	s9 =	smul.u32 $0xF7A, s1;
	s8 =	simm.s32 @!p0 $0x1BF5;
	p2 =	por !p2, p0  }
0x20: {  	[sflag:s8] =	ssyncset.s32 @!p0 $0xFFFFF086;
	s6 =	sadd.s32 @!p0 s3, s7;
	s7 =	simm.s32 @!p0 $0x108  }
0x21: {  	s3 =	sadd.s32 s3, s9;
	s6 =	sadd.s32 @!p0 $0x88, s6;
	s7 =	simm.s32 @p2 $0x1082  }
0x22: {  	[simem:s7], [sflag:s8] =	dma.local @!p0 [hbm:s6], $0xF7A  }
0x23: {  	s9 =	sor.u32 $0xD0000000, s2;
	s6 =	simm.s32 $0x108;
	_ =	swait.ge @!p0 [sflag:s8], $0x0  }
0x24: {  	s3 =	sadd.s32 $0x88, s3;
	s6 =	simm.s32 @!p1 $0x1082;
	[sflag:s4] =	ssyncset.s32 $0xFFFFF086  }
0x25: {  	[simem:s6], [sflag:s4] =	dma.local [hbm:s3], $0xF7A  }
0x26: {  	[smem:$0x3F98] =	sst s1;
	(tag) =	ssettag s2;
	_ =	strace s9  }
0x27: {  	s1 =	sld [smem:$0x3FA8]  }
0x28: {  	s2 =	sld [smem:$0x3FA9]  }
0x29: {  	s4 =	sld [smem:$0x3FAB]  }
0x2a: {  	p0 =	seq.s32 s5, $0x0;
	s5 =	sld [smem:$0x3FAC]  }
0x2b: {  	s6 =	sld [smem:$0x3FAD]  }
0x2c: {  	s7 =	sld [smem:$0x3FAE]  }
0x2d: {  	s3 =	simm.s32 $0x108;
	s8 =	sld [smem:$0x3FAF]  }
0x2e: {  	s3 =	simm.s32 @!p0 $0x1082;
	s9 =	sld [smem:$0x3FB0]  }
0x2f: {  	lr =	sadd.s32 s0, s3;
	s0 =	sld [smem:$0x3FA7]  }
0x30: {  	s3 =	sld [smem:$0x3FAA]  }
0x31: {  	[smem:$0x3FB3] =	sst s10  }
0x32: {  	s10 =	sld [smem:$0x3FB1];
	_ =	sdelay $0x3  }
0x33: {  	p0 =	seq.s32 s10, $0x1;
	s10 =	sld [smem:$0x3FB3];
	_ =	sdelay $0x3  }
0x34: {  	[smem:$0x3FB3] =	sst s10  }
0x35: {  	s10 =	sld [smem:$0x3FB2];
	_ =	sdelay $0x3  }
0x36: {  	p1 =	seq.s32 s10, $0x1;
	s10 =	sld [smem:$0x3FB3];
	_ =	sdelay $0x3  }
0x37: {  	[smem:$0x3FB3] =	sst s10  }
0x38: {  	s10 =	sld [smem:$0x3FB4]  }
0x39: {  	_ = 	snop;
	(pc) =	sbr.ind lr, $3  }
0x3a: {  	_ = 	snop  }
0x3b: {  	_ = 	snop  }
0x3c: {  	p2 =	seq.s32 s10, $0x1;
	s10 =	sld [smem:$0x3FB3]  }
0x3d: {  	_ =	shalt  }
0x3e: {  	_ =	shalt  }
0x3f: {  	_ =	shalt  }
0x40: {  	_ =	shalt  }
0x41: {  	_ =	shalt  }
0x42: {  	_ =	shalt  }
0x43: {  	_ =	shalt  }
0x44: {  	_ =	shalt  }
0x45: {  	_ =	shalt  }
0x46: {  	_ =	shalt  }
0x47: {  	_ =	shalt  }
0x48: {  	_ =	shalt  }
0x49: {  	_ =	shalt  }
0x4a: {  	_ =	shalt  }
0x4b: {  	_ =	shalt  }
0x4c: {  	_ =	shalt  }
0x4d: {  	_ =	shalt  }
0x4e: {  	_ =	shalt  }
0x4f: {  	_ =	shalt  }
0x50: {  	_ =	shalt  }
0x51: {  	_ =	shalt  }
0x52: {  	_ =	shalt  }
0x53: {  	_ =	shalt  }
0x54: {  	_ =	shalt  }
0x55: {  	_ =	shalt  }
0x56: {  	_ =	shalt  }
0x57: {  	_ =	shalt  }
0x58: {  	_ =	shalt  }
0x59: {  	_ =	shalt  }
0x5a: {  	_ =	shalt  }
0x5b: {  	_ =	shalt  }
0x5c: {  	_ =	shalt  }
0x5d: {  	_ =	shalt  }
0x5e: {  	_ =	shalt  }
0x5f: {  	_ =	shalt  }
0x60: {  	_ =	shalt  }
0x61: {  	_ =	shalt  }
0x62: {  	_ =	shalt  }
0x63: {  	_ =	shalt  }
0x64: {  	_ =	shalt  }
0x65: {  	_ =	shalt  }
0x66: {  	_ =	shalt  }
0x67: {  	_ =	shalt  }
0x68: {  	_ =	shalt  }
0x69: {  	_ =	shalt  }
0x6a: {  	_ =	shalt  }
0x6b: {  	_ =	shalt  }
0x6c: {  	_ =	shalt  }
0x6d: {  	_ =	shalt  }
0x6e: {  	_ =	shalt  }
0x6f: {  	_ =	shalt  }
0x70: {  	_ =	shalt  }
0x71: {  	_ =	shalt  }
0x72: {  	_ =	shalt  }
0x73: {  	_ =	shalt  }
0x74: {  	_ =	shalt  }
0x75: {  	_ =	shalt  }
0x76: {  	_ =	shalt  }
0x77: {  	_ =	shalt  }
0x78: {  	_ =	shalt  }
0x79: {  	_ =	shalt  }
0x7a: {  	_ =	shalt  }
0x7b: {  	_ =	shalt  }
0x7c: {  	_ =	shalt  }
0x7d: {  	_ =	shalt  }
0x7e: {  	_ =	shalt  }
0x7f: {  	_ =	shalt  }
0x80: {  	_ =	shalt  }
0x81: {  	_ =	shalt  }
0x82: {  	_ =	shalt  }
0x83: {  	_ =	shalt  }
0x84: {  	_ =	shalt  }
0x85: {  	_ =	shalt  }
0x86: {  	_ =	shalt  }
0x87: {  	_ =	shalt  }
.Lfunc_end0:
.L_simem_size_0:
called_computation_lowered:
.L_overlay_start_0:
0x88: {  	s2 =	sld [smem:$0x3FD9]  }
0x89: {  	s3 =	sld [smem:$0x3FFE];
	_ =	sdelay $0x1  }
0x8a: {  	s1 =	srdreg.scid  }
0x8b: {  	s0 =	sand.u32 $0x1, s1  }
0x8c: {  	s14 =	sshll.u32 s0, $0xA;
	s2 =	sadd.s32 s3, s2  }
0x8d: {  	s2 =	sadd.s32 s2, s14  }
0x8e: {  	[smem:$0x3FBF] =	sst s2  }
0x8f: {  	_ = 	snop  }
0x90: {  	s2 =	sld [smem:$0x3FD0];
	_ =	sdelay $0x2  }
0x91: {  	s15 =	simm.s32 $0xA;
	s4 =	simm.s32 $0x10  }
0x92: {  	[smem:s4], [sflag:s15] =	dma.local [hbm:s2], $0x1  }
0x93: {  	_ =	swait.eq [sflag:s15], $0x1  }
0x94: {  	[sflag:s15] =	ssyncset.done $0x0  }
0x95: {  	s16 =	sld [smem:$0x10];
	[sflag:s15] =	ssyncadd.s32 $0xFFFFFFFF  }
0x96: {  	s17 =	sld [smem:$0x11];
	(tm) =	ssettm $0x1  }
0x97: {  	s18 =	sld [smem:$0x3FFB];
	_ =	sdelay $0x3  }
0x98: {  	_ =	strace s18  }
0x99: {  	s4 =	sld [smem:$0x3FFC];
	_ =	sdelay $0x3  }
0x9a: {  	_ =	strace s4  }
0x9b: {  	s4 =	sld [smem:$0x3FFD];
	_ =	sdelay $0x3  }
0x9c: {  	_ =	strace s4  }
0x9d: {  	_ =	strace $0x8FFFFFFF  }
0x9e: {  	s19 =	sld [smem:$0x3FDB];
	_ =	sdelay $0x1  }
0x9f: {  	s5 =	simm.s32 $_scs_section_size  }
0xa0: {  	s6 =	simm.s32 $_size__tile_overlayer_lowered;
	s7 =	simm.s32 $_tile_overlayer_lowered  }
0xa1: {  	s22 =	simm.s32 $0x1BFF;
	s21 =	sshll.u32 s7, $0x1;
	s4 =	sadd.s32 s5, s19  }
0xa2: {  	s8 =	simm.s32 $0x0;
	s20 =	sshll.u32 s6, $0x1;
	s6 =	sadd.s32 s21, s4  }
0xa3: {  	[timem:s8], [sflag:s22] =	dma.local [hbm:s6], s20  }
0xa4: {  	_ =	swait.ge [sflag:s22], s20  }
0xa5: {  	s5 =	ssub.s32 $0x0, s20;
	[sflag:s22] =	ssyncset.done $0x0  }
0xa6: {  	[sflag:s22] =	ssyncadd.s32 s5;
	_ =	sdelay $0x1  }
0xa7: {  	s23 =	simm.s32 $0x1B8B  }
0xa8: {  	_ =	swait.ge [sflag:s23], $0x1  }
0xa9: {  	[sflag:s23] =	ssyncset.done $0x0  }
0xaa: {  	s25 =	simm.s32 $0x1B8E;
	s24 =	sld [smem:$0x3FFE];
	[sflag:s23] =	ssyncadd.s32 $0xFFFFFFFF  }
0xab: {  	s26 =	simm.s32 $execute0_lowered;
	[smem:$0x3FD2] =	sst s25  }
0xac: {  	s6 =	sshll.u32 s26, $0x1;
	_ =	strace $0x80000046;
	[dreg:$0x1] =	wrdreg $0xFFFFFFFF  }
0xad: {  	s28 =	simm.s32 $_size_execute0_lowered;
	s4 =	sadd.s32 s4, s6;
	[dreg:$0x0] =	wrdreg $0x0  }
0xae: {  	s6 =	sshll.u32 s28, $0x1;
	[dreg:$0x2] =	wrdreg s4  }
0xaf: {  	[dreg:$0x3] =	wrdreg s6  }
0xb0: {  	[dreg:$0x4] =	wrdreg $0xC0  }
0xb1: {  	_ =	task [dreg:s8], $0x5FFFF  }
0xb2: {  	[dreg:$0x1] =	wrdreg $0xFFFFFFFF  }
0xb3: {  	[dreg:$0x0] =	wrdreg $0x60  }
0xb4: {  	[dreg:$0x2] =	wrdreg s24  }
0xb5: {  	[dreg:$0x3] =	wrdreg s17  }
0xb6: {  	[dreg:$0x4] =	wrdreg s16  }
0xb7: {  	[dreg:$0x5] =	wrdreg $0x124000  }
0xb8: {  	[dreg:$0x6] =	wrdreg $0x1C4000  }
0xb9: {  	[dreg:$0x7] =	wrdreg $0x9  }
0xba: {  	_ =	task.clear_ibuf [dreg:s8], $0x8FFFF;
	_ =	strace $0x90000046  }
0xbb: {  	s29 =	simm.s32 $0x9;
	_ =	strace $0x80000048  }
0xbc: {  	_ =	swait.ge [sflag:s29], $0x1  }
0xbd: {  	[sflag:s29] =	ssyncadd.s32 $0xFFFFFFFF  }
0xbe: {  	_ =	strace $0x90000048  }
0xbf: {  	_ =	sfence  }
0xc0: {  	s30 =	sld [smem:$0x0];
	_ =	sdelay $0x2  }
0xc1: {  	s31 =	sshll.u32 s1, $0xD;
	s1 =	sshrl.u32 s1, $0x2  }
0xc2: {  	s3 =	sand.u32 $0x4000, s31;
	s1 =	sadd.s32 s1, s30  }
0xc3: {  	s0 =	sor.u32 s3, s0;
	s1 =	sshll.u32 s1, $0x11  }
0xc4: {  	s0 =	sor.u32 s1, s0  }
0xc5: {  	s0 =	sadd.s32 $0x8F2B, s0  }
0xc6: {  	[sflag:s0] =	ssyncadd.remote.s32 $0x1  }
0xc7: {  	_ =	sfence.sel $0xFFFF  }
0xc8: {  	[dreg:$0x0] =	wrdreg $0xFFFFFFFF;
	(pc) =	sbr.abs _section_cstart, $3  }
0xc9: {  	[dreg:$0x1] =	wrdreg $0xFFFFFFFF  }
0xca: {  	_ =	task.clear_ibuf [dreg:s8], $0x2FFFF;
	_ =	strace $0x9FFFFFFF  }
0xcb: {  	(tm) =	ssettm $0x7FFFFFFF  }
tec
execute0_lowered:
.L_overlay_start_1:
0x0: {  	(tag) =	ssettag $0x1  }
0x1: {  	s1 =	rddreg [dreg:$0x0]  }
0x2: {  	s5 =	rddreg [dreg:$0x1]  }
0x3: {  	s0 =	srdreg.scid;
	s3 =	rddreg [dreg:$0x2];
	s13 =	simm.s32 $0x0  }
0x4: {  	s16 =	stileid.u32;
	s29 =	simm.s32 $0x4;
	s30 =	simm.s32 $0x9  }
0x5: {  	s31 =	simm.s32 $0x5;
	s2 =	sand.u32 $0x1, s0;
	s7 =	smul.u32 $0x280, s16  }
0x6: {  	[smem:$0x7FF] =	sst s13;
	s6 =	smul.u32 $0xA0000, s2;
	s4 =	ssub.s32 $0x2, s2  }
0x7: {  	s8 =	sadd.s32 $0x29E00, s1;
	s11 =	smul.u32 $0xA000, s16;
	s15 =	sshrl.u32 s4, $0x1  }
0x8: {  	s9 =	sadd.s32 $0x80, s7;
	s10 =	sadd.s32 $0x100, s7;
	s14 =	sshrl.u32 s6, $0x3  }
0x9: {  	s12 =	sshll.u32 s9, $0x6;
	s13 =	sshll.u32 s10, $0x6;
	s18 =	sadd.s32 s11, s6  }
0xa: {  	s0 =	sadd.s32 s14, s1;
	s1 =	ssub.s32 s4, s15;
	s15 =	smul.u32 $0x2800, s16  }
0xb: {  	s14 =	sadd.s32 $0x180, s7;
	s7 =	sadd.s32 $0x200, s7;
	s16 =	smul.u32 $0x5000, s16  }
0xc: {  	s18 =	sshrl.u32 s18, $0x3;
	s21 =	sadd.s32 s6, s12;
	s17 =	sshll.u32 s14, $0x6  }
0xd: {  	s4 =	sshll.u32 s7, $0x6;
	s7 =	sshll.u32 s7, $0x1;
	s19 =	sor.u32 $0x400, s15  }
0xe: {  	s16 =	sshrl.u32 s16, $0x3;
	s23 =	sadd.s32 s6, s17;
	s7 =	sadd.s32 s3, s7  }
0xf: {  	s22 =	sadd.s32 s5, s16;
	s16 =	sadd.s32 s8, s18;
	s18 =	sshrl.u32 s21, $0x3  }
0x10: {  	s21 =	sadd.s32 s6, s13;
	s6 =	sadd.s32 s6, s4;
	[dreg:$0x14] =	wrdreg s7  }
0x11: {  	[dreg:$0x7] =	wrdreg s16;
	s5 =	sadd.s32 s8, s18;
	s6 =	sshrl.u32 s6, $0x3  }
0x12: {  	[dreg:$0x8] =	wrdreg s5;
	s5 =	sshrl.u32 s21, $0x3;
	s25 =	sadd.s32 s8, s6  }
0x13: {  	s24 =	sshrl.u32 s23, $0x3;
	s5 =	sadd.s32 s8, s5;
	[dreg:$0xb] =	wrdreg s25  }
0x14: {  	s16 =	sshrl.u32 s15, $0x3;
	[dreg:$0x9] =	wrdreg s5;
	s5 =	sadd.s32 s8, s24  }
0x15: {  	s20 =	sadd.s32 $0xC00, s15;
	s8 =	sadd.s32 s3, s16;
	[dreg:$0xa] =	wrdreg s5  }
0x16: {  	s26 =	sshrl.u32 s19, $0x3;
	s16 =	sshrl.u32 s20, $0x3;
	[dreg:$0xc] =	wrdreg s8  }
0x17: {  	s5 =	sadd.s32 s3, s26;
	s6 =	sadd.s32 s3, s16;
	s16 =	rddreg [dreg:$0x3]  }
0x18: {  	s9 =	sshll.u32 s9, $0x1;
	s10 =	sshll.u32 s10, $0x1;
	[dreg:$0xd] =	wrdreg s5  }
0x19: {  	s18 =	sshll.u32 s14, $0x1;
	s5 =	sadd.s32 s3, s9;
	[dreg:$0xf] =	wrdreg s6  }
0x1a: {  	s8 =	sadd.s32 $0x1C00, s15;
	s6 =	sadd.s32 s3, s18;
	[dreg:$0xe] =	wrdreg s5  }
0x1b: {  	s23 =	sshrl.u32 s8, $0x3;
	s5 =	sadd.s32 s3, s10;
	[dreg:$0x12] =	wrdreg s6  }
0x1c: {  	s6 =	sadd.s32 s3, s23;
	[dreg:$0x10] =	wrdreg s5;
	s5 =	sadd.s32 $0x1400, s15  }
0x1d: {  	[dreg:$0x13] =	wrdreg s6;
	s6 =	sadd.s32 $0x2400, s15;
	s21 =	sshrl.u32 s5, $0x3  }
0x1e: {  	s18 =	rddreg [dreg:$0x4];
	s24 =	sshrl.u32 s6, $0x3;
	s9 =	sadd.s32 s3, s21  }
0x1f: {  	s28 =	simm.s32 $0xD800;
	s3 =	sadd.s32 s3, s24;
	[dreg:$0x11] =	wrdreg s9  }
0x20: {  	p0 =	sne.s32 s2, $0x0;
	s25 =	sadd.s32 s11, s16;
	[dreg:$0x15] =	wrdreg s3  }
0x21: {  	s26 =	sadd.s32 s15, s18;
	_ =	strace $0x80000047;
	[dreg:$0x16] =	wrdreg s25  }
0x22: {  	s7 =	sadd.s32 s12, s16;
	s3 =	sadd.s32 s19, s18;
	[dreg:$0x17] =	wrdreg s26  }
0x23: {  	s11 =	sshrl.u32 s13, $0x2;
	s10 =	sadd.s32 s13, s16;
	[dreg:$0x18] =	wrdreg s3  }
0x24: {  	s13 =	sadd.s32 s11, s18;
	s23 =	sadd.s32 s8, s18;
	[dreg:$0x19] =	wrdreg s7  }
0x25: {  	s9 =	sshrl.u32 s12, $0x2;
	s12 =	sadd.s32 s20, s18;
	[dreg:$0x1a] =	wrdreg s10  }
0x26: {  	s11 =	simm.s32 $0x0;
	s15 =	sadd.s32 s17, s16;
	[dreg:$0x1c] =	wrdreg s12  }
0x27: {  	s14 =	sadd.s32 s5, s18;
	s5 =	simm.s32 $0xC;
	[dreg:$0x1d] =	wrdreg s13  }
0x28: {  	s21 =	sshrl.u32 s4, $0x2;
	s24 =	sadd.s32 s6, s18;
	[dreg:$0x1e] =	wrdreg s14  }
0x29: {  	s6 =	sadd.s32 $0x1E00, s0;
	s20 =	sadd.s32 s4, s16;
	[dreg:$0x1f] =	wrdreg s15  }
0x2a: {  	s0 =	simm.s32 $0x6;
	s19 =	sshrl.u32 s17, $0x2;
	[smem:$0x7F8] =	sst s20  }
0x2b: {  	s17 =	simm.s32 $0xA;
	s4 =	simm.s32 $0x7;
	[smem:$0x7F9] =	sst s23  }
0x2c: {  	s2 =	sadd.s32 s9, s18;
	[smem:$0x7FB] =	sst s24;
	s25 =	smax.u32 s1, $0x1  }
0x2d: {  	[dreg:$0x6] =	wrdreg s22;
	s26 =	sadd.s32 $0xA000, s22;
	s9 =	simm.s32 $0x1800  }
0x2e: {  	s10 =	simm.s32 $0x13;
	s13 =	simm.s32 $0x80;
	s7 =	simm.s32 $0x1  }
.Ltmp0:
0x2f: {  	s22 =	simm.s32 $0x12;
	[dreg:$0x1b] =	wrdreg s2;
	(pc) =	sbr.rel .LBB2_1-.Ltmp0, $4  }
0x30: {  	s24 =	simm.s32 $0x2;
	s20 =	simm.s32 $0xF800;
	[smem:$0x7FC] =	sst s25  }
0x31: {  	s3 =	simm.s32 $0xB;
	s2 =	sadd.s32 s19, s18;
	[smem:$0x7FD] =	sst s26  }
0x32: {  	s25 =	simm.s32 $0x9800;
	[smem:$0x7F7] =	sst s2;
	s2 =	sadd.s32 s21, s18  }
0x33: {  	v0 =	vimm.f32 $1.000000000e+00;
	v1 =	vimm.f32 $0.0e+00;
	s26 =	simm.s32 $0x3;
	[smem:$0x7FA] =	sst s2;
	s2 =	simm.s32 $0x8  }
.LBB2_24:
0x34: {  	s1 =	simm.s32 $0xD  }
0x35: {  	_ =	swait.ge [sflag:s1], $0x2000  }
0x36: {  	[sflag:s1] =	ssyncset.done $0x0  }
0x37: {  	s11 =	simm.s32 $0xE;
	[sflag:s1] =	ssyncadd.s32 $0xFFFFE000  }
0x38: {  	_ =	swait.ge [sflag:s11], $0x2000  }
0x39: {  	[sflag:s11] =	ssyncset.done $0x0  }
0x3a: {  	s12 =	simm.s32 $0xF;
	[sflag:s11] =	ssyncadd.s32 $0xFFFFE000  }
0x3b: {  	_ =	swait.ge [sflag:s12], $0x2000  }
0x3c: {  	[sflag:s12] =	ssyncset.done $0x0  }
0x3d: {  	s14 =	simm.s32 $0x10;
	[sflag:s12] =	ssyncadd.s32 $0xFFFFE000  }
0x3e: {  	_ =	swait.ge [sflag:s14], $0x2000  }
0x3f: {  	[sflag:s14] =	ssyncset.done $0x0  }
0x40: {  	[sflag:s14] =	ssyncadd.s32 $0xFFFFE000  }
0x41: {  	_ =	swait.ge @!p0 [sflag:s8], $0x800  }
0x42: {  	[sflag:s8] =	ssyncset.done @!p0 $0x0  }
0x43: {  	[sflag:s8] =	ssyncadd.s32 @!p0 $0xFFFFF800  }
0x44: {  	_ =	swait.ge @!p0 [sflag:s8], $0x800  }
0x45: {  	[sflag:s8] =	ssyncset.done @!p0 $0x0  }
0x46: {  	[sflag:s8] =	ssyncadd.s32 @!p0 $0xFFFFF800  }
0x47: {  	_ =	swait.ge @!p0 [sflag:s8], $0x800  }
0x48: {  	[sflag:s8] =	ssyncset.done @!p0 $0x0  }
0x49: {  	[sflag:s8] =	ssyncadd.s32 @!p0 $0xFFFFF800  }
0x4a: {  	_ =	swait.ge @!p0 [sflag:s8], $0x800  }
0x4b: {  	[sflag:s8] =	ssyncset.done @!p0 $0x0  }
0x4c: {  	[sflag:s8] =	ssyncadd.s32 @!p0 $0xFFFFF800  }
0x4d: {  	[bflag:$0x0] =	sbarrier.arrive $0xFFFF  }
0x4e: {  	s15 =	rddreg [dreg:$0x16]  }
0x4f: {  	[tilespmem:s9], [sflag:$0x13] =	stream.linear.gather [spmem:s15], $0x2000, $0x38;
	[tilespmem:$0x1EC00] =	vst v63  }
0x50: {  	_ =	swait.ge [sflag:s10], $0x2000  }
0x51: {  	[sflag:s10] =	ssyncset.done $0x0  }
0x52: {  	s11 =	simm.s32 $0x0;
	s19 =	rddreg [dreg:$0x7];
	[sflag:s10] =	ssyncadd.s32 $0xFFFFE000  }
0x53: {  	[hbm4b:s19+s11] =	stream.linear.scatter [tilespmem:s9], [sflag:$0x13], $0x2000, $0x38;
	[tilespmem:$0x1EC00] =	vst v63  }
0x54: {  	_ =	swait.ge [sflag:s10], $0x2000  }
0x55: {  	[sflag:s10] =	ssyncset.done $0x0  }
0x56: {  	s8 =	simm.s32 @!p0 $0x12000;
	s1 =	rddreg [dreg:$0x17];
	[sflag:s10] =	ssyncadd.s32 $0xFFFFE000  }
0x57: {  	[tilespmem:s8], [sflag:$0x13] =	stream.linear.gather @!p0 [spmem:s1], $0x400, $0x38;
	[tilespmem:$0x1EC00] =	vst v63  }
0x58: {  	s1 =	simm.s32 @!p0 $0x13  }
0x59: {  	_ =	swait.ge @!p0 [sflag:s1], $0x400  }
0x5a: {  	[sflag:s1] =	ssyncset.done @!p0 $0x0  }
0x5b: {  	s15 =	simm.s32 @!p0 $0x0;
	s12 =	rddreg [dreg:$0xc];
	[sflag:s1] =	ssyncadd.s32 @!p0 $0xFFFFFC00  }
0x5c: {  	[hbm4b:s12+s15] =	stream.linear.scatter @!p0 [tilespmem:s8], [sflag:$0x13], $0x400, $0x38;
	[tilespmem:$0x1EC00] =	vst v63  }
0x5d: {  	_ =	swait.ge @!p0 [sflag:s1], $0x400  }
0x5e: {  	[sflag:s1] =	ssyncset.done @!p0 $0x0  }
0x5f: {  	s12 =	rddreg [dreg:$0x18];
	[sflag:s1] =	ssyncadd.s32 @!p0 $0xFFFFFC00  }
0x60: {  	[tilespmem:s8], [sflag:$0x13] =	stream.linear.gather @!p0 [spmem:s12], $0x400, $0x38;
	[tilespmem:$0x1EC00] =	vst v63  }
0x61: {  	_ =	swait.ge @!p0 [sflag:s1], $0x400  }
0x62: {  	[sflag:s1] =	ssyncset.done @!p0 $0x0  }
0x63: {  	s12 =	rddreg [dreg:$0xd];
	[sflag:s1] =	ssyncadd.s32 @!p0 $0xFFFFFC00  }
0x64: {  	[hbm4b:s12+s15] =	stream.linear.scatter @!p0 [tilespmem:s8], [sflag:$0x13], $0x400, $0x38;
	[tilespmem:$0x1EC00] =	vst v63  }
0x65: {  	_ =	swait.ge @!p0 [sflag:s1], $0x400  }
0x66: {  	[sflag:s1] =	ssyncset.done @!p0 $0x0  }
0x67: {  	s21 =	rddreg [dreg:$0x19];
	[sflag:s1] =	ssyncadd.s32 @!p0 $0xFFFFFC00  }
0x68: {  	[tilespmem:s9], [sflag:$0x13] =	stream.linear.gather [spmem:s21], $0x2000, $0x38;
	[tilespmem:$0x1EC00] =	vst v63  }
0x69: {  	_ =	swait.ge [sflag:s10], $0x2000  }
0x6a: {  	[sflag:s10] =	ssyncset.done $0x0  }
0x6b: {  	s23 =	rddreg [dreg:$0x8];
	[sflag:s10] =	ssyncadd.s32 $0xFFFFE000  }
0x6c: {  	[hbm4b:s23+s11] =	stream.linear.scatter [tilespmem:s9], [sflag:$0x13], $0x2000, $0x38;
	[tilespmem:$0x1EC00] =	vst v63  }
0x6d: {  	_ =	swait.ge [sflag:s10], $0x2000  }
0x6e: {  	[sflag:s10] =	ssyncset.done $0x0  }
0x6f: {  	s12 =	rddreg [dreg:$0x1b];
	[sflag:s10] =	ssyncadd.s32 $0xFFFFE000  }
0x70: {  	[tilespmem:s8], [sflag:$0x13] =	stream.linear.gather @!p0 [spmem:s12], $0x400, $0x38;
	[tilespmem:$0x1EC00] =	vst v63  }
0x71: {  	_ =	swait.ge @!p0 [sflag:s1], $0x400  }
0x72: {  	[sflag:s1] =	ssyncset.done @!p0 $0x0  }
0x73: {  	s12 =	rddreg [dreg:$0xe];
	[sflag:s1] =	ssyncadd.s32 @!p0 $0xFFFFFC00  }
0x74: {  	[hbm4b:s12+s15] =	stream.linear.scatter @!p0 [tilespmem:s8], [sflag:$0x13], $0x400, $0x38;
	[tilespmem:$0x1EC00] =	vst v63  }
0x75: {  	_ =	swait.ge @!p0 [sflag:s1], $0x400  }
0x76: {  	[sflag:s1] =	ssyncset.done @!p0 $0x0  }
0x77: {  	s12 =	rddreg [dreg:$0x1c];
	[sflag:s1] =	ssyncadd.s32 @!p0 $0xFFFFFC00  }
0x78: {  	[tilespmem:s8], [sflag:$0x13] =	stream.linear.gather @!p0 [spmem:s12], $0x400, $0x38;
	[tilespmem:$0x1EC00] =	vst v63  }
0x79: {  	_ =	swait.ge @!p0 [sflag:s1], $0x400  }
0x7a: {  	[sflag:s1] =	ssyncset.done @!p0 $0x0  }
0x7b: {  	s12 =	rddreg [dreg:$0xf];
	[sflag:s1] =	ssyncadd.s32 @!p0 $0xFFFFFC00  }
0x7c: {  	[hbm4b:s12+s15] =	stream.linear.scatter @!p0 [tilespmem:s8], [sflag:$0x13], $0x400, $0x38;
	[tilespmem:$0x1EC00] =	vst v63  }
0x7d: {  	_ =	swait.ge @!p0 [sflag:s1], $0x400  }
0x7e: {  	[sflag:s1] =	ssyncset.done @!p0 $0x0  }
0x7f: {  	s14 =	rddreg [dreg:$0x1a];
	[sflag:s1] =	ssyncadd.s32 @!p0 $0xFFFFFC00  }
0x80: {  	[tilespmem:s9], [sflag:$0x13] =	stream.linear.gather [spmem:s14], $0x2000, $0x38;
	[tilespmem:$0x1EC00] =	vst v63  }
0x81: {  	_ =	swait.ge [sflag:s10], $0x2000  }
0x82: {  	[sflag:s10] =	ssyncset.done $0x0  }
0x83: {  	s19 =	rddreg [dreg:$0x9];
	[sflag:s10] =	ssyncadd.s32 $0xFFFFE000  }
0x84: {  	[hbm4b:s19+s11] =	stream.linear.scatter [tilespmem:s9], [sflag:$0x13], $0x2000, $0x38;
	[tilespmem:$0x1EC00] =	vst v63  }
0x85: {  	_ =	swait.ge [sflag:s10], $0x2000  }
0x86: {  	[sflag:s10] =	ssyncset.done $0x0  }
0x87: {  	s12 =	rddreg [dreg:$0x1d];
	[sflag:s10] =	ssyncadd.s32 $0xFFFFE000  }
0x88: {  	[tilespmem:s8], [sflag:$0x13] =	stream.linear.gather @!p0 [spmem:s12], $0x400, $0x38;
	[tilespmem:$0x1EC00] =	vst v63  }
0x89: {  	_ =	swait.ge @!p0 [sflag:s1], $0x400  }
0x8a: {  	[sflag:s1] =	ssyncset.done @!p0 $0x0  }
0x8b: {  	s12 =	rddreg [dreg:$0x10];
	[sflag:s1] =	ssyncadd.s32 @!p0 $0xFFFFFC00  }
0x8c: {  	[hbm4b:s12+s15] =	stream.linear.scatter @!p0 [tilespmem:s8], [sflag:$0x13], $0x400, $0x38;
	[tilespmem:$0x1EC00] =	vst v63  }
0x8d: {  	_ =	swait.ge @!p0 [sflag:s1], $0x400  }
0x8e: {  	[sflag:s1] =	ssyncset.done @!p0 $0x0  }
0x8f: {  	s12 =	rddreg [dreg:$0x1e];
	[sflag:s1] =	ssyncadd.s32 @!p0 $0xFFFFFC00  }
0x90: {  	[tilespmem:s8], [sflag:$0x13] =	stream.linear.gather @!p0 [spmem:s12], $0x400, $0x38;
	[tilespmem:$0x1EC00] =	vst v63  }
0x91: {  	_ =	swait.ge @!p0 [sflag:s1], $0x400  }
0x92: {  	[sflag:s1] =	ssyncset.done @!p0 $0x0  }
0x93: {  	s12 =	rddreg [dreg:$0x11];
	[sflag:s1] =	ssyncadd.s32 @!p0 $0xFFFFFC00  }
0x94: {  	[hbm4b:s12+s15] =	stream.linear.scatter @!p0 [tilespmem:s8], [sflag:$0x13], $0x400, $0x38;
	[tilespmem:$0x1EC00] =	vst v63  }
0x95: {  	_ =	swait.ge @!p0 [sflag:s1], $0x400  }
0x96: {  	[sflag:s1] =	ssyncset.done @!p0 $0x0  }
0x97: {  	s21 =	rddreg [dreg:$0x1f];
	[sflag:s1] =	ssyncadd.s32 @!p0 $0xFFFFFC00  }
0x98: {  	[tilespmem:s9], [sflag:$0x13] =	stream.linear.gather [spmem:s21], $0x2000, $0x38;
	[tilespmem:$0x1EC00] =	vst v63  }
0x99: {  	_ =	swait.ge [sflag:s10], $0x2000  }
0x9a: {  	[sflag:s10] =	ssyncset.done $0x0  }
0x9b: {  	s23 =	rddreg [dreg:$0xa];
	[sflag:s10] =	ssyncadd.s32 $0xFFFFE000  }
0x9c: {  	[hbm4b:s23+s11] =	stream.linear.scatter [tilespmem:s9], [sflag:$0x13], $0x2000, $0x38;
	[tilespmem:$0x1EC00] =	vst v63  }
0x9d: {  	_ =	swait.ge [sflag:s10], $0x2000  }
0x9e: {  	s12 =	sld [smem:$0x7F7]  }
0x9f: {  	[sflag:s10] =	ssyncset.done $0x0  }
0xa0: {  	[sflag:s10] =	ssyncadd.s32 $0xFFFFE000  }
0xa1: {  	[tilespmem:s8], [sflag:$0x13] =	stream.linear.gather @!p0 [spmem:s12], $0x400, $0x38;
	[tilespmem:$0x1EC00] =	vst v63  }
0xa2: {  	_ =	swait.ge @!p0 [sflag:s1], $0x400  }
0xa3: {  	[sflag:s1] =	ssyncset.done @!p0 $0x0  }
0xa4: {  	s12 =	rddreg [dreg:$0x12];
	[sflag:s1] =	ssyncadd.s32 @!p0 $0xFFFFFC00  }
0xa5: {  	[hbm4b:s12+s15] =	stream.linear.scatter @!p0 [tilespmem:s8], [sflag:$0x13], $0x400, $0x38;
	[tilespmem:$0x1EC00] =	vst v63  }
0xa6: {  	_ =	swait.ge @!p0 [sflag:s1], $0x400  }
0xa7: {  	s12 =	sld [smem:$0x7F9]  }
0xa8: {  	[sflag:s1] =	ssyncset.done @!p0 $0x0  }
0xa9: {  	[sflag:s1] =	ssyncadd.s32 @!p0 $0xFFFFFC00  }
0xaa: {  	[tilespmem:s8], [sflag:$0x13] =	stream.linear.gather @!p0 [spmem:s12], $0x400, $0x38;
	[tilespmem:$0x1EC00] =	vst v63  }
0xab: {  	_ =	swait.ge @!p0 [sflag:s1], $0x400  }
0xac: {  	[sflag:s1] =	ssyncset.done @!p0 $0x0  }
0xad: {  	s12 =	rddreg [dreg:$0x13];
	[sflag:s1] =	ssyncadd.s32 @!p0 $0xFFFFFC00  }
0xae: {  	[hbm4b:s12+s15] =	stream.linear.scatter @!p0 [tilespmem:s8], [sflag:$0x13], $0x400, $0x38;
	[tilespmem:$0x1EC00] =	vst v63  }
0xaf: {  	_ =	swait.ge @!p0 [sflag:s1], $0x400  }
0xb0: {  	s14 =	sld [smem:$0x7F8]  }
0xb1: {  	[sflag:s1] =	ssyncset.done @!p0 $0x0  }
0xb2: {  	[sflag:s1] =	ssyncadd.s32 @!p0 $0xFFFFFC00  }
0xb3: {  	[tilespmem:s9], [sflag:$0x13] =	stream.linear.gather [spmem:s14], $0x2000, $0x38;
	[tilespmem:$0x1EC00] =	vst v63  }
0xb4: {  	_ =	swait.ge [sflag:s10], $0x2000  }
0xb5: {  	[sflag:s10] =	ssyncset.done $0x0  }
0xb6: {  	s19 =	rddreg [dreg:$0xb];
	[sflag:s10] =	ssyncadd.s32 $0xFFFFE000  }
0xb7: {  	[hbm4b:s19+s11] =	stream.linear.scatter [tilespmem:s9], [sflag:$0x13], $0x2000, $0x38;
	[tilespmem:$0x1EC00] =	vst v63  }
0xb8: {  	_ =	swait.ge [sflag:s10], $0x2000  }
0xb9: {  	s11 =	sld [smem:$0x7FA]  }
0xba: {  	[sflag:s10] =	ssyncset.done $0x0  }
0xbb: {  	[sflag:s10] =	ssyncadd.s32 $0xFFFFE000  }
0xbc: {  	[tilespmem:s8], [sflag:$0x13] =	stream.linear.gather @!p0 [spmem:s11], $0x400, $0x38;
	[tilespmem:$0x1EC00] =	vst v63  }
0xbd: {  	_ =	swait.ge @!p0 [sflag:s1], $0x400  }
0xbe: {  	[sflag:s1] =	ssyncset.done @!p0 $0x0  }
0xbf: {  	s11 =	rddreg [dreg:$0x14];
	[sflag:s1] =	ssyncadd.s32 @!p0 $0xFFFFFC00  }
0xc0: {  	[hbm4b:s11+s15] =	stream.linear.scatter @!p0 [tilespmem:s8], [sflag:$0x13], $0x400, $0x38;
	[tilespmem:$0x1EC00] =	vst v63  }
0xc1: {  	_ =	swait.ge @!p0 [sflag:s1], $0x400  }
0xc2: {  	s11 =	sld [smem:$0x7FB]  }
0xc3: {  	[sflag:s1] =	ssyncset.done @!p0 $0x0  }
0xc4: {  	[sflag:s1] =	ssyncadd.s32 @!p0 $0xFFFFFC00  }
0xc5: {  	[tilespmem:s8], [sflag:$0x13] =	stream.linear.gather @!p0 [spmem:s11], $0x400, $0x38;
	[tilespmem:$0x1EC00] =	vst v63  }
0xc6: {  	_ =	swait.ge @!p0 [sflag:s1], $0x400  }
0xc7: {  	[sflag:s1] =	ssyncset.done @!p0 $0x0  }
0xc8: {  	s11 =	rddreg [dreg:$0x15];
	[sflag:s1] =	ssyncadd.s32 @!p0 $0xFFFFFC00  }
0xc9: {  	[hbm4b:s11+s15] =	stream.linear.scatter @!p0 [tilespmem:s8], [sflag:$0x13], $0x400, $0x38;
	[tilespmem:$0x1EC00] =	vst v63  }
0xca: {  	_ =	swait.ge @!p0 [sflag:s1], $0x400  }
0xcb: {  	s21 =	sld [smem:$0x7F6]  }
0xcc: {  	s23 =	sld [smem:$0x7FC];
	_ =	sdelay $0x1  }
0xcd: {  	s11 =	sadd.s32 $0x1, s21  }
0xce: {  	p1 =	sne.s32 s11, s23  }
.Ltmp1:
0xcf: {  	_ = 	snop;
	(pc) =	sbr.rel @!p1 .LBB2_25-.Ltmp1, $3  }
0xd0: {  	_ =	sdelay $0x1  }
0xd1: {  	[sflag:s1] =	ssyncset.done @!p0 $0x0  }
0xd2: {  	[sflag:s1] =	ssyncadd.s32 @!p0 $0xFFFFFC00  }
.LBB2_1:
0xd3: {  	[smem:$0x7F6] =	sst s11  }
0xd4: {  	s1 =	simm.s32 $0x1820;
	p1 =	por $0x0, $0x0;
	s23 =	simm.s32 $0x11800  }
0xd5: {  	s8 =	simm.s32 $0x1;
	s15 =	simm.s32 $0x12010;
	s19 =	simm.s32 $0x1860;
	[tilespmem:s23+$0x0] =	vst v0  }
0xd6: {  	s21 =	simm.s32 $0x11800;
	s12 =	simm.s32 $0x12000;
	p1 =	por p1, p1;
	[tilespmem:s1+$0x10] =	vst v1  }
.LBB2_2:
0xd7: {  	p3 =	sgt.u32 s8, $0x3F;
	s8 =	sadd.s32 $0x1, s8  }
0xd8: {  	[tilespmem:s1+$0x0] =	vst v1;
	s21 =	sadd.s32 $0x10, s21;
	p2 =	sne.s32 s8, $0x80  }
.Ltmp2:
0xd9: {  	v2 =	vimm.f32 @!p1 $0.0e+00;
	[tilespmem:s1+$0xFFFFFFE0] =	vst v1;
	(pc) =	sbr.rel @p2 .LBB2_2-.Ltmp2, $4  }
0xda: {  	[tilespmem:s1+$0xFFFFFFF0] =	vst v1;
	s1 =	smov.u32 s19  }
0xdb: {  	[tilespmem:s12+$0x0] =	vst @!p1 v2;
	s12 =	smov.u32 s15;
	p1 =	por p3, p3  }
0xdc: {  	[tilespmem:s21+$0x0] =	vst v0  }
0xdd: {  	s19 =	sadd.s32 $0x40, s19;
	s15 =	sadd.s32 $0x10, s15;
	[tilespmem:s1+$0x10] =	vst v1  }
0xde: {  	[tilespmem:s1+$0x0] =	vst v1  }
0xdf: {  	[tilespmem:s1+$0xFFFFFFE0] =	vst v1  }
0xe0: {  	v2 =	vimm.f32 @!p1 $0.0e+00;
	[tilespmem:s1+$0xFFFFFFF0] =	vst v1  }
0xe1: {  	[tilespmem:s12+$0x0] =	vst @!p1 v2;
	s12 =	rddreg [dreg:$0x16]  }
0xe2: {  	[spmem:s12] =	stream.linear.scatter [tilespmem:s9], [sflag:$0x13], $0x2000, $0x38;
	[tilespmem:$0x1EC00] =	vst v63  }
0xe3: {  	_ =	swait.ge [sflag:s10], $0x2000  }
0xe4: {  	[sflag:s10] =	ssyncset.done $0x0  }
0xe5: {  	s14 =	rddreg [dreg:$0x19];
	[sflag:s10] =	ssyncadd.s32 $0xFFFFE000  }
0xe6: {  	[spmem:s14] =	stream.linear.scatter [tilespmem:s9], [sflag:$0x13], $0x2000, $0x38;
	[tilespmem:$0x1EC00] =	vst v63  }
0xe7: {  	_ =	swait.ge [sflag:s10], $0x2000  }
0xe8: {  	[sflag:s10] =	ssyncset.done $0x0  }
0xe9: {  	s15 =	rddreg [dreg:$0x1a];
	[sflag:s10] =	ssyncadd.s32 $0xFFFFE000  }
0xea: {  	[spmem:s15] =	stream.linear.scatter [tilespmem:s9], [sflag:$0x13], $0x2000, $0x38;
	[tilespmem:$0x1EC00] =	vst v63  }
0xeb: {  	_ =	swait.ge [sflag:s10], $0x2000  }
0xec: {  	[sflag:s10] =	ssyncset.done $0x0  }
0xed: {  	s19 =	rddreg [dreg:$0x1f];
	[sflag:s10] =	ssyncadd.s32 $0xFFFFE000  }
0xee: {  	[spmem:s19] =	stream.linear.scatter [tilespmem:s9], [sflag:$0x13], $0x2000, $0x38;
	[tilespmem:$0x1EC00] =	vst v63  }
0xef: {  	_ =	swait.ge [sflag:s10], $0x2000  }
0xf0: {  	s21 =	sld [smem:$0x7F8]  }
0xf1: {  	[sflag:s10] =	ssyncset.done $0x0  }
0xf2: {  	[sflag:s10] =	ssyncadd.s32 $0xFFFFE000  }
0xf3: {  	[spmem:s21] =	stream.linear.scatter [tilespmem:s9], [sflag:$0x13], $0x2000, $0x38;
	[tilespmem:$0x1EC00] =	vst v63  }
0xf4: {  	_ =	swait.ge [sflag:s10], $0x2000  }
0xf5: {  	[sflag:s10] =	ssyncset.done $0x0  }
0xf6: {  	s8 =	simm.s32 $0x12000;
	s23 =	rddreg [dreg:$0x17];
	[sflag:s10] =	ssyncadd.s32 $0xFFFFE000  }
0xf7: {  	[spmem:s23] =	stream.linear.scatter [tilespmem:s8], [sflag:$0x13], $0x400, $0x38;
	[tilespmem:$0x1EC00] =	vst v63  }
0xf8: {  	_ =	swait.ge [sflag:s10], $0x400  }
0xf9: {  	[sflag:s10] =	ssyncset.done $0x0  }
0xfa: {  	s11 =	rddreg [dreg:$0x18];
	[sflag:s10] =	ssyncadd.s32 $0xFFFFFC00  }
0xfb: {  	[spmem:s11] =	stream.linear.scatter [tilespmem:s8], [sflag:$0x13], $0x400, $0x38;
	[tilespmem:$0x1EC00] =	vst v63  }
0xfc: {  	_ =	swait.ge [sflag:s10], $0x400  }
0xfd: {  	[sflag:s10] =	ssyncset.done $0x0  }
0xfe: {  	s12 =	rddreg [dreg:$0x1b];
	[sflag:s10] =	ssyncadd.s32 $0xFFFFFC00  }
0xff: {  	[spmem:s12] =	stream.linear.scatter [tilespmem:s8], [sflag:$0x13], $0x400, $0x38;
	[tilespmem:$0x1EC00] =	vst v63  }
0x100: {  	_ =	swait.ge [sflag:s10], $0x400  }
0x101: {  	[sflag:s10] =	ssyncset.done $0x0  }
0x102: {  	s14 =	rddreg [dreg:$0x1c];
	[sflag:s10] =	ssyncadd.s32 $0xFFFFFC00  }
0x103: {  	[spmem:s14] =	stream.linear.scatter [tilespmem:s8], [sflag:$0x13], $0x400, $0x38;
	[tilespmem:$0x1EC00] =	vst v63  }
0x104: {  	_ =	swait.ge [sflag:s10], $0x400  }
0x105: {  	[sflag:s10] =	ssyncset.done $0x0  }
0x106: {  	s15 =	rddreg [dreg:$0x1d];
	[sflag:s10] =	ssyncadd.s32 $0xFFFFFC00  }
0x107: {  	[spmem:s15] =	stream.linear.scatter [tilespmem:s8], [sflag:$0x13], $0x400, $0x38;
	[tilespmem:$0x1EC00] =	vst v63  }
0x108: {  	_ =	swait.ge [sflag:s10], $0x400  }
0x109: {  	[sflag:s10] =	ssyncset.done $0x0  }
0x10a: {  	s19 =	rddreg [dreg:$0x1e];
	[sflag:s10] =	ssyncadd.s32 $0xFFFFFC00  }
0x10b: {  	[spmem:s19] =	stream.linear.scatter [tilespmem:s8], [sflag:$0x13], $0x400, $0x38;
	[tilespmem:$0x1EC00] =	vst v63  }
0x10c: {  	_ =	swait.ge [sflag:s10], $0x400  }
0x10d: {  	s21 =	sld [smem:$0x7F7]  }
0x10e: {  	[sflag:s10] =	ssyncset.done $0x0  }
0x10f: {  	[sflag:s10] =	ssyncadd.s32 $0xFFFFFC00  }
0x110: {  	[spmem:s21] =	stream.linear.scatter [tilespmem:s8], [sflag:$0x13], $0x400, $0x38;
	[tilespmem:$0x1EC00] =	vst v63  }
0x111: {  	_ =	swait.ge [sflag:s10], $0x400  }
0x112: {  	s23 =	sld [smem:$0x7F9]  }
0x113: {  	[sflag:s10] =	ssyncset.done $0x0  }
0x114: {  	[sflag:s10] =	ssyncadd.s32 $0xFFFFFC00  }
0x115: {  	[spmem:s23] =	stream.linear.scatter [tilespmem:s8], [sflag:$0x13], $0x400, $0x38;
	[tilespmem:$0x1EC00] =	vst v63  }
0x116: {  	_ =	swait.ge [sflag:s10], $0x400  }
0x117: {  	s11 =	sld [smem:$0x7FA]  }
0x118: {  	[sflag:s10] =	ssyncset.done $0x0  }
0x119: {  	[sflag:s10] =	ssyncadd.s32 $0xFFFFFC00  }
0x11a: {  	[spmem:s11] =	stream.linear.scatter [tilespmem:s8], [sflag:$0x13], $0x400, $0x38;
	[tilespmem:$0x1EC00] =	vst v63  }
0x11b: {  	_ =	swait.ge [sflag:s10], $0x400  }
0x11c: {  	s12 =	sld [smem:$0x7FB]  }
0x11d: {  	[sflag:s10] =	ssyncset.done $0x0  }
0x11e: {  	[sflag:s10] =	ssyncadd.s32 $0xFFFFFC00  }
0x11f: {  	[spmem:s12] =	stream.linear.scatter [tilespmem:s8], [sflag:$0x13], $0x400, $0x38;
	[tilespmem:$0x1EC00] =	vst v63  }
0x120: {  	_ =	swait.ge [sflag:s10], $0x400  }
0x121: {  	[sflag:s10] =	ssyncset.done $0x0  }
0x122: {  	[sflag:s10] =	ssyncadd.s32 $0xFFFFFC00  }
0x123: {  	[bflag:$0x0] =	sbarrier.arrive $0xFFFF  }
0x124: {  	s11 =	rddreg [dreg:$0x6]  }
0x125: {  	s8 =	simm.s32 $0x0;
	s12 =	sld [smem:$0x7FD]  }
0x126: {  	[tilespmem:s8], [sflag:$0x11] =	stream.linear.gather [hbm4b:s11+s8], $0x400, $0x38;
	[tilespmem:$0x1EC00] =	vst v63  }
0x127: {  	s14 =	simm.s32 $0xC00;
	s15 =	simm.s32 $0x11  }
0x128: {  	[tilespmem:s14], [sflag:$0x11] =	stream.linear.gather [hbm4b:s12+s8], $0x400, $0x38;
	[tilespmem:$0x1EC00] =	vst v63  }
0x129: {  	_ =	swait.ge [sflag:s15], $0x400  }
0x12a: {  	[sflag:s15] =	ssyncset.done $0x0  }
0x12b: {  	[sflag:s15] =	ssyncadd.s32 $0xFFFFFC00  }
0x12c: {  	_ =	swait.ge [sflag:s15], $0x400  }
0x12d: {  	[sflag:s15] =	ssyncset.done $0x0  }
0x12e: {  	s19 =	sadd.s32 $0x80, s11;
	s14 =	simm.s32 $0x400;
	[sflag:s15] =	ssyncadd.s32 $0xFFFFFC00  }
0x12f: {  	[tilespmem:s14], [sflag:$0x11] =	stream.linear.gather [hbm4b:s19+s8], $0x400, $0x38;
	[tilespmem:$0x1EC00] =	vst v63  }
0x130: {  	s23 =	simm.s32 $0x1000;
	s21 =	sadd.s32 $0x80, s12  }
0x131: {  	[tilespmem:s23], [sflag:$0x11] =	stream.linear.gather [hbm4b:s21+s8], $0x400, $0x38;
	[tilespmem:$0x1EC00] =	vst v63  }
0x132: {  	_ = 	snop  }
0x133: {  	[tilespmem:s9], [sflag:$0x1] =	stream.indirect.gather [hbm4b:s6+s13], $0x40, s8, s13, $0xb8;
	[tilespmem:$0x1EC00] =	vst v63  }
0x134: {  	s14 =	simm.s32 $0x3800  }
0x135: {  	[tilespmem:s14], [sflag:$0x2] =	stream.indirect.gather [hbm4b:s6+s13], $0x40, s13, s13, $0xb8;
	[tilespmem:$0x1EC00] =	vst v63  }
.Ltmp3:
0x136: {  	s1 =	simm.s32 $0x2;
	(pc) =	sbr.rel .LBB2_4-.Ltmp3, $4  }
0x137: {  	s15 =	simm.s32 $0x100;
	s19 =	simm.s32 $0x5800;
	s21 =	simm.s32 $0x180  }
0x138: {  	[tilespmem:s19], [sflag:$0x3] =	stream.indirect.gather [hbm4b:s6+s13], $0x40, s15, s13, $0xb8;
	[tilespmem:$0x1EC00] =	vst v63  }
0x139: {  	s23 =	simm.s32 $0x7800;
	s15 =	sadd.s32 $0x100, s12;
	s19 =	sadd.s32 $0x100, s11  }
0x13a: {  	[tilespmem:s23], [sflag:$0x4] =	stream.indirect.gather [hbm4b:s6+s13], $0x40, s21, s13, $0xb8;
	[tilespmem:$0x1EC00] =	vst v63  }
.LBB2_20:
0x13b: {  	s8 =	sshrl.u32 s8, $0x9  }
0x13c: {  	s8 =	sand.u32 $0x7F, s8  }
0x13d: {  	s8 =	smul.u32 $0x3, s8;
	_ =	sdelay $0x1  }
0x13e: {  	s8 =	ssub.s32 s1, s8  }
0x13f: {  	s8 =	sand.u32 $0xFF, s8  }
0x140: {  	s11 =	simm.s32 $0x0;
	s8 =	sshll.u32 s8, $0xA  }
0x141: {  	[tilespmem:s8], [sflag:$0x11] =	stream.linear.gather [hbm4b:s19+s11], $0x400, $0x38;
	[tilespmem:$0x1EC00] =	vst v63  }
0x142: {  	s8 =	sadd.s32 $0xC00, s8  }
0x143: {  	[tilespmem:s8], [sflag:$0x11] =	stream.linear.gather [hbm4b:s15+s11], $0x400, $0x38;
	[tilespmem:$0x1EC00] =	vst v63  }
0x144: {  	_ =	swait.ge [sflag:s30], $0x2000  }
0x145: {  	[sflag:s30] =	ssyncset.done $0x0  }
0x146: {  	[sflag:s30] =	ssyncadd.s32 $0xFFFFE000  }
.LBB2_22:
0x147: {  	s8 =	sshll.u32 s12, $0xA  }
0x148: {  	[tilespmem:s9], [sflag:$0x1] =	stream.indirect.gather [hbm4b:s6+s13], $0x40, s8, s13, $0xb8;
	[tilespmem:$0x1EC00] =	vst v63  }
.LBB2_23:
0x149: {  	_ =	swait.ge [sflag:s31], $0x2000  }
0x14a: {  	[sflag:s31] =	ssyncset.done $0x0  }
0x14b: {  	s8 =	sadd.s32 $0xE00, s21;
	[sflag:s31] =	ssyncadd.s32 $0xFFFFE000  }
0x14c: {  	[spmem:s16] =	stream.indirect.scatter.add.f32 [tilespmem:s25], [sflag:$0xD], $0x40, s8, s13, $0xb8;
	[tilespmem:$0x1EC00] =	vst v63  }
0x14d: {  	s11 =	simm.s32 @!p0 $0x80;
	s14 =	simm.s32 @!p0 $0x11800  }
0x14e: {  	[spmem:s18] =	stream.indirect.scatter.add.f32 @!p0 [tilespmem:s14], [sflag:$0x12], $0x10, s8, s11, $0xb8;
	[tilespmem:$0x1EC00] =	vst v63  }
0x14f: {  	s8 =	simm.s32 @!p0 $0x12  }
0x150: {  	_ =	swait.ge @!p0 [sflag:s8], $0x800  }
0x151: {  	[sflag:s8] =	ssyncset.done @!p0 $0x0  }
0x152: {  	[sflag:s8] =	ssyncadd.s32 @!p0 $0xFFFFF800  }
0x153: {  	_ =	swait.ge [sflag:s17], $0x2000  }
0x154: {  	s12 =	sshll.u32 @!p1 s12, $0xA;
	s23 =	simm.s32 @!p1 $0x80;
	[sflag:s17] =	ssyncset.done $0x0  }
0x155: {  	s20 =	sor.u32 @!p1 $0x80, s12;
	s25 =	simm.s32 @!p1 $0x3800;
	[sflag:s17] =	ssyncadd.s32 $0xFFFFE000  }
0x156: {  	[tilespmem:s25], [sflag:$0x2] =	stream.indirect.gather @!p1 [hbm4b:s6+s23], $0x40, s20, s23, $0xb8;
	[tilespmem:$0x1EC00] =	vst v63  }
0x157: {  	_ =	swait.ge [sflag:s0], $0x2000  }
0x158: {  	[sflag:s0] =	ssyncset.done $0x0  }
0x159: {  	s20 =	sadd.s32 $0xE80, s21;
	s25 =	simm.s32 $0xB800;
	[sflag:s0] =	ssyncadd.s32 $0xFFFFE000  }
0x15a: {  	[spmem:s16] =	stream.indirect.scatter.add.f32 [tilespmem:s25], [sflag:$0xE], $0x40, s20, s13, $0xb8;
	[tilespmem:$0x1EC00] =	vst v63  }
0x15b: {  	_ = 	snop  }
0x15c: {  	[spmem:s18] =	stream.indirect.scatter.add.f32 @!p0 [tilespmem:s14], [sflag:$0x12], $0x10, s20, s11, $0xb8;
	[tilespmem:$0x1EC00] =	vst v63  }
0x15d: {  	_ =	swait.ge @!p0 [sflag:s8], $0x800  }
0x15e: {  	[sflag:s8] =	ssyncset.done @!p0 $0x0  }
0x15f: {  	[sflag:s8] =	ssyncadd.s32 @!p0 $0xFFFFF800  }
0x160: {  	_ =	swait.ge [sflag:s3], $0x2000  }
0x161: {  	[sflag:s3] =	ssyncset.done $0x0  }
0x162: {  	s25 =	simm.s32 @!p1 $0x5800;
	s20 =	sor.u32 @!p1 $0x100, s12;
	[sflag:s3] =	ssyncadd.s32 $0xFFFFE000  }
0x163: {  	[tilespmem:s25], [sflag:$0x3] =	stream.indirect.gather @!p1 [hbm4b:s6+s23], $0x40, s20, s23, $0xb8;
	[tilespmem:$0x1EC00] =	vst v63  }
0x164: {  	_ =	swait.ge [sflag:s4], $0x2000  }
0x165: {  	[sflag:s4] =	ssyncset.done $0x0  }
0x166: {  	s20 =	sadd.s32 $0xF00, s21;
	[sflag:s4] =	ssyncadd.s32 $0xFFFFE000  }
0x167: {  	[spmem:s16] =	stream.indirect.scatter.add.f32 [tilespmem:s28], [sflag:$0xF], $0x40, s20, s13, $0xb8;
	[tilespmem:$0x1EC00] =	vst v63  }
0x168: {  	_ = 	snop  }
0x169: {  	[spmem:s18] =	stream.indirect.scatter.add.f32 @!p0 [tilespmem:s14], [sflag:$0x12], $0x10, s20, s11, $0xb8;
	[tilespmem:$0x1EC00] =	vst v63  }
0x16a: {  	_ =	swait.ge @!p0 [sflag:s8], $0x800  }
0x16b: {  	[sflag:s8] =	ssyncset.done @!p0 $0x0  }
0x16c: {  	[sflag:s8] =	ssyncadd.s32 @!p0 $0xFFFFF800  }
0x16d: {  	_ =	swait.ge [sflag:s5], $0x2000  }
0x16e: {  	[sflag:s5] =	ssyncset.done $0x0  }
0x16f: {  	s12 =	sor.u32 @!p1 $0x180, s12;
	s20 =	simm.s32 @!p1 $0x7800;
	[sflag:s5] =	ssyncadd.s32 $0xFFFFE000  }
0x170: {  	[tilespmem:s20], [sflag:$0x4] =	stream.indirect.gather @!p1 [hbm4b:s6+s23], $0x40, s12, s23, $0xb8;
	[tilespmem:$0x1EC00] =	vst v63  }
0x171: {  	_ =	swait.ge [sflag:s2], $0x2000  }
0x172: {  	s1 =	sadd.s32 $0x1, s1;
	s12 =	sadd.s32 $0xF80, s21;
	[sflag:s2] =	ssyncset.done $0x0  }
0x173: {  	s20 =	simm.s32 $0xF800;
	p1 =	sne.s32 s1, $0x16;
	[sflag:s2] =	ssyncadd.s32 $0xFFFFE000  }
0x174: {  	[spmem:s16] =	stream.indirect.scatter.add.f32 [tilespmem:s20], [sflag:$0x10], $0x40, s12, s13, $0xb8;
	[tilespmem:$0x1EC00] =	vst v63  }
.Ltmp4:
0x175: {  	_ = 	snop;
	(pc) =	sbr.rel @!p1 .LBB2_24-.Ltmp4, $4  }
0x176: {  	[spmem:s18] =	stream.indirect.scatter.add.f32 @!p0 [tilespmem:s14], [sflag:$0x12], $0x10, s12, s11, $0xb8;
	[tilespmem:$0x1EC00] =	vst v63  }
0x177: {  	_ =	swait.ge @!p0 [sflag:s8], $0x800  }
0x178: {  	s15 =	sadd.s32 $0x80, s15;
	[sflag:s8] =	ssyncset.done @!p0 $0x0  }
0x179: {  	s19 =	sadd.s32 $0x80, s19;
	s25 =	simm.s32 $0x9800;
	[sflag:s8] =	ssyncadd.s32 @!p0 $0xFFFFF800  }
.LBB2_4:
0x17a: {  	p1 =	seq.s32 s1, $0x15  }
0x17b: {  	s8 =	simm.s32 @!p1 $0x11  }
0x17c: {  	_ =	swait.ge @!p1 [sflag:s8], $0x400  }
0x17d: {  	[sflag:s8] =	ssyncset.done @!p1 $0x0  }
0x17e: {  	[sflag:s8] =	ssyncadd.s32 @!p1 $0xFFFFFC00  }
0x17f: {  	p2 =	seq.s32 @!p1 s1, $0x2;
	_ =	swait.ge @!p1 [sflag:s8], $0x400  }
0x180: {  	p3 =	por p1, !p2;
	[sflag:s8] =	ssyncset.done @!p1 $0x0  }
0x181: {  	[sflag:s8] =	ssyncadd.s32 @!p1 $0xFFFFFC00;
	s8 =	simm.s32 @p3 $0xD  }
0x182: {  	_ =	swait.ge @p3 [sflag:s8], $0x2000  }
0x183: {  	[sflag:s8] =	ssyncset.done @p3 $0x0  }
0x184: {  	[sflag:s8] =	ssyncadd.s32 @p3 $0xFFFFE000;
	s8 =	smul.u32 $0xAB, s1;
	_ =	sdelay $0x1  }
0x185: {  	s11 =	sadd.s32 $0xFFFFFEAA, s8  }
0x186: {  	s11 =	sshrl.u32 s11, $0x9  }
0x187: {  	s11 =	sand.u32 $0x7F, s11  }
0x188: {  	s11 =	smul.u32 $0x3, s11  }
0x189: {  	s12 =	sadd.s32 $0xFFFFFFFE, s1  }
0x18a: {  	s11 =	ssub.s32 s12, s11  }
0x18b: {  	s11 =	sand.u32 $0xFF, s11  }
0x18c: {  	s21 =	sshll.u32 s11, $0xA  }
0x18d: {  	s11 =	sor.u32 $0x200, s21  }
0x18e: {  	[tilespmem:s25], [sflag:$0x5] =	stream.indirect.gather [hbm4b:s6+s13], $0x40, s11, s13, $0xb8;
	[tilespmem:$0x1EC00] =	vst v63  }
.Ltmp5:
0x18f: {  	_ = 	snop;
	(pc) =	sbr.rel @p0 .LBB2_7-.Ltmp5, $4  }
0x190: {  	_ =	swait.ge [sflag:s7], $0x2000  }
0x191: {  	p2 =	por @!p1 $0x1, $0x1;
	[sflag:s7] =	ssyncset.done $0x0  }
0x192: {  	p2 =	por @p3 $0x0, $0x0;
	s11 =	sadd.s32 $0xC00, s21;
	[sflag:s7] =	ssyncadd.s32 $0xFFFFE000  }
0x193: {  	[spmem:s16] =	stream.indirect.scatter.add.f32 [tilespmem:s9], [sflag:$0x9], $0x40, s11, s13, $0xb8;
	[tilespmem:$0x1EC00] =	vst v63  }
.Ltmp6:
0x194: {  	(pc) =	sbr.rel @p2 .LBB2_9-.Ltmp6, $3  }
0x195: {  	_ =	sdelay $0x1  }
0x196: {  	s14 =	simm.s32 $0x11800  }
0x197: {  	[spmem:s18] =	stream.indirect.scatter.add.f32 [tilespmem:s14], [sflag:$0x12], $0x10, s11, s13, $0xb8;
	[tilespmem:$0x1EC00] =	vst v63  }
.Ltmp7:
0x198: {  	(pc) =	sbr.rel .LBB2_8-.Ltmp7, $4  }
0x199: {  	_ = 	snop  }
0x19a: {  	_ =	swait.ge [sflag:s22], $0x800  }
0x19b: {  	[sflag:s22] =	ssyncset.done $0x0  }
0x19c: {  	[sflag:s22] =	ssyncadd.s32 $0xFFFFF800  }
.LBB2_7:
.Ltmp8:
0x19d: {  	(pc) =	sbr.rel @p2 .LBB2_9-.Ltmp8, $1  }
0x19e: {  	_ =	sdelay $0x3  }
.LBB2_8:
0x19f: {  	s11 =	simm.s32 $0xE  }
0x1a0: {  	_ =	swait.ge [sflag:s11], $0x2000  }
0x1a1: {  	[sflag:s11] =	ssyncset.done $0x0  }
0x1a2: {  	[sflag:s11] =	ssyncadd.s32 $0xFFFFE000  }
.LBB2_9:
0x1a3: {  	s11 =	sadd.s32 $0x280, s21;
	s14 =	simm.s32 $0xB800  }
0x1a4: {  	[tilespmem:s14], [sflag:$0x6] =	stream.indirect.gather [hbm4b:s6+s13], $0x40, s11, s13, $0xb8;
	[tilespmem:$0x1EC00] =	vst v63  }
.Ltmp9:
0x1a5: {  	_ = 	snop;
	(pc) =	sbr.rel @p0 .LBB2_12-.Ltmp9, $4  }
0x1a6: {  	_ =	swait.ge [sflag:s24], $0x2000  }
0x1a7: {  	[sflag:s24] =	ssyncset.done $0x0  }
0x1a8: {  	s23 =	simm.s32 $0x3800;
	s11 =	sadd.s32 $0xC80, s21;
	[sflag:s24] =	ssyncadd.s32 $0xFFFFE000  }
0x1a9: {  	[spmem:s16] =	stream.indirect.scatter.add.f32 [tilespmem:s23], [sflag:$0xA], $0x40, s11, s13, $0xb8;
	[tilespmem:$0x1EC00] =	vst v63  }
.Ltmp10:
0x1aa: {  	(pc) =	sbr.rel @p2 .LBB2_14-.Ltmp10, $3  }
0x1ab: {  	_ =	sdelay $0x1  }
0x1ac: {  	s14 =	simm.s32 $0x11800  }
0x1ad: {  	[spmem:s18] =	stream.indirect.scatter.add.f32 [tilespmem:s14], [sflag:$0x12], $0x10, s11, s13, $0xb8;
	[tilespmem:$0x1EC00] =	vst v63  }
.Ltmp11:
0x1ae: {  	(pc) =	sbr.rel .LBB2_13-.Ltmp11, $4  }
0x1af: {  	_ = 	snop  }
0x1b0: {  	_ =	swait.ge [sflag:s22], $0x800  }
0x1b1: {  	[sflag:s22] =	ssyncset.done $0x0  }
0x1b2: {  	[sflag:s22] =	ssyncadd.s32 $0xFFFFF800  }
.LBB2_12:
.Ltmp12:
0x1b3: {  	(pc) =	sbr.rel @p2 .LBB2_14-.Ltmp12, $1  }
0x1b4: {  	_ =	sdelay $0x3  }
.LBB2_13:
0x1b5: {  	s11 =	simm.s32 $0xF  }
0x1b6: {  	_ =	swait.ge [sflag:s11], $0x2000  }
0x1b7: {  	[sflag:s11] =	ssyncset.done $0x0  }
0x1b8: {  	[sflag:s11] =	ssyncadd.s32 $0xFFFFE000  }
.LBB2_14:
0x1b9: {  	s11 =	sadd.s32 $0x300, s21;
	s14 =	simm.s32 $0xD800  }
0x1ba: {  	[tilespmem:s14], [sflag:$0x7] =	stream.indirect.gather [hbm4b:s6+s13], $0x40, s11, s13, $0xb8;
	[tilespmem:$0x1EC00] =	vst v63  }
.Ltmp13:
0x1bb: {  	_ = 	snop;
	(pc) =	sbr.rel @p0 .LBB2_17-.Ltmp13, $4  }
0x1bc: {  	_ =	swait.ge [sflag:s26], $0x2000  }
0x1bd: {  	[sflag:s26] =	ssyncset.done $0x0  }
0x1be: {  	s23 =	simm.s32 $0x5800;
	s11 =	sadd.s32 $0xD00, s21;
	[sflag:s26] =	ssyncadd.s32 $0xFFFFE000  }
0x1bf: {  	[spmem:s16] =	stream.indirect.scatter.add.f32 [tilespmem:s23], [sflag:$0xB], $0x40, s11, s13, $0xb8;
	[tilespmem:$0x1EC00] =	vst v63  }
.Ltmp14:
0x1c0: {  	(pc) =	sbr.rel @p2 .LBB2_19-.Ltmp14, $3  }
0x1c1: {  	_ =	sdelay $0x1  }
0x1c2: {  	s14 =	simm.s32 $0x11800  }
0x1c3: {  	[spmem:s18] =	stream.indirect.scatter.add.f32 [tilespmem:s14], [sflag:$0x12], $0x10, s11, s13, $0xb8;
	[tilespmem:$0x1EC00] =	vst v63  }
.Ltmp15:
0x1c4: {  	(pc) =	sbr.rel .LBB2_18-.Ltmp15, $4  }
0x1c5: {  	_ = 	snop  }
0x1c6: {  	_ =	swait.ge [sflag:s22], $0x800  }
0x1c7: {  	[sflag:s22] =	ssyncset.done $0x0  }
0x1c8: {  	[sflag:s22] =	ssyncadd.s32 $0xFFFFF800  }
.LBB2_17:
.Ltmp16:
0x1c9: {  	(pc) =	sbr.rel @p2 .LBB2_19-.Ltmp16, $1  }
0x1ca: {  	_ =	sdelay $0x3  }
.LBB2_18:
0x1cb: {  	s11 =	simm.s32 $0x10  }
0x1cc: {  	_ =	swait.ge [sflag:s11], $0x2000  }
0x1cd: {  	[sflag:s11] =	ssyncset.done $0x0  }
0x1ce: {  	[sflag:s11] =	ssyncadd.s32 $0xFFFFE000  }
.LBB2_19:
0x1cf: {  	s11 =	sadd.s32 $0x380, s21  }
0x1d0: {  	[tilespmem:s20], [sflag:$0x8] =	stream.indirect.gather [hbm4b:s6+s13], $0x40, s11, s13, $0xb8;
	[tilespmem:$0x1EC00] =	vst v63  }
0x1d1: {  	s14 =	sadd.s32 $0xD80, s21;
	s20 =	sadd.s32 $0xFFFFFF55, s8;
	_ =	swait.ge [sflag:s29], $0x2000  }
0x1d2: {  	s23 =	simm.s32 $0x7800;
	s11 =	sshrl.u32 s20, $0x9;
	[sflag:s29] =	ssyncset.done $0x0  }
0x1d3: {  	p3 =	sgt.u32 s12, $0x11;
	s11 =	sand.u32 $0x7F, s11;
	[sflag:s29] =	ssyncadd.s32 $0xFFFFE000  }
0x1d4: {  	[spmem:s16] =	stream.indirect.scatter.add.f32 [tilespmem:s23], [sflag:$0xC], $0x40, s14, s13, $0xb8;
	[tilespmem:$0x1EC00] =	vst v63  }
0x1d5: {  	s20 =	simm.s32 @!p0 $0x80;
	s11 =	smul.u32 $0x3, s11;
	s23 =	simm.s32 @!p0 $0x11800  }
0x1d6: {  	[spmem:s18] =	stream.indirect.scatter.add.f32 @!p0 [tilespmem:s23], [sflag:$0x12], $0x10, s14, s20, $0xb8;
	[tilespmem:$0x1EC00] =	vst v63  }
.Ltmp17:
0x1d7: {  	p2 =	por p2, p0;
	(pc) =	sbr.rel @!p3 .LBB2_20-.Ltmp17, $4  }
0x1d8: {  	s14 =	simm.s32 @!p2 $0x12  }
0x1d9: {  	s11 =	sxor.u32 $0xFFFFFFFF, s11;
	_ =	swait.ge @!p2 [sflag:s14], $0x800  }
0x1da: {  	s11 =	sadd.s32 s1, s11;
	[sflag:s14] =	ssyncset.done @!p2 $0x0  }
0x1db: {  	s12 =	sand.u32 $0xFF, s11;
	[sflag:s14] =	ssyncadd.s32 @!p2 $0xFFFFF800  }
.Ltmp18:
0x1dc: {  	(pc) =	sbr.rel @p1 .LBB2_23-.Ltmp18, $4  }
.Ltmp19:
0x1dd: {  	(pc) =	sbr.rel @!p1 .LBB2_22-.Ltmp19, $4  }
0x1de: {  	_ =	swait.ge [sflag:s30], $0x2000  }
0x1df: {  	[sflag:s30] =	ssyncset.done $0x0  }
0x1e0: {  	[sflag:s30] =	ssyncadd.s32 $0xFFFFE000  }
0x1e1: {  	_ = 	snop  }
.LBB2_25:
0x1e2: {  	_ =	sfence.sel $0x180000  }
0x1e3: {  	[bflag:$0x0] =	sbarrier.arrive $0xFFFF  }
0x1e4: {  	_ =	strace $0x90000047  }
0x1e5: {  	s0 =	stileid.u32;
	[bflag:$0x2] =	sbarrier.arrive $0xFFFF  }
0x1e6: {  	p0 =	sne.s32 s0, $0x0;
	s0 =	rddreg [dreg:$0x5]  }
0x1e7: {  	s0 =	sadd.s32 @!p0 $0x100000, s0  }
0x1e8: {  	[sflag:s0] =	ssyncadd.tile.s32 @!p0 $0x1;
	_ =	shalt  }
.Lfunc_end2:
_tile_overlayer_lowered:
.L_overlay_start_2:
0x1e9: {  	(tag) =	ssettag $0x2  }
0x1ea: {  	s0 =	rddreg [dreg:$0x0];
	s2 =	stileid.u32  }
0x1eb: {  	s1 =	rddreg [dreg:$0x1];
	p0 =	sne.s32 s2, $0x0  }
0x1ec: {  	s3 =	rddreg [dreg:$0x2];
	[bflag:$0x3] =	sbarrier.arrive $0xFFFF;
	s2 =	simm.s32 @!p0 $0x1C13  }
0x1ed: {  	[timem:s3], [sflag:s2] =	dma.local @!p0 [hbm:s0], s1  }
0x1ee: {  	s0 =	simm.s32 @!p0 $0x13  }
0x1ef: {  	_ =	swait.ge @!p0 [sflag:s0], s1  }
0x1f0: {  	s1 =	ssub.s32 @!p0 $0x0, s1;
	[sflag:s0] =	ssyncset.done @!p0 $0x0  }
0x1f1: {  	[sflag:s0] =	ssyncadd.s32 @!p0 s1  }
0x1f2: {  	[bflag:$0x3] =	sbarrier.arrive $0xFFFF  }
0x1f3: {  	_ =	shalt  }

</sc_bundles>
